<compile_context>
chip_gen: v7x
topology: tpu7x:2x2x1
jax: 0.10.2.dev20260603
libtpu: 0.0.44.dev20260713+nightly
codegen_flags: <defaults>
</compile_context>

<pallas_src>
import functools

import jax
import jax.numpy as jnp
from jax import lax
from jax.experimental import pallas as pl
from jax.experimental.pallas import tpu as pltpu
from jax.experimental.pallas import tpu_sc as plsc

N = 10000
E = 320000
D = 128
G = 16

NP = 10240
DUMP = NP - 1
NC = 2
NS = 16
NW = NC * NS
CH = 64
IB = 8
NBLK = 20
EPW = CH * IB * NBLK
EP = EPW * NW
CW = 128

ROW_BLK = 1024
GRID_TC = NP // ROW_BLK


_SC_MESH = plsc.VectorSubcoreMesh(core_axis_name="c", subcore_axis_name="s",
                                  num_cores=NC, num_subcores=NS)


def _sc_aggregate_body(h_hbm, idx_hbm, zfeat_hbm, feat_out,
                       acc, idxa, idxb, rows0, rows1,
                       sem0, sem1, isema, isemb):
    cid = lax.axis_index("c")
    tid = lax.axis_index("s")
    wid = cid * NS + tid

    rsl = pl.ds(tid * (NP // NS), NP // NS)
    pltpu.sync_copy(zfeat_hbm.at[rsl], acc.at[rsl])

    plsc.subcore_barrier()

    bufs = (rows0, rows1)
    sems = (sem0, sem1)

    def process(idx_buf):
        cps = [None, None]
        cps[0] = pltpu.async_copy(h_hbm.at[idx_buf.at[0, 0]], bufs[0],
                                  sems[0])
        for k in range(IB):
            if k + 1 < IB:
                cps[(k + 1) % 2] = pltpu.async_copy(
                    h_hbm.at[idx_buf.at[0, k + 1]], bufs[(k + 1) % 2],
                    sems[(k + 1) % 2])
            cps[k % 2].wait()
            pltpu.sync_copy(bufs[k % 2], acc.at[idx_buf.at[1, k]], add=True)

    def idx_wait(buf, sem):
        pltpu.make_async_copy(idx_hbm.at[wid, 0], buf, sem).wait()

    pltpu.async_copy(idx_hbm.at[wid, 0], idxa, isema)

    def pair(j, carry):
        b0 = 2 * j
        idx_wait(idxa, isema)
        pltpu.async_copy(idx_hbm.at[wid, b0 + 1], idxb, isemb)
        process(idxa)
        idx_wait(idxb, isemb)
        pltpu.async_copy(idx_hbm.at[wid, jnp.minimum(b0 + 2, NBLK - 1)],
                         idxa, isema)
        process(idxb)
        return carry

    lax.fori_loop(0, NBLK // 2, pair, 0)
    idx_wait(idxa, isema)
    plsc.subcore_barrier()

    pltpu.sync_copy(acc.at[rsl], feat_out.at[cid, rsl])


_sc_aggregate = pl.kernel(
    _sc_aggregate_body,
    out_type=[jax.ShapeDtypeStruct((NC, NP, D), jnp.float32)],
    mesh=_SC_MESH,
    scratch_types=[
        pltpu.VMEM_SHARED((NP, D), jnp.float32),
        pltpu.VMEM((2, IB, CH), jnp.int32),
        pltpu.VMEM((2, IB, CH), jnp.int32),
        pltpu.VMEM((CH, D), jnp.float32),
        pltpu.VMEM((CH, D), jnp.float32),
        pltpu.SemaphoreType.DMA,
        pltpu.SemaphoreType.DMA,
        pltpu.SemaphoreType.DMA,
        pltpu.SemaphoreType.DMA,
    ],
)


def _sc_count_body(dst_hbm, zcnt_hbm, ones_hbm, cnt_out,
                   cacc, dst_v, ones_v):
    cid = lax.axis_index("c")
    tid = lax.axis_index("s")
    wid = cid * NS + tid

    rsl = pl.ds(tid * (NP // NS), NP // NS)
    pltpu.sync_copy(zcnt_hbm.at[rsl], cacc.at[rsl])

    pltpu.sync_copy(ones_hbm, ones_v)
    plsc.subcore_barrier()

    def block(b, carry):
        pltpu.sync_copy(dst_hbm.at[wid, b], dst_v)
        for k in range(IB):
            pltpu.sync_copy(ones_v, cacc.at[dst_v.at[k]], add=True)
        return carry

    lax.fori_loop(0, NBLK, block, 0)
    plsc.subcore_barrier()

    pltpu.sync_copy(cacc.at[rsl], cnt_out.at[cid, rsl])


_sc_count = pl.kernel(
    _sc_count_body,
    out_type=[jax.ShapeDtypeStruct((NC, NP, CW), jnp.float32)],
    mesh=_SC_MESH,
    scratch_types=[
        pltpu.VMEM_SHARED((NP, CW), jnp.float32),
        pltpu.VMEM((IB, CH), jnp.int32),
        pltpu.VMEM((CH, CW), jnp.float32),
    ],
)


def _tc_layer_body(relu, a0, a1, x, c0, c1, wl, wr, b, out):
    cnt = jnp.maximum(c0[...] + c1[...], 1.0)
    mean = (a0[...] + a1[...]) / cnt
    z = (jnp.dot(mean, wl[...], preferred_element_type=jnp.float32)
         + jnp.dot(x[...], wr[...], preferred_element_type=jnp.float32)
         + b[...])
    if relu:
        z = jnp.maximum(z, 0.0)
    nrm = jnp.maximum(jnp.sqrt(jnp.sum(z * z, axis=1, keepdims=True)), 1e-12)
    out[...] = z / nrm


def _tc_layer(a0, a1, x, c0, c1, wl, wr, b, relu):
    blk = lambda r, c: pl.BlockSpec((r, c), lambda i: (i, 0))
    full = pl.BlockSpec((D, D), lambda i: (0, 0))
    return pl.pallas_call(
        functools.partial(_tc_layer_body, relu),
        grid=(GRID_TC,),
        in_specs=[blk(ROW_BLK, D), blk(ROW_BLK, D), blk(ROW_BLK, D),
                  blk(ROW_BLK, 1), blk(ROW_BLK, 1),
                  full, full, pl.BlockSpec((1, D), lambda i: (0, 0))],
        out_specs=blk(ROW_BLK, D),
        out_shape=jax.ShapeDtypeStruct((NP, D), jnp.float32),
    )(a0, a1, x, c0, c1, wl, wr, b)


def _tc_final_body(a0, a1, x, c0, c1, wl, wr, b, batch, out, psum, pcnt):
    i = pl.program_id(0)

    cnt = jnp.maximum(c0[...] + c1[...], 1.0)
    mean = (a0[...] + a1[...]) / cnt
    z = (jnp.dot(mean, wl[...], preferred_element_type=jnp.float32)
         + jnp.dot(x[...], wr[...], preferred_element_type=jnp.float32)
         + b[...])
    nrm = jnp.maximum(jnp.sqrt(jnp.sum(z * z, axis=1, keepdims=True)), 1e-12)
    h = z / nrm

    gid = lax.broadcasted_iota(jnp.int32, (G, 1), 0)
    onehot = (batch[0] == gid).astype(jnp.float32)

    @pl.when(i == 0)
    def _():
        psum[...] = jnp.zeros_like(psum)
        pcnt[...] = jnp.zeros_like(pcnt)

    psum[...] += jnp.dot(onehot, h, preferred_element_type=jnp.float32)
    pcnt[...] += jnp.sum(onehot, axis=1, keepdims=True)

    @pl.when(i == GRID_TC - 1)
    def _():
        out[...] = psum[...] / jnp.maximum(pcnt[...], 1.0)


def _tc_final(a0, a1, x, c0, c1, wl, wr, b, batch3):
    blk = lambda r, c: pl.BlockSpec((r, c), lambda i: (i, 0))
    full = pl.BlockSpec((D, D), lambda i: (0, 0))
    return pl.pallas_call(
        _tc_final_body,
        grid=(GRID_TC,),
        in_specs=[blk(ROW_BLK, D), blk(ROW_BLK, D), blk(ROW_BLK, D),
                  blk(ROW_BLK, 1), blk(ROW_BLK, 1),
                  full, full, pl.BlockSpec((1, D), lambda i: (0, 0)),
                  pl.BlockSpec((1, 1, ROW_BLK), lambda i: (i, 0, 0))],
        out_specs=pl.BlockSpec((G, D), lambda i: (0, 0)),
        out_shape=jax.ShapeDtypeStruct((G, D), jnp.float32),
        scratch_shapes=[pltpu.VMEM((G, D), jnp.float32),
                        pltpu.VMEM((G, 1), jnp.float32)],
    )(a0, a1, x, c0, c1, wl, wr, b, batch3)


def kernel(x, edge_index, batch, W1l, W1r, b1, W2l, W2r, b2, W3l, W3r, b3):
    xp = jnp.pad(x, ((0, NP - N), (0, 0)))
    pad_i = jnp.arange(EP - E, dtype=jnp.int32)
    src = jnp.concatenate([edge_index[0], pad_i % N])
    dst = jnp.concatenate([edge_index[1], N + pad_i % (NP - N)])
    src3 = src.reshape(NW, NBLK, IB, CH)
    dst3 = dst.reshape(NW, NBLK, IB, CH)
    idx3 = jnp.stack([src3, dst3], axis=2)
    batch3 = jnp.pad(batch, (0, NP - N), constant_values=G).reshape(
        GRID_TC, 1, ROW_BLK)
    zfeat = jnp.zeros((NP, D), jnp.float32)
    zcnt = jnp.zeros((NP, CW), jnp.float32)
    ones = jnp.ones((CH, CW), jnp.float32)

    (cnt,) = _sc_count(dst3, zcnt, ones)
    (feat,) = _sc_aggregate(xp, idx3, zfeat)
    c0 = cnt[0, :, :1]
    c1 = cnt[1, :, :1]
    h = _tc_layer(feat[0], feat[1], xp, c0, c1, W1l, W1r,
                  b1.reshape(1, D), relu=True)

    (feat,) = _sc_aggregate(h, idx3, zfeat)
    h = _tc_layer(feat[0], feat[1], h, c0, c1, W2l, W2r,
                  b2.reshape(1, D), relu=True)

    (feat,) = _sc_aggregate(h, idx3, zfeat)
    return _tc_final(feat[0], feat[1], h, c0, c1, W3l, W3r,
                     b3.reshape(1, D), batch3)

# --- scband reference (transcript-rebuilt; emitter-appended) ---
"""Pipeline reference for scband-gsage-feature-extractor-89429809038178 (READ-ONLY COPY).

The authoritative reference and input builder live on the scoring server;
editing this copy changes nothing except your own understanding.
"""

import jax, jax.numpy as jnp
import numpy as np

N = 10000
E = 320000
D_IN = 128
D_HID = 128
D_OUT = 128
G = 16


def _glorot(key, fan_in, fan_out):
    lim = np.sqrt(6.0 / (fan_in + fan_out))
    return jax.random.uniform(key, (fan_in, fan_out), dtype=jnp.float32, minval=-lim, maxval=lim)


def setup_inputs(seed: int = 0) -> dict:
    key = jax.random.key(seed)
    ks = jax.random.split(key, 12)
    x = jax.random.normal(ks[0], (N, D_IN), dtype=jnp.float32)
    edge_index = jax.random.randint(ks[1], (2, E), 0, N, dtype=jnp.int32)
    batch = jnp.sort(jax.random.randint(ks[2], (N,), 0, G, dtype=jnp.int32))
    params = {
        'W1l': _glorot(ks[3], D_IN, D_HID), 'W1r': _glorot(ks[4], D_IN, D_HID), 'b1': jnp.zeros((D_HID,), jnp.float32),
        'W2l': _glorot(ks[5], D_HID, D_HID), 'W2r': _glorot(ks[6], D_HID, D_HID), 'b2': jnp.zeros((D_HID,), jnp.float32),
        'W3l': _glorot(ks[7], D_HID, D_OUT), 'W3r': _glorot(ks[8], D_HID, D_OUT), 'b3': jnp.zeros((D_OUT,), jnp.float32),
    }
    return {'x': x, 'edge_index': edge_index, 'batch': batch, **params}


def _sage_conv(x, edge_index, Wl, Wr, b):
    # PyG SAGEConv: mean-aggregate neighbor messages (src->dst), then
    # out = lin_l(aggr) + lin_r(x) with bias in lin_l.
    src = edge_index[0]
    dst = edge_index[1]
    msg = jnp.take(x, src, axis=0)                      # gather  [E, d]
    summed = jax.ops.segment_sum(msg, dst, num_segments=x.shape[0])  # scatter-add
    cnt = jax.ops.segment_sum(jnp.ones((edge_index.shape[1],), jnp.float32), dst, num_segments=x.shape[0])
    mean = summed / jnp.clip(cnt, 1.0, None)[:, None]
    return mean @ Wl + b + x @ Wr


def _l2norm(x, eps=1e-12):
    n = jnp.linalg.norm(x, ord=2, axis=-1, keepdims=True)
    return x / jnp.maximum(n, eps)


def _global_mean_pool(x, batch, num_graphs):
    sums = jax.ops.segment_sum(x, batch, num_segments=num_graphs)
    cnt = jax.ops.segment_sum(jnp.ones((x.shape[0],), jnp.float32), batch, num_segments=num_graphs)
    return sums / jnp.clip(cnt, 1.0, None)[:, None]


def reference(x, edge_index, batch, W1l, W1r, b1, W2l, W2r, b2, W3l, W3r, b3):
    h = jax.nn.relu(_sage_conv(x, edge_index, W1l, W1r, b1))
    h = _l2norm(h)
    h = jax.nn.relu(_sage_conv(h, edge_index, W2l, W2r, b2))
    h = _l2norm(h)
    h = _sage_conv(h, edge_index, W3l, W3r, b3)
    h = _l2norm(h)
    return _global_mean_pool(h, batch, G)

if __name__ == "__main__":
    import jax
    _d = setup_inputs()
    print(jax.jit(kernel)(*tuple(_d.values())))

</pallas_src>

<mosaic_0001>
#map = affine_map<(d0, d1) -> (0, 0)>
#map1 = affine_map<(d0, d1) -> (0, 0, 0, 0, 0)>
#map2 = affine_map<(d0, d1) -> (0, 0, 0)>
module attributes {stable_mosaic.version = 14 : i64} {
  func.func @_sc_aggregate_body(%arg0: i32, %arg1: i32, %arg2: memref<10240x128xf32, #tpu.memory_space<hbm>>, %arg3: memref<32x20x2x8x64xi32, #tpu.memory_space<hbm>>, %arg4: memref<10240x128xf32, #tpu.memory_space<hbm>>, %arg5: memref<2x10240x128xf32, #tpu.memory_space<hbm>>, %arg6: memref<10240x128xf32, #tpu.memory_space<vmem_shared>>, %arg7: memref<2x8x64xi32, #tpu.memory_space<vmem>>, %arg8: memref<2x8x64xi32, #tpu.memory_space<vmem>>, %arg9: memref<64x128xf32, #tpu.memory_space<vmem>>, %arg10: memref<64x128xf32, #tpu.memory_space<vmem>>, %arg11: memref<!tpu.dma_semaphore, #tpu.memory_space<semaphore_mem>>, %arg12: memref<!tpu.dma_semaphore, #tpu.memory_space<semaphore_mem>>, %arg13: memref<!tpu.dma_semaphore, #tpu.memory_space<semaphore_mem>>, %arg14: memref<!tpu.dma_semaphore, #tpu.memory_space<semaphore_mem>>) attributes {dimension_semantics = [#tpu.dimension_semantics<core_parallel>, #tpu.dimension_semantics<subcore_parallel>], iteration_bounds = array<i64: 2, 16>, scalar_prefetch = 0 : i64, scratch_operands = 9 : i64, tpu.core_type = #tpu.core_type<sc_vector_subcore>, window_params = [{transform_indices = #map}, {transform_indices = #map1}, {transform_indices = #map}, {transform_indices = #map2}]} {
    %mul3A = arith.constant 16 : i32
    %mul3A_0 = arith.muli %arg0, %mul3A : i32
    %add3A = arith.addi %mul3A_0, %arg1 : i32
    %mul3A_1 = arith.constant 640 : i32
    %mul3A_2 = arith.muli %arg1, %mul3A_1 : i32
    "tpu.region"() ({
      %run_scoped3A = tpu.sem_alloc : memref<!tpu.dma_semaphore, #tpu.memory_space<semaphore_mem>>
      %dma_start3A_29 = arith.constant 0 : i32
      %dma_start3A_30 = tpu.memref_slice %arg6[%mul3A_2, %dma_start3A_29] : memref<10240x128xf32, #tpu.memory_space<vmem_shared>> -> memref<640x128xf32, #tpu.memory_space<vmem_shared>>
      %dma_start3A_31 = arith.constant 0 : i32
      %dma_start3A_32 = tpu.memref_slice %arg4[%mul3A_2, %dma_start3A_31] : memref<10240x128xf32, #tpu.memory_space<hbm>> -> memref<640x128xf32, #tpu.memory_space<hbm>>
      tpu.enqueue_dma source(%dma_start3A_32 : memref<640x128xf32, #tpu.memory_space<hbm>>) target(%dma_start3A_30 : memref<640x128xf32, #tpu.memory_space<vmem_shared>>) target_semaphore(%run_scoped3A : memref<!tpu.dma_semaphore, #tpu.memory_space<semaphore_mem>>)
      %dma_wait3A_33 = arith.constant 0 : i32
      %dma_wait3A_34 = tpu.memref_slice %arg6[%mul3A_2, %dma_wait3A_33] : memref<10240x128xf32, #tpu.memory_space<vmem_shared>> -> memref<640x128xf32, #tpu.memory_space<vmem_shared>>
      %dma_wait3A_35 = arith.constant 0 : i32
      %dma_wait3A_36 = tpu.memref_slice %arg4[%mul3A_2, %dma_wait3A_35] : memref<10240x128xf32, #tpu.memory_space<hbm>> -> memref<640x128xf32, #tpu.memory_space<hbm>>
      tpu.wait_dma2 semaphore(%run_scoped3A : memref<!tpu.dma_semaphore, #tpu.memory_space<semaphore_mem>>) src(%dma_wait3A_36 : memref<640x128xf32, #tpu.memory_space<hbm>>) dst(%dma_wait3A_34 : memref<640x128xf32, #tpu.memory_space<vmem_shared>>)
      tpu.yield
    }) : () -> ()
    %barrier3A = arith.constant 0 : index
    tpu.barrier barrier_id(%barrier3A)
    %dma_start3A = arith.constant 0 : i32
    %dma_start3A_3 = arith.constant 0 : i32
    %dma_start3A_4 = arith.constant 0 : i32
    %dma_start3A_5 = arith.constant 0 : i32
    %dma_start3A_6 = tpu.memref_slice %arg3[%add3A, %dma_start3A, %dma_start3A_3, %dma_start3A_4, %dma_start3A_5] : memref<32x20x2x8x64xi32, #tpu.memory_space<hbm>> -> memref<1x1x2x8x64xi32, #tpu.memory_space<hbm>>
    %dma_start3A_7 = tpu.memref_squeeze %dma_start3A_6 : memref<1x1x2x8x64xi32, #tpu.memory_space<hbm>> -> memref<2x8x64xi32, #tpu.memory_space<hbm>>
    %dma_start3A_8 = arith.constant 0 : i32
    %dma_start3A_9 = arith.constant 0 : i32
    %dma_start3A_10 = arith.constant 0 : i32
    %dma_start3A_11 = tpu.memref_slice %arg3[%add3A, %dma_start3A, %dma_start3A_8, %dma_start3A_9, %dma_start3A_10] : memref<32x20x2x8x64xi32, #tpu.memory_space<hbm>> -> memref<1x1x2x8x64xi32, #tpu.memory_space<hbm>>
    %dma_start3A_12 = tpu.memref_squeeze %dma_start3A_11 : memref<1x1x2x8x64xi32, #tpu.memory_space<hbm>> -> memref<2x8x64xi32, #tpu.memory_space<hbm>>
    tpu.enqueue_dma source(%dma_start3A_12 : memref<2x8x64xi32, #tpu.memory_space<hbm>>) target(%arg7 : memref<2x8x64xi32, #tpu.memory_space<vmem>>) target_semaphore(%arg13 : memref<!tpu.dma_semaphore, #tpu.memory_space<semaphore_mem>>)
    %scan3A = arith.constant 0 : i32
    %scan3A_13 = arith.constant 0 : i32
    %scan3A_14 = arith.constant 10 : i32
    %scan3A_15 = arith.addi %scan3A_13, %scan3A_14 : i32
    %scan3A_16 = arith.constant 1 : i32
    scf.for %scan3A_29 = %scan3A_13 to %scan3A_15 step %scan3A_16  : i32 {
      %mul3A_30 = arith.constant 2 : i32
      %mul3A_31 = arith.muli %mul3A_30, %scan3A_29 : i32
      %dma_wait3A_32 = arith.constant 0 : i32
      %dma_wait3A_33 = arith.constant 0 : i32
      %dma_wait3A_34 = arith.constant 0 : i32
      %dma_wait3A_35 = arith.constant 0 : i32
      %dma_wait3A_36 = tpu.memref_slice %arg3[%add3A, %dma_wait3A_32, %dma_wait3A_33, %dma_wait3A_34, %dma_wait3A_35] : memref<32x20x2x8x64xi32, #tpu.memory_space<hbm>> -> memref<1x1x2x8x64xi32, #tpu.memory_space<hbm>>
      %dma_wait3A_37 = tpu.memref_squeeze %dma_wait3A_36 : memref<1x1x2x8x64xi32, #tpu.memory_space<hbm>> -> memref<2x8x64xi32, #tpu.memory_space<hbm>>
      %dma_wait3A_38 = arith.constant 0 : i32
      %dma_wait3A_39 = arith.constant 0 : i32
      %dma_wait3A_40 = arith.constant 0 : i32
      %dma_wait3A_41 = tpu.memref_slice %arg3[%add3A, %dma_wait3A_32, %dma_wait3A_38, %dma_wait3A_39, %dma_wait3A_40] : memref<32x20x2x8x64xi32, #tpu.memory_space<hbm>> -> memref<1x1x2x8x64xi32, #tpu.memory_space<hbm>>
      %dma_wait3A_42 = tpu.memref_squeeze %dma_wait3A_41 : memref<1x1x2x8x64xi32, #tpu.memory_space<hbm>> -> memref<2x8x64xi32, #tpu.memory_space<hbm>>
      tpu.wait_dma2 semaphore(%arg13 : memref<!tpu.dma_semaphore, #tpu.memory_space<semaphore_mem>>) src(%dma_wait3A_42 : memref<2x8x64xi32, #tpu.memory_space<hbm>>) dst(%arg7 : memref<2x8x64xi32, #tpu.memory_space<vmem>>)
      %add3A_43 = arith.constant 1 : i32
      %add3A_44 = arith.addi %mul3A_31, %add3A_43 : i32
      %dma_start3A_45 = arith.constant 0 : i32
      %dma_start3A_46 = arith.constant 0 : i32
      %dma_start3A_47 = arith.constant 0 : i32
      %dma_start3A_48 = tpu.memref_slice %arg3[%add3A, %add3A_44, %dma_start3A_45, %dma_start3A_46, %dma_start3A_47] : memref<32x20x2x8x64xi32, #tpu.memory_space<hbm>> -> memref<1x1x2x8x64xi32, #tpu.memory_space<hbm>>
      %dma_start3A_49 = tpu.memref_squeeze %dma_start3A_48 : memref<1x1x2x8x64xi32, #tpu.memory_space<hbm>> -> memref<2x8x64xi32, #tpu.memory_space<hbm>>
      %dma_start3A_50 = arith.constant 0 : i32
      %dma_start3A_51 = arith.constant 0 : i32
      %dma_start3A_52 = arith.constant 0 : i32
      %dma_start3A_53 = tpu.memref_slice %arg3[%add3A, %add3A_44, %dma_start3A_50, %dma_start3A_51, %dma_start3A_52] : memref<32x20x2x8x64xi32, #tpu.memory_space<hbm>> -> memref<1x1x2x8x64xi32, #tpu.memory_space<hbm>>
      %dma_start3A_54 = tpu.memref_squeeze %dma_start3A_53 : memref<1x1x2x8x64xi32, #tpu.memory_space<hbm>> -> memref<2x8x64xi32, #tpu.memory_space<hbm>>
      tpu.enqueue_dma source(%dma_start3A_54 : memref<2x8x64xi32, #tpu.memory_space<hbm>>) target(%arg8 : memref<2x8x64xi32, #tpu.memory_space<vmem>>) target_semaphore(%arg14 : memref<!tpu.dma_semaphore, #tpu.memory_space<semaphore_mem>>)
      %dma_start3A_55 = arith.constant 0 : i32
      %dma_start3A_56 = arith.constant 0 : i32
      %dma_start3A_57 = arith.constant 0 : i32
      %dma_start3A_58 = tpu.memref_slice %arg7[%dma_start3A_55, %dma_start3A_56, %dma_start3A_57] : memref<2x8x64xi32, #tpu.memory_space<vmem>> -> memref<1x1x64xi32, #tpu.memory_space<vmem>>
      %dma_start3A_59 = tpu.memref_squeeze %dma_start3A_58 : memref<1x1x64xi32, #tpu.memory_space<vmem>> -> memref<64xi32, #tpu.memory_space<vmem>>
      %dma_start3A_60 = arith.constant 0 : i32
      %dma_start3A_61 = arith.constant 0 : i32
      %dma_start3A_62 = tpu.memref_slice %arg2[%dma_start3A_60, %dma_start3A_61] : memref<10240x128xf32, #tpu.memory_space<hbm>> -> memref<10240x128xf32, #tpu.memory_space<hbm>>
      tpu.enqueue_indirect_dma source(%dma_start3A_62 : memref<10240x128xf32, #tpu.memory_space<hbm>>) target(%arg9 : memref<64x128xf32, #tpu.memory_space<vmem>>) offsets(%dma_start3A_59 : memref<64xi32, #tpu.memory_space<vmem>>) semaphore(%arg11 : memref<!tpu.dma_semaphore, #tpu.memory_space<semaphore_mem>>)
      %dma_start3A_63 = arith.constant 0 : i32
      %dma_start3A_64 = arith.constant 1 : i32
      %dma_start3A_65 = arith.constant 0 : i32
      %dma_start3A_66 = tpu.memref_slice %arg7[%dma_start3A_63, %dma_start3A_64, %dma_start3A_65] : memref<2x8x64xi32, #tpu.memory_space<vmem>> -> memref<1x1x64xi32, #tpu.memory_space<vmem>>
      %dma_start3A_67 = tpu.memref_squeeze %dma_start3A_66 : memref<1x1x64xi32, #tpu.memory_space<vmem>> -> memref<64xi32, #tpu.memory_space<vmem>>
      %dma_start3A_68 = arith.constant 0 : i32
      %dma_start3A_69 = arith.constant 0 : i32
      %dma_start3A_70 = tpu.memref_slice %arg2[%dma_start3A_68, %dma_start3A_69] : memref<10240x128xf32, #tpu.memory_space<hbm>> -> memref<10240x128xf32, #tpu.memory_space<hbm>>
      tpu.enqueue_indirect_dma source(%dma_start3A_70 : memref<10240x128xf32, #tpu.memory_space<hbm>>) target(%arg10 : memref<64x128xf32, #tpu.memory_space<vmem>>) offsets(%dma_start3A_67 : memref<64xi32, #tpu.memory_space<vmem>>) semaphore(%arg12 : memref<!tpu.dma_semaphore, #tpu.memory_space<semaphore_mem>>)
      %dma_wait3A_71 = arith.constant 0 : i32
      %dma_wait3A_72 = arith.constant 0 : i32
      %dma_wait3A_73 = arith.constant 0 : i32
      %dma_wait3A_74 = tpu.memref_slice %arg7[%dma_wait3A_71, %dma_wait3A_72, %dma_wait3A_73] : memref<2x8x64xi32, #tpu.memory_space<vmem>> -> memref<1x1x64xi32, #tpu.memory_space<vmem>>
      %dma_wait3A_75 = tpu.memref_squeeze %dma_wait3A_74 : memref<1x1x64xi32, #tpu.memory_space<vmem>> -> memref<64xi32, #tpu.memory_space<vmem>>
      %dma_wait3A_76 = arith.constant 0 : i32
      %dma_wait3A_77 = arith.constant 0 : i32
      %dma_wait3A_78 = tpu.memref_slice %arg2[%dma_wait3A_76, %dma_wait3A_77] : memref<10240x128xf32, #tpu.memory_space<hbm>> -> memref<10240x128xf32, #tpu.memory_space<hbm>>
      tpu.wait_indirect_dma semaphore(%arg11 : memref<!tpu.dma_semaphore, #tpu.memory_space<semaphore_mem>>) src(%dma_wait3A_78 : memref<10240x128xf32, #tpu.memory_space<hbm>>) dst(%arg9 : memref<64x128xf32, #tpu.memory_space<vmem>>)
      %run_scoped3A = arith.constant 1 : i32
      %run_scoped3A_79 = arith.constant 0 : i32
      "tpu.region"() ({
        %run_scoped3A_366 = tpu.sem_alloc : memref<!tpu.dma_semaphore, #tpu.memory_space<semaphore_mem>>
        %dma_start3A_367 = arith.constant 0 : i32
        %dma_start3A_368 = tpu.memref_slice %arg7[%run_scoped3A, %run_scoped3A_79, %dma_start3A_367] : memref<2x8x64xi32, #tpu.memory_space<vmem>> -> memref<1x1x64xi32, #tpu.memory_space<vmem>>
        %dma_start3A_369 = tpu.memref_squeeze %dma_start3A_368 : memref<1x1x64xi32, #tpu.memory_space<vmem>> -> memref<64xi32, #tpu.memory_space<vmem>>
        %dma_start3A_370 = arith.constant 0 : i32
        %dma_start3A_371 = arith.constant 0 : i32
        %dma_start3A_372 = tpu.memref_slice %arg6[%dma_start3A_370, %dma_start3A_371] : memref<10240x128xf32, #tpu.memory_space<vmem_shared>> -> memref<10240x128xf32, #tpu.memory_space<vmem_shared>>
        tpu.enqueue_indirect_dma source(%arg9 : memref<64x128xf32, #tpu.memory_space<vmem>>) target(%dma_start3A_372 : memref<10240x128xf32, #tpu.memory_space<vmem_shared>>) offsets(%dma_start3A_369 : memref<64xi32, #tpu.memory_space<vmem>>) semaphore(%run_scoped3A_366 : memref<!tpu.dma_semaphore, #tpu.memory_space<semaphore_mem>>) {add = true}
        %dma_wait3A_373 = arith.constant 0 : i32
        %dma_wait3A_374 = tpu.memref_slice %arg7[%run_scoped3A, %run_scoped3A_79, %dma_wait3A_373] : memref<2x8x64xi32, #tpu.memory_space<vmem>> -> memref<1x1x64xi32, #tpu.memory_space<vmem>>
        %dma_wait3A_375 = tpu.memref_squeeze %dma_wait3A_374 : memref<1x1x64xi32, #tpu.memory_space<vmem>> -> memref<64xi32, #tpu.memory_space<vmem>>
        %dma_wait3A_376 = arith.constant 0 : i32
        %dma_wait3A_377 = arith.constant 0 : i32
        %dma_wait3A_378 = tpu.memref_slice %arg6[%dma_wait3A_376, %dma_wait3A_377] : memref<10240x128xf32, #tpu.memory_space<vmem_shared>> -> memref<10240x128xf32, #tpu.memory_space<vmem_shared>>
        tpu.wait_indirect_dma semaphore(%run_scoped3A_366 : memref<!tpu.dma_semaphore, #tpu.memory_space<semaphore_mem>>) src(%arg9 : memref<64x128xf32, #tpu.memory_space<vmem>>) dst(%dma_wait3A_378 : memref<10240x128xf32, #tpu.memory_space<vmem_shared>>)
        tpu.yield
      }) : () -> ()
      %dma_start3A_80 = arith.constant 0 : i32
      %dma_start3A_81 = arith.constant 2 : i32
      %dma_start3A_82 = arith.constant 0 : i32
      %dma_start3A_83 = tpu.memref_slice %arg7[%dma_start3A_80, %dma_start3A_81, %dma_start3A_82] : memref<2x8x64xi32, #tpu.memory_space<vmem>> -> memref<1x1x64xi32, #tpu.memory_space<vmem>>
      %dma_start3A_84 = tpu.memref_squeeze %dma_start3A_83 : memref<1x1x64xi32, #tpu.memory_space<vmem>> -> memref<64xi32, #tpu.memory_space<vmem>>
      %dma_start3A_85 = arith.constant 0 : i32
      %dma_start3A_86 = arith.constant 0 : i32
      %dma_start3A_87 = tpu.memref_slice %arg2[%dma_start3A_85, %dma_start3A_86] : memref<10240x128xf32, #tpu.memory_space<hbm>> -> memref<10240x128xf32, #tpu.memory_space<hbm>>
      tpu.enqueue_indirect_dma source(%dma_start3A_87 : memref<10240x128xf32, #tpu.memory_space<hbm>>) target(%arg9 : memref<64x128xf32, #tpu.memory_space<vmem>>) offsets(%dma_start3A_84 : memref<64xi32, #tpu.memory_space<vmem>>) semaphore(%arg11 : memref<!tpu.dma_semaphore, #tpu.memory_space<semaphore_mem>>)
      %dma_wait3A_88 = arith.constant 0 : i32
      %dma_wait3A_89 = arith.constant 1 : i32
      %dma_wait3A_90 = arith.constant 0 : i32
      %dma_wait3A_91 = tpu.memref_slice %arg7[%dma_wait3A_88, %dma_wait3A_89, %dma_wait3A_90] : memref<2x8x64xi32, #tpu.memory_space<vmem>> -> memref<1x1x64xi32, #tpu.memory_space<vmem>>
      %dma_wait3A_92 = tpu.memref_squeeze %dma_wait3A_91 : memref<1x1x64xi32, #tpu.memory_space<vmem>> -> memref<64xi32, #tpu.memory_space<vmem>>
      %dma_wait3A_93 = arith.constant 0 : i32
      %dma_wait3A_94 = arith.constant 0 : i32
      %dma_wait3A_95 = tpu.memref_slice %arg2[%dma_wait3A_93, %dma_wait3A_94] : memref<10240x128xf32, #tpu.memory_space<hbm>> -> memref<10240x128xf32, #tpu.memory_space<hbm>>
      tpu.wait_indirect_dma semaphore(%arg12 : memref<!tpu.dma_semaphore, #tpu.memory_space<semaphore_mem>>) src(%dma_wait3A_95 : memref<10240x128xf32, #tpu.memory_space<hbm>>) dst(%arg10 : memref<64x128xf32, #tpu.memory_space<vmem>>)
      %run_scoped3A_96 = arith.constant 1 : i32
      %run_scoped3A_97 = arith.constant 1 : i32
      "tpu.region"() ({
        %run_scoped3A_366 = tpu.sem_alloc : memref<!tpu.dma_semaphore, #tpu.memory_space<semaphore_mem>>
        %dma_start3A_367 = arith.constant 0 : i32
        %dma_start3A_368 = tpu.memref_slice %arg7[%run_scoped3A_96, %run_scoped3A_97, %dma_start3A_367] : memref<2x8x64xi32, #tpu.memory_space<vmem>> -> memref<1x1x64xi32, #tpu.memory_space<vmem>>
        %dma_start3A_369 = tpu.memref_squeeze %dma_start3A_368 : memref<1x1x64xi32, #tpu.memory_space<vmem>> -> memref<64xi32, #tpu.memory_space<vmem>>
        %dma_start3A_370 = arith.constant 0 : i32
        %dma_start3A_371 = arith.constant 0 : i32
        %dma_start3A_372 = tpu.memref_slice %arg6[%dma_start3A_370, %dma_start3A_371] : memref<10240x128xf32, #tpu.memory_space<vmem_shared>> -> memref<10240x128xf32, #tpu.memory_space<vmem_shared>>
        tpu.enqueue_indirect_dma source(%arg10 : memref<64x128xf32, #tpu.memory_space<vmem>>) target(%dma_start3A_372 : memref<10240x128xf32, #tpu.memory_space<vmem_shared>>) offsets(%dma_start3A_369 : memref<64xi32, #tpu.memory_space<vmem>>) semaphore(%run_scoped3A_366 : memref<!tpu.dma_semaphore, #tpu.memory_space<semaphore_mem>>) {add = true}
        %dma_wait3A_373 = arith.constant 0 : i32
        %dma_wait3A_374 = tpu.memref_slice %arg7[%run_scoped3A_96, %run_scoped3A_97, %dma_wait3A_373] : memref<2x8x64xi32, #tpu.memory_space<vmem>> -> memref<1x1x64xi32, #tpu.memory_space<vmem>>
        %dma_wait3A_375 = tpu.memref_squeeze %dma_wait3A_374 : memref<1x1x64xi32, #tpu.memory_space<vmem>> -> memref<64xi32, #tpu.memory_space<vmem>>
        %dma_wait3A_376 = arith.constant 0 : i32
        %dma_wait3A_377 = arith.constant 0 : i32
        %dma_wait3A_378 = tpu.memref_slice %arg6[%dma_wait3A_376, %dma_wait3A_377] : memref<10240x128xf32, #tpu.memory_space<vmem_shared>> -> memref<10240x128xf32, #tpu.memory_space<vmem_shared>>
        tpu.wait_indirect_dma semaphore(%run_scoped3A_366 : memref<!tpu.dma_semaphore, #tpu.memory_space<semaphore_mem>>) src(%arg10 : memref<64x128xf32, #tpu.memory_space<vmem>>) dst(%dma_wait3A_378 : memref<10240x128xf32, #tpu.memory_space<vmem_shared>>)
        tpu.yield
      }) : () -> ()
      %dma_start3A_98 = arith.constant 0 : i32
      %dma_start3A_99 = arith.constant 3 : i32
      %dma_start3A_100 = arith.constant 0 : i32
      %dma_start3A_101 = tpu.memref_slice %arg7[%dma_start3A_98, %dma_start3A_99, %dma_start3A_100] : memref<2x8x64xi32, #tpu.memory_space<vmem>> -> memref<1x1x64xi32, #tpu.memory_space<vmem>>
      %dma_start3A_102 = tpu.memref_squeeze %dma_start3A_101 : memref<1x1x64xi32, #tpu.memory_space<vmem>> -> memref<64xi32, #tpu.memory_space<vmem>>
      %dma_start3A_103 = arith.constant 0 : i32
      %dma_start3A_104 = arith.constant 0 : i32
      %dma_start3A_105 = tpu.memref_slice %arg2[%dma_start3A_103, %dma_start3A_104] : memref<10240x128xf32, #tpu.memory_space<hbm>> -> memref<10240x128xf32, #tpu.memory_space<hbm>>
      tpu.enqueue_indirect_dma source(%dma_start3A_105 : memref<10240x128xf32, #tpu.memory_space<hbm>>) target(%arg10 : memref<64x128xf32, #tpu.memory_space<vmem>>) offsets(%dma_start3A_102 : memref<64xi32, #tpu.memory_space<vmem>>) semaphore(%arg12 : memref<!tpu.dma_semaphore, #tpu.memory_space<semaphore_mem>>)
      %dma_wait3A_106 = arith.constant 0 : i32
      %dma_wait3A_107 = arith.constant 2 : i32
      %dma_wait3A_108 = arith.constant 0 : i32
      %dma_wait3A_109 = tpu.memref_slice %arg7[%dma_wait3A_106, %dma_wait3A_107, %dma_wait3A_108] : memref<2x8x64xi32, #tpu.memory_space<vmem>> -> memref<1x1x64xi32, #tpu.memory_space<vmem>>
      %dma_wait3A_110 = tpu.memref_squeeze %dma_wait3A_109 : memref<1x1x64xi32, #tpu.memory_space<vmem>> -> memref<64xi32, #tpu.memory_space<vmem>>
      %dma_wait3A_111 = arith.constant 0 : i32
      %dma_wait3A_112 = arith.constant 0 : i32
      %dma_wait3A_113 = tpu.memref_slice %arg2[%dma_wait3A_111, %dma_wait3A_112] : memref<10240x128xf32, #tpu.memory_space<hbm>> -> memref<10240x128xf32, #tpu.memory_space<hbm>>
      tpu.wait_indirect_dma semaphore(%arg11 : memref<!tpu.dma_semaphore, #tpu.memory_space<semaphore_mem>>) src(%dma_wait3A_113 : memref<10240x128xf32, #tpu.memory_space<hbm>>) dst(%arg9 : memref<64x128xf32, #tpu.memory_space<vmem>>)
      %run_scoped3A_114 = arith.constant 1 : i32
      %run_scoped3A_115 = arith.constant 2 : i32
      "tpu.region"() ({
        %run_scoped3A_366 = tpu.sem_alloc : memref<!tpu.dma_semaphore, #tpu.memory_space<semaphore_mem>>
        %dma_start3A_367 = arith.constant 0 : i32
        %dma_start3A_368 = tpu.memref_slice %arg7[%run_scoped3A_114, %run_scoped3A_115, %dma_start3A_367] : memref<2x8x64xi32, #tpu.memory_space<vmem>> -> memref<1x1x64xi32, #tpu.memory_space<vmem>>
        %dma_start3A_369 = tpu.memref_squeeze %dma_start3A_368 : memref<1x1x64xi32, #tpu.memory_space<vmem>> -> memref<64xi32, #tpu.memory_space<vmem>>
        %dma_start3A_370 = arith.constant 0 : i32
        %dma_start3A_371 = arith.constant 0 : i32
        %dma_start3A_372 = tpu.memref_slice %arg6[%dma_start3A_370, %dma_start3A_371] : memref<10240x128xf32, #tpu.memory_space<vmem_shared>> -> memref<10240x128xf32, #tpu.memory_space<vmem_shared>>
        tpu.enqueue_indirect_dma source(%arg9 : memref<64x128xf32, #tpu.memory_space<vmem>>) target(%dma_start3A_372 : memref<10240x128xf32, #tpu.memory_space<vmem_shared>>) offsets(%dma_start3A_369 : memref<64xi32, #tpu.memory_space<vmem>>) semaphore(%run_scoped3A_366 : memref<!tpu.dma_semaphore, #tpu.memory_space<semaphore_mem>>) {add = true}
        %dma_wait3A_373 = arith.constant 0 : i32
        %dma_wait3A_374 = tpu.memref_slice %arg7[%run_scoped3A_114, %run_scoped3A_115, %dma_wait3A_373] : memref<2x8x64xi32, #tpu.memory_space<vmem>> -> memref<1x1x64xi32, #tpu.memory_space<vmem>>
        %dma_wait3A_375 = tpu.memref_squeeze %dma_wait3A_374 : memref<1x1x64xi32, #tpu.memory_space<vmem>> -> memref<64xi32, #tpu.memory_space<vmem>>
        %dma_wait3A_376 = arith.constant 0 : i32
        %dma_wait3A_377 = arith.constant 0 : i32
        %dma_wait3A_378 = tpu.memref_slice %arg6[%dma_wait3A_376, %dma_wait3A_377] : memref<10240x128xf32, #tpu.memory_space<vmem_shared>> -> memref<10240x128xf32, #tpu.memory_space<vmem_shared>>
        tpu.wait_indirect_dma semaphore(%run_scoped3A_366 : memref<!tpu.dma_semaphore, #tpu.memory_space<semaphore_mem>>) src(%arg9 : memref<64x128xf32, #tpu.memory_space<vmem>>) dst(%dma_wait3A_378 : memref<10240x128xf32, #tpu.memory_space<vmem_shared>>)
        tpu.yield
      }) : () -> ()
      %dma_start3A_116 = arith.constant 0 : i32
      %dma_start3A_117 = arith.constant 4 : i32
      %dma_start3A_118 = arith.constant 0 : i32
      %dma_start3A_119 = tpu.memref_slice %arg7[%dma_start3A_116, %dma_start3A_117, %dma_start3A_118] : memref<2x8x64xi32, #tpu.memory_space<vmem>> -> memref<1x1x64xi32, #tpu.memory_space<vmem>>
      %dma_start3A_120 = tpu.memref_squeeze %dma_start3A_119 : memref<1x1x64xi32, #tpu.memory_space<vmem>> -> memref<64xi32, #tpu.memory_space<vmem>>
      %dma_start3A_121 = arith.constant 0 : i32
      %dma_start3A_122 = arith.constant 0 : i32
      %dma_start3A_123 = tpu.memref_slice %arg2[%dma_start3A_121, %dma_start3A_122] : memref<10240x128xf32, #tpu.memory_space<hbm>> -> memref<10240x128xf32, #tpu.memory_space<hbm>>
      tpu.enqueue_indirect_dma source(%dma_start3A_123 : memref<10240x128xf32, #tpu.memory_space<hbm>>) target(%arg9 : memref<64x128xf32, #tpu.memory_space<vmem>>) offsets(%dma_start3A_120 : memref<64xi32, #tpu.memory_space<vmem>>) semaphore(%arg11 : memref<!tpu.dma_semaphore, #tpu.memory_space<semaphore_mem>>)
      %dma_wait3A_124 = arith.constant 0 : i32
      %dma_wait3A_125 = arith.constant 3 : i32
      %dma_wait3A_126 = arith.constant 0 : i32
      %dma_wait3A_127 = tpu.memref_slice %arg7[%dma_wait3A_124, %dma_wait3A_125, %dma_wait3A_126] : memref<2x8x64xi32, #tpu.memory_space<vmem>> -> memref<1x1x64xi32, #tpu.memory_space<vmem>>
      %dma_wait3A_128 = tpu.memref_squeeze %dma_wait3A_127 : memref<1x1x64xi32, #tpu.memory_space<vmem>> -> memref<64xi32, #tpu.memory_space<vmem>>
      %dma_wait3A_129 = arith.constant 0 : i32
      %dma_wait3A_130 = arith.constant 0 : i32
      %dma_wait3A_131 = tpu.memref_slice %arg2[%dma_wait3A_129, %dma_wait3A_130] : memref<10240x128xf32, #tpu.memory_space<hbm>> -> memref<10240x128xf32, #tpu.memory_space<hbm>>
      tpu.wait_indirect_dma semaphore(%arg12 : memref<!tpu.dma_semaphore, #tpu.memory_space<semaphore_mem>>) src(%dma_wait3A_131 : memref<10240x128xf32, #tpu.memory_space<hbm>>) dst(%arg10 : memref<64x128xf32, #tpu.memory_space<vmem>>)
      %run_scoped3A_132 = arith.constant 1 : i32
      %run_scoped3A_133 = arith.constant 3 : i32
      "tpu.region"() ({
        %run_scoped3A_366 = tpu.sem_alloc : memref<!tpu.dma_semaphore, #tpu.memory_space<semaphore_mem>>
        %dma_start3A_367 = arith.constant 0 : i32
        %dma_start3A_368 = tpu.memref_slice %arg7[%run_scoped3A_132, %run_scoped3A_133, %dma_start3A_367] : memref<2x8x64xi32, #tpu.memory_space<vmem>> -> memref<1x1x64xi32, #tpu.memory_space<vmem>>
        %dma_start3A_369 = tpu.memref_squeeze %dma_start3A_368 : memref<1x1x64xi32, #tpu.memory_space<vmem>> -> memref<64xi32, #tpu.memory_space<vmem>>
        %dma_start3A_370 = arith.constant 0 : i32
        %dma_start3A_371 = arith.constant 0 : i32
        %dma_start3A_372 = tpu.memref_slice %arg6[%dma_start3A_370, %dma_start3A_371] : memref<10240x128xf32, #tpu.memory_space<vmem_shared>> -> memref<10240x128xf32, #tpu.memory_space<vmem_shared>>
        tpu.enqueue_indirect_dma source(%arg10 : memref<64x128xf32, #tpu.memory_space<vmem>>) target(%dma_start3A_372 : memref<10240x128xf32, #tpu.memory_space<vmem_shared>>) offsets(%dma_start3A_369 : memref<64xi32, #tpu.memory_space<vmem>>) semaphore(%run_scoped3A_366 : memref<!tpu.dma_semaphore, #tpu.memory_space<semaphore_mem>>) {add = true}
        %dma_wait3A_373 = arith.constant 0 : i32
        %dma_wait3A_374 = tpu.memref_slice %arg7[%run_scoped3A_132, %run_scoped3A_133, %dma_wait3A_373] : memref<2x8x64xi32, #tpu.memory_space<vmem>> -> memref<1x1x64xi32, #tpu.memory_space<vmem>>
        %dma_wait3A_375 = tpu.memref_squeeze %dma_wait3A_374 : memref<1x1x64xi32, #tpu.memory_space<vmem>> -> memref<64xi32, #tpu.memory_space<vmem>>
        %dma_wait3A_376 = arith.constant 0 : i32
        %dma_wait3A_377 = arith.constant 0 : i32
        %dma_wait3A_378 = tpu.memref_slice %arg6[%dma_wait3A_376, %dma_wait3A_377] : memref<10240x128xf32, #tpu.memory_space<vmem_shared>> -> memref<10240x128xf32, #tpu.memory_space<vmem_shared>>
        tpu.wait_indirect_dma semaphore(%run_scoped3A_366 : memref<!tpu.dma_semaphore, #tpu.memory_space<semaphore_mem>>) src(%arg10 : memref<64x128xf32, #tpu.memory_space<vmem>>) dst(%dma_wait3A_378 : memref<10240x128xf32, #tpu.memory_space<vmem_shared>>)
        tpu.yield
      }) : () -> ()
      %dma_start3A_134 = arith.constant 0 : i32
      %dma_start3A_135 = arith.constant 5 : i32
      %dma_start3A_136 = arith.constant 0 : i32
      %dma_start3A_137 = tpu.memref_slice %arg7[%dma_start3A_134, %dma_start3A_135, %dma_start3A_136] : memref<2x8x64xi32, #tpu.memory_space<vmem>> -> memref<1x1x64xi32, #tpu.memory_space<vmem>>
      %dma_start3A_138 = tpu.memref_squeeze %dma_start3A_137 : memref<1x1x64xi32, #tpu.memory_space<vmem>> -> memref<64xi32, #tpu.memory_space<vmem>>
      %dma_start3A_139 = arith.constant 0 : i32
      %dma_start3A_140 = arith.constant 0 : i32
      %dma_start3A_141 = tpu.memref_slice %arg2[%dma_start3A_139, %dma_start3A_140] : memref<10240x128xf32, #tpu.memory_space<hbm>> -> memref<10240x128xf32, #tpu.memory_space<hbm>>
      tpu.enqueue_indirect_dma source(%dma_start3A_141 : memref<10240x128xf32, #tpu.memory_space<hbm>>) target(%arg10 : memref<64x128xf32, #tpu.memory_space<vmem>>) offsets(%dma_start3A_138 : memref<64xi32, #tpu.memory_space<vmem>>) semaphore(%arg12 : memref<!tpu.dma_semaphore, #tpu.memory_space<semaphore_mem>>)
      %dma_wait3A_142 = arith.constant 0 : i32
      %dma_wait3A_143 = arith.constant 4 : i32
      %dma_wait3A_144 = arith.constant 0 : i32
      %dma_wait3A_145 = tpu.memref_slice %arg7[%dma_wait3A_142, %dma_wait3A_143, %dma_wait3A_144] : memref<2x8x64xi32, #tpu.memory_space<vmem>> -> memref<1x1x64xi32, #tpu.memory_space<vmem>>
      %dma_wait3A_146 = tpu.memref_squeeze %dma_wait3A_145 : memref<1x1x64xi32, #tpu.memory_space<vmem>> -> memref<64xi32, #tpu.memory_space<vmem>>
      %dma_wait3A_147 = arith.constant 0 : i32
      %dma_wait3A_148 = arith.constant 0 : i32
      %dma_wait3A_149 = tpu.memref_slice %arg2[%dma_wait3A_147, %dma_wait3A_148] : memref<10240x128xf32, #tpu.memory_space<hbm>> -> memref<10240x128xf32, #tpu.memory_space<hbm>>
      tpu.wait_indirect_dma semaphore(%arg11 : memref<!tpu.dma_semaphore, #tpu.memory_space<semaphore_mem>>) src(%dma_wait3A_149 : memref<10240x128xf32, #tpu.memory_space<hbm>>) dst(%arg9 : memref<64x128xf32, #tpu.memory_space<vmem>>)
      %run_scoped3A_150 = arith.constant 1 : i32
      %run_scoped3A_151 = arith.constant 4 : i32
      "tpu.region"() ({
        %run_scoped3A_366 = tpu.sem_alloc : memref<!tpu.dma_semaphore, #tpu.memory_space<semaphore_mem>>
        %dma_start3A_367 = arith.constant 0 : i32
        %dma_start3A_368 = tpu.memref_slice %arg7[%run_scoped3A_150, %run_scoped3A_151, %dma_start3A_367] : memref<2x8x64xi32, #tpu.memory_space<vmem>> -> memref<1x1x64xi32, #tpu.memory_space<vmem>>
        %dma_start3A_369 = tpu.memref_squeeze %dma_start3A_368 : memref<1x1x64xi32, #tpu.memory_space<vmem>> -> memref<64xi32, #tpu.memory_space<vmem>>
        %dma_start3A_370 = arith.constant 0 : i32
        %dma_start3A_371 = arith.constant 0 : i32
        %dma_start3A_372 = tpu.memref_slice %arg6[%dma_start3A_370, %dma_start3A_371] : memref<10240x128xf32, #tpu.memory_space<vmem_shared>> -> memref<10240x128xf32, #tpu.memory_space<vmem_shared>>
        tpu.enqueue_indirect_dma source(%arg9 : memref<64x128xf32, #tpu.memory_space<vmem>>) target(%dma_start3A_372 : memref<10240x128xf32, #tpu.memory_space<vmem_shared>>) offsets(%dma_start3A_369 : memref<64xi32, #tpu.memory_space<vmem>>) semaphore(%run_scoped3A_366 : memref<!tpu.dma_semaphore, #tpu.memory_space<semaphore_mem>>) {add = true}
        %dma_wait3A_373 = arith.constant 0 : i32
        %dma_wait3A_374 = tpu.memref_slice %arg7[%run_scoped3A_150, %run_scoped3A_151, %dma_wait3A_373] : memref<2x8x64xi32, #tpu.memory_space<vmem>> -> memref<1x1x64xi32, #tpu.memory_space<vmem>>
        %dma_wait3A_375 = tpu.memref_squeeze %dma_wait3A_374 : memref<1x1x64xi32, #tpu.memory_space<vmem>> -> memref<64xi32, #tpu.memory_space<vmem>>
        %dma_wait3A_376 = arith.constant 0 : i32
        %dma_wait3A_377 = arith.constant 0 : i32
        %dma_wait3A_378 = tpu.memref_slice %arg6[%dma_wait3A_376, %dma_wait3A_377] : memref<10240x128xf32, #tpu.memory_space<vmem_shared>> -> memref<10240x128xf32, #tpu.memory_space<vmem_shared>>
        tpu.wait_indirect_dma semaphore(%run_scoped3A_366 : memref<!tpu.dma_semaphore, #tpu.memory_space<semaphore_mem>>) src(%arg9 : memref<64x128xf32, #tpu.memory_space<vmem>>) dst(%dma_wait3A_378 : memref<10240x128xf32, #tpu.memory_space<vmem_shared>>)
        tpu.yield
      }) : () -> ()
      %dma_start3A_152 = arith.constant 0 : i32
      %dma_start3A_153 = arith.constant 6 : i32
      %dma_start3A_154 = arith.constant 0 : i32
      %dma_start3A_155 = tpu.memref_slice %arg7[%dma_start3A_152, %dma_start3A_153, %dma_start3A_154] : memref<2x8x64xi32, #tpu.memory_space<vmem>> -> memref<1x1x64xi32, #tpu.memory_space<vmem>>
      %dma_start3A_156 = tpu.memref_squeeze %dma_start3A_155 : memref<1x1x64xi32, #tpu.memory_space<vmem>> -> memref<64xi32, #tpu.memory_space<vmem>>
      %dma_start3A_157 = arith.constant 0 : i32
      %dma_start3A_158 = arith.constant 0 : i32
      %dma_start3A_159 = tpu.memref_slice %arg2[%dma_start3A_157, %dma_start3A_158] : memref<10240x128xf32, #tpu.memory_space<hbm>> -> memref<10240x128xf32, #tpu.memory_space<hbm>>
      tpu.enqueue_indirect_dma source(%dma_start3A_159 : memref<10240x128xf32, #tpu.memory_space<hbm>>) target(%arg9 : memref<64x128xf32, #tpu.memory_space<vmem>>) offsets(%dma_start3A_156 : memref<64xi32, #tpu.memory_space<vmem>>) semaphore(%arg11 : memref<!tpu.dma_semaphore, #tpu.memory_space<semaphore_mem>>)
      %dma_wait3A_160 = arith.constant 0 : i32
      %dma_wait3A_161 = arith.constant 5 : i32
      %dma_wait3A_162 = arith.constant 0 : i32
      %dma_wait3A_163 = tpu.memref_slice %arg7[%dma_wait3A_160, %dma_wait3A_161, %dma_wait3A_162] : memref<2x8x64xi32, #tpu.memory_space<vmem>> -> memref<1x1x64xi32, #tpu.memory_space<vmem>>
      %dma_wait3A_164 = tpu.memref_squeeze %dma_wait3A_163 : memref<1x1x64xi32, #tpu.memory_space<vmem>> -> memref<64xi32, #tpu.memory_space<vmem>>
      %dma_wait3A_165 = arith.constant 0 : i32
      %dma_wait3A_166 = arith.constant 0 : i32
      %dma_wait3A_167 = tpu.memref_slice %arg2[%dma_wait3A_165, %dma_wait3A_166] : memref<10240x128xf32, #tpu.memory_space<hbm>> -> memref<10240x128xf32, #tpu.memory_space<hbm>>
      tpu.wait_indirect_dma semaphore(%arg12 : memref<!tpu.dma_semaphore, #tpu.memory_space<semaphore_mem>>) src(%dma_wait3A_167 : memref<10240x128xf32, #tpu.memory_space<hbm>>) dst(%arg10 : memref<64x128xf32, #tpu.memory_space<vmem>>)
      %run_scoped3A_168 = arith.constant 1 : i32
      %run_scoped3A_169 = arith.constant 5 : i32
      "tpu.region"() ({
        %run_scoped3A_366 = tpu.sem_alloc : memref<!tpu.dma_semaphore, #tpu.memory_space<semaphore_mem>>
        %dma_start3A_367 = arith.constant 0 : i32
        %dma_start3A_368 = tpu.memref_slice %arg7[%run_scoped3A_168, %run_scoped3A_169, %dma_start3A_367] : memref<2x8x64xi32, #tpu.memory_space<vmem>> -> memref<1x1x64xi32, #tpu.memory_space<vmem>>
        %dma_start3A_369 = tpu.memref_squeeze %dma_start3A_368 : memref<1x1x64xi32, #tpu.memory_space<vmem>> -> memref<64xi32, #tpu.memory_space<vmem>>
        %dma_start3A_370 = arith.constant 0 : i32
        %dma_start3A_371 = arith.constant 0 : i32
        %dma_start3A_372 = tpu.memref_slice %arg6[%dma_start3A_370, %dma_start3A_371] : memref<10240x128xf32, #tpu.memory_space<vmem_shared>> -> memref<10240x128xf32, #tpu.memory_space<vmem_shared>>
        tpu.enqueue_indirect_dma source(%arg10 : memref<64x128xf32, #tpu.memory_space<vmem>>) target(%dma_start3A_372 : memref<10240x128xf32, #tpu.memory_space<vmem_shared>>) offsets(%dma_start3A_369 : memref<64xi32, #tpu.memory_space<vmem>>) semaphore(%run_scoped3A_366 : memref<!tpu.dma_semaphore, #tpu.memory_space<semaphore_mem>>) {add = true}
        %dma_wait3A_373 = arith.constant 0 : i32
        %dma_wait3A_374 = tpu.memref_slice %arg7[%run_scoped3A_168, %run_scoped3A_169, %dma_wait3A_373] : memref<2x8x64xi32, #tpu.memory_space<vmem>> -> memref<1x1x64xi32, #tpu.memory_space<vmem>>
        %dma_wait3A_375 = tpu.memref_squeeze %dma_wait3A_374 : memref<1x1x64xi32, #tpu.memory_space<vmem>> -> memref<64xi32, #tpu.memory_space<vmem>>
        %dma_wait3A_376 = arith.constant 0 : i32
        %dma_wait3A_377 = arith.constant 0 : i32
        %dma_wait3A_378 = tpu.memref_slice %arg6[%dma_wait3A_376, %dma_wait3A_377] : memref<10240x128xf32, #tpu.memory_space<vmem_shared>> -> memref<10240x128xf32, #tpu.memory_space<vmem_shared>>
        tpu.wait_indirect_dma semaphore(%run_scoped3A_366 : memref<!tpu.dma_semaphore, #tpu.memory_space<semaphore_mem>>) src(%arg10 : memref<64x128xf32, #tpu.memory_space<vmem>>) dst(%dma_wait3A_378 : memref<10240x128xf32, #tpu.memory_space<vmem_shared>>)
        tpu.yield
      }) : () -> ()
      %dma_start3A_170 = arith.constant 0 : i32
      %dma_start3A_171 = arith.constant 7 : i32
      %dma_start3A_172 = arith.constant 0 : i32
      %dma_start3A_173 = tpu.memref_slice %arg7[%dma_start3A_170, %dma_start3A_171, %dma_start3A_172] : memref<2x8x64xi32, #tpu.memory_space<vmem>> -> memref<1x1x64xi32, #tpu.memory_space<vmem>>
      %dma_start3A_174 = tpu.memref_squeeze %dma_start3A_173 : memref<1x1x64xi32, #tpu.memory_space<vmem>> -> memref<64xi32, #tpu.memory_space<vmem>>
      %dma_start3A_175 = arith.constant 0 : i32
      %dma_start3A_176 = arith.constant 0 : i32
      %dma_start3A_177 = tpu.memref_slice %arg2[%dma_start3A_175, %dma_start3A_176] : memref<10240x128xf32, #tpu.memory_space<hbm>> -> memref<10240x128xf32, #tpu.memory_space<hbm>>
      tpu.enqueue_indirect_dma source(%dma_start3A_177 : memref<10240x128xf32, #tpu.memory_space<hbm>>) target(%arg10 : memref<64x128xf32, #tpu.memory_space<vmem>>) offsets(%dma_start3A_174 : memref<64xi32, #tpu.memory_space<vmem>>) semaphore(%arg12 : memref<!tpu.dma_semaphore, #tpu.memory_space<semaphore_mem>>)
      %dma_wait3A_178 = arith.constant 0 : i32
      %dma_wait3A_179 = arith.constant 6 : i32
      %dma_wait3A_180 = arith.constant 0 : i32
      %dma_wait3A_181 = tpu.memref_slice %arg7[%dma_wait3A_178, %dma_wait3A_179, %dma_wait3A_180] : memref<2x8x64xi32, #tpu.memory_space<vmem>> -> memref<1x1x64xi32, #tpu.memory_space<vmem>>
      %dma_wait3A_182 = tpu.memref_squeeze %dma_wait3A_181 : memref<1x1x64xi32, #tpu.memory_space<vmem>> -> memref<64xi32, #tpu.memory_space<vmem>>
      %dma_wait3A_183 = arith.constant 0 : i32
      %dma_wait3A_184 = arith.constant 0 : i32
      %dma_wait3A_185 = tpu.memref_slice %arg2[%dma_wait3A_183, %dma_wait3A_184] : memref<10240x128xf32, #tpu.memory_space<hbm>> -> memref<10240x128xf32, #tpu.memory_space<hbm>>
      tpu.wait_indirect_dma semaphore(%arg11 : memref<!tpu.dma_semaphore, #tpu.memory_space<semaphore_mem>>) src(%dma_wait3A_185 : memref<10240x128xf32, #tpu.memory_space<hbm>>) dst(%arg9 : memref<64x128xf32, #tpu.memory_space<vmem>>)
      %run_scoped3A_186 = arith.constant 1 : i32
      %run_scoped3A_187 = arith.constant 6 : i32
      "tpu.region"() ({
        %run_scoped3A_366 = tpu.sem_alloc : memref<!tpu.dma_semaphore, #tpu.memory_space<semaphore_mem>>
        %dma_start3A_367 = arith.constant 0 : i32
        %dma_start3A_368 = tpu.memref_slice %arg7[%run_scoped3A_186, %run_scoped3A_187, %dma_start3A_367] : memref<2x8x64xi32, #tpu.memory_space<vmem>> -> memref<1x1x64xi32, #tpu.memory_space<vmem>>
        %dma_start3A_369 = tpu.memref_squeeze %dma_start3A_368 : memref<1x1x64xi32, #tpu.memory_space<vmem>> -> memref<64xi32, #tpu.memory_space<vmem>>
        %dma_start3A_370 = arith.constant 0 : i32
        %dma_start3A_371 = arith.constant 0 : i32
        %dma_start3A_372 = tpu.memref_slice %arg6[%dma_start3A_370, %dma_start3A_371] : memref<10240x128xf32, #tpu.memory_space<vmem_shared>> -> memref<10240x128xf32, #tpu.memory_space<vmem_shared>>
        tpu.enqueue_indirect_dma source(%arg9 : memref<64x128xf32, #tpu.memory_space<vmem>>) target(%dma_start3A_372 : memref<10240x128xf32, #tpu.memory_space<vmem_shared>>) offsets(%dma_start3A_369 : memref<64xi32, #tpu.memory_space<vmem>>) semaphore(%run_scoped3A_366 : memref<!tpu.dma_semaphore, #tpu.memory_space<semaphore_mem>>) {add = true}
        %dma_wait3A_373 = arith.constant 0 : i32
        %dma_wait3A_374 = tpu.memref_slice %arg7[%run_scoped3A_186, %run_scoped3A_187, %dma_wait3A_373] : memref<2x8x64xi32, #tpu.memory_space<vmem>> -> memref<1x1x64xi32, #tpu.memory_space<vmem>>
        %dma_wait3A_375 = tpu.memref_squeeze %dma_wait3A_374 : memref<1x1x64xi32, #tpu.memory_space<vmem>> -> memref<64xi32, #tpu.memory_space<vmem>>
        %dma_wait3A_376 = arith.constant 0 : i32
        %dma_wait3A_377 = arith.constant 0 : i32
        %dma_wait3A_378 = tpu.memref_slice %arg6[%dma_wait3A_376, %dma_wait3A_377] : memref<10240x128xf32, #tpu.memory_space<vmem_shared>> -> memref<10240x128xf32, #tpu.memory_space<vmem_shared>>
        tpu.wait_indirect_dma semaphore(%run_scoped3A_366 : memref<!tpu.dma_semaphore, #tpu.memory_space<semaphore_mem>>) src(%arg9 : memref<64x128xf32, #tpu.memory_space<vmem>>) dst(%dma_wait3A_378 : memref<10240x128xf32, #tpu.memory_space<vmem_shared>>)
        tpu.yield
      }) : () -> ()
      %dma_wait3A_188 = arith.constant 0 : i32
      %dma_wait3A_189 = arith.constant 7 : i32
      %dma_wait3A_190 = arith.constant 0 : i32
      %dma_wait3A_191 = tpu.memref_slice %arg7[%dma_wait3A_188, %dma_wait3A_189, %dma_wait3A_190] : memref<2x8x64xi32, #tpu.memory_space<vmem>> -> memref<1x1x64xi32, #tpu.memory_space<vmem>>
      %dma_wait3A_192 = tpu.memref_squeeze %dma_wait3A_191 : memref<1x1x64xi32, #tpu.memory_space<vmem>> -> memref<64xi32, #tpu.memory_space<vmem>>
      %dma_wait3A_193 = arith.constant 0 : i32
      %dma_wait3A_194 = arith.constant 0 : i32
      %dma_wait3A_195 = tpu.memref_slice %arg2[%dma_wait3A_193, %dma_wait3A_194] : memref<10240x128xf32, #tpu.memory_space<hbm>> -> memref<10240x128xf32, #tpu.memory_space<hbm>>
      tpu.wait_indirect_dma semaphore(%arg12 : memref<!tpu.dma_semaphore, #tpu.memory_space<semaphore_mem>>) src(%dma_wait3A_195 : memref<10240x128xf32, #tpu.memory_space<hbm>>) dst(%arg10 : memref<64x128xf32, #tpu.memory_space<vmem>>)
      %run_scoped3A_196 = arith.constant 1 : i32
      %run_scoped3A_197 = arith.constant 7 : i32
      "tpu.region"() ({
        %run_scoped3A_366 = tpu.sem_alloc : memref<!tpu.dma_semaphore, #tpu.memory_space<semaphore_mem>>
        %dma_start3A_367 = arith.constant 0 : i32
        %dma_start3A_368 = tpu.memref_slice %arg7[%run_scoped3A_196, %run_scoped3A_197, %dma_start3A_367] : memref<2x8x64xi32, #tpu.memory_space<vmem>> -> memref<1x1x64xi32, #tpu.memory_space<vmem>>
        %dma_start3A_369 = tpu.memref_squeeze %dma_start3A_368 : memref<1x1x64xi32, #tpu.memory_space<vmem>> -> memref<64xi32, #tpu.memory_space<vmem>>
        %dma_start3A_370 = arith.constant 0 : i32
        %dma_start3A_371 = arith.constant 0 : i32
        %dma_start3A_372 = tpu.memref_slice %arg6[%dma_start3A_370, %dma_start3A_371] : memref<10240x128xf32, #tpu.memory_space<vmem_shared>> -> memref<10240x128xf32, #tpu.memory_space<vmem_shared>>
        tpu.enqueue_indirect_dma source(%arg10 : memref<64x128xf32, #tpu.memory_space<vmem>>) target(%dma_start3A_372 : memref<10240x128xf32, #tpu.memory_space<vmem_shared>>) offsets(%dma_start3A_369 : memref<64xi32, #tpu.memory_space<vmem>>) semaphore(%run_scoped3A_366 : memref<!tpu.dma_semaphore, #tpu.memory_space<semaphore_mem>>) {add = true}
        %dma_wait3A_373 = arith.constant 0 : i32
        %dma_wait3A_374 = tpu.memref_slice %arg7[%run_scoped3A_196, %run_scoped3A_197, %dma_wait3A_373] : memref<2x8x64xi32, #tpu.memory_space<vmem>> -> memref<1x1x64xi32, #tpu.memory_space<vmem>>
        %dma_wait3A_375 = tpu.memref_squeeze %dma_wait3A_374 : memref<1x1x64xi32, #tpu.memory_space<vmem>> -> memref<64xi32, #tpu.memory_space<vmem>>
        %dma_wait3A_376 = arith.constant 0 : i32
        %dma_wait3A_377 = arith.constant 0 : i32
        %dma_wait3A_378 = tpu.memref_slice %arg6[%dma_wait3A_376, %dma_wait3A_377] : memref<10240x128xf32, #tpu.memory_space<vmem_shared>> -> memref<10240x128xf32, #tpu.memory_space<vmem_shared>>
        tpu.wait_indirect_dma semaphore(%run_scoped3A_366 : memref<!tpu.dma_semaphore, #tpu.memory_space<semaphore_mem>>) src(%arg10 : memref<64x128xf32, #tpu.memory_space<vmem>>) dst(%dma_wait3A_378 : memref<10240x128xf32, #tpu.memory_space<vmem_shared>>)
        tpu.yield
      }) : () -> ()
      %dma_wait3A_198 = arith.constant 0 : i32
      %dma_wait3A_199 = arith.constant 0 : i32
      %dma_wait3A_200 = arith.constant 0 : i32
      %dma_wait3A_201 = arith.constant 0 : i32
      %dma_wait3A_202 = tpu.memref_slice %arg3[%add3A, %dma_wait3A_198, %dma_wait3A_199, %dma_wait3A_200, %dma_wait3A_201] : memref<32x20x2x8x64xi32, #tpu.memory_space<hbm>> -> memref<1x1x2x8x64xi32, #tpu.memory_space<hbm>>
      %dma_wait3A_203 = tpu.memref_squeeze %dma_wait3A_202 : memref<1x1x2x8x64xi32, #tpu.memory_space<hbm>> -> memref<2x8x64xi32, #tpu.memory_space<hbm>>
      %dma_wait3A_204 = arith.constant 0 : i32
      %dma_wait3A_205 = arith.constant 0 : i32
      %dma_wait3A_206 = arith.constant 0 : i32
      %dma_wait3A_207 = tpu.memref_slice %arg3[%add3A, %dma_wait3A_198, %dma_wait3A_204, %dma_wait3A_205, %dma_wait3A_206] : memref<32x20x2x8x64xi32, #tpu.memory_space<hbm>> -> memref<1x1x2x8x64xi32, #tpu.memory_space<hbm>>
      %dma_wait3A_208 = tpu.memref_squeeze %dma_wait3A_207 : memref<1x1x2x8x64xi32, #tpu.memory_space<hbm>> -> memref<2x8x64xi32, #tpu.memory_space<hbm>>
      tpu.wait_dma2 semaphore(%arg14 : memref<!tpu.dma_semaphore, #tpu.memory_space<semaphore_mem>>) src(%dma_wait3A_208 : memref<2x8x64xi32, #tpu.memory_space<hbm>>) dst(%arg8 : memref<2x8x64xi32, #tpu.memory_space<vmem>>)
      %add3A_209 = arith.constant 2 : i32
      %add3A_210 = arith.addi %mul3A_31, %add3A_209 : i32
      %min3A = arith.constant 19 : i32
      %min3A_211 = arith.minsi %add3A_210, %min3A : i32
      %dma_start3A_212 = arith.constant 0 : i32
      %dma_start3A_213 = arith.constant 0 : i32
      %dma_start3A_214 = arith.constant 0 : i32
      %dma_start3A_215 = tpu.memref_slice %arg3[%add3A, %min3A_211, %dma_start3A_212, %dma_start3A_213, %dma_start3A_214] : memref<32x20x2x8x64xi32, #tpu.memory_space<hbm>> -> memref<1x1x2x8x64xi32, #tpu.memory_space<hbm>>
      %dma_start3A_216 = tpu.memref_squeeze %dma_start3A_215 : memref<1x1x2x8x64xi32, #tpu.memory_space<hbm>> -> memref<2x8x64xi32, #tpu.memory_space<hbm>>
      %dma_start3A_217 = arith.constant 0 : i32
      %dma_start3A_218 = arith.constant 0 : i32
      %dma_start3A_219 = arith.constant 0 : i32
      %dma_start3A_220 = tpu.memref_slice %arg3[%add3A, %min3A_211, %dma_start3A_217, %dma_start3A_218, %dma_start3A_219] : memref<32x20x2x8x64xi32, #tpu.memory_space<hbm>> -> memref<1x1x2x8x64xi32, #tpu.memory_space<hbm>>
      %dma_start3A_221 = tpu.memref_squeeze %dma_start3A_220 : memref<1x1x2x8x64xi32, #tpu.memory_space<hbm>> -> memref<2x8x64xi32, #tpu.memory_space<hbm>>
      tpu.enqueue_dma source(%dma_start3A_221 : memref<2x8x64xi32, #tpu.memory_space<hbm>>) target(%arg7 : memref<2x8x64xi32, #tpu.memory_space<vmem>>) target_semaphore(%arg13 : memref<!tpu.dma_semaphore, #tpu.memory_space<semaphore_mem>>)
      %dma_start3A_222 = arith.constant 0 : i32
      %dma_start3A_223 = arith.constant 0 : i32
      %dma_start3A_224 = arith.constant 0 : i32
      %dma_start3A_225 = tpu.memref_slice %arg8[%dma_start3A_222, %dma_start3A_223, %dma_start3A_224] : memref<2x8x64xi32, #tpu.memory_space<vmem>> -> memref<1x1x64xi32, #tpu.memory_space<vmem>>
      %dma_start3A_226 = tpu.memref_squeeze %dma_start3A_225 : memref<1x1x64xi32, #tpu.memory_space<vmem>> -> memref<64xi32, #tpu.memory_space<vmem>>
      %dma_start3A_227 = arith.constant 0 : i32
      %dma_start3A_228 = arith.constant 0 : i32
      %dma_start3A_229 = tpu.memref_slice %arg2[%dma_start3A_227, %dma_start3A_228] : memref<10240x128xf32, #tpu.memory_space<hbm>> -> memref<10240x128xf32, #tpu.memory_space<hbm>>
      tpu.enqueue_indirect_dma source(%dma_start3A_229 : memref<10240x128xf32, #tpu.memory_space<hbm>>) target(%arg9 : memref<64x128xf32, #tpu.memory_space<vmem>>) offsets(%dma_start3A_226 : memref<64xi32, #tpu.memory_space<vmem>>) semaphore(%arg11 : memref<!tpu.dma_semaphore, #tpu.memory_space<semaphore_mem>>)
      %dma_start3A_230 = arith.constant 0 : i32
      %dma_start3A_231 = arith.constant 1 : i32
      %dma_start3A_232 = arith.constant 0 : i32
      %dma_start3A_233 = tpu.memref_slice %arg8[%dma_start3A_230, %dma_start3A_231, %dma_start3A_232] : memref<2x8x64xi32, #tpu.memory_space<vmem>> -> memref<1x1x64xi32, #tpu.memory_space<vmem>>
      %dma_start3A_234 = tpu.memref_squeeze %dma_start3A_233 : memref<1x1x64xi32, #tpu.memory_space<vmem>> -> memref<64xi32, #tpu.memory_space<vmem>>
      %dma_start3A_235 = arith.constant 0 : i32
      %dma_start3A_236 = arith.constant 0 : i32
      %dma_start3A_237 = tpu.memref_slice %arg2[%dma_start3A_235, %dma_start3A_236] : memref<10240x128xf32, #tpu.memory_space<hbm>> -> memref<10240x128xf32, #tpu.memory_space<hbm>>
      tpu.enqueue_indirect_dma source(%dma_start3A_237 : memref<10240x128xf32, #tpu.memory_space<hbm>>) target(%arg10 : memref<64x128xf32, #tpu.memory_space<vmem>>) offsets(%dma_start3A_234 : memref<64xi32, #tpu.memory_space<vmem>>) semaphore(%arg12 : memref<!tpu.dma_semaphore, #tpu.memory_space<semaphore_mem>>)
      %dma_wait3A_238 = arith.constant 0 : i32
      %dma_wait3A_239 = arith.constant 0 : i32
      %dma_wait3A_240 = arith.constant 0 : i32
      %dma_wait3A_241 = tpu.memref_slice %arg8[%dma_wait3A_238, %dma_wait3A_239, %dma_wait3A_240] : memref<2x8x64xi32, #tpu.memory_space<vmem>> -> memref<1x1x64xi32, #tpu.memory_space<vmem>>
      %dma_wait3A_242 = tpu.memref_squeeze %dma_wait3A_241 : memref<1x1x64xi32, #tpu.memory_space<vmem>> -> memref<64xi32, #tpu.memory_space<vmem>>
      %dma_wait3A_243 = arith.constant 0 : i32
      %dma_wait3A_244 = arith.constant 0 : i32
      %dma_wait3A_245 = tpu.memref_slice %arg2[%dma_wait3A_243, %dma_wait3A_244] : memref<10240x128xf32, #tpu.memory_space<hbm>> -> memref<10240x128xf32, #tpu.memory_space<hbm>>
      tpu.wait_indirect_dma semaphore(%arg11 : memref<!tpu.dma_semaphore, #tpu.memory_space<semaphore_mem>>) src(%dma_wait3A_245 : memref<10240x128xf32, #tpu.memory_space<hbm>>) dst(%arg9 : memref<64x128xf32, #tpu.memory_space<vmem>>)
      %run_scoped3A_246 = arith.constant 1 : i32
      %run_scoped3A_247 = arith.constant 0 : i32
      "tpu.region"() ({
        %run_scoped3A_366 = tpu.sem_alloc : memref<!tpu.dma_semaphore, #tpu.memory_space<semaphore_mem>>
        %dma_start3A_367 = arith.constant 0 : i32
        %dma_start3A_368 = tpu.memref_slice %arg8[%run_scoped3A_246, %run_scoped3A_247, %dma_start3A_367] : memref<2x8x64xi32, #tpu.memory_space<vmem>> -> memref<1x1x64xi32, #tpu.memory_space<vmem>>
        %dma_start3A_369 = tpu.memref_squeeze %dma_start3A_368 : memref<1x1x64xi32, #tpu.memory_space<vmem>> -> memref<64xi32, #tpu.memory_space<vmem>>
        %dma_start3A_370 = arith.constant 0 : i32
        %dma_start3A_371 = arith.constant 0 : i32
        %dma_start3A_372 = tpu.memref_slice %arg6[%dma_start3A_370, %dma_start3A_371] : memref<10240x128xf32, #tpu.memory_space<vmem_shared>> -> memref<10240x128xf32, #tpu.memory_space<vmem_shared>>
        tpu.enqueue_indirect_dma source(%arg9 : memref<64x128xf32, #tpu.memory_space<vmem>>) target(%dma_start3A_372 : memref<10240x128xf32, #tpu.memory_space<vmem_shared>>) offsets(%dma_start3A_369 : memref<64xi32, #tpu.memory_space<vmem>>) semaphore(%run_scoped3A_366 : memref<!tpu.dma_semaphore, #tpu.memory_space<semaphore_mem>>) {add = true}
        %dma_wait3A_373 = arith.constant 0 : i32
        %dma_wait3A_374 = tpu.memref_slice %arg8[%run_scoped3A_246, %run_scoped3A_247, %dma_wait3A_373] : memref<2x8x64xi32, #tpu.memory_space<vmem>> -> memref<1x1x64xi32, #tpu.memory_space<vmem>>
        %dma_wait3A_375 = tpu.memref_squeeze %dma_wait3A_374 : memref<1x1x64xi32, #tpu.memory_space<vmem>> -> memref<64xi32, #tpu.memory_space<vmem>>
        %dma_wait3A_376 = arith.constant 0 : i32
        %dma_wait3A_377 = arith.constant 0 : i32
        %dma_wait3A_378 = tpu.memref_slice %arg6[%dma_wait3A_376, %dma_wait3A_377] : memref<10240x128xf32, #tpu.memory_space<vmem_shared>> -> memref<10240x128xf32, #tpu.memory_space<vmem_shared>>
        tpu.wait_indirect_dma semaphore(%run_scoped3A_366 : memref<!tpu.dma_semaphore, #tpu.memory_space<semaphore_mem>>) src(%arg9 : memref<64x128xf32, #tpu.memory_space<vmem>>) dst(%dma_wait3A_378 : memref<10240x128xf32, #tpu.memory_space<vmem_shared>>)
        tpu.yield
      }) : () -> ()
      %dma_start3A_248 = arith.constant 0 : i32
      %dma_start3A_249 = arith.constant 2 : i32
      %dma_start3A_250 = arith.constant 0 : i32
      %dma_start3A_251 = tpu.memref_slice %arg8[%dma_start3A_248, %dma_start3A_249, %dma_start3A_250] : memref<2x8x64xi32, #tpu.memory_space<vmem>> -> memref<1x1x64xi32, #tpu.memory_space<vmem>>
      %dma_start3A_252 = tpu.memref_squeeze %dma_start3A_251 : memref<1x1x64xi32, #tpu.memory_space<vmem>> -> memref<64xi32, #tpu.memory_space<vmem>>
      %dma_start3A_253 = arith.constant 0 : i32
      %dma_start3A_254 = arith.constant 0 : i32
      %dma_start3A_255 = tpu.memref_slice %arg2[%dma_start3A_253, %dma_start3A_254] : memref<10240x128xf32, #tpu.memory_space<hbm>> -> memref<10240x128xf32, #tpu.memory_space<hbm>>
      tpu.enqueue_indirect_dma source(%dma_start3A_255 : memref<10240x128xf32, #tpu.memory_space<hbm>>) target(%arg9 : memref<64x128xf32, #tpu.memory_space<vmem>>) offsets(%dma_start3A_252 : memref<64xi32, #tpu.memory_space<vmem>>) semaphore(%arg11 : memref<!tpu.dma_semaphore, #tpu.memory_space<semaphore_mem>>)
      %dma_wait3A_256 = arith.constant 0 : i32
      %dma_wait3A_257 = arith.constant 1 : i32
      %dma_wait3A_258 = arith.constant 0 : i32
      %dma_wait3A_259 = tpu.memref_slice %arg8[%dma_wait3A_256, %dma_wait3A_257, %dma_wait3A_258] : memref<2x8x64xi32, #tpu.memory_space<vmem>> -> memref<1x1x64xi32, #tpu.memory_space<vmem>>
      %dma_wait3A_260 = tpu.memref_squeeze %dma_wait3A_259 : memref<1x1x64xi32, #tpu.memory_space<vmem>> -> memref<64xi32, #tpu.memory_space<vmem>>
      %dma_wait3A_261 = arith.constant 0 : i32
      %dma_wait3A_262 = arith.constant 0 : i32
      %dma_wait3A_263 = tpu.memref_slice %arg2[%dma_wait3A_261, %dma_wait3A_262] : memref<10240x128xf32, #tpu.memory_space<hbm>> -> memref<10240x128xf32, #tpu.memory_space<hbm>>
      tpu.wait_indirect_dma semaphore(%arg12 : memref<!tpu.dma_semaphore, #tpu.memory_space<semaphore_mem>>) src(%dma_wait3A_263 : memref<10240x128xf32, #tpu.memory_space<hbm>>) dst(%arg10 : memref<64x128xf32, #tpu.memory_space<vmem>>)
      %run_scoped3A_264 = arith.constant 1 : i32
      %run_scoped3A_265 = arith.constant 1 : i32
      "tpu.region"() ({
        %run_scoped3A_366 = tpu.sem_alloc : memref<!tpu.dma_semaphore, #tpu.memory_space<semaphore_mem>>
        %dma_start3A_367 = arith.constant 0 : i32
        %dma_start3A_368 = tpu.memref_slice %arg8[%run_scoped3A_264, %run_scoped3A_265, %dma_start3A_367] : memref<2x8x64xi32, #tpu.memory_space<vmem>> -> memref<1x1x64xi32, #tpu.memory_space<vmem>>
        %dma_start3A_369 = tpu.memref_squeeze %dma_start3A_368 : memref<1x1x64xi32, #tpu.memory_space<vmem>> -> memref<64xi32, #tpu.memory_space<vmem>>
        %dma_start3A_370 = arith.constant 0 : i32
        %dma_start3A_371 = arith.constant 0 : i32
        %dma_start3A_372 = tpu.memref_slice %arg6[%dma_start3A_370, %dma_start3A_371] : memref<10240x128xf32, #tpu.memory_space<vmem_shared>> -> memref<10240x128xf32, #tpu.memory_space<vmem_shared>>
        tpu.enqueue_indirect_dma source(%arg10 : memref<64x128xf32, #tpu.memory_space<vmem>>) target(%dma_start3A_372 : memref<10240x128xf32, #tpu.memory_space<vmem_shared>>) offsets(%dma_start3A_369 : memref<64xi32, #tpu.memory_space<vmem>>) semaphore(%run_scoped3A_366 : memref<!tpu.dma_semaphore, #tpu.memory_space<semaphore_mem>>) {add = true}
        %dma_wait3A_373 = arith.constant 0 : i32
        %dma_wait3A_374 = tpu.memref_slice %arg8[%run_scoped3A_264, %run_scoped3A_265, %dma_wait3A_373] : memref<2x8x64xi32, #tpu.memory_space<vmem>> -> memref<1x1x64xi32, #tpu.memory_space<vmem>>
        %dma_wait3A_375 = tpu.memref_squeeze %dma_wait3A_374 : memref<1x1x64xi32, #tpu.memory_space<vmem>> -> memref<64xi32, #tpu.memory_space<vmem>>
        %dma_wait3A_376 = arith.constant 0 : i32
        %dma_wait3A_377 = arith.constant 0 : i32
        %dma_wait3A_378 = tpu.memref_slice %arg6[%dma_wait3A_376, %dma_wait3A_377] : memref<10240x128xf32, #tpu.memory_space<vmem_shared>> -> memref<10240x128xf32, #tpu.memory_space<vmem_shared>>
        tpu.wait_indirect_dma semaphore(%run_scoped3A_366 : memref<!tpu.dma_semaphore, #tpu.memory_space<semaphore_mem>>) src(%arg10 : memref<64x128xf32, #tpu.memory_space<vmem>>) dst(%dma_wait3A_378 : memref<10240x128xf32, #tpu.memory_space<vmem_shared>>)
        tpu.yield
      }) : () -> ()
      %dma_start3A_266 = arith.constant 0 : i32
      %dma_start3A_267 = arith.constant 3 : i32
      %dma_start3A_268 = arith.constant 0 : i32
      %dma_start3A_269 = tpu.memref_slice %arg8[%dma_start3A_266, %dma_start3A_267, %dma_start3A_268] : memref<2x8x64xi32, #tpu.memory_space<vmem>> -> memref<1x1x64xi32, #tpu.memory_space<vmem>>
      %dma_start3A_270 = tpu.memref_squeeze %dma_start3A_269 : memref<1x1x64xi32, #tpu.memory_space<vmem>> -> memref<64xi32, #tpu.memory_space<vmem>>
      %dma_start3A_271 = arith.constant 0 : i32
      %dma_start3A_272 = arith.constant 0 : i32
      %dma_start3A_273 = tpu.memref_slice %arg2[%dma_start3A_271, %dma_start3A_272] : memref<10240x128xf32, #tpu.memory_space<hbm>> -> memref<10240x128xf32, #tpu.memory_space<hbm>>
      tpu.enqueue_indirect_dma source(%dma_start3A_273 : memref<10240x128xf32, #tpu.memory_space<hbm>>) target(%arg10 : memref<64x128xf32, #tpu.memory_space<vmem>>) offsets(%dma_start3A_270 : memref<64xi32, #tpu.memory_space<vmem>>) semaphore(%arg12 : memref<!tpu.dma_semaphore, #tpu.memory_space<semaphore_mem>>)
      %dma_wait3A_274 = arith.constant 0 : i32
      %dma_wait3A_275 = arith.constant 2 : i32
      %dma_wait3A_276 = arith.constant 0 : i32
      %dma_wait3A_277 = tpu.memref_slice %arg8[%dma_wait3A_274, %dma_wait3A_275, %dma_wait3A_276] : memref<2x8x64xi32, #tpu.memory_space<vmem>> -> memref<1x1x64xi32, #tpu.memory_space<vmem>>
      %dma_wait3A_278 = tpu.memref_squeeze %dma_wait3A_277 : memref<1x1x64xi32, #tpu.memory_space<vmem>> -> memref<64xi32, #tpu.memory_space<vmem>>
      %dma_wait3A_279 = arith.constant 0 : i32
      %dma_wait3A_280 = arith.constant 0 : i32
      %dma_wait3A_281 = tpu.memref_slice %arg2[%dma_wait3A_279, %dma_wait3A_280] : memref<10240x128xf32, #tpu.memory_space<hbm>> -> memref<10240x128xf32, #tpu.memory_space<hbm>>
      tpu.wait_indirect_dma semaphore(%arg11 : memref<!tpu.dma_semaphore, #tpu.memory_space<semaphore_mem>>) src(%dma_wait3A_281 : memref<10240x128xf32, #tpu.memory_space<hbm>>) dst(%arg9 : memref<64x128xf32, #tpu.memory_space<vmem>>)
      %run_scoped3A_282 = arith.constant 1 : i32
      %run_scoped3A_283 = arith.constant 2 : i32
      "tpu.region"() ({
        %run_scoped3A_366 = tpu.sem_alloc : memref<!tpu.dma_semaphore, #tpu.memory_space<semaphore_mem>>
        %dma_start3A_367 = arith.constant 0 : i32
        %dma_start3A_368 = tpu.memref_slice %arg8[%run_scoped3A_282, %run_scoped3A_283, %dma_start3A_367] : memref<2x8x64xi32, #tpu.memory_space<vmem>> -> memref<1x1x64xi32, #tpu.memory_space<vmem>>
        %dma_start3A_369 = tpu.memref_squeeze %dma_start3A_368 : memref<1x1x64xi32, #tpu.memory_space<vmem>> -> memref<64xi32, #tpu.memory_space<vmem>>
        %dma_start3A_370 = arith.constant 0 : i32
        %dma_start3A_371 = arith.constant 0 : i32
        %dma_start3A_372 = tpu.memref_slice %arg6[%dma_start3A_370, %dma_start3A_371] : memref<10240x128xf32, #tpu.memory_space<vmem_shared>> -> memref<10240x128xf32, #tpu.memory_space<vmem_shared>>
        tpu.enqueue_indirect_dma source(%arg9 : memref<64x128xf32, #tpu.memory_space<vmem>>) target(%dma_start3A_372 : memref<10240x128xf32, #tpu.memory_space<vmem_shared>>) offsets(%dma_start3A_369 : memref<64xi32, #tpu.memory_space<vmem>>) semaphore(%run_scoped3A_366 : memref<!tpu.dma_semaphore, #tpu.memory_space<semaphore_mem>>) {add = true}
        %dma_wait3A_373 = arith.constant 0 : i32
        %dma_wait3A_374 = tpu.memref_slice %arg8[%run_scoped3A_282, %run_scoped3A_283, %dma_wait3A_373] : memref<2x8x64xi32, #tpu.memory_space<vmem>> -> memref<1x1x64xi32, #tpu.memory_space<vmem>>
        %dma_wait3A_375 = tpu.memref_squeeze %dma_wait3A_374 : memref<1x1x64xi32, #tpu.memory_space<vmem>> -> memref<64xi32, #tpu.memory_space<vmem>>
        %dma_wait3A_376 = arith.constant 0 : i32
        %dma_wait3A_377 = arith.constant 0 : i32
        %dma_wait3A_378 = tpu.memref_slice %arg6[%dma_wait3A_376, %dma_wait3A_377] : memref<10240x128xf32, #tpu.memory_space<vmem_shared>> -> memref<10240x128xf32, #tpu.memory_space<vmem_shared>>
        tpu.wait_indirect_dma semaphore(%run_scoped3A_366 : memref<!tpu.dma_semaphore, #tpu.memory_space<semaphore_mem>>) src(%arg9 : memref<64x128xf32, #tpu.memory_space<vmem>>) dst(%dma_wait3A_378 : memref<10240x128xf32, #tpu.memory_space<vmem_shared>>)
        tpu.yield
      }) : () -> ()
      %dma_start3A_284 = arith.constant 0 : i32
      %dma_start3A_285 = arith.constant 4 : i32
      %dma_start3A_286 = arith.constant 0 : i32
      %dma_start3A_287 = tpu.memref_slice %arg8[%dma_start3A_284, %dma_start3A_285, %dma_start3A_286] : memref<2x8x64xi32, #tpu.memory_space<vmem>> -> memref<1x1x64xi32, #tpu.memory_space<vmem>>
      %dma_start3A_288 = tpu.memref_squeeze %dma_start3A_287 : memref<1x1x64xi32, #tpu.memory_space<vmem>> -> memref<64xi32, #tpu.memory_space<vmem>>
      %dma_start3A_289 = arith.constant 0 : i32
      %dma_start3A_290 = arith.constant 0 : i32
      %dma_start3A_291 = tpu.memref_slice %arg2[%dma_start3A_289, %dma_start3A_290] : memref<10240x128xf32, #tpu.memory_space<hbm>> -> memref<10240x128xf32, #tpu.memory_space<hbm>>
      tpu.enqueue_indirect_dma source(%dma_start3A_291 : memref<10240x128xf32, #tpu.memory_space<hbm>>) target(%arg9 : memref<64x128xf32, #tpu.memory_space<vmem>>) offsets(%dma_start3A_288 : memref<64xi32, #tpu.memory_space<vmem>>) semaphore(%arg11 : memref<!tpu.dma_semaphore, #tpu.memory_space<semaphore_mem>>)
      %dma_wait3A_292 = arith.constant 0 : i32
      %dma_wait3A_293 = arith.constant 3 : i32
      %dma_wait3A_294 = arith.constant 0 : i32
      %dma_wait3A_295 = tpu.memref_slice %arg8[%dma_wait3A_292, %dma_wait3A_293, %dma_wait3A_294] : memref<2x8x64xi32, #tpu.memory_space<vmem>> -> memref<1x1x64xi32, #tpu.memory_space<vmem>>
      %dma_wait3A_296 = tpu.memref_squeeze %dma_wait3A_295 : memref<1x1x64xi32, #tpu.memory_space<vmem>> -> memref<64xi32, #tpu.memory_space<vmem>>
      %dma_wait3A_297 = arith.constant 0 : i32
      %dma_wait3A_298 = arith.constant 0 : i32
      %dma_wait3A_299 = tpu.memref_slice %arg2[%dma_wait3A_297, %dma_wait3A_298] : memref<10240x128xf32, #tpu.memory_space<hbm>> -> memref<10240x128xf32, #tpu.memory_space<hbm>>
      tpu.wait_indirect_dma semaphore(%arg12 : memref<!tpu.dma_semaphore, #tpu.memory_space<semaphore_mem>>) src(%dma_wait3A_299 : memref<10240x128xf32, #tpu.memory_space<hbm>>) dst(%arg10 : memref<64x128xf32, #tpu.memory_space<vmem>>)
      %run_scoped3A_300 = arith.constant 1 : i32
      %run_scoped3A_301 = arith.constant 3 : i32
      "tpu.region"() ({
        %run_scoped3A_366 = tpu.sem_alloc : memref<!tpu.dma_semaphore, #tpu.memory_space<semaphore_mem>>
        %dma_start3A_367 = arith.constant 0 : i32
        %dma_start3A_368 = tpu.memref_slice %arg8[%run_scoped3A_300, %run_scoped3A_301, %dma_start3A_367] : memref<2x8x64xi32, #tpu.memory_space<vmem>> -> memref<1x1x64xi32, #tpu.memory_space<vmem>>
        %dma_start3A_369 = tpu.memref_squeeze %dma_start3A_368 : memref<1x1x64xi32, #tpu.memory_space<vmem>> -> memref<64xi32, #tpu.memory_space<vmem>>
        %dma_start3A_370 = arith.constant 0 : i32
        %dma_start3A_371 = arith.constant 0 : i32
        %dma_start3A_372 = tpu.memref_slice %arg6[%dma_start3A_370, %dma_start3A_371] : memref<10240x128xf32, #tpu.memory_space<vmem_shared>> -> memref<10240x128xf32, #tpu.memory_space<vmem_shared>>
        tpu.enqueue_indirect_dma source(%arg10 : memref<64x128xf32, #tpu.memory_space<vmem>>) target(%dma_start3A_372 : memref<10240x128xf32, #tpu.memory_space<vmem_shared>>) offsets(%dma_start3A_369 : memref<64xi32, #tpu.memory_space<vmem>>) semaphore(%run_scoped3A_366 : memref<!tpu.dma_semaphore, #tpu.memory_space<semaphore_mem>>) {add = true}
        %dma_wait3A_373 = arith.constant 0 : i32
        %dma_wait3A_374 = tpu.memref_slice %arg8[%run_scoped3A_300, %run_scoped3A_301, %dma_wait3A_373] : memref<2x8x64xi32, #tpu.memory_space<vmem>> -> memref<1x1x64xi32, #tpu.memory_space<vmem>>
        %dma_wait3A_375 = tpu.memref_squeeze %dma_wait3A_374 : memref<1x1x64xi32, #tpu.memory_space<vmem>> -> memref<64xi32, #tpu.memory_space<vmem>>
        %dma_wait3A_376 = arith.constant 0 : i32
        %dma_wait3A_377 = arith.constant 0 : i32
        %dma_wait3A_378 = tpu.memref_slice %arg6[%dma_wait3A_376, %dma_wait3A_377] : memref<10240x128xf32, #tpu.memory_space<vmem_shared>> -> memref<10240x128xf32, #tpu.memory_space<vmem_shared>>
        tpu.wait_indirect_dma semaphore(%run_scoped3A_366 : memref<!tpu.dma_semaphore, #tpu.memory_space<semaphore_mem>>) src(%arg10 : memref<64x128xf32, #tpu.memory_space<vmem>>) dst(%dma_wait3A_378 : memref<10240x128xf32, #tpu.memory_space<vmem_shared>>)
        tpu.yield
      }) : () -> ()
      %dma_start3A_302 = arith.constant 0 : i32
      %dma_start3A_303 = arith.constant 5 : i32
      %dma_start3A_304 = arith.constant 0 : i32
      %dma_start3A_305 = tpu.memref_slice %arg8[%dma_start3A_302, %dma_start3A_303, %dma_start3A_304] : memref<2x8x64xi32, #tpu.memory_space<vmem>> -> memref<1x1x64xi32, #tpu.memory_space<vmem>>
      %dma_start3A_306 = tpu.memref_squeeze %dma_start3A_305 : memref<1x1x64xi32, #tpu.memory_space<vmem>> -> memref<64xi32, #tpu.memory_space<vmem>>
      %dma_start3A_307 = arith.constant 0 : i32
      %dma_start3A_308 = arith.constant 0 : i32
      %dma_start3A_309 = tpu.memref_slice %arg2[%dma_start3A_307, %dma_start3A_308] : memref<10240x128xf32, #tpu.memory_space<hbm>> -> memref<10240x128xf32, #tpu.memory_space<hbm>>
      tpu.enqueue_indirect_dma source(%dma_start3A_309 : memref<10240x128xf32, #tpu.memory_space<hbm>>) target(%arg10 : memref<64x128xf32, #tpu.memory_space<vmem>>) offsets(%dma_start3A_306 : memref<64xi32, #tpu.memory_space<vmem>>) semaphore(%arg12 : memref<!tpu.dma_semaphore, #tpu.memory_space<semaphore_mem>>)
      %dma_wait3A_310 = arith.constant 0 : i32
      %dma_wait3A_311 = arith.constant 4 : i32
      %dma_wait3A_312 = arith.constant 0 : i32
      %dma_wait3A_313 = tpu.memref_slice %arg8[%dma_wait3A_310, %dma_wait3A_311, %dma_wait3A_312] : memref<2x8x64xi32, #tpu.memory_space<vmem>> -> memref<1x1x64xi32, #tpu.memory_space<vmem>>
      %dma_wait3A_314 = tpu.memref_squeeze %dma_wait3A_313 : memref<1x1x64xi32, #tpu.memory_space<vmem>> -> memref<64xi32, #tpu.memory_space<vmem>>
      %dma_wait3A_315 = arith.constant 0 : i32
      %dma_wait3A_316 = arith.constant 0 : i32
      %dma_wait3A_317 = tpu.memref_slice %arg2[%dma_wait3A_315, %dma_wait3A_316] : memref<10240x128xf32, #tpu.memory_space<hbm>> -> memref<10240x128xf32, #tpu.memory_space<hbm>>
      tpu.wait_indirect_dma semaphore(%arg11 : memref<!tpu.dma_semaphore, #tpu.memory_space<semaphore_mem>>) src(%dma_wait3A_317 : memref<10240x128xf32, #tpu.memory_space<hbm>>) dst(%arg9 : memref<64x128xf32, #tpu.memory_space<vmem>>)
      %run_scoped3A_318 = arith.constant 1 : i32
      %run_scoped3A_319 = arith.constant 4 : i32
      "tpu.region"() ({
        %run_scoped3A_366 = tpu.sem_alloc : memref<!tpu.dma_semaphore, #tpu.memory_space<semaphore_mem>>
        %dma_start3A_367 = arith.constant 0 : i32
        %dma_start3A_368 = tpu.memref_slice %arg8[%run_scoped3A_318, %run_scoped3A_319, %dma_start3A_367] : memref<2x8x64xi32, #tpu.memory_space<vmem>> -> memref<1x1x64xi32, #tpu.memory_space<vmem>>
        %dma_start3A_369 = tpu.memref_squeeze %dma_start3A_368 : memref<1x1x64xi32, #tpu.memory_space<vmem>> -> memref<64xi32, #tpu.memory_space<vmem>>
        %dma_start3A_370 = arith.constant 0 : i32
        %dma_start3A_371 = arith.constant 0 : i32
        %dma_start3A_372 = tpu.memref_slice %arg6[%dma_start3A_370, %dma_start3A_371] : memref<10240x128xf32, #tpu.memory_space<vmem_shared>> -> memref<10240x128xf32, #tpu.memory_space<vmem_shared>>
        tpu.enqueue_indirect_dma source(%arg9 : memref<64x128xf32, #tpu.memory_space<vmem>>) target(%dma_start3A_372 : memref<10240x128xf32, #tpu.memory_space<vmem_shared>>) offsets(%dma_start3A_369 : memref<64xi32, #tpu.memory_space<vmem>>) semaphore(%run_scoped3A_366 : memref<!tpu.dma_semaphore, #tpu.memory_space<semaphore_mem>>) {add = true}
        %dma_wait3A_373 = arith.constant 0 : i32
        %dma_wait3A_374 = tpu.memref_slice %arg8[%run_scoped3A_318, %run_scoped3A_319, %dma_wait3A_373] : memref<2x8x64xi32, #tpu.memory_space<vmem>> -> memref<1x1x64xi32, #tpu.memory_space<vmem>>
        %dma_wait3A_375 = tpu.memref_squeeze %dma_wait3A_374 : memref<1x1x64xi32, #tpu.memory_space<vmem>> -> memref<64xi32, #tpu.memory_space<vmem>>
        %dma_wait3A_376 = arith.constant 0 : i32
        %dma_wait3A_377 = arith.constant 0 : i32
        %dma_wait3A_378 = tpu.memref_slice %arg6[%dma_wait3A_376, %dma_wait3A_377] : memref<10240x128xf32, #tpu.memory_space<vmem_shared>> -> memref<10240x128xf32, #tpu.memory_space<vmem_shared>>
        tpu.wait_indirect_dma semaphore(%run_scoped3A_366 : memref<!tpu.dma_semaphore, #tpu.memory_space<semaphore_mem>>) src(%arg9 : memref<64x128xf32, #tpu.memory_space<vmem>>) dst(%dma_wait3A_378 : memref<10240x128xf32, #tpu.memory_space<vmem_shared>>)
        tpu.yield
      }) : () -> ()
      %dma_start3A_320 = arith.constant 0 : i32
      %dma_start3A_321 = arith.constant 6 : i32
      %dma_start3A_322 = arith.constant 0 : i32
      %dma_start3A_323 = tpu.memref_slice %arg8[%dma_start3A_320, %dma_start3A_321, %dma_start3A_322] : memref<2x8x64xi32, #tpu.memory_space<vmem>> -> memref<1x1x64xi32, #tpu.memory_space<vmem>>
      %dma_start3A_324 = tpu.memref_squeeze %dma_start3A_323 : memref<1x1x64xi32, #tpu.memory_space<vmem>> -> memref<64xi32, #tpu.memory_space<vmem>>
      %dma_start3A_325 = arith.constant 0 : i32
      %dma_start3A_326 = arith.constant 0 : i32
      %dma_start3A_327 = tpu.memref_slice %arg2[%dma_start3A_325, %dma_start3A_326] : memref<10240x128xf32, #tpu.memory_space<hbm>> -> memref<10240x128xf32, #tpu.memory_space<hbm>>
      tpu.enqueue_indirect_dma source(%dma_start3A_327 : memref<10240x128xf32, #tpu.memory_space<hbm>>) target(%arg9 : memref<64x128xf32, #tpu.memory_space<vmem>>) offsets(%dma_start3A_324 : memref<64xi32, #tpu.memory_space<vmem>>) semaphore(%arg11 : memref<!tpu.dma_semaphore, #tpu.memory_space<semaphore_mem>>)
      %dma_wait3A_328 = arith.constant 0 : i32
      %dma_wait3A_329 = arith.constant 5 : i32
      %dma_wait3A_330 = arith.constant 0 : i32
      %dma_wait3A_331 = tpu.memref_slice %arg8[%dma_wait3A_328, %dma_wait3A_329, %dma_wait3A_330] : memref<2x8x64xi32, #tpu.memory_space<vmem>> -> memref<1x1x64xi32, #tpu.memory_space<vmem>>
      %dma_wait3A_332 = tpu.memref_squeeze %dma_wait3A_331 : memref<1x1x64xi32, #tpu.memory_space<vmem>> -> memref<64xi32, #tpu.memory_space<vmem>>
      %dma_wait3A_333 = arith.constant 0 : i32
      %dma_wait3A_334 = arith.constant 0 : i32
      %dma_wait3A_335 = tpu.memref_slice %arg2[%dma_wait3A_333, %dma_wait3A_334] : memref<10240x128xf32, #tpu.memory_space<hbm>> -> memref<10240x128xf32, #tpu.memory_space<hbm>>
      tpu.wait_indirect_dma semaphore(%arg12 : memref<!tpu.dma_semaphore, #tpu.memory_space<semaphore_mem>>) src(%dma_wait3A_335 : memref<10240x128xf32, #tpu.memory_space<hbm>>) dst(%arg10 : memref<64x128xf32, #tpu.memory_space<vmem>>)
      %run_scoped3A_336 = arith.constant 1 : i32
      %run_scoped3A_337 = arith.constant 5 : i32
      "tpu.region"() ({
        %run_scoped3A_366 = tpu.sem_alloc : memref<!tpu.dma_semaphore, #tpu.memory_space<semaphore_mem>>
        %dma_start3A_367 = arith.constant 0 : i32
        %dma_start3A_368 = tpu.memref_slice %arg8[%run_scoped3A_336, %run_scoped3A_337, %dma_start3A_367] : memref<2x8x64xi32, #tpu.memory_space<vmem>> -> memref<1x1x64xi32, #tpu.memory_space<vmem>>
        %dma_start3A_369 = tpu.memref_squeeze %dma_start3A_368 : memref<1x1x64xi32, #tpu.memory_space<vmem>> -> memref<64xi32, #tpu.memory_space<vmem>>
        %dma_start3A_370 = arith.constant 0 : i32
        %dma_start3A_371 = arith.constant 0 : i32
        %dma_start3A_372 = tpu.memref_slice %arg6[%dma_start3A_370, %dma_start3A_371] : memref<10240x128xf32, #tpu.memory_space<vmem_shared>> -> memref<10240x128xf32, #tpu.memory_space<vmem_shared>>
        tpu.enqueue_indirect_dma source(%arg10 : memref<64x128xf32, #tpu.memory_space<vmem>>) target(%dma_start3A_372 : memref<10240x128xf32, #tpu.memory_space<vmem_shared>>) offsets(%dma_start3A_369 : memref<64xi32, #tpu.memory_space<vmem>>) semaphore(%run_scoped3A_366 : memref<!tpu.dma_semaphore, #tpu.memory_space<semaphore_mem>>) {add = true}
        %dma_wait3A_373 = arith.constant 0 : i32
        %dma_wait3A_374 = tpu.memref_slice %arg8[%run_scoped3A_336, %run_scoped3A_337, %dma_wait3A_373] : memref<2x8x64xi32, #tpu.memory_space<vmem>> -> memref<1x1x64xi32, #tpu.memory_space<vmem>>
        %dma_wait3A_375 = tpu.memref_squeeze %dma_wait3A_374 : memref<1x1x64xi32, #tpu.memory_space<vmem>> -> memref<64xi32, #tpu.memory_space<vmem>>
        %dma_wait3A_376 = arith.constant 0 : i32
        %dma_wait3A_377 = arith.constant 0 : i32
        %dma_wait3A_378 = tpu.memref_slice %arg6[%dma_wait3A_376, %dma_wait3A_377] : memref<10240x128xf32, #tpu.memory_space<vmem_shared>> -> memref<10240x128xf32, #tpu.memory_space<vmem_shared>>
        tpu.wait_indirect_dma semaphore(%run_scoped3A_366 : memref<!tpu.dma_semaphore, #tpu.memory_space<semaphore_mem>>) src(%arg10 : memref<64x128xf32, #tpu.memory_space<vmem>>) dst(%dma_wait3A_378 : memref<10240x128xf32, #tpu.memory_space<vmem_shared>>)
        tpu.yield
      }) : () -> ()
      %dma_start3A_338 = arith.constant 0 : i32
      %dma_start3A_339 = arith.constant 7 : i32
      %dma_start3A_340 = arith.constant 0 : i32
      %dma_start3A_341 = tpu.memref_slice %arg8[%dma_start3A_338, %dma_start3A_339, %dma_start3A_340] : memref<2x8x64xi32, #tpu.memory_space<vmem>> -> memref<1x1x64xi32, #tpu.memory_space<vmem>>
      %dma_start3A_342 = tpu.memref_squeeze %dma_start3A_341 : memref<1x1x64xi32, #tpu.memory_space<vmem>> -> memref<64xi32, #tpu.memory_space<vmem>>
      %dma_start3A_343 = arith.constant 0 : i32
      %dma_start3A_344 = arith.constant 0 : i32
      %dma_start3A_345 = tpu.memref_slice %arg2[%dma_start3A_343, %dma_start3A_344] : memref<10240x128xf32, #tpu.memory_space<hbm>> -> memref<10240x128xf32, #tpu.memory_space<hbm>>
      tpu.enqueue_indirect_dma source(%dma_start3A_345 : memref<10240x128xf32, #tpu.memory_space<hbm>>) target(%arg10 : memref<64x128xf32, #tpu.memory_space<vmem>>) offsets(%dma_start3A_342 : memref<64xi32, #tpu.memory_space<vmem>>) semaphore(%arg12 : memref<!tpu.dma_semaphore, #tpu.memory_space<semaphore_mem>>)
      %dma_wait3A_346 = arith.constant 0 : i32
      %dma_wait3A_347 = arith.constant 6 : i32
      %dma_wait3A_348 = arith.constant 0 : i32
      %dma_wait3A_349 = tpu.memref_slice %arg8[%dma_wait3A_346, %dma_wait3A_347, %dma_wait3A_348] : memref<2x8x64xi32, #tpu.memory_space<vmem>> -> memref<1x1x64xi32, #tpu.memory_space<vmem>>
      %dma_wait3A_350 = tpu.memref_squeeze %dma_wait3A_349 : memref<1x1x64xi32, #tpu.memory_space<vmem>> -> memref<64xi32, #tpu.memory_space<vmem>>
      %dma_wait3A_351 = arith.constant 0 : i32
      %dma_wait3A_352 = arith.constant 0 : i32
      %dma_wait3A_353 = tpu.memref_slice %arg2[%dma_wait3A_351, %dma_wait3A_352] : memref<10240x128xf32, #tpu.memory_space<hbm>> -> memref<10240x128xf32, #tpu.memory_space<hbm>>
      tpu.wait_indirect_dma semaphore(%arg11 : memref<!tpu.dma_semaphore, #tpu.memory_space<semaphore_mem>>) src(%dma_wait3A_353 : memref<10240x128xf32, #tpu.memory_space<hbm>>) dst(%arg9 : memref<64x128xf32, #tpu.memory_space<vmem>>)
      %run_scoped3A_354 = arith.constant 1 : i32
      %run_scoped3A_355 = arith.constant 6 : i32
      "tpu.region"() ({
        %run_scoped3A_366 = tpu.sem_alloc : memref<!tpu.dma_semaphore, #tpu.memory_space<semaphore_mem>>
        %dma_start3A_367 = arith.constant 0 : i32
        %dma_start3A_368 = tpu.memref_slice %arg8[%run_scoped3A_354, %run_scoped3A_355, %dma_start3A_367] : memref<2x8x64xi32, #tpu.memory_space<vmem>> -> memref<1x1x64xi32, #tpu.memory_space<vmem>>
        %dma_start3A_369 = tpu.memref_squeeze %dma_start3A_368 : memref<1x1x64xi32, #tpu.memory_space<vmem>> -> memref<64xi32, #tpu.memory_space<vmem>>
        %dma_start3A_370 = arith.constant 0 : i32
        %dma_start3A_371 = arith.constant 0 : i32
        %dma_start3A_372 = tpu.memref_slice %arg6[%dma_start3A_370, %dma_start3A_371] : memref<10240x128xf32, #tpu.memory_space<vmem_shared>> -> memref<10240x128xf32, #tpu.memory_space<vmem_shared>>
        tpu.enqueue_indirect_dma source(%arg9 : memref<64x128xf32, #tpu.memory_space<vmem>>) target(%dma_start3A_372 : memref<10240x128xf32, #tpu.memory_space<vmem_shared>>) offsets(%dma_start3A_369 : memref<64xi32, #tpu.memory_space<vmem>>) semaphore(%run_scoped3A_366 : memref<!tpu.dma_semaphore, #tpu.memory_space<semaphore_mem>>) {add = true}
        %dma_wait3A_373 = arith.constant 0 : i32
        %dma_wait3A_374 = tpu.memref_slice %arg8[%run_scoped3A_354, %run_scoped3A_355, %dma_wait3A_373] : memref<2x8x64xi32, #tpu.memory_space<vmem>> -> memref<1x1x64xi32, #tpu.memory_space<vmem>>
        %dma_wait3A_375 = tpu.memref_squeeze %dma_wait3A_374 : memref<1x1x64xi32, #tpu.memory_space<vmem>> -> memref<64xi32, #tpu.memory_space<vmem>>
        %dma_wait3A_376 = arith.constant 0 : i32
        %dma_wait3A_377 = arith.constant 0 : i32
        %dma_wait3A_378 = tpu.memref_slice %arg6[%dma_wait3A_376, %dma_wait3A_377] : memref<10240x128xf32, #tpu.memory_space<vmem_shared>> -> memref<10240x128xf32, #tpu.memory_space<vmem_shared>>
        tpu.wait_indirect_dma semaphore(%run_scoped3A_366 : memref<!tpu.dma_semaphore, #tpu.memory_space<semaphore_mem>>) src(%arg9 : memref<64x128xf32, #tpu.memory_space<vmem>>) dst(%dma_wait3A_378 : memref<10240x128xf32, #tpu.memory_space<vmem_shared>>)
        tpu.yield
      }) : () -> ()
      %dma_wait3A_356 = arith.constant 0 : i32
      %dma_wait3A_357 = arith.constant 7 : i32
      %dma_wait3A_358 = arith.constant 0 : i32
      %dma_wait3A_359 = tpu.memref_slice %arg8[%dma_wait3A_356, %dma_wait3A_357, %dma_wait3A_358] : memref<2x8x64xi32, #tpu.memory_space<vmem>> -> memref<1x1x64xi32, #tpu.memory_space<vmem>>
      %dma_wait3A_360 = tpu.memref_squeeze %dma_wait3A_359 : memref<1x1x64xi32, #tpu.memory_space<vmem>> -> memref<64xi32, #tpu.memory_space<vmem>>
      %dma_wait3A_361 = arith.constant 0 : i32
      %dma_wait3A_362 = arith.constant 0 : i32
      %dma_wait3A_363 = tpu.memref_slice %arg2[%dma_wait3A_361, %dma_wait3A_362] : memref<10240x128xf32, #tpu.memory_space<hbm>> -> memref<10240x128xf32, #tpu.memory_space<hbm>>
      tpu.wait_indirect_dma semaphore(%arg12 : memref<!tpu.dma_semaphore, #tpu.memory_space<semaphore_mem>>) src(%dma_wait3A_363 : memref<10240x128xf32, #tpu.memory_space<hbm>>) dst(%arg10 : memref<64x128xf32, #tpu.memory_space<vmem>>)
      %run_scoped3A_364 = arith.constant 1 : i32
      %run_scoped3A_365 = arith.constant 7 : i32
      "tpu.region"() ({
        %run_scoped3A_366 = tpu.sem_alloc : memref<!tpu.dma_semaphore, #tpu.memory_space<semaphore_mem>>
        %dma_start3A_367 = arith.constant 0 : i32
        %dma_start3A_368 = tpu.memref_slice %arg8[%run_scoped3A_364, %run_scoped3A_365, %dma_start3A_367] : memref<2x8x64xi32, #tpu.memory_space<vmem>> -> memref<1x1x64xi32, #tpu.memory_space<vmem>>
        %dma_start3A_369 = tpu.memref_squeeze %dma_start3A_368 : memref<1x1x64xi32, #tpu.memory_space<vmem>> -> memref<64xi32, #tpu.memory_space<vmem>>
        %dma_start3A_370 = arith.constant 0 : i32
        %dma_start3A_371 = arith.constant 0 : i32
        %dma_start3A_372 = tpu.memref_slice %arg6[%dma_start3A_370, %dma_start3A_371] : memref<10240x128xf32, #tpu.memory_space<vmem_shared>> -> memref<10240x128xf32, #tpu.memory_space<vmem_shared>>
        tpu.enqueue_indirect_dma source(%arg10 : memref<64x128xf32, #tpu.memory_space<vmem>>) target(%dma_start3A_372 : memref<10240x128xf32, #tpu.memory_space<vmem_shared>>) offsets(%dma_start3A_369 : memref<64xi32, #tpu.memory_space<vmem>>) semaphore(%run_scoped3A_366 : memref<!tpu.dma_semaphore, #tpu.memory_space<semaphore_mem>>) {add = true}
        %dma_wait3A_373 = arith.constant 0 : i32
        %dma_wait3A_374 = tpu.memref_slice %arg8[%run_scoped3A_364, %run_scoped3A_365, %dma_wait3A_373] : memref<2x8x64xi32, #tpu.memory_space<vmem>> -> memref<1x1x64xi32, #tpu.memory_space<vmem>>
        %dma_wait3A_375 = tpu.memref_squeeze %dma_wait3A_374 : memref<1x1x64xi32, #tpu.memory_space<vmem>> -> memref<64xi32, #tpu.memory_space<vmem>>
        %dma_wait3A_376 = arith.constant 0 : i32
        %dma_wait3A_377 = arith.constant 0 : i32
        %dma_wait3A_378 = tpu.memref_slice %arg6[%dma_wait3A_376, %dma_wait3A_377] : memref<10240x128xf32, #tpu.memory_space<vmem_shared>> -> memref<10240x128xf32, #tpu.memory_space<vmem_shared>>
        tpu.wait_indirect_dma semaphore(%run_scoped3A_366 : memref<!tpu.dma_semaphore, #tpu.memory_space<semaphore_mem>>) src(%arg10 : memref<64x128xf32, #tpu.memory_space<vmem>>) dst(%dma_wait3A_378 : memref<10240x128xf32, #tpu.memory_space<vmem_shared>>)
        tpu.yield
      }) : () -> ()
    }
    %scan3A_17 = arith.constant 10 : i32
    %dma_wait3A = arith.constant 0 : i32
    %dma_wait3A_18 = arith.constant 0 : i32
    %dma_wait3A_19 = arith.constant 0 : i32
    %dma_wait3A_20 = arith.constant 0 : i32
    %dma_wait3A_21 = tpu.memref_slice %arg3[%add3A, %dma_wait3A, %dma_wait3A_18, %dma_wait3A_19, %dma_wait3A_20] : memref<32x20x2x8x64xi32, #tpu.memory_space<hbm>> -> memref<1x1x2x8x64xi32, #tpu.memory_space<hbm>>
    %dma_wait3A_22 = tpu.memref_squeeze %dma_wait3A_21 : memref<1x1x2x8x64xi32, #tpu.memory_space<hbm>> -> memref<2x8x64xi32, #tpu.memory_space<hbm>>
    %dma_wait3A_23 = arith.constant 0 : i32
    %dma_wait3A_24 = arith.constant 0 : i32
    %dma_wait3A_25 = arith.constant 0 : i32
    %dma_wait3A_26 = tpu.memref_slice %arg3[%add3A, %dma_wait3A, %dma_wait3A_23, %dma_wait3A_24, %dma_wait3A_25] : memref<32x20x2x8x64xi32, #tpu.memory_space<hbm>> -> memref<1x1x2x8x64xi32, #tpu.memory_space<hbm>>
    %dma_wait3A_27 = tpu.memref_squeeze %dma_wait3A_26 : memref<1x1x2x8x64xi32, #tpu.memory_space<hbm>> -> memref<2x8x64xi32, #tpu.memory_space<hbm>>
    tpu.wait_dma2 semaphore(%arg13 : memref<!tpu.dma_semaphore, #tpu.memory_space<semaphore_mem>>) src(%dma_wait3A_27 : memref<2x8x64xi32, #tpu.memory_space<hbm>>) dst(%arg7 : memref<2x8x64xi32, #tpu.memory_space<vmem>>)
    %barrier3A_28 = arith.constant 0 : index
    tpu.barrier barrier_id(%barrier3A_28)
    "tpu.region"() ({
      %run_scoped3A = tpu.sem_alloc : memref<!tpu.dma_semaphore, #tpu.memory_space<semaphore_mem>>
      %dma_start3A_29 = arith.constant 0 : i32
      %dma_start3A_30 = tpu.memref_slice %arg5[%arg0, %mul3A_2, %dma_start3A_29] : memref<2x10240x128xf32, #tpu.memory_space<hbm>> -> memref<1x640x128xf32, #tpu.memory_space<hbm>>
      %dma_start3A_31 = tpu.memref_squeeze %dma_start3A_30 : memref<1x640x128xf32, #tpu.memory_space<hbm>> -> memref<640x128xf32, #tpu.memory_space<hbm>>
      %dma_start3A_32 = arith.constant 0 : i32
      %dma_start3A_33 = tpu.memref_slice %arg6[%mul3A_2, %dma_start3A_32] : memref<10240x128xf32, #tpu.memory_space<vmem_shared>> -> memref<640x128xf32, #tpu.memory_space<vmem_shared>>
      tpu.enqueue_dma source(%dma_start3A_33 : memref<640x128xf32, #tpu.memory_space<vmem_shared>>) target(%dma_start3A_31 : memref<640x128xf32, #tpu.memory_space<hbm>>) target_semaphore(%run_scoped3A : memref<!tpu.dma_semaphore, #tpu.memory_space<semaphore_mem>>)
      %dma_wait3A_34 = arith.constant 0 : i32
      %dma_wait3A_35 = tpu.memref_slice %arg5[%arg0, %mul3A_2, %dma_wait3A_34] : memref<2x10240x128xf32, #tpu.memory_space<hbm>> -> memref<1x640x128xf32, #tpu.memory_space<hbm>>
      %dma_wait3A_36 = tpu.memref_squeeze %dma_wait3A_35 : memref<1x640x128xf32, #tpu.memory_space<hbm>> -> memref<640x128xf32, #tpu.memory_space<hbm>>
      %dma_wait3A_37 = arith.constant 0 : i32
      %dma_wait3A_38 = tpu.memref_slice %arg6[%mul3A_2, %dma_wait3A_37] : memref<10240x128xf32, #tpu.memory_space<vmem_shared>> -> memref<640x128xf32, #tpu.memory_space<vmem_shared>>
      tpu.wait_dma2 semaphore(%run_scoped3A : memref<!tpu.dma_semaphore, #tpu.memory_space<semaphore_mem>>) src(%dma_wait3A_38 : memref<640x128xf32, #tpu.memory_space<vmem_shared>>) dst(%dma_wait3A_36 : memref<640x128xf32, #tpu.memory_space<hbm>>)
      tpu.yield
    }) : () -> ()
    return
  }
}

#map = affine_map<(d0, d1) -> (0, 0)>
#map1 = affine_map<(d0, d1) -> (0, 0, 0, 0, 0)>
#map2 = affine_map<(d0, d1) -> (0, 0, 0)>
module attributes {stable_mosaic.version = 14 : i64} {
  func.func @_sc_aggregate_body(%arg0: i32, %arg1: i32, %arg2: memref<10240x128xf32, #tpu.memory_space<hbm>>, %arg3: memref<32x20x2x8x64xi32, #tpu.memory_space<hbm>>, %arg4: memref<10240x128xf32, #tpu.memory_space<hbm>>, %arg5: memref<2x10240x128xf32, #tpu.memory_space<hbm>>, %arg6: memref<10240x128xf32, #tpu.memory_space<vmem_shared>>, %arg7: memref<2x8x64xi32, #tpu.memory_space<vmem>>, %arg8: memref<2x8x64xi32, #tpu.memory_space<vmem>>, %arg9: memref<64x128xf32, #tpu.memory_space<vmem>>, %arg10: memref<64x128xf32, #tpu.memory_space<vmem>>, %arg11: memref<!tpu.dma_semaphore, #tpu.memory_space<semaphore_mem>>, %arg12: memref<!tpu.dma_semaphore, #tpu.memory_space<semaphore_mem>>, %arg13: memref<!tpu.dma_semaphore, #tpu.memory_space<semaphore_mem>>, %arg14: memref<!tpu.dma_semaphore, #tpu.memory_space<semaphore_mem>>) attributes {dimension_semantics = [#tpu.dimension_semantics<core_parallel>, #tpu.dimension_semantics<subcore_parallel>], iteration_bounds = array<i64: 2, 16>, scalar_prefetch = 0 : i64, scratch_operands = 9 : i64, tpu.core_type = #tpu.core_type<sc_vector_subcore>, window_params = [{transform_indices = #map}, {transform_indices = #map1}, {transform_indices = #map}, {transform_indices = #map2}]} {
    %mul3A = arith.constant 16 : i32
    %mul3A_0 = arith.muli %arg0, %mul3A : i32
    %add3A = arith.addi %mul3A_0, %arg1 : i32
    %mul3A_1 = arith.constant 640 : i32
    %mul3A_2 = arith.muli %arg1, %mul3A_1 : i32
    "tpu.region"() ({
      %run_scoped3A = tpu.sem_alloc : memref<!tpu.dma_semaphore, #tpu.memory_space<semaphore_mem>>
      %dma_start3A_29 = arith.constant 0 : i32
      %dma_start3A_30 = tpu.memref_slice %arg6[%mul3A_2, %dma_start3A_29] : memref<10240x128xf32, #tpu.memory_space<vmem_shared>> -> memref<640x128xf32, #tpu.memory_space<vmem_shared>>
      %dma_start3A_31 = arith.constant 0 : i32
      %dma_start3A_32 = tpu.memref_slice %arg4[%mul3A_2, %dma_start3A_31] : memref<10240x128xf32, #tpu.memory_space<hbm>> -> memref<640x128xf32, #tpu.memory_space<hbm>>
      tpu.enqueue_dma source(%dma_start3A_32 : memref<640x128xf32, #tpu.memory_space<hbm>>) target(%dma_start3A_30 : memref<640x128xf32, #tpu.memory_space<vmem_shared>>) target_semaphore(%run_scoped3A : memref<!tpu.dma_semaphore, #tpu.memory_space<semaphore_mem>>)
      %dma_wait3A_33 = arith.constant 0 : i32
      %dma_wait3A_34 = tpu.memref_slice %arg6[%mul3A_2, %dma_wait3A_33] : memref<10240x128xf32, #tpu.memory_space<vmem_shared>> -> memref<640x128xf32, #tpu.memory_space<vmem_shared>>
      %dma_wait3A_35 = arith.constant 0 : i32
      %dma_wait3A_36 = tpu.memref_slice %arg4[%mul3A_2, %dma_wait3A_35] : memref<10240x128xf32, #tpu.memory_space<hbm>> -> memref<640x128xf32, #tpu.memory_space<hbm>>
      tpu.wait_dma2 semaphore(%run_scoped3A : memref<!tpu.dma_semaphore, #tpu.memory_space<semaphore_mem>>) src(%dma_wait3A_36 : memref<640x128xf32, #tpu.memory_space<hbm>>) dst(%dma_wait3A_34 : memref<640x128xf32, #tpu.memory_space<vmem_shared>>)
      tpu.yield
    }) : () -> ()
    %barrier3A = arith.constant 0 : index
    tpu.barrier barrier_id(%barrier3A)
    %dma_start3A = arith.constant 0 : i32
    %dma_start3A_3 = arith.constant 0 : i32
    %dma_start3A_4 = arith.constant 0 : i32
    %dma_start3A_5 = arith.constant 0 : i32
    %dma_start3A_6 = tpu.memref_slice %arg3[%add3A, %dma_start3A, %dma_start3A_3, %dma_start3A_4, %dma_start3A_5] : memref<32x20x2x8x64xi32, #tpu.memory_space<hbm>> -> memref<1x1x2x8x64xi32, #tpu.memory_space<hbm>>
    %dma_start3A_7 = tpu.memref_squeeze %dma_start3A_6 : memref<1x1x2x8x64xi32, #tpu.memory_space<hbm>> -> memref<2x8x64xi32, #tpu.memory_space<hbm>>
    %dma_start3A_8 = arith.constant 0 : i32
    %dma_start3A_9 = arith.constant 0 : i32
    %dma_start3A_10 = arith.constant 0 : i32
    %dma_start3A_11 = tpu.memref_slice %arg3[%add3A, %dma_start3A, %dma_start3A_8, %dma_start3A_9, %dma_start3A_10] : memref<32x20x2x8x64xi32, #tpu.memory_space<hbm>> -> memref<1x1x2x8x64xi32, #tpu.memory_space<hbm>>
    %dma_start3A_12 = tpu.memref_squeeze %dma_start3A_11 : memref<1x1x2x8x64xi32, #tpu.memory_space<hbm>> -> memref<2x8x64xi32, #tpu.memory_space<hbm>>
    tpu.enqueue_dma source(%dma_start3A_12 : memref<2x8x64xi32, #tpu.memory_space<hbm>>) target(%arg7 : memref<2x8x64xi32, #tpu.memory_space<vmem>>) target_semaphore(%arg13 : memref<!tpu.dma_semaphore, #tpu.memory_space<semaphore_mem>>)
    %scan3A = arith.constant 0 : i32
    %scan3A_13 = arith.constant 0 : i32
    %scan3A_14 = arith.constant 10 : i32
    %scan3A_15 = arith.addi %scan3A_13, %scan3A_14 : i32
    %scan3A_16 = arith.constant 1 : i32
    scf.for %scan3A_29 = %scan3A_13 to %scan3A_15 step %scan3A_16  : i32 {
      %mul3A_30 = arith.constant 2 : i32
      %mul3A_31 = arith.muli %mul3A_30, %scan3A_29 : i32
      %dma_wait3A_32 = arith.constant 0 : i32
      %dma_wait3A_33 = arith.constant 0 : i32
      %dma_wait3A_34 = arith.constant 0 : i32
      %dma_wait3A_35 = arith.constant 0 : i32
      %dma_wait3A_36 = tpu.memref_slice %arg3[%add3A, %dma_wait3A_32, %dma_wait3A_33, %dma_wait3A_34, %dma_wait3A_35] : memref<32x20x2x8x64xi32, #tpu.memory_space<hbm>> -> memref<1x1x2x8x64xi32, #tpu.memory_space<hbm>>
      %dma_wait3A_37 = tpu.memref_squeeze %dma_wait3A_36 : memref<1x1x2x8x64xi32, #tpu.memory_space<hbm>> -> memref<2x8x64xi32, #tpu.memory_space<hbm>>
      %dma_wait3A_38 = arith.constant 0 : i32
      %dma_wait3A_39 = arith.constant 0 : i32
      %dma_wait3A_40 = arith.constant 0 : i32
      %dma_wait3A_41 = tpu.memref_slice %arg3[%add3A, %dma_wait3A_32, %dma_wait3A_38, %dma_wait3A_39, %dma_wait3A_40] : memref<32x20x2x8x64xi32, #tpu.memory_space<hbm>> -> memref<1x1x2x8x64xi32, #tpu.memory_space<hbm>>
      %dma_wait3A_42 = tpu.memref_squeeze %dma_wait3A_41 : memref<1x1x2x8x64xi32, #tpu.memory_space<hbm>> -> memref<2x8x64xi32, #tpu.memory_space<hbm>>
      tpu.wait_dma2 semaphore(%arg13 : memref<!tpu.dma_semaphore, #tpu.memory_space<semaphore_mem>>) src(%dma_wait3A_42 : memref<2x8x64xi32, #tpu.memory_space<hbm>>) dst(%arg7 : memref<2x8x64xi32, #tpu.memory_space<vmem>>)
      %add3A_43 = arith.constant 1 : i32
      %add3A_44 = arith.addi %mul3A_31, %add3A_43 : i32
      %dma_start3A_45 = arith.constant 0 : i32
      %dma_start3A_46 = arith.constant 0 : i32
      %dma_start3A_47 = arith.constant 0 : i32
      %dma_start3A_48 = tpu.memref_slice %arg3[%add3A, %add3A_44, %dma_start3A_45, %dma_start3A_46, %dma_start3A_47] : memref<32x20x2x8x64xi32, #tpu.memory_space<hbm>> -> memref<1x1x2x8x64xi32, #tpu.memory_space<hbm>>
      %dma_start3A_49 = tpu.memref_squeeze %dma_start3A_48 : memref<1x1x2x8x64xi32, #tpu.memory_space<hbm>> -> memref<2x8x64xi32, #tpu.memory_space<hbm>>
      %dma_start3A_50 = arith.constant 0 : i32
      %dma_start3A_51 = arith.constant 0 : i32
      %dma_start3A_52 = arith.constant 0 : i32
      %dma_start3A_53 = tpu.memref_slice %arg3[%add3A, %add3A_44, %dma_start3A_50, %dma_start3A_51, %dma_start3A_52] : memref<32x20x2x8x64xi32, #tpu.memory_space<hbm>> -> memref<1x1x2x8x64xi32, #tpu.memory_space<hbm>>
      %dma_start3A_54 = tpu.memref_squeeze %dma_start3A_53 : memref<1x1x2x8x64xi32, #tpu.memory_space<hbm>> -> memref<2x8x64xi32, #tpu.memory_space<hbm>>
      tpu.enqueue_dma source(%dma_start3A_54 : memref<2x8x64xi32, #tpu.memory_space<hbm>>) target(%arg8 : memref<2x8x64xi32, #tpu.memory_space<vmem>>) target_semaphore(%arg14 : memref<!tpu.dma_semaphore, #tpu.memory_space<semaphore_mem>>)
      %dma_start3A_55 = arith.constant 0 : i32
      %dma_start3A_56 = arith.constant 0 : i32
      %dma_start3A_57 = arith.constant 0 : i32
      %dma_start3A_58 = tpu.memref_slice %arg7[%dma_start3A_55, %dma_start3A_56, %dma_start3A_57] : memref<2x8x64xi32, #tpu.memory_space<vmem>> -> memref<1x1x64xi32, #tpu.memory_space<vmem>>
      %dma_start3A_59 = tpu.memref_squeeze %dma_start3A_58 : memref<1x1x64xi32, #tpu.memory_space<vmem>> -> memref<64xi32, #tpu.memory_space<vmem>>
      %dma_start3A_60 = arith.constant 0 : i32
      %dma_start3A_61 = arith.constant 0 : i32
      %dma_start3A_62 = tpu.memref_slice %arg2[%dma_start3A_60, %dma_start3A_61] : memref<10240x128xf32, #tpu.memory_space<hbm>> -> memref<10240x128xf32, #tpu.memory_space<hbm>>
      tpu.enqueue_indirect_dma source(%dma_start3A_62 : memref<10240x128xf32, #tpu.memory_space<hbm>>) target(%arg9 : memref<64x128xf32, #tpu.memory_space<vmem>>) offsets(%dma_start3A_59 : memref<64xi32, #tpu.memory_space<vmem>>) semaphore(%arg11 : memref<!tpu.dma_semaphore, #tpu.memory_space<semaphore_mem>>)
      %dma_start3A_63 = arith.constant 0 : i32
      %dma_start3A_64 = arith.constant 1 : i32
      %dma_start3A_65 = arith.constant 0 : i32
      %dma_start3A_66 = tpu.memref_slice %arg7[%dma_start3A_63, %dma_start3A_64, %dma_start3A_65] : memref<2x8x64xi32, #tpu.memory_space<vmem>> -> memref<1x1x64xi32, #tpu.memory_space<vmem>>
      %dma_start3A_67 = tpu.memref_squeeze %dma_start3A_66 : memref<1x1x64xi32, #tpu.memory_space<vmem>> -> memref<64xi32, #tpu.memory_space<vmem>>
      %dma_start3A_68 = arith.constant 0 : i32
      %dma_start3A_69 = arith.constant 0 : i32
      %dma_start3A_70 = tpu.memref_slice %arg2[%dma_start3A_68, %dma_start3A_69] : memref<10240x128xf32, #tpu.memory_space<hbm>> -> memref<10240x128xf32, #tpu.memory_space<hbm>>
      tpu.enqueue_indirect_dma source(%dma_start3A_70 : memref<10240x128xf32, #tpu.memory_space<hbm>>) target(%arg10 : memref<64x128xf32, #tpu.memory_space<vmem>>) offsets(%dma_start3A_67 : memref<64xi32, #tpu.memory_space<vmem>>) semaphore(%arg12 : memref<!tpu.dma_semaphore, #tpu.memory_space<semaphore_mem>>)
      %dma_wait3A_71 = arith.constant 0 : i32
      %dma_wait3A_72 = arith.constant 0 : i32
      %dma_wait3A_73 = arith.constant 0 : i32
      %dma_wait3A_74 = tpu.memref_slice %arg7[%dma_wait3A_71, %dma_wait3A_72, %dma_wait3A_73] : memref<2x8x64xi32, #tpu.memory_space<vmem>> -> memref<1x1x64xi32, #tpu.memory_space<vmem>>
      %dma_wait3A_75 = tpu.memref_squeeze %dma_wait3A_74 : memref<1x1x64xi32, #tpu.memory_space<vmem>> -> memref<64xi32, #tpu.memory_space<vmem>>
      %dma_wait3A_76 = arith.constant 0 : i32
      %dma_wait3A_77 = arith.constant 0 : i32
      %dma_wait3A_78 = tpu.memref_slice %arg2[%dma_wait3A_76, %dma_wait3A_77] : memref<10240x128xf32, #tpu.memory_space<hbm>> -> memref<10240x128xf32, #tpu.memory_space<hbm>>
      tpu.wait_indirect_dma semaphore(%arg11 : memref<!tpu.dma_semaphore, #tpu.memory_space<semaphore_mem>>) src(%dma_wait3A_78 : memref<10240x128xf32, #tpu.memory_space<hbm>>) dst(%arg9 : memref<64x128xf32, #tpu.memory_space<vmem>>)
      %run_scoped3A = arith.constant 1 : i32
      %run_scoped3A_79 = arith.constant 0 : i32
      "tpu.region"() ({
        %run_scoped3A_366 = tpu.sem_alloc : memref<!tpu.dma_semaphore, #tpu.memory_space<semaphore_mem>>
        %dma_start3A_367 = arith.constant 0 : i32
        %dma_start3A_368 = tpu.memref_slice %arg7[%run_scoped3A, %run_scoped3A_79, %dma_start3A_367] : memref<2x8x64xi32, #tpu.memory_space<vmem>> -> memref<1x1x64xi32, #tpu.memory_space<vmem>>
        %dma_start3A_369 = tpu.memref_squeeze %dma_start3A_368 : memref<1x1x64xi32, #tpu.memory_space<vmem>> -> memref<64xi32, #tpu.memory_space<vmem>>
        %dma_start3A_370 = arith.constant 0 : i32
        %dma_start3A_371 = arith.constant 0 : i32
        %dma_start3A_372 = tpu.memref_slice %arg6[%dma_start3A_370, %dma_start3A_371] : memref<10240x128xf32, #tpu.memory_space<vmem_shared>> -> memref<10240x128xf32, #tpu.memory_space<vmem_shared>>
        tpu.enqueue_indirect_dma source(%arg9 : memref<64x128xf32, #tpu.memory_space<vmem>>) target(%dma_start3A_372 : memref<10240x128xf32, #tpu.memory_space<vmem_shared>>) offsets(%dma_start3A_369 : memref<64xi32, #tpu.memory_space<vmem>>) semaphore(%run_scoped3A_366 : memref<!tpu.dma_semaphore, #tpu.memory_space<semaphore_mem>>) {add = true}
        %dma_wait3A_373 = arith.constant 0 : i32
        %dma_wait3A_374 = tpu.memref_slice %arg7[%run_scoped3A, %run_scoped3A_79, %dma_wait3A_373] : memref<2x8x64xi32, #tpu.memory_space<vmem>> -> memref<1x1x64xi32, #tpu.memory_space<vmem>>
        %dma_wait3A_375 = tpu.memref_squeeze %dma_wait3A_374 : memref<1x1x64xi32, #tpu.memory_space<vmem>> -> memref<64xi32, #tpu.memory_space<vmem>>
        %dma_wait3A_376 = arith.constant 0 : i32
        %dma_wait3A_377 = arith.constant 0 : i32
        %dma_wait3A_378 = tpu.memref_slice %arg6[%dma_wait3A_376, %dma_wait3A_377] : memref<10240x128xf32, #tpu.memory_space<vmem_shared>> -> memref<10240x128xf32, #tpu.memory_space<vmem_shared>>
        tpu.wait_indirect_dma semaphore(%run_scoped3A_366 : memref<!tpu.dma_semaphore, #tpu.memory_space<semaphore_mem>>) src(%arg9 : memref<64x128xf32, #tpu.memory_space<vmem>>) dst(%dma_wait3A_378 : memref<10240x128xf32, #tpu.memory_space<vmem_shared>>)
        tpu.yield
      }) : () -> ()
      %dma_start3A_80 = arith.constant 0 : i32
      %dma_start3A_81 = arith.constant 2 : i32
      %dma_start3A_82 = arith.constant 0 : i32
      %dma_start3A_83 = tpu.memref_slice %arg7[%dma_start3A_80, %dma_start3A_81, %dma_start3A_82] : memref<2x8x64xi32, #tpu.memory_space<vmem>> -> memref<1x1x64xi32, #tpu.memory_space<vmem>>
      %dma_start3A_84 = tpu.memref_squeeze %dma_start3A_83 : memref<1x1x64xi32, #tpu.memory_space<vmem>> -> memref<64xi32, #tpu.memory_space<vmem>>
      %dma_start3A_85 = arith.constant 0 : i32
      %dma_start3A_86 = arith.constant 0 : i32
      %dma_start3A_87 = tpu.memref_slice %arg2[%dma_start3A_85, %dma_start3A_86] : memref<10240x128xf32, #tpu.memory_space<hbm>> -> memref<10240x128xf32, #tpu.memory_space<hbm>>
      tpu.enqueue_indirect_dma source(%dma_start3A_87 : memref<10240x128xf32, #tpu.memory_space<hbm>>) target(%arg9 : memref<64x128xf32, #tpu.memory_space<vmem>>) offsets(%dma_start3A_84 : memref<64xi32, #tpu.memory_space<vmem>>) semaphore(%arg11 : memref<!tpu.dma_semaphore, #tpu.memory_space<semaphore_mem>>)
      %dma_wait3A_88 = arith.constant 0 : i32
      %dma_wait3A_89 = arith.constant 1 : i32
      %dma_wait3A_90 = arith.constant 0 : i32
      %dma_wait3A_91 = tpu.memref_slice %arg7[%dma_wait3A_88, %dma_wait3A_89, %dma_wait3A_90] : memref<2x8x64xi32, #tpu.memory_space<vmem>> -> memref<1x1x64xi32, #tpu.memory_space<vmem>>
      %dma_wait3A_92 = tpu.memref_squeeze %dma_wait3A_91 : memref<1x1x64xi32, #tpu.memory_space<vmem>> -> memref<64xi32, #tpu.memory_space<vmem>>
      %dma_wait3A_93 = arith.constant 0 : i32
      %dma_wait3A_94 = arith.constant 0 : i32
      %dma_wait3A_95 = tpu.memref_slice %arg2[%dma_wait3A_93, %dma_wait3A_94] : memref<10240x128xf32, #tpu.memory_space<hbm>> -> memref<10240x128xf32, #tpu.memory_space<hbm>>
      tpu.wait_indirect_dma semaphore(%arg12 : memref<!tpu.dma_semaphore, #tpu.memory_space<semaphore_mem>>) src(%dma_wait3A_95 : memref<10240x128xf32, #tpu.memory_space<hbm>>) dst(%arg10 : memref<64x128xf32, #tpu.memory_space<vmem>>)
      %run_scoped3A_96 = arith.constant 1 : i32
      %run_scoped3A_97 = arith.constant 1 : i32
      "tpu.region"() ({
        %run_scoped3A_366 = tpu.sem_alloc : memref<!tpu.dma_semaphore, #tpu.memory_space<semaphore_mem>>
        %dma_start3A_367 = arith.constant 0 : i32
        %dma_start3A_368 = tpu.memref_slice %arg7[%run_scoped3A_96, %run_scoped3A_97, %dma_start3A_367] : memref<2x8x64xi32, #tpu.memory_space<vmem>> -> memref<1x1x64xi32, #tpu.memory_space<vmem>>
        %dma_start3A_369 = tpu.memref_squeeze %dma_start3A_368 : memref<1x1x64xi32, #tpu.memory_space<vmem>> -> memref<64xi32, #tpu.memory_space<vmem>>
        %dma_start3A_370 = arith.constant 0 : i32
        %dma_start3A_371 = arith.constant 0 : i32
        %dma_start3A_372 = tpu.memref_slice %arg6[%dma_start3A_370, %dma_start3A_371] : memref<10240x128xf32, #tpu.memory_space<vmem_shared>> -> memref<10240x128xf32, #tpu.memory_space<vmem_shared>>
        tpu.enqueue_indirect_dma source(%arg10 : memref<64x128xf32, #tpu.memory_space<vmem>>) target(%dma_start3A_372 : memref<10240x128xf32, #tpu.memory_space<vmem_shared>>) offsets(%dma_start3A_369 : memref<64xi32, #tpu.memory_space<vmem>>) semaphore(%run_scoped3A_366 : memref<!tpu.dma_semaphore, #tpu.memory_space<semaphore_mem>>) {add = true}
        %dma_wait3A_373 = arith.constant 0 : i32
        %dma_wait3A_374 = tpu.memref_slice %arg7[%run_scoped3A_96, %run_scoped3A_97, %dma_wait3A_373] : memref<2x8x64xi32, #tpu.memory_space<vmem>> -> memref<1x1x64xi32, #tpu.memory_space<vmem>>
        %dma_wait3A_375 = tpu.memref_squeeze %dma_wait3A_374 : memref<1x1x64xi32, #tpu.memory_space<vmem>> -> memref<64xi32, #tpu.memory_space<vmem>>
        %dma_wait3A_376 = arith.constant 0 : i32
        %dma_wait3A_377 = arith.constant 0 : i32
        %dma_wait3A_378 = tpu.memref_slice %arg6[%dma_wait3A_376, %dma_wait3A_377] : memref<10240x128xf32, #tpu.memory_space<vmem_shared>> -> memref<10240x128xf32, #tpu.memory_space<vmem_shared>>
        tpu.wait_indirect_dma semaphore(%run_scoped3A_366 : memref<!tpu.dma_semaphore, #tpu.memory_space<semaphore_mem>>) src(%arg10 : memref<64x128xf32, #tpu.memory_space<vmem>>) dst(%dma_wait3A_378 : memref<10240x128xf32, #tpu.memory_space<vmem_shared>>)
        tpu.yield
      }) : () -> ()
      %dma_start3A_98 = arith.constant 0 : i32
      %dma_start3A_99 = arith.constant 3 : i32
      %dma_start3A_100 = arith.constant 0 : i32
      %dma_start3A_101 = tpu.memref_slice %arg7[%dma_start3A_98, %dma_start3A_99, %dma_start3A_100] : memref<2x8x64xi32, #tpu.memory_space<vmem>> -> memref<1x1x64xi32, #tpu.memory_space<vmem>>
      %dma_start3A_102 = tpu.memref_squeeze %dma_start3A_101 : memref<1x1x64xi32, #tpu.memory_space<vmem>> -> memref<64xi32, #tpu.memory_space<vmem>>
      %dma_start3A_103 = arith.constant 0 : i32
      %dma_start3A_104 = arith.constant 0 : i32
      %dma_start3A_105 = tpu.memref_slice %arg2[%dma_start3A_103, %dma_start3A_104] : memref<10240x128xf32, #tpu.memory_space<hbm>> -> memref<10240x128xf32, #tpu.memory_space<hbm>>
      tpu.enqueue_indirect_dma source(%dma_start3A_105 : memref<10240x128xf32, #tpu.memory_space<hbm>>) target(%arg10 : memref<64x128xf32, #tpu.memory_space<vmem>>) offsets(%dma_start3A_102 : memref<64xi32, #tpu.memory_space<vmem>>) semaphore(%arg12 : memref<!tpu.dma_semaphore, #tpu.memory_space<semaphore_mem>>)
      %dma_wait3A_106 = arith.constant 0 : i32
      %dma_wait3A_107 = arith.constant 2 : i32
      %dma_wait3A_108 = arith.constant 0 : i32
      %dma_wait3A_109 = tpu.memref_slice %arg7[%dma_wait3A_106, %dma_wait3A_107, %dma_wait3A_108] : memref<2x8x64xi32, #tpu.memory_space<vmem>> -> memref<1x1x64xi32, #tpu.memory_space<vmem>>
      %dma_wait3A_110 = tpu.memref_squeeze %dma_wait3A_109 : memref<1x1x64xi32, #tpu.memory_space<vmem>> -> memref<64xi32, #tpu.memory_space<vmem>>
      %dma_wait3A_111 = arith.constant 0 : i32
      %dma_wait3A_112 = arith.constant 0 : i32
      %dma_wait3A_113 = tpu.memref_slice %arg2[%dma_wait3A_111, %dma_wait3A_112] : memref<10240x128xf32, #tpu.memory_space<hbm>> -> memref<10240x128xf32, #tpu.memory_space<hbm>>
      tpu.wait_indirect_dma semaphore(%arg11 : memref<!tpu.dma_semaphore, #tpu.memory_space<semaphore_mem>>) src(%dma_wait3A_113 : memref<10240x128xf32, #tpu.memory_space<hbm>>) dst(%arg9 : memref<64x128xf32, #tpu.memory_space<vmem>>)
      %run_scoped3A_114 = arith.constant 1 : i32
      %run_scoped3A_115 = arith.constant 2 : i32
      "tpu.region"() ({
        %run_scoped3A_366 = tpu.sem_alloc : memref<!tpu.dma_semaphore, #tpu.memory_space<semaphore_mem>>
        %dma_start3A_367 = arith.constant 0 : i32
        %dma_start3A_368 = tpu.memref_slice %arg7[%run_scoped3A_114, %run_scoped3A_115, %dma_start3A_367] : memref<2x8x64xi32, #tpu.memory_space<vmem>> -> memref<1x1x64xi32, #tpu.memory_space<vmem>>
        %dma_start3A_369 = tpu.memref_squeeze %dma_start3A_368 : memref<1x1x64xi32, #tpu.memory_space<vmem>> -> memref<64xi32, #tpu.memory_space<vmem>>
        %dma_start3A_370 = arith.constant 0 : i32
        %dma_start3A_371 = arith.constant 0 : i32
        %dma_start3A_372 = tpu.memref_slice %arg6[%dma_start3A_370, %dma_start3A_371] : memref<10240x128xf32, #tpu.memory_space<vmem_shared>> -> memref<10240x128xf32, #tpu.memory_space<vmem_shared>>
        tpu.enqueue_indirect_dma source(%arg9 : memref<64x128xf32, #tpu.memory_space<vmem>>) target(%dma_start3A_372 : memref<10240x128xf32, #tpu.memory_space<vmem_shared>>) offsets(%dma_start3A_369 : memref<64xi32, #tpu.memory_space<vmem>>) semaphore(%run_scoped3A_366 : memref<!tpu.dma_semaphore, #tpu.memory_space<semaphore_mem>>) {add = true}
        %dma_wait3A_373 = arith.constant 0 : i32
        %dma_wait3A_374 = tpu.memref_slice %arg7[%run_scoped3A_114, %run_scoped3A_115, %dma_wait3A_373] : memref<2x8x64xi32, #tpu.memory_space<vmem>> -> memref<1x1x64xi32, #tpu.memory_space<vmem>>
        %dma_wait3A_375 = tpu.memref_squeeze %dma_wait3A_374 : memref<1x1x64xi32, #tpu.memory_space<vmem>> -> memref<64xi32, #tpu.memory_space<vmem>>
        %dma_wait3A_376 = arith.constant 0 : i32
        %dma_wait3A_377 = arith.constant 0 : i32
        %dma_wait3A_378 = tpu.memref_slice %arg6[%dma_wait3A_376, %dma_wait3A_377] : memref<10240x128xf32, #tpu.memory_space<vmem_shared>> -> memref<10240x128xf32, #tpu.memory_space<vmem_shared>>
        tpu.wait_indirect_dma semaphore(%run_scoped3A_366 : memref<!tpu.dma_semaphore, #tpu.memory_space<semaphore_mem>>) src(%arg9 : memref<64x128xf32, #tpu.memory_space<vmem>>) dst(%dma_wait3A_378 : memref<10240x128xf32, #tpu.memory_space<vmem_shared>>)
        tpu.yield
      }) : () -> ()
      %dma_start3A_116 = arith.constant 0 : i32
      %dma_start3A_117 = arith.constant 4 : i32
      %dma_start3A_118 = arith.constant 0 : i32
      %dma_start3A_119 = tpu.memref_slice %arg7[%dma_start3A_116, %dma_start3A_117, %dma_start3A_118] : memref<2x8x64xi32, #tpu.memory_space<vmem>> -> memref<1x1x64xi32, #tpu.memory_space<vmem>>
      %dma_start3A_120 = tpu.memref_squeeze %dma_start3A_119 : memref<1x1x64xi32, #tpu.memory_space<vmem>> -> memref<64xi32, #tpu.memory_space<vmem>>
      %dma_start3A_121 = arith.constant 0 : i32
      %dma_start3A_122 = arith.constant 0 : i32
      %dma_start3A_123 = tpu.memref_slice %arg2[%dma_start3A_121, %dma_start3A_122] : memref<10240x128xf32, #tpu.memory_space<hbm>> -> memref<10240x128xf32, #tpu.memory_space<hbm>>
      tpu.enqueue_indirect_dma source(%dma_start3A_123 : memref<10240x128xf32, #tpu.memory_space<hbm>>) target(%arg9 : memref<64x128xf32, #tpu.memory_space<vmem>>) offsets(%dma_start3A_120 : memref<64xi32, #tpu.memory_space<vmem>>) semaphore(%arg11 : memref<!tpu.dma_semaphore, #tpu.memory_space<semaphore_mem>>)
      %dma_wait3A_124 = arith.constant 0 : i32
      %dma_wait3A_125 = arith.constant 3 : i32
      %dma_wait3A_126 = arith.constant 0 : i32
      %dma_wait3A_127 = tpu.memref_slice %arg7[%dma_wait3A_124, %dma_wait3A_125, %dma_wait3A_126] : memref<2x8x64xi32, #tpu.memory_space<vmem>> -> memref<1x1x64xi32, #tpu.memory_space<vmem>>
      %dma_wait3A_128 = tpu.memref_squeeze %dma_wait3A_127 : memref<1x1x64xi32, #tpu.memory_space<vmem>> -> memref<64xi32, #tpu.memory_space<vmem>>
      %dma_wait3A_129 = arith.constant 0 : i32
      %dma_wait3A_130 = arith.constant 0 : i32
      %dma_wait3A_131 = tpu.memref_slice %arg2[%dma_wait3A_129, %dma_wait3A_130] : memref<10240x128xf32, #tpu.memory_space<hbm>> -> memref<10240x128xf32, #tpu.memory_space<hbm>>
      tpu.wait_indirect_dma semaphore(%arg12 : memref<!tpu.dma_semaphore, #tpu.memory_space<semaphore_mem>>) src(%dma_wait3A_131 : memref<10240x128xf32, #tpu.memory_space<hbm>>) dst(%arg10 : memref<64x128xf32, #tpu.memory_space<vmem>>)
      %run_scoped3A_132 = arith.constant 1 : i32
      %run_scoped3A_133 = arith.constant 3 : i32
      "tpu.region"() ({
        %run_scoped3A_366 = tpu.sem_alloc : memref<!tpu.dma_semaphore, #tpu.memory_space<semaphore_mem>>
        %dma_start3A_367 = arith.constant 0 : i32
        %dma_start3A_368 = tpu.memref_slice %arg7[%run_scoped3A_132, %run_scoped3A_133, %dma_start3A_367] : memref<2x8x64xi32, #tpu.memory_space<vmem>> -> memref<1x1x64xi32, #tpu.memory_space<vmem>>
        %dma_start3A_369 = tpu.memref_squeeze %dma_start3A_368 : memref<1x1x64xi32, #tpu.memory_space<vmem>> -> memref<64xi32, #tpu.memory_space<vmem>>
        %dma_start3A_370 = arith.constant 0 : i32
        %dma_start3A_371 = arith.constant 0 : i32
        %dma_start3A_372 = tpu.memref_slice %arg6[%dma_start3A_370, %dma_start3A_371] : memref<10240x128xf32, #tpu.memory_space<vmem_shared>> -> memref<10240x128xf32, #tpu.memory_space<vmem_shared>>
        tpu.enqueue_indirect_dma source(%arg10 : memref<64x128xf32, #tpu.memory_space<vmem>>) target(%dma_start3A_372 : memref<10240x128xf32, #tpu.memory_space<vmem_shared>>) offsets(%dma_start3A_369 : memref<64xi32, #tpu.memory_space<vmem>>) semaphore(%run_scoped3A_366 : memref<!tpu.dma_semaphore, #tpu.memory_space<semaphore_mem>>) {add = true}
        %dma_wait3A_373 = arith.constant 0 : i32
        %dma_wait3A_374 = tpu.memref_slice %arg7[%run_scoped3A_132, %run_scoped3A_133, %dma_wait3A_373] : memref<2x8x64xi32, #tpu.memory_space<vmem>> -> memref<1x1x64xi32, #tpu.memory_space<vmem>>
        %dma_wait3A_375 = tpu.memref_squeeze %dma_wait3A_374 : memref<1x1x64xi32, #tpu.memory_space<vmem>> -> memref<64xi32, #tpu.memory_space<vmem>>
        %dma_wait3A_376 = arith.constant 0 : i32
        %dma_wait3A_377 = arith.constant 0 : i32
        %dma_wait3A_378 = tpu.memref_slice %arg6[%dma_wait3A_376, %dma_wait3A_377] : memref<10240x128xf32, #tpu.memory_space<vmem_shared>> -> memref<10240x128xf32, #tpu.memory_space<vmem_shared>>
        tpu.wait_indirect_dma semaphore(%run_scoped3A_366 : memref<!tpu.dma_semaphore, #tpu.memory_space<semaphore_mem>>) src(%arg10 : memref<64x128xf32, #tpu.memory_space<vmem>>) dst(%dma_wait3A_378 : memref<10240x128xf32, #tpu.memory_space<vmem_shared>>)
        tpu.yield
      }) : () -> ()
      %dma_start3A_134 = arith.constant 0 : i32
      %dma_start3A_135 = arith.constant 5 : i32
      %dma_start3A_136 = arith.constant 0 : i32
      %dma_start3A_137 = tpu.memref_slice %arg7[%dma_start3A_134, %dma_start3A_135, %dma_start3A_136] : memref<2x8x64xi32, #tpu.memory_space<vmem>> -> memref<1x1x64xi32, #tpu.memory_space<vmem>>
      %dma_start3A_138 = tpu.memref_squeeze %dma_start3A_137 : memref<1x1x64xi32, #tpu.memory_space<vmem>> -> memref<64xi32, #tpu.memory_space<vmem>>
      %dma_start3A_139 = arith.constant 0 : i32
      %dma_start3A_140 = arith.constant 0 : i32
      %dma_start3A_141 = tpu.memref_slice %arg2[%dma_start3A_139, %dma_start3A_140] : memref<10240x128xf32, #tpu.memory_space<hbm>> -> memref<10240x128xf32, #tpu.memory_space<hbm>>
      tpu.enqueue_indirect_dma source(%dma_start3A_141 : memref<10240x128xf32, #tpu.memory_space<hbm>>) target(%arg10 : memref<64x128xf32, #tpu.memory_space<vmem>>) offsets(%dma_start3A_138 : memref<64xi32, #tpu.memory_space<vmem>>) semaphore(%arg12 : memref<!tpu.dma_semaphore, #tpu.memory_space<semaphore_mem>>)
      %dma_wait3A_142 = arith.constant 0 : i32
      %dma_wait3A_143 = arith.constant 4 : i32
      %dma_wait3A_144 = arith.constant 0 : i32
      %dma_wait3A_145 = tpu.memref_slice %arg7[%dma_wait3A_142, %dma_wait3A_143, %dma_wait3A_144] : memref<2x8x64xi32, #tpu.memory_space<vmem>> -> memref<1x1x64xi32, #tpu.memory_space<vmem>>
      %dma_wait3A_146 = tpu.memref_squeeze %dma_wait3A_145 : memref<1x1x64xi32, #tpu.memory_space<vmem>> -> memref<64xi32, #tpu.memory_space<vmem>>
      %dma_wait3A_147 = arith.constant 0 : i32
      %dma_wait3A_148 = arith.constant 0 : i32
      %dma_wait3A_149 = tpu.memref_slice %arg2[%dma_wait3A_147, %dma_wait3A_148] : memref<10240x128xf32, #tpu.memory_space<hbm>> -> memref<10240x128xf32, #tpu.memory_space<hbm>>
      tpu.wait_indirect_dma semaphore(%arg11 : memref<!tpu.dma_semaphore, #tpu.memory_space<semaphore_mem>>) src(%dma_wait3A_149 : memref<10240x128xf32, #tpu.memory_space<hbm>>) dst(%arg9 : memref<64x128xf32, #tpu.memory_space<vmem>>)
      %run_scoped3A_150 = arith.constant 1 : i32
      %run_scoped3A_151 = arith.constant 4 : i32
      "tpu.region"() ({
        %run_scoped3A_366 = tpu.sem_alloc : memref<!tpu.dma_semaphore, #tpu.memory_space<semaphore_mem>>
        %dma_start3A_367 = arith.constant 0 : i32
        %dma_start3A_368 = tpu.memref_slice %arg7[%run_scoped3A_150, %run_scoped3A_151, %dma_start3A_367] : memref<2x8x64xi32, #tpu.memory_space<vmem>> -> memref<1x1x64xi32, #tpu.memory_space<vmem>>
        %dma_start3A_369 = tpu.memref_squeeze %dma_start3A_368 : memref<1x1x64xi32, #tpu.memory_space<vmem>> -> memref<64xi32, #tpu.memory_space<vmem>>
        %dma_start3A_370 = arith.constant 0 : i32
        %dma_start3A_371 = arith.constant 0 : i32
        %dma_start3A_372 = tpu.memref_slice %arg6[%dma_start3A_370, %dma_start3A_371] : memref<10240x128xf32, #tpu.memory_space<vmem_shared>> -> memref<10240x128xf32, #tpu.memory_space<vmem_shared>>
        tpu.enqueue_indirect_dma source(%arg9 : memref<64x128xf32, #tpu.memory_space<vmem>>) target(%dma_start3A_372 : memref<10240x128xf32, #tpu.memory_space<vmem_shared>>) offsets(%dma_start3A_369 : memref<64xi32, #tpu.memory_space<vmem>>) semaphore(%run_scoped3A_366 : memref<!tpu.dma_semaphore, #tpu.memory_space<semaphore_mem>>) {add = true}
        %dma_wait3A_373 = arith.constant 0 : i32
        %dma_wait3A_374 = tpu.memref_slice %arg7[%run_scoped3A_150, %run_scoped3A_151, %dma_wait3A_373] : memref<2x8x64xi32, #tpu.memory_space<vmem>> -> memref<1x1x64xi32, #tpu.memory_space<vmem>>
        %dma_wait3A_375 = tpu.memref_squeeze %dma_wait3A_374 : memref<1x1x64xi32, #tpu.memory_space<vmem>> -> memref<64xi32, #tpu.memory_space<vmem>>
        %dma_wait3A_376 = arith.constant 0 : i32
        %dma_wait3A_377 = arith.constant 0 : i32
        %dma_wait3A_378 = tpu.memref_slice %arg6[%dma_wait3A_376, %dma_wait3A_377] : memref<10240x128xf32, #tpu.memory_space<vmem_shared>> -> memref<10240x128xf32, #tpu.memory_space<vmem_shared>>
        tpu.wait_indirect_dma semaphore(%run_scoped3A_366 : memref<!tpu.dma_semaphore, #tpu.memory_space<semaphore_mem>>) src(%arg9 : memref<64x128xf32, #tpu.memory_space<vmem>>) dst(%dma_wait3A_378 : memref<10240x128xf32, #tpu.memory_space<vmem_shared>>)
        tpu.yield
      }) : () -> ()
      %dma_start3A_152 = arith.constant 0 : i32
      %dma_start3A_153 = arith.constant 6 : i32
      %dma_start3A_154 = arith.constant 0 : i32
      %dma_start3A_155 = tpu.memref_slice %arg7[%dma_start3A_152, %dma_start3A_153, %dma_start3A_154] : memref<2x8x64xi32, #tpu.memory_space<vmem>> -> memref<1x1x64xi32, #tpu.memory_space<vmem>>
      %dma_start3A_156 = tpu.memref_squeeze %dma_start3A_155 : memref<1x1x64xi32, #tpu.memory_space<vmem>> -> memref<64xi32, #tpu.memory_space<vmem>>
      %dma_start3A_157 = arith.constant 0 : i32
      %dma_start3A_158 = arith.constant 0 : i32
      %dma_start3A_159 = tpu.memref_slice %arg2[%dma_start3A_157, %dma_start3A_158] : memref<10240x128xf32, #tpu.memory_space<hbm>> -> memref<10240x128xf32, #tpu.memory_space<hbm>>
      tpu.enqueue_indirect_dma source(%dma_start3A_159 : memref<10240x128xf32, #tpu.memory_space<hbm>>) target(%arg9 : memref<64x128xf32, #tpu.memory_space<vmem>>) offsets(%dma_start3A_156 : memref<64xi32, #tpu.memory_space<vmem>>) semaphore(%arg11 : memref<!tpu.dma_semaphore, #tpu.memory_space<semaphore_mem>>)
      %dma_wait3A_160 = arith.constant 0 : i32
      %dma_wait3A_161 = arith.constant 5 : i32
      %dma_wait3A_162 = arith.constant 0 : i32
      %dma_wait3A_163 = tpu.memref_slice %arg7[%dma_wait3A_160, %dma_wait3A_161, %dma_wait3A_162] : memref<2x8x64xi32, #tpu.memory_space<vmem>> -> memref<1x1x64xi32, #tpu.memory_space<vmem>>
      %dma_wait3A_164 = tpu.memref_squeeze %dma_wait3A_163 : memref<1x1x64xi32, #tpu.memory_space<vmem>> -> memref<64xi32, #tpu.memory_space<vmem>>
      %dma_wait3A_165 = arith.constant 0 : i32
      %dma_wait3A_166 = arith.constant 0 : i32
      %dma_wait3A_167 = tpu.memref_slice %arg2[%dma_wait3A_165, %dma_wait3A_166] : memref<10240x128xf32, #tpu.memory_space<hbm>> -> memref<10240x128xf32, #tpu.memory_space<hbm>>
      tpu.wait_indirect_dma semaphore(%arg12 : memref<!tpu.dma_semaphore, #tpu.memory_space<semaphore_mem>>) src(%dma_wait3A_167 : memref<10240x128xf32, #tpu.memory_space<hbm>>) dst(%arg10 : memref<64x128xf32, #tpu.memory_space<vmem>>)
      %run_scoped3A_168 = arith.constant 1 : i32
      %run_scoped3A_169 = arith.constant 5 : i32
      "tpu.region"() ({
        %run_scoped3A_366 = tpu.sem_alloc : memref<!tpu.dma_semaphore, #tpu.memory_space<semaphore_mem>>
        %dma_start3A_367 = arith.constant 0 : i32
        %dma_start3A_368 = tpu.memref_slice %arg7[%run_scoped3A_168, %run_scoped3A_169, %dma_start3A_367] : memref<2x8x64xi32, #tpu.memory_space<vmem>> -> memref<1x1x64xi32, #tpu.memory_space<vmem>>
        %dma_start3A_369 = tpu.memref_squeeze %dma_start3A_368 : memref<1x1x64xi32, #tpu.memory_space<vmem>> -> memref<64xi32, #tpu.memory_space<vmem>>
        %dma_start3A_370 = arith.constant 0 : i32
        %dma_start3A_371 = arith.constant 0 : i32
        %dma_start3A_372 = tpu.memref_slice %arg6[%dma_start3A_370, %dma_start3A_371] : memref<10240x128xf32, #tpu.memory_space<vmem_shared>> -> memref<10240x128xf32, #tpu.memory_space<vmem_shared>>
        tpu.enqueue_indirect_dma source(%arg10 : memref<64x128xf32, #tpu.memory_space<vmem>>) target(%dma_start3A_372 : memref<10240x128xf32, #tpu.memory_space<vmem_shared>>) offsets(%dma_start3A_369 : memref<64xi32, #tpu.memory_space<vmem>>) semaphore(%run_scoped3A_366 : memref<!tpu.dma_semaphore, #tpu.memory_space<semaphore_mem>>) {add = true}
        %dma_wait3A_373 = arith.constant 0 : i32
        %dma_wait3A_374 = tpu.memref_slice %arg7[%run_scoped3A_168, %run_scoped3A_169, %dma_wait3A_373] : memref<2x8x64xi32, #tpu.memory_space<vmem>> -> memref<1x1x64xi32, #tpu.memory_space<vmem>>
        %dma_wait3A_375 = tpu.memref_squeeze %dma_wait3A_374 : memref<1x1x64xi32, #tpu.memory_space<vmem>> -> memref<64xi32, #tpu.memory_space<vmem>>
        %dma_wait3A_376 = arith.constant 0 : i32
        %dma_wait3A_377 = arith.constant 0 : i32
        %dma_wait3A_378 = tpu.memref_slice %arg6[%dma_wait3A_376, %dma_wait3A_377] : memref<10240x128xf32, #tpu.memory_space<vmem_shared>> -> memref<10240x128xf32, #tpu.memory_space<vmem_shared>>
        tpu.wait_indirect_dma semaphore(%run_scoped3A_366 : memref<!tpu.dma_semaphore, #tpu.memory_space<semaphore_mem>>) src(%arg10 : memref<64x128xf32, #tpu.memory_space<vmem>>) dst(%dma_wait3A_378 : memref<10240x128xf32, #tpu.memory_space<vmem_shared>>)
        tpu.yield
      }) : () -> ()
      %dma_start3A_170 = arith.constant 0 : i32
      %dma_start3A_171 = arith.constant 7 : i32
      %dma_start3A_172 = arith.constant 0 : i32
      %dma_start3A_173 = tpu.memref_slice %arg7[%dma_start3A_170, %dma_start3A_171, %dma_start3A_172] : memref<2x8x64xi32, #tpu.memory_space<vmem>> -> memref<1x1x64xi32, #tpu.memory_space<vmem>>
      %dma_start3A_174 = tpu.memref_squeeze %dma_start3A_173 : memref<1x1x64xi32, #tpu.memory_space<vmem>> -> memref<64xi32, #tpu.memory_space<vmem>>
      %dma_start3A_175 = arith.constant 0 : i32
      %dma_start3A_176 = arith.constant 0 : i32
      %dma_start3A_177 = tpu.memref_slice %arg2[%dma_start3A_175, %dma_start3A_176] : memref<10240x128xf32, #tpu.memory_space<hbm>> -> memref<10240x128xf32, #tpu.memory_space<hbm>>
      tpu.enqueue_indirect_dma source(%dma_start3A_177 : memref<10240x128xf32, #tpu.memory_space<hbm>>) target(%arg10 : memref<64x128xf32, #tpu.memory_space<vmem>>) offsets(%dma_start3A_174 : memref<64xi32, #tpu.memory_space<vmem>>) semaphore(%arg12 : memref<!tpu.dma_semaphore, #tpu.memory_space<semaphore_mem>>)
      %dma_wait3A_178 = arith.constant 0 : i32
      %dma_wait3A_179 = arith.constant 6 : i32
      %dma_wait3A_180 = arith.constant 0 : i32
      %dma_wait3A_181 = tpu.memref_slice %arg7[%dma_wait3A_178, %dma_wait3A_179, %dma_wait3A_180] : memref<2x8x64xi32, #tpu.memory_space<vmem>> -> memref<1x1x64xi32, #tpu.memory_space<vmem>>
      %dma_wait3A_182 = tpu.memref_squeeze %dma_wait3A_181 : memref<1x1x64xi32, #tpu.memory_space<vmem>> -> memref<64xi32, #tpu.memory_space<vmem>>
      %dma_wait3A_183 = arith.constant 0 : i32
      %dma_wait3A_184 = arith.constant 0 : i32
      %dma_wait3A_185 = tpu.memref_slice %arg2[%dma_wait3A_183, %dma_wait3A_184] : memref<10240x128xf32, #tpu.memory_space<hbm>> -> memref<10240x128xf32, #tpu.memory_space<hbm>>
      tpu.wait_indirect_dma semaphore(%arg11 : memref<!tpu.dma_semaphore, #tpu.memory_space<semaphore_mem>>) src(%dma_wait3A_185 : memref<10240x128xf32, #tpu.memory_space<hbm>>) dst(%arg9 : memref<64x128xf32, #tpu.memory_space<vmem>>)
      %run_scoped3A_186 = arith.constant 1 : i32
      %run_scoped3A_187 = arith.constant 6 : i32
      "tpu.region"() ({
        %run_scoped3A_366 = tpu.sem_alloc : memref<!tpu.dma_semaphore, #tpu.memory_space<semaphore_mem>>
        %dma_start3A_367 = arith.constant 0 : i32
        %dma_start3A_368 = tpu.memref_slice %arg7[%run_scoped3A_186, %run_scoped3A_187, %dma_start3A_367] : memref<2x8x64xi32, #tpu.memory_space<vmem>> -> memref<1x1x64xi32, #tpu.memory_space<vmem>>
        %dma_start3A_369 = tpu.memref_squeeze %dma_start3A_368 : memref<1x1x64xi32, #tpu.memory_space<vmem>> -> memref<64xi32, #tpu.memory_space<vmem>>
        %dma_start3A_370 = arith.constant 0 : i32
        %dma_start3A_371 = arith.constant 0 : i32
        %dma_start3A_372 = tpu.memref_slice %arg6[%dma_start3A_370, %dma_start3A_371] : memref<10240x128xf32, #tpu.memory_space<vmem_shared>> -> memref<10240x128xf32, #tpu.memory_space<vmem_shared>>
        tpu.enqueue_indirect_dma source(%arg9 : memref<64x128xf32, #tpu.memory_space<vmem>>) target(%dma_start3A_372 : memref<10240x128xf32, #tpu.memory_space<vmem_shared>>) offsets(%dma_start3A_369 : memref<64xi32, #tpu.memory_space<vmem>>) semaphore(%run_scoped3A_366 : memref<!tpu.dma_semaphore, #tpu.memory_space<semaphore_mem>>) {add = true}
        %dma_wait3A_373 = arith.constant 0 : i32
        %dma_wait3A_374 = tpu.memref_slice %arg7[%run_scoped3A_186, %run_scoped3A_187, %dma_wait3A_373] : memref<2x8x64xi32, #tpu.memory_space<vmem>> -> memref<1x1x64xi32, #tpu.memory_space<vmem>>
        %dma_wait3A_375 = tpu.memref_squeeze %dma_wait3A_374 : memref<1x1x64xi32, #tpu.memory_space<vmem>> -> memref<64xi32, #tpu.memory_space<vmem>>
        %dma_wait3A_376 = arith.constant 0 : i32
        %dma_wait3A_377 = arith.constant 0 : i32
        %dma_wait3A_378 = tpu.memref_slice %arg6[%dma_wait3A_376, %dma_wait3A_377] : memref<10240x128xf32, #tpu.memory_space<vmem_shared>> -> memref<10240x128xf32, #tpu.memory_space<vmem_shared>>
        tpu.wait_indirect_dma semaphore(%run_scoped3A_366 : memref<!tpu.dma_semaphore, #tpu.memory_space<semaphore_mem>>) src(%arg9 : memref<64x128xf32, #tpu.memory_space<vmem>>) dst(%dma_wait3A_378 : memref<10240x128xf32, #tpu.memory_space<vmem_shared>>)
        tpu.yield
      }) : () -> ()
      %dma_wait3A_188 = arith.constant 0 : i32
      %dma_wait3A_189 = arith.constant 7 : i32
      %dma_wait3A_190 = arith.constant 0 : i32
      %dma_wait3A_191 = tpu.memref_slice %arg7[%dma_wait3A_188, %dma_wait3A_189, %dma_wait3A_190] : memref<2x8x64xi32, #tpu.memory_space<vmem>> -> memref<1x1x64xi32, #tpu.memory_space<vmem>>
      %dma_wait3A_192 = tpu.memref_squeeze %dma_wait3A_191 : memref<1x1x64xi32, #tpu.memory_space<vmem>> -> memref<64xi32, #tpu.memory_space<vmem>>
      %dma_wait3A_193 = arith.constant 0 : i32
      %dma_wait3A_194 = arith.constant 0 : i32
      %dma_wait3A_195 = tpu.memref_slice %arg2[%dma_wait3A_193, %dma_wait3A_194] : memref<10240x128xf32, #tpu.memory_space<hbm>> -> memref<10240x128xf32, #tpu.memory_space<hbm>>
      tpu.wait_indirect_dma semaphore(%arg12 : memref<!tpu.dma_semaphore, #tpu.memory_space<semaphore_mem>>) src(%dma_wait3A_195 : memref<10240x128xf32, #tpu.memory_space<hbm>>) dst(%arg10 : memref<64x128xf32, #tpu.memory_space<vmem>>)
      %run_scoped3A_196 = arith.constant 1 : i32
      %run_scoped3A_197 = arith.constant 7 : i32
      "tpu.region"() ({
        %run_scoped3A_366 = tpu.sem_alloc : memref<!tpu.dma_semaphore, #tpu.memory_space<semaphore_mem>>
        %dma_start3A_367 = arith.constant 0 : i32
        %dma_start3A_368 = tpu.memref_slice %arg7[%run_scoped3A_196, %run_scoped3A_197, %dma_start3A_367] : memref<2x8x64xi32, #tpu.memory_space<vmem>> -> memref<1x1x64xi32, #tpu.memory_space<vmem>>
        %dma_start3A_369 = tpu.memref_squeeze %dma_start3A_368 : memref<1x1x64xi32, #tpu.memory_space<vmem>> -> memref<64xi32, #tpu.memory_space<vmem>>
        %dma_start3A_370 = arith.constant 0 : i32
        %dma_start3A_371 = arith.constant 0 : i32
        %dma_start3A_372 = tpu.memref_slice %arg6[%dma_start3A_370, %dma_start3A_371] : memref<10240x128xf32, #tpu.memory_space<vmem_shared>> -> memref<10240x128xf32, #tpu.memory_space<vmem_shared>>
        tpu.enqueue_indirect_dma source(%arg10 : memref<64x128xf32, #tpu.memory_space<vmem>>) target(%dma_start3A_372 : memref<10240x128xf32, #tpu.memory_space<vmem_shared>>) offsets(%dma_start3A_369 : memref<64xi32, #tpu.memory_space<vmem>>) semaphore(%run_scoped3A_366 : memref<!tpu.dma_semaphore, #tpu.memory_space<semaphore_mem>>) {add = true}
        %dma_wait3A_373 = arith.constant 0 : i32
        %dma_wait3A_374 = tpu.memref_slice %arg7[%run_scoped3A_196, %run_scoped3A_197, %dma_wait3A_373] : memref<2x8x64xi32, #tpu.memory_space<vmem>> -> memref<1x1x64xi32, #tpu.memory_space<vmem>>
        %dma_wait3A_375 = tpu.memref_squeeze %dma_wait3A_374 : memref<1x1x64xi32, #tpu.memory_space<vmem>> -> memref<64xi32, #tpu.memory_space<vmem>>
        %dma_wait3A_376 = arith.constant 0 : i32
        %dma_wait3A_377 = arith.constant 0 : i32
        %dma_wait3A_378 = tpu.memref_slice %arg6[%dma_wait3A_376, %dma_wait3A_377] : memref<10240x128xf32, #tpu.memory_space<vmem_shared>> -> memref<10240x128xf32, #tpu.memory_space<vmem_shared>>
        tpu.wait_indirect_dma semaphore(%run_scoped3A_366 : memref<!tpu.dma_semaphore, #tpu.memory_space<semaphore_mem>>) src(%arg10 : memref<64x128xf32, #tpu.memory_space<vmem>>) dst(%dma_wait3A_378 : memref<10240x128xf32, #tpu.memory_space<vmem_shared>>)
        tpu.yield
      }) : () -> ()
      %dma_wait3A_198 = arith.constant 0 : i32
      %dma_wait3A_199 = arith.constant 0 : i32
      %dma_wait3A_200 = arith.constant 0 : i32
      %dma_wait3A_201 = arith.constant 0 : i32
      %dma_wait3A_202 = tpu.memref_slice %arg3[%add3A, %dma_wait3A_198, %dma_wait3A_199, %dma_wait3A_200, %dma_wait3A_201] : memref<32x20x2x8x64xi32, #tpu.memory_space<hbm>> -> memref<1x1x2x8x64xi32, #tpu.memory_space<hbm>>
      %dma_wait3A_203 = tpu.memref_squeeze %dma_wait3A_202 : memref<1x1x2x8x64xi32, #tpu.memory_space<hbm>> -> memref<2x8x64xi32, #tpu.memory_space<hbm>>
      %dma_wait3A_204 = arith.constant 0 : i32
      %dma_wait3A_205 = arith.constant 0 : i32
      %dma_wait3A_206 = arith.constant 0 : i32
      %dma_wait3A_207 = tpu.memref_slice %arg3[%add3A, %dma_wait3A_198, %dma_wait3A_204, %dma_wait3A_205, %dma_wait3A_206] : memref<32x20x2x8x64xi32, #tpu.memory_space<hbm>> -> memref<1x1x2x8x64xi32, #tpu.memory_space<hbm>>
      %dma_wait3A_208 = tpu.memref_squeeze %dma_wait3A_207 : memref<1x1x2x8x64xi32, #tpu.memory_space<hbm>> -> memref<2x8x64xi32, #tpu.memory_space<hbm>>
      tpu.wait_dma2 semaphore(%arg14 : memref<!tpu.dma_semaphore, #tpu.memory_space<semaphore_mem>>) src(%dma_wait3A_208 : memref<2x8x64xi32, #tpu.memory_space<hbm>>) dst(%arg8 : memref<2x8x64xi32, #tpu.memory_space<vmem>>)
      %add3A_209 = arith.constant 2 : i32
      %add3A_210 = arith.addi %mul3A_31, %add3A_209 : i32
      %min3A = arith.constant 19 : i32
      %min3A_211 = arith.minsi %add3A_210, %min3A : i32
      %dma_start3A_212 = arith.constant 0 : i32
      %dma_start3A_213 = arith.constant 0 : i32
      %dma_start3A_214 = arith.constant 0 : i32
      %dma_start3A_215 = tpu.memref_slice %arg3[%add3A, %min3A_211, %dma_start3A_212, %dma_start3A_213, %dma_start3A_214] : memref<32x20x2x8x64xi32, #tpu.memory_space<hbm>> -> memref<1x1x2x8x64xi32, #tpu.memory_space<hbm>>
      %dma_start3A_216 = tpu.memref_squeeze %dma_start3A_215 : memref<1x1x2x8x64xi32, #tpu.memory_space<hbm>> -> memref<2x8x64xi32, #tpu.memory_space<hbm>>
      %dma_start3A_217 = arith.constant 0 : i32
      %dma_start3A_218 = arith.constant 0 : i32
      %dma_start3A_219 = arith.constant 0 : i32
      %dma_start3A_220 = tpu.memref_slice %arg3[%add3A, %min3A_211, %dma_start3A_217, %dma_start3A_218, %dma_start3A_219] : memref<32x20x2x8x64xi32, #tpu.memory_space<hbm>> -> memref<1x1x2x8x64xi32, #tpu.memory_space<hbm>>
      %dma_start3A_221 = tpu.memref_squeeze %dma_start3A_220 : memref<1x1x2x8x64xi32, #tpu.memory_space<hbm>> -> memref<2x8x64xi32, #tpu.memory_space<hbm>>
      tpu.enqueue_dma source(%dma_start3A_221 : memref<2x8x64xi32, #tpu.memory_space<hbm>>) target(%arg7 : memref<2x8x64xi32, #tpu.memory_space<vmem>>) target_semaphore(%arg13 : memref<!tpu.dma_semaphore, #tpu.memory_space<semaphore_mem>>)
      %dma_start3A_222 = arith.constant 0 : i32
      %dma_start3A_223 = arith.constant 0 : i32
      %dma_start3A_224 = arith.constant 0 : i32
      %dma_start3A_225 = tpu.memref_slice %arg8[%dma_start3A_222, %dma_start3A_223, %dma_start3A_224] : memref<2x8x64xi32, #tpu.memory_space<vmem>> -> memref<1x1x64xi32, #tpu.memory_space<vmem>>
      %dma_start3A_226 = tpu.memref_squeeze %dma_start3A_225 : memref<1x1x64xi32, #tpu.memory_space<vmem>> -> memref<64xi32, #tpu.memory_space<vmem>>
      %dma_start3A_227 = arith.constant 0 : i32
      %dma_start3A_228 = arith.constant 0 : i32
      %dma_start3A_229 = tpu.memref_slice %arg2[%dma_start3A_227, %dma_start3A_228] : memref<10240x128xf32, #tpu.memory_space<hbm>> -> memref<10240x128xf32, #tpu.memory_space<hbm>>
      tpu.enqueue_indirect_dma source(%dma_start3A_229 : memref<10240x128xf32, #tpu.memory_space<hbm>>) target(%arg9 : memref<64x128xf32, #tpu.memory_space<vmem>>) offsets(%dma_start3A_226 : memref<64xi32, #tpu.memory_space<vmem>>) semaphore(%arg11 : memref<!tpu.dma_semaphore, #tpu.memory_space<semaphore_mem>>)
      %dma_start3A_230 = arith.constant 0 : i32
      %dma_start3A_231 = arith.constant 1 : i32
      %dma_start3A_232 = arith.constant 0 : i32
      %dma_start3A_233 = tpu.memref_slice %arg8[%dma_start3A_230, %dma_start3A_231, %dma_start3A_232] : memref<2x8x64xi32, #tpu.memory_space<vmem>> -> memref<1x1x64xi32, #tpu.memory_space<vmem>>
      %dma_start3A_234 = tpu.memref_squeeze %dma_start3A_233 : memref<1x1x64xi32, #tpu.memory_space<vmem>> -> memref<64xi32, #tpu.memory_space<vmem>>
      %dma_start3A_235 = arith.constant 0 : i32
      %dma_start3A_236 = arith.constant 0 : i32
      %dma_start3A_237 = tpu.memref_slice %arg2[%dma_start3A_235, %dma_start3A_236] : memref<10240x128xf32, #tpu.memory_space<hbm>> -> memref<10240x128xf32, #tpu.memory_space<hbm>>
      tpu.enqueue_indirect_dma source(%dma_start3A_237 : memref<10240x128xf32, #tpu.memory_space<hbm>>) target(%arg10 : memref<64x128xf32, #tpu.memory_space<vmem>>) offsets(%dma_start3A_234 : memref<64xi32, #tpu.memory_space<vmem>>) semaphore(%arg12 : memref<!tpu.dma_semaphore, #tpu.memory_space<semaphore_mem>>)
      %dma_wait3A_238 = arith.constant 0 : i32
      %dma_wait3A_239 = arith.constant 0 : i32
      %dma_wait3A_240 = arith.constant 0 : i32
      %dma_wait3A_241 = tpu.memref_slice %arg8[%dma_wait3A_238, %dma_wait3A_239, %dma_wait3A_240] : memref<2x8x64xi32, #tpu.memory_space<vmem>> -> memref<1x1x64xi32, #tpu.memory_space<vmem>>
      %dma_wait3A_242 = tpu.memref_squeeze %dma_wait3A_241 : memref<1x1x64xi32, #tpu.memory_space<vmem>> -> memref<64xi32, #tpu.memory_space<vmem>>
      %dma_wait3A_243 = arith.constant 0 : i32
      %dma_wait3A_244 = arith.constant 0 : i32
      %dma_wait3A_245 = tpu.memref_slice %arg2[%dma_wait3A_243, %dma_wait3A_244] : memref<10240x128xf32, #tpu.memory_space<hbm>> -> memref<10240x128xf32, #tpu.memory_space<hbm>>
      tpu.wait_indirect_dma semaphore(%arg11 : memref<!tpu.dma_semaphore, #tpu.memory_space<semaphore_mem>>) src(%dma_wait3A_245 : memref<10240x128xf32, #tpu.memory_space<hbm>>) dst(%arg9 : memref<64x128xf32, #tpu.memory_space<vmem>>)
      %run_scoped3A_246 = arith.constant 1 : i32
      %run_scoped3A_247 = arith.constant 0 : i32
      "tpu.region"() ({
        %run_scoped3A_366 = tpu.sem_alloc : memref<!tpu.dma_semaphore, #tpu.memory_space<semaphore_mem>>
        %dma_start3A_367 = arith.constant 0 : i32
        %dma_start3A_368 = tpu.memref_slice %arg8[%run_scoped3A_246, %run_scoped3A_247, %dma_start3A_367] : memref<2x8x64xi32, #tpu.memory_space<vmem>> -> memref<1x1x64xi32, #tpu.memory_space<vmem>>
        %dma_start3A_369 = tpu.memref_squeeze %dma_start3A_368 : memref<1x1x64xi32, #tpu.memory_space<vmem>> -> memref<64xi32, #tpu.memory_space<vmem>>
        %dma_start3A_370 = arith.constant 0 : i32
        %dma_start3A_371 = arith.constant 0 : i32
        %dma_start3A_372 = tpu.memref_slice %arg6[%dma_start3A_370, %dma_start3A_371] : memref<10240x128xf32, #tpu.memory_space<vmem_shared>> -> memref<10240x128xf32, #tpu.memory_space<vmem_shared>>
        tpu.enqueue_indirect_dma source(%arg9 : memref<64x128xf32, #tpu.memory_space<vmem>>) target(%dma_start3A_372 : memref<10240x128xf32, #tpu.memory_space<vmem_shared>>) offsets(%dma_start3A_369 : memref<64xi32, #tpu.memory_space<vmem>>) semaphore(%run_scoped3A_366 : memref<!tpu.dma_semaphore, #tpu.memory_space<semaphore_mem>>) {add = true}
        %dma_wait3A_373 = arith.constant 0 : i32
        %dma_wait3A_374 = tpu.memref_slice %arg8[%run_scoped3A_246, %run_scoped3A_247, %dma_wait3A_373] : memref<2x8x64xi32, #tpu.memory_space<vmem>> -> memref<1x1x64xi32, #tpu.memory_space<vmem>>
        %dma_wait3A_375 = tpu.memref_squeeze %dma_wait3A_374 : memref<1x1x64xi32, #tpu.memory_space<vmem>> -> memref<64xi32, #tpu.memory_space<vmem>>
        %dma_wait3A_376 = arith.constant 0 : i32
        %dma_wait3A_377 = arith.constant 0 : i32
        %dma_wait3A_378 = tpu.memref_slice %arg6[%dma_wait3A_376, %dma_wait3A_377] : memref<10240x128xf32, #tpu.memory_space<vmem_shared>> -> memref<10240x128xf32, #tpu.memory_space<vmem_shared>>
        tpu.wait_indirect_dma semaphore(%run_scoped3A_366 : memref<!tpu.dma_semaphore, #tpu.memory_space<semaphore_mem>>) src(%arg9 : memref<64x128xf32, #tpu.memory_space<vmem>>) dst(%dma_wait3A_378 : memref<10240x128xf32, #tpu.memory_space<vmem_shared>>)
        tpu.yield
      }) : () -> ()
      %dma_start3A_248 = arith.constant 0 : i32
      %dma_start3A_249 = arith.constant 2 : i32
      %dma_start3A_250 = arith.constant 0 : i32
      %dma_start3A_251 = tpu.memref_slice %arg8[%dma_start3A_248, %dma_start3A_249, %dma_start3A_250] : memref<2x8x64xi32, #tpu.memory_space<vmem>> -> memref<1x1x64xi32, #tpu.memory_space<vmem>>
      %dma_start3A_252 = tpu.memref_squeeze %dma_start3A_251 : memref<1x1x64xi32, #tpu.memory_space<vmem>> -> memref<64xi32, #tpu.memory_space<vmem>>
      %dma_start3A_253 = arith.constant 0 : i32
      %dma_start3A_254 = arith.constant 0 : i32
      %dma_start3A_255 = tpu.memref_slice %arg2[%dma_start3A_253, %dma_start3A_254] : memref<10240x128xf32, #tpu.memory_space<hbm>> -> memref<10240x128xf32, #tpu.memory_space<hbm>>
      tpu.enqueue_indirect_dma source(%dma_start3A_255 : memref<10240x128xf32, #tpu.memory_space<hbm>>) target(%arg9 : memref<64x128xf32, #tpu.memory_space<vmem>>) offsets(%dma_start3A_252 : memref<64xi32, #tpu.memory_space<vmem>>) semaphore(%arg11 : memref<!tpu.dma_semaphore, #tpu.memory_space<semaphore_mem>>)
      %dma_wait3A_256 = arith.constant 0 : i32
      %dma_wait3A_257 = arith.constant 1 : i32
      %dma_wait3A_258 = arith.constant 0 : i32
      %dma_wait3A_259 = tpu.memref_slice %arg8[%dma_wait3A_256, %dma_wait3A_257, %dma_wait3A_258] : memref<2x8x64xi32, #tpu.memory_space<vmem>> -> memref<1x1x64xi32, #tpu.memory_space<vmem>>
      %dma_wait3A_260 = tpu.memref_squeeze %dma_wait3A_259 : memref<1x1x64xi32, #tpu.memory_space<vmem>> -> memref<64xi32, #tpu.memory_space<vmem>>
      %dma_wait3A_261 = arith.constant 0 : i32
      %dma_wait3A_262 = arith.constant 0 : i32
      %dma_wait3A_263 = tpu.memref_slice %arg2[%dma_wait3A_261, %dma_wait3A_262] : memref<10240x128xf32, #tpu.memory_space<hbm>> -> memref<10240x128xf32, #tpu.memory_space<hbm>>
      tpu.wait_indirect_dma semaphore(%arg12 : memref<!tpu.dma_semaphore, #tpu.memory_space<semaphore_mem>>) src(%dma_wait3A_263 : memref<10240x128xf32, #tpu.memory_space<hbm>>) dst(%arg10 : memref<64x128xf32, #tpu.memory_space<vmem>>)
      %run_scoped3A_264 = arith.constant 1 : i32
      %run_scoped3A_265 = arith.constant 1 : i32
      "tpu.region"() ({
        %run_scoped3A_366 = tpu.sem_alloc : memref<!tpu.dma_semaphore, #tpu.memory_space<semaphore_mem>>
        %dma_start3A_367 = arith.constant 0 : i32
        %dma_start3A_368 = tpu.memref_slice %arg8[%run_scoped3A_264, %run_scoped3A_265, %dma_start3A_367] : memref<2x8x64xi32, #tpu.memory_space<vmem>> -> memref<1x1x64xi32, #tpu.memory_space<vmem>>
        %dma_start3A_369 = tpu.memref_squeeze %dma_start3A_368 : memref<1x1x64xi32, #tpu.memory_space<vmem>> -> memref<64xi32, #tpu.memory_space<vmem>>
        %dma_start3A_370 = arith.constant 0 : i32
        %dma_start3A_371 = arith.constant 0 : i32
        %dma_start3A_372 = tpu.memref_slice %arg6[%dma_start3A_370, %dma_start3A_371] : memref<10240x128xf32, #tpu.memory_space<vmem_shared>> -> memref<10240x128xf32, #tpu.memory_space<vmem_shared>>
        tpu.enqueue_indirect_dma source(%arg10 : memref<64x128xf32, #tpu.memory_space<vmem>>) target(%dma_start3A_372 : memref<10240x128xf32, #tpu.memory_space<vmem_shared>>) offsets(%dma_start3A_369 : memref<64xi32, #tpu.memory_space<vmem>>) semaphore(%run_scoped3A_366 : memref<!tpu.dma_semaphore, #tpu.memory_space<semaphore_mem>>) {add = true}
        %dma_wait3A_373 = arith.constant 0 : i32
        %dma_wait3A_374 = tpu.memref_slice %arg8[%run_scoped3A_264, %run_scoped3A_265, %dma_wait3A_373] : memref<2x8x64xi32, #tpu.memory_space<vmem>> -> memref<1x1x64xi32, #tpu.memory_space<vmem>>
        %dma_wait3A_375 = tpu.memref_squeeze %dma_wait3A_374 : memref<1x1x64xi32, #tpu.memory_space<vmem>> -> memref<64xi32, #tpu.memory_space<vmem>>
        %dma_wait3A_376 = arith.constant 0 : i32
        %dma_wait3A_377 = arith.constant 0 : i32
        %dma_wait3A_378 = tpu.memref_slice %arg6[%dma_wait3A_376, %dma_wait3A_377] : memref<10240x128xf32, #tpu.memory_space<vmem_shared>> -> memref<10240x128xf32, #tpu.memory_space<vmem_shared>>
        tpu.wait_indirect_dma semaphore(%run_scoped3A_366 : memref<!tpu.dma_semaphore, #tpu.memory_space<semaphore_mem>>) src(%arg10 : memref<64x128xf32, #tpu.memory_space<vmem>>) dst(%dma_wait3A_378 : memref<10240x128xf32, #tpu.memory_space<vmem_shared>>)
        tpu.yield
      }) : () -> ()
      %dma_start3A_266 = arith.constant 0 : i32
      %dma_start3A_267 = arith.constant 3 : i32
      %dma_start3A_268 = arith.constant 0 : i32
      %dma_start3A_269 = tpu.memref_slice %arg8[%dma_start3A_266, %dma_start3A_267, %dma_start3A_268] : memref<2x8x64xi32, #tpu.memory_space<vmem>> -> memref<1x1x64xi32, #tpu.memory_space<vmem>>
      %dma_start3A_270 = tpu.memref_squeeze %dma_start3A_269 : memref<1x1x64xi32, #tpu.memory_space<vmem>> -> memref<64xi32, #tpu.memory_space<vmem>>
      %dma_start3A_271 = arith.constant 0 : i32
      %dma_start3A_272 = arith.constant 0 : i32
      %dma_start3A_273 = tpu.memref_slice %arg2[%dma_start3A_271, %dma_start3A_272] : memref<10240x128xf32, #tpu.memory_space<hbm>> -> memref<10240x128xf32, #tpu.memory_space<hbm>>
      tpu.enqueue_indirect_dma source(%dma_start3A_273 : memref<10240x128xf32, #tpu.memory_space<hbm>>) target(%arg10 : memref<64x128xf32, #tpu.memory_space<vmem>>) offsets(%dma_start3A_270 : memref<64xi32, #tpu.memory_space<vmem>>) semaphore(%arg12 : memref<!tpu.dma_semaphore, #tpu.memory_space<semaphore_mem>>)
      %dma_wait3A_274 = arith.constant 0 : i32
      %dma_wait3A_275 = arith.constant 2 : i32
      %dma_wait3A_276 = arith.constant 0 : i32
      %dma_wait3A_277 = tpu.memref_slice %arg8[%dma_wait3A_274, %dma_wait3A_275, %dma_wait3A_276] : memref<2x8x64xi32, #tpu.memory_space<vmem>> -> memref<1x1x64xi32, #tpu.memory_space<vmem>>
      %dma_wait3A_278 = tpu.memref_squeeze %dma_wait3A_277 : memref<1x1x64xi32, #tpu.memory_space<vmem>> -> memref<64xi32, #tpu.memory_space<vmem>>
      %dma_wait3A_279 = arith.constant 0 : i32
      %dma_wait3A_280 = arith.constant 0 : i32
      %dma_wait3A_281 = tpu.memref_slice %arg2[%dma_wait3A_279, %dma_wait3A_280] : memref<10240x128xf32, #tpu.memory_space<hbm>> -> memref<10240x128xf32, #tpu.memory_space<hbm>>
      tpu.wait_indirect_dma semaphore(%arg11 : memref<!tpu.dma_semaphore, #tpu.memory_space<semaphore_mem>>) src(%dma_wait3A_281 : memref<10240x128xf32, #tpu.memory_space<hbm>>) dst(%arg9 : memref<64x128xf32, #tpu.memory_space<vmem>>)
      %run_scoped3A_282 = arith.constant 1 : i32
      %run_scoped3A_283 = arith.constant 2 : i32
      "tpu.region"() ({
        %run_scoped3A_366 = tpu.sem_alloc : memref<!tpu.dma_semaphore, #tpu.memory_space<semaphore_mem>>
        %dma_start3A_367 = arith.constant 0 : i32
        %dma_start3A_368 = tpu.memref_slice %arg8[%run_scoped3A_282, %run_scoped3A_283, %dma_start3A_367] : memref<2x8x64xi32, #tpu.memory_space<vmem>> -> memref<1x1x64xi32, #tpu.memory_space<vmem>>
        %dma_start3A_369 = tpu.memref_squeeze %dma_start3A_368 : memref<1x1x64xi32, #tpu.memory_space<vmem>> -> memref<64xi32, #tpu.memory_space<vmem>>
        %dma_start3A_370 = arith.constant 0 : i32
        %dma_start3A_371 = arith.constant 0 : i32
        %dma_start3A_372 = tpu.memref_slice %arg6[%dma_start3A_370, %dma_start3A_371] : memref<10240x128xf32, #tpu.memory_space<vmem_shared>> -> memref<10240x128xf32, #tpu.memory_space<vmem_shared>>
        tpu.enqueue_indirect_dma source(%arg9 : memref<64x128xf32, #tpu.memory_space<vmem>>) target(%dma_start3A_372 : memref<10240x128xf32, #tpu.memory_space<vmem_shared>>) offsets(%dma_start3A_369 : memref<64xi32, #tpu.memory_space<vmem>>) semaphore(%run_scoped3A_366 : memref<!tpu.dma_semaphore, #tpu.memory_space<semaphore_mem>>) {add = true}
        %dma_wait3A_373 = arith.constant 0 : i32
        %dma_wait3A_374 = tpu.memref_slice %arg8[%run_scoped3A_282, %run_scoped3A_283, %dma_wait3A_373] : memref<2x8x64xi32, #tpu.memory_space<vmem>> -> memref<1x1x64xi32, #tpu.memory_space<vmem>>
        %dma_wait3A_375 = tpu.memref_squeeze %dma_wait3A_374 : memref<1x1x64xi32, #tpu.memory_space<vmem>> -> memref<64xi32, #tpu.memory_space<vmem>>
        %dma_wait3A_376 = arith.constant 0 : i32
        %dma_wait3A_377 = arith.constant 0 : i32
        %dma_wait3A_378 = tpu.memref_slice %arg6[%dma_wait3A_376, %dma_wait3A_377] : memref<10240x128xf32, #tpu.memory_space<vmem_shared>> -> memref<10240x128xf32, #tpu.memory_space<vmem_shared>>
        tpu.wait_indirect_dma semaphore(%run_scoped3A_366 : memref<!tpu.dma_semaphore, #tpu.memory_space<semaphore_mem>>) src(%arg9 : memref<64x128xf32, #tpu.memory_space<vmem>>) dst(%dma_wait3A_378 : memref<10240x128xf32, #tpu.memory_space<vmem_shared>>)
        tpu.yield
      }) : () -> ()
      %dma_start3A_284 = arith.constant 0 : i32
      %dma_start3A_285 = arith.constant 4 : i32
      %dma_start3A_286 = arith.constant 0 : i32
      %dma_start3A_287 = tpu.memref_slice %arg8[%dma_start3A_284, %dma_start3A_285, %dma_start3A_286] : memref<2x8x64xi32, #tpu.memory_space<vmem>> -> memref<1x1x64xi32, #tpu.memory_space<vmem>>
      %dma_start3A_288 = tpu.memref_squeeze %dma_start3A_287 : memref<1x1x64xi32, #tpu.memory_space<vmem>> -> memref<64xi32, #tpu.memory_space<vmem>>
      %dma_start3A_289 = arith.constant 0 : i32
      %dma_start3A_290 = arith.constant 0 : i32
      %dma_start3A_291 = tpu.memref_slice %arg2[%dma_start3A_289, %dma_start3A_290] : memref<10240x128xf32, #tpu.memory_space<hbm>> -> memref<10240x128xf32, #tpu.memory_space<hbm>>
      tpu.enqueue_indirect_dma source(%dma_start3A_291 : memref<10240x128xf32, #tpu.memory_space<hbm>>) target(%arg9 : memref<64x128xf32, #tpu.memory_space<vmem>>) offsets(%dma_start3A_288 : memref<64xi32, #tpu.memory_space<vmem>>) semaphore(%arg11 : memref<!tpu.dma_semaphore, #tpu.memory_space<semaphore_mem>>)
      %dma_wait3A_292 = arith.constant 0 : i32
      %dma_wait3A_293 = arith.constant 3 : i32
      %dma_wait3A_294 = arith.constant 0 : i32
      %dma_wait3A_295 = tpu.memref_slice %arg8[%dma_wait3A_292, %dma_wait3A_293, %dma_wait3A_294] : memref<2x8x64xi32, #tpu.memory_space<vmem>> -> memref<1x1x64xi32, #tpu.memory_space<vmem>>
      %dma_wait3A_296 = tpu.memref_squeeze %dma_wait3A_295 : memref<1x1x64xi32, #tpu.memory_space<vmem>> -> memref<64xi32, #tpu.memory_space<vmem>>
      %dma_wait3A_297 = arith.constant 0 : i32
      %dma_wait3A_298 = arith.constant 0 : i32
      %dma_wait3A_299 = tpu.memref_slice %arg2[%dma_wait3A_297, %dma_wait3A_298] : memref<10240x128xf32, #tpu.memory_space<hbm>> -> memref<10240x128xf32, #tpu.memory_space<hbm>>
      tpu.wait_indirect_dma semaphore(%arg12 : memref<!tpu.dma_semaphore, #tpu.memory_space<semaphore_mem>>) src(%dma_wait3A_299 : memref<10240x128xf32, #tpu.memory_space<hbm>>) dst(%arg10 : memref<64x128xf32, #tpu.memory_space<vmem>>)
      %run_scoped3A_300 = arith.constant 1 : i32
      %run_scoped3A_301 = arith.constant 3 : i32
      "tpu.region"() ({
        %run_scoped3A_366 = tpu.sem_alloc : memref<!tpu.dma_semaphore, #tpu.memory_space<semaphore_mem>>
        %dma_start3A_367 = arith.constant 0 : i32
        %dma_start3A_368 = tpu.memref_slice %arg8[%run_scoped3A_300, %run_scoped3A_301, %dma_start3A_367] : memref<2x8x64xi32, #tpu.memory_space<vmem>> -> memref<1x1x64xi32, #tpu.memory_space<vmem>>
        %dma_start3A_369 = tpu.memref_squeeze %dma_start3A_368 : memref<1x1x64xi32, #tpu.memory_space<vmem>> -> memref<64xi32, #tpu.memory_space<vmem>>
        %dma_start3A_370 = arith.constant 0 : i32
        %dma_start3A_371 = arith.constant 0 : i32
        %dma_start3A_372 = tpu.memref_slice %arg6[%dma_start3A_370, %dma_start3A_371] : memref<10240x128xf32, #tpu.memory_space<vmem_shared>> -> memref<10240x128xf32, #tpu.memory_space<vmem_shared>>
        tpu.enqueue_indirect_dma source(%arg10 : memref<64x128xf32, #tpu.memory_space<vmem>>) target(%dma_start3A_372 : memref<10240x128xf32, #tpu.memory_space<vmem_shared>>) offsets(%dma_start3A_369 : memref<64xi32, #tpu.memory_space<vmem>>) semaphore(%run_scoped3A_366 : memref<!tpu.dma_semaphore, #tpu.memory_space<semaphore_mem>>) {add = true}
        %dma_wait3A_373 = arith.constant 0 : i32
        %dma_wait3A_374 = tpu.memref_slice %arg8[%run_scoped3A_300, %run_scoped3A_301, %dma_wait3A_373] : memref<2x8x64xi32, #tpu.memory_space<vmem>> -> memref<1x1x64xi32, #tpu.memory_space<vmem>>
        %dma_wait3A_375 = tpu.memref_squeeze %dma_wait3A_374 : memref<1x1x64xi32, #tpu.memory_space<vmem>> -> memref<64xi32, #tpu.memory_space<vmem>>
        %dma_wait3A_376 = arith.constant 0 : i32
        %dma_wait3A_377 = arith.constant 0 : i32
        %dma_wait3A_378 = tpu.memref_slice %arg6[%dma_wait3A_376, %dma_wait3A_377] : memref<10240x128xf32, #tpu.memory_space<vmem_shared>> -> memref<10240x128xf32, #tpu.memory_space<vmem_shared>>
        tpu.wait_indirect_dma semaphore(%run_scoped3A_366 : memref<!tpu.dma_semaphore, #tpu.memory_space<semaphore_mem>>) src(%arg10 : memref<64x128xf32, #tpu.memory_space<vmem>>) dst(%dma_wait3A_378 : memref<10240x128xf32, #tpu.memory_space<vmem_shared>>)
        tpu.yield
      }) : () -> ()
      %dma_start3A_302 = arith.constant 0 : i32
      %dma_start3A_303 = arith.constant 5 : i32
      %dma_start3A_304 = arith.constant 0 : i32
      %dma_start3A_305 = tpu.memref_slice %arg8[%dma_start3A_302, %dma_start3A_303, %dma_start3A_304] : memref<2x8x64xi32, #tpu.memory_space<vmem>> -> memref<1x1x64xi32, #tpu.memory_space<vmem>>
      %dma_start3A_306 = tpu.memref_squeeze %dma_start3A_305 : memref<1x1x64xi32, #tpu.memory_space<vmem>> -> memref<64xi32, #tpu.memory_space<vmem>>
      %dma_start3A_307 = arith.constant 0 : i32
      %dma_start3A_308 = arith.constant 0 : i32
      %dma_start3A_309 = tpu.memref_slice %arg2[%dma_start3A_307, %dma_start3A_308] : memref<10240x128xf32, #tpu.memory_space<hbm>> -> memref<10240x128xf32, #tpu.memory_space<hbm>>
      tpu.enqueue_indirect_dma source(%dma_start3A_309 : memref<10240x128xf32, #tpu.memory_space<hbm>>) target(%arg10 : memref<64x128xf32, #tpu.memory_space<vmem>>) offsets(%dma_start3A_306 : memref<64xi32, #tpu.memory_space<vmem>>) semaphore(%arg12 : memref<!tpu.dma_semaphore, #tpu.memory_space<semaphore_mem>>)
      %dma_wait3A_310 = arith.constant 0 : i32
      %dma_wait3A_311 = arith.constant 4 : i32
      %dma_wait3A_312 = arith.constant 0 : i32
      %dma_wait3A_313 = tpu.memref_slice %arg8[%dma_wait3A_310, %dma_wait3A_311, %dma_wait3A_312] : memref<2x8x64xi32, #tpu.memory_space<vmem>> -> memref<1x1x64xi32, #tpu.memory_space<vmem>>
      %dma_wait3A_314 = tpu.memref_squeeze %dma_wait3A_313 : memref<1x1x64xi32, #tpu.memory_space<vmem>> -> memref<64xi32, #tpu.memory_space<vmem>>
      %dma_wait3A_315 = arith.constant 0 : i32
      %dma_wait3A_316 = arith.constant 0 : i32
      %dma_wait3A_317 = tpu.memref_slice %arg2[%dma_wait3A_315, %dma_wait3A_316] : memref<10240x128xf32, #tpu.memory_space<hbm>> -> memref<10240x128xf32, #tpu.memory_space<hbm>>
      tpu.wait_indirect_dma semaphore(%arg11 : memref<!tpu.dma_semaphore, #tpu.memory_space<semaphore_mem>>) src(%dma_wait3A_317 : memref<10240x128xf32, #tpu.memory_space<hbm>>) dst(%arg9 : memref<64x128xf32, #tpu.memory_space<vmem>>)
      %run_scoped3A_318 = arith.constant 1 : i32
      %run_scoped3A_319 = arith.constant 4 : i32
      "tpu.region"() ({
        %run_scoped3A_366 = tpu.sem_alloc : memref<!tpu.dma_semaphore, #tpu.memory_space<semaphore_mem>>
        %dma_start3A_367 = arith.constant 0 : i32
        %dma_start3A_368 = tpu.memref_slice %arg8[%run_scoped3A_318, %run_scoped3A_319, %dma_start3A_367] : memref<2x8x64xi32, #tpu.memory_space<vmem>> -> memref<1x1x64xi32, #tpu.memory_space<vmem>>
        %dma_start3A_369 = tpu.memref_squeeze %dma_start3A_368 : memref<1x1x64xi32, #tpu.memory_space<vmem>> -> memref<64xi32, #tpu.memory_space<vmem>>
        %dma_start3A_370 = arith.constant 0 : i32
        %dma_start3A_371 = arith.constant 0 : i32
        %dma_start3A_372 = tpu.memref_slice %arg6[%dma_start3A_370, %dma_start3A_371] : memref<10240x128xf32, #tpu.memory_space<vmem_shared>> -> memref<10240x128xf32, #tpu.memory_space<vmem_shared>>
        tpu.enqueue_indirect_dma source(%arg9 : memref<64x128xf32, #tpu.memory_space<vmem>>) target(%dma_start3A_372 : memref<10240x128xf32, #tpu.memory_space<vmem_shared>>) offsets(%dma_start3A_369 : memref<64xi32, #tpu.memory_space<vmem>>) semaphore(%run_scoped3A_366 : memref<!tpu.dma_semaphore, #tpu.memory_space<semaphore_mem>>) {add = true}
        %dma_wait3A_373 = arith.constant 0 : i32
        %dma_wait3A_374 = tpu.memref_slice %arg8[%run_scoped3A_318, %run_scoped3A_319, %dma_wait3A_373] : memref<2x8x64xi32, #tpu.memory_space<vmem>> -> memref<1x1x64xi32, #tpu.memory_space<vmem>>
        %dma_wait3A_375 = tpu.memref_squeeze %dma_wait3A_374 : memref<1x1x64xi32, #tpu.memory_space<vmem>> -> memref<64xi32, #tpu.memory_space<vmem>>
        %dma_wait3A_376 = arith.constant 0 : i32
        %dma_wait3A_377 = arith.constant 0 : i32
        %dma_wait3A_378 = tpu.memref_slice %arg6[%dma_wait3A_376, %dma_wait3A_377] : memref<10240x128xf32, #tpu.memory_space<vmem_shared>> -> memref<10240x128xf32, #tpu.memory_space<vmem_shared>>
        tpu.wait_indirect_dma semaphore(%run_scoped3A_366 : memref<!tpu.dma_semaphore, #tpu.memory_space<semaphore_mem>>) src(%arg9 : memref<64x128xf32, #tpu.memory_space<vmem>>) dst(%dma_wait3A_378 : memref<10240x128xf32, #tpu.memory_space<vmem_shared>>)
        tpu.yield
      }) : () -> ()
      %dma_start3A_320 = arith.constant 0 : i32
      %dma_start3A_321 = arith.constant 6 : i32
      %dma_start3A_322 = arith.constant 0 : i32
      %dma_start3A_323 = tpu.memref_slice %arg8[%dma_start3A_320, %dma_start3A_321, %dma_start3A_322] : memref<2x8x64xi32, #tpu.memory_space<vmem>> -> memref<1x1x64xi32, #tpu.memory_space<vmem>>
      %dma_start3A_324 = tpu.memref_squeeze %dma_start3A_323 : memref<1x1x64xi32, #tpu.memory_space<vmem>> -> memref<64xi32, #tpu.memory_space<vmem>>
      %dma_start3A_325 = arith.constant 0 : i32
      %dma_start3A_326 = arith.constant 0 : i32
      %dma_start3A_327 = tpu.memref_slice %arg2[%dma_start3A_325, %dma_start3A_326] : memref<10240x128xf32, #tpu.memory_space<hbm>> -> memref<10240x128xf32, #tpu.memory_space<hbm>>
      tpu.enqueue_indirect_dma source(%dma_start3A_327 : memref<10240x128xf32, #tpu.memory_space<hbm>>) target(%arg9 : memref<64x128xf32, #tpu.memory_space<vmem>>) offsets(%dma_start3A_324 : memref<64xi32, #tpu.memory_space<vmem>>) semaphore(%arg11 : memref<!tpu.dma_semaphore, #tpu.memory_space<semaphore_mem>>)
      %dma_wait3A_328 = arith.constant 0 : i32
      %dma_wait3A_329 = arith.constant 5 : i32
      %dma_wait3A_330 = arith.constant 0 : i32
      %dma_wait3A_331 = tpu.memref_slice %arg8[%dma_wait3A_328, %dma_wait3A_329, %dma_wait3A_330] : memref<2x8x64xi32, #tpu.memory_space<vmem>> -> memref<1x1x64xi32, #tpu.memory_space<vmem>>
      %dma_wait3A_332 = tpu.memref_squeeze %dma_wait3A_331 : memref<1x1x64xi32, #tpu.memory_space<vmem>> -> memref<64xi32, #tpu.memory_space<vmem>>
      %dma_wait3A_333 = arith.constant 0 : i32
      %dma_wait3A_334 = arith.constant 0 : i32
      %dma_wait3A_335 = tpu.memref_slice %arg2[%dma_wait3A_333, %dma_wait3A_334] : memref<10240x128xf32, #tpu.memory_space<hbm>> -> memref<10240x128xf32, #tpu.memory_space<hbm>>
      tpu.wait_indirect_dma semaphore(%arg12 : memref<!tpu.dma_semaphore, #tpu.memory_space<semaphore_mem>>) src(%dma_wait3A_335 : memref<10240x128xf32, #tpu.memory_space<hbm>>) dst(%arg10 : memref<64x128xf32, #tpu.memory_space<vmem>>)
      %run_scoped3A_336 = arith.constant 1 : i32
      %run_scoped3A_337 = arith.constant 5 : i32
      "tpu.region"() ({
        %run_scoped3A_366 = tpu.sem_alloc : memref<!tpu.dma_semaphore, #tpu.memory_space<semaphore_mem>>
        %dma_start3A_367 = arith.constant 0 : i32
        %dma_start3A_368 = tpu.memref_slice %arg8[%run_scoped3A_336, %run_scoped3A_337, %dma_start3A_367] : memref<2x8x64xi32, #tpu.memory_space<vmem>> -> memref<1x1x64xi32, #tpu.memory_space<vmem>>
        %dma_start3A_369 = tpu.memref_squeeze %dma_start3A_368 : memref<1x1x64xi32, #tpu.memory_space<vmem>> -> memref<64xi32, #tpu.memory_space<vmem>>
        %dma_start3A_370 = arith.constant 0 : i32
        %dma_start3A_371 = arith.constant 0 : i32
        %dma_start3A_372 = tpu.memref_slice %arg6[%dma_start3A_370, %dma_start3A_371] : memref<10240x128xf32, #tpu.memory_space<vmem_shared>> -> memref<10240x128xf32, #tpu.memory_space<vmem_shared>>
        tpu.enqueue_indirect_dma source(%arg10 : memref<64x128xf32, #tpu.memory_space<vmem>>) target(%dma_start3A_372 : memref<10240x128xf32, #tpu.memory_space<vmem_shared>>) offsets(%dma_start3A_369 : memref<64xi32, #tpu.memory_space<vmem>>) semaphore(%run_scoped3A_366 : memref<!tpu.dma_semaphore, #tpu.memory_space<semaphore_mem>>) {add = true}
        %dma_wait3A_373 = arith.constant 0 : i32
        %dma_wait3A_374 = tpu.memref_slice %arg8[%run_scoped3A_336, %run_scoped3A_337, %dma_wait3A_373] : memref<2x8x64xi32, #tpu.memory_space<vmem>> -> memref<1x1x64xi32, #tpu.memory_space<vmem>>
        %dma_wait3A_375 = tpu.memref_squeeze %dma_wait3A_374 : memref<1x1x64xi32, #tpu.memory_space<vmem>> -> memref<64xi32, #tpu.memory_space<vmem>>
        %dma_wait3A_376 = arith.constant 0 : i32
        %dma_wait3A_377 = arith.constant 0 : i32
        %dma_wait3A_378 = tpu.memref_slice %arg6[%dma_wait3A_376, %dma_wait3A_377] : memref<10240x128xf32, #tpu.memory_space<vmem_shared>> -> memref<10240x128xf32, #tpu.memory_space<vmem_shared>>
        tpu.wait_indirect_dma semaphore(%run_scoped3A_366 : memref<!tpu.dma_semaphore, #tpu.memory_space<semaphore_mem>>) src(%arg10 : memref<64x128xf32, #tpu.memory_space<vmem>>) dst(%dma_wait3A_378 : memref<10240x128xf32, #tpu.memory_space<vmem_shared>>)
        tpu.yield
      }) : () -> ()
      %dma_start3A_338 = arith.constant 0 : i32
      %dma_start3A_339 = arith.constant 7 : i32
      %dma_start3A_340 = arith.constant 0 : i32
      %dma_start3A_341 = tpu.memref_slice %arg8[%dma_start3A_338, %dma_start3A_339, %dma_start3A_340] : memref<2x8x64xi32, #tpu.memory_space<vmem>> -> memref<1x1x64xi32, #tpu.memory_space<vmem>>
      %dma_start3A_342 = tpu.memref_squeeze %dma_start3A_341 : memref<1x1x64xi32, #tpu.memory_space<vmem>> -> memref<64xi32, #tpu.memory_space<vmem>>
      %dma_start3A_343 = arith.constant 0 : i32
      %dma_start3A_344 = arith.constant 0 : i32
      %dma_start3A_345 = tpu.memref_slice %arg2[%dma_start3A_343, %dma_start3A_344] : memref<10240x128xf32, #tpu.memory_space<hbm>> -> memref<10240x128xf32, #tpu.memory_space<hbm>>
      tpu.enqueue_indirect_dma source(%dma_start3A_345 : memref<10240x128xf32, #tpu.memory_space<hbm>>) target(%arg10 : memref<64x128xf32, #tpu.memory_space<vmem>>) offsets(%dma_start3A_342 : memref<64xi32, #tpu.memory_space<vmem>>) semaphore(%arg12 : memref<!tpu.dma_semaphore, #tpu.memory_space<semaphore_mem>>)
      %dma_wait3A_346 = arith.constant 0 : i32
      %dma_wait3A_347 = arith.constant 6 : i32
      %dma_wait3A_348 = arith.constant 0 : i32
      %dma_wait3A_349 = tpu.memref_slice %arg8[%dma_wait3A_346, %dma_wait3A_347, %dma_wait3A_348] : memref<2x8x64xi32, #tpu.memory_space<vmem>> -> memref<1x1x64xi32, #tpu.memory_space<vmem>>
      %dma_wait3A_350 = tpu.memref_squeeze %dma_wait3A_349 : memref<1x1x64xi32, #tpu.memory_space<vmem>> -> memref<64xi32, #tpu.memory_space<vmem>>
      %dma_wait3A_351 = arith.constant 0 : i32
      %dma_wait3A_352 = arith.constant 0 : i32
      %dma_wait3A_353 = tpu.memref_slice %arg2[%dma_wait3A_351, %dma_wait3A_352] : memref<10240x128xf32, #tpu.memory_space<hbm>> -> memref<10240x128xf32, #tpu.memory_space<hbm>>
      tpu.wait_indirect_dma semaphore(%arg11 : memref<!tpu.dma_semaphore, #tpu.memory_space<semaphore_mem>>) src(%dma_wait3A_353 : memref<10240x128xf32, #tpu.memory_space<hbm>>) dst(%arg9 : memref<64x128xf32, #tpu.memory_space<vmem>>)
      %run_scoped3A_354 = arith.constant 1 : i32
      %run_scoped3A_355 = arith.constant 6 : i32
      "tpu.region"() ({
        %run_scoped3A_366 = tpu.sem_alloc : memref<!tpu.dma_semaphore, #tpu.memory_space<semaphore_mem>>
        %dma_start3A_367 = arith.constant 0 : i32
        %dma_start3A_368 = tpu.memref_slice %arg8[%run_scoped3A_354, %run_scoped3A_355, %dma_start3A_367] : memref<2x8x64xi32, #tpu.memory_space<vmem>> -> memref<1x1x64xi32, #tpu.memory_space<vmem>>
        %dma_start3A_369 = tpu.memref_squeeze %dma_start3A_368 : memref<1x1x64xi32, #tpu.memory_space<vmem>> -> memref<64xi32, #tpu.memory_space<vmem>>
        %dma_start3A_370 = arith.constant 0 : i32
        %dma_start3A_371 = arith.constant 0 : i32
        %dma_start3A_372 = tpu.memref_slice %arg6[%dma_start3A_370, %dma_start3A_371] : memref<10240x128xf32, #tpu.memory_space<vmem_shared>> -> memref<10240x128xf32, #tpu.memory_space<vmem_shared>>
        tpu.enqueue_indirect_dma source(%arg9 : memref<64x128xf32, #tpu.memory_space<vmem>>) target(%dma_start3A_372 : memref<10240x128xf32, #tpu.memory_space<vmem_shared>>) offsets(%dma_start3A_369 : memref<64xi32, #tpu.memory_space<vmem>>) semaphore(%run_scoped3A_366 : memref<!tpu.dma_semaphore, #tpu.memory_space<semaphore_mem>>) {add = true}
        %dma_wait3A_373 = arith.constant 0 : i32
        %dma_wait3A_374 = tpu.memref_slice %arg8[%run_scoped3A_354, %run_scoped3A_355, %dma_wait3A_373] : memref<2x8x64xi32, #tpu.memory_space<vmem>> -> memref<1x1x64xi32, #tpu.memory_space<vmem>>
        %dma_wait3A_375 = tpu.memref_squeeze %dma_wait3A_374 : memref<1x1x64xi32, #tpu.memory_space<vmem>> -> memref<64xi32, #tpu.memory_space<vmem>>
        %dma_wait3A_376 = arith.constant 0 : i32
        %dma_wait3A_377 = arith.constant 0 : i32
        %dma_wait3A_378 = tpu.memref_slice %arg6[%dma_wait3A_376, %dma_wait3A_377] : memref<10240x128xf32, #tpu.memory_space<vmem_shared>> -> memref<10240x128xf32, #tpu.memory_space<vmem_shared>>
        tpu.wait_indirect_dma semaphore(%run_scoped3A_366 : memref<!tpu.dma_semaphore, #tpu.memory_space<semaphore_mem>>) src(%arg9 : memref<64x128xf32, #tpu.memory_space<vmem>>) dst(%dma_wait3A_378 : memref<10240x128xf32, #tpu.memory_space<vmem_shared>>)
        tpu.yield
      }) : () -> ()
      %dma_wait3A_356 = arith.constant 0 : i32
      %dma_wait3A_357 = arith.constant 7 : i32
      %dma_wait3A_358 = arith.constant 0 : i32
      %dma_wait3A_359 = tpu.memref_slice %arg8[%dma_wait3A_356, %dma_wait3A_357, %dma_wait3A_358] : memref<2x8x64xi32, #tpu.memory_space<vmem>> -> memref<1x1x64xi32, #tpu.memory_space<vmem>>
      %dma_wait3A_360 = tpu.memref_squeeze %dma_wait3A_359 : memref<1x1x64xi32, #tpu.memory_space<vmem>> -> memref<64xi32, #tpu.memory_space<vmem>>
      %dma_wait3A_361 = arith.constant 0 : i32
      %dma_wait3A_362 = arith.constant 0 : i32
      %dma_wait3A_363 = tpu.memref_slice %arg2[%dma_wait3A_361, %dma_wait3A_362] : memref<10240x128xf32, #tpu.memory_space<hbm>> -> memref<10240x128xf32, #tpu.memory_space<hbm>>
      tpu.wait_indirect_dma semaphore(%arg12 : memref<!tpu.dma_semaphore, #tpu.memory_space<semaphore_mem>>) src(%dma_wait3A_363 : memref<10240x128xf32, #tpu.memory_space<hbm>>) dst(%arg10 : memref<64x128xf32, #tpu.memory_space<vmem>>)
      %run_scoped3A_364 = arith.constant 1 : i32
      %run_scoped3A_365 = arith.constant 7 : i32
      "tpu.region"() ({
        %run_scoped3A_366 = tpu.sem_alloc : memref<!tpu.dma_semaphore, #tpu.memory_space<semaphore_mem>>
        %dma_start3A_367 = arith.constant 0 : i32
        %dma_start3A_368 = tpu.memref_slice %arg8[%run_scoped3A_364, %run_scoped3A_365, %dma_start3A_367] : memref<2x8x64xi32, #tpu.memory_space<vmem>> -> memref<1x1x64xi32, #tpu.memory_space<vmem>>
        %dma_start3A_369 = tpu.memref_squeeze %dma_start3A_368 : memref<1x1x64xi32, #tpu.memory_space<vmem>> -> memref<64xi32, #tpu.memory_space<vmem>>
        %dma_start3A_370 = arith.constant 0 : i32
        %dma_start3A_371 = arith.constant 0 : i32
        %dma_start3A_372 = tpu.memref_slice %arg6[%dma_start3A_370, %dma_start3A_371] : memref<10240x128xf32, #tpu.memory_space<vmem_shared>> -> memref<10240x128xf32, #tpu.memory_space<vmem_shared>>
        tpu.enqueue_indirect_dma source(%arg10 : memref<64x128xf32, #tpu.memory_space<vmem>>) target(%dma_start3A_372 : memref<10240x128xf32, #tpu.memory_space<vmem_shared>>) offsets(%dma_start3A_369 : memref<64xi32, #tpu.memory_space<vmem>>) semaphore(%run_scoped3A_366 : memref<!tpu.dma_semaphore, #tpu.memory_space<semaphore_mem>>) {add = true}
        %dma_wait3A_373 = arith.constant 0 : i32
        %dma_wait3A_374 = tpu.memref_slice %arg8[%run_scoped3A_364, %run_scoped3A_365, %dma_wait3A_373] : memref<2x8x64xi32, #tpu.memory_space<vmem>> -> memref<1x1x64xi32, #tpu.memory_space<vmem>>
        %dma_wait3A_375 = tpu.memref_squeeze %dma_wait3A_374 : memref<1x1x64xi32, #tpu.memory_space<vmem>> -> memref<64xi32, #tpu.memory_space<vmem>>
        %dma_wait3A_376 = arith.constant 0 : i32
        %dma_wait3A_377 = arith.constant 0 : i32
        %dma_wait3A_378 = tpu.memref_slice %arg6[%dma_wait3A_376, %dma_wait3A_377] : memref<10240x128xf32, #tpu.memory_space<vmem_shared>> -> memref<10240x128xf32, #tpu.memory_space<vmem_shared>>
        tpu.wait_indirect_dma semaphore(%run_scoped3A_366 : memref<!tpu.dma_semaphore, #tpu.memory_space<semaphore_mem>>) src(%arg10 : memref<64x128xf32, #tpu.memory_space<vmem>>) dst(%dma_wait3A_378 : memref<10240x128xf32, #tpu.memory_space<vmem_shared>>)
        tpu.yield
      }) : () -> ()
    }
    %scan3A_17 = arith.constant 10 : i32
    %dma_wait3A = arith.constant 0 : i32
    %dma_wait3A_18 = arith.constant 0 : i32
    %dma_wait3A_19 = arith.constant 0 : i32
    %dma_wait3A_20 = arith.constant 0 : i32
    %dma_wait3A_21 = tpu.memref_slice %arg3[%add3A, %dma_wait3A, %dma_wait3A_18, %dma_wait3A_19, %dma_wait3A_20] : memref<32x20x2x8x64xi32, #tpu.memory_space<hbm>> -> memref<1x1x2x8x64xi32, #tpu.memory_space<hbm>>
    %dma_wait3A_22 = tpu.memref_squeeze %dma_wait3A_21 : memref<1x1x2x8x64xi32, #tpu.memory_space<hbm>> -> memref<2x8x64xi32, #tpu.memory_space<hbm>>
    %dma_wait3A_23 = arith.constant 0 : i32
    %dma_wait3A_24 = arith.constant 0 : i32
    %dma_wait3A_25 = arith.constant 0 : i32
    %dma_wait3A_26 = tpu.memref_slice %arg3[%add3A, %dma_wait3A, %dma_wait3A_23, %dma_wait3A_24, %dma_wait3A_25] : memref<32x20x2x8x64xi32, #tpu.memory_space<hbm>> -> memref<1x1x2x8x64xi32, #tpu.memory_space<hbm>>
    %dma_wait3A_27 = tpu.memref_squeeze %dma_wait3A_26 : memref<1x1x2x8x64xi32, #tpu.memory_space<hbm>> -> memref<2x8x64xi32, #tpu.memory_space<hbm>>
    tpu.wait_dma2 semaphore(%arg13 : memref<!tpu.dma_semaphore, #tpu.memory_space<semaphore_mem>>) src(%dma_wait3A_27 : memref<2x8x64xi32, #tpu.memory_space<hbm>>) dst(%arg7 : memref<2x8x64xi32, #tpu.memory_space<vmem>>)
    %barrier3A_28 = arith.constant 0 : index
    tpu.barrier barrier_id(%barrier3A_28)
    "tpu.region"() ({
      %run_scoped3A = tpu.sem_alloc : memref<!tpu.dma_semaphore, #tpu.memory_space<semaphore_mem>>
      %dma_start3A_29 = arith.constant 0 : i32
      %dma_start3A_30 = tpu.memref_slice %arg5[%arg0, %mul3A_2, %dma_start3A_29] : memref<2x10240x128xf32, #tpu.memory_space<hbm>> -> memref<1x640x128xf32, #tpu.memory_space<hbm>>
      %dma_start3A_31 = tpu.memref_squeeze %dma_start3A_30 : memref<1x640x128xf32, #tpu.memory_space<hbm>> -> memref<640x128xf32, #tpu.memory_space<hbm>>
      %dma_start3A_32 = arith.constant 0 : i32
      %dma_start3A_33 = tpu.memref_slice %arg6[%mul3A_2, %dma_start3A_32] : memref<10240x128xf32, #tpu.memory_space<vmem_shared>> -> memref<640x128xf32, #tpu.memory_space<vmem_shared>>
      tpu.enqueue_dma source(%dma_start3A_33 : memref<640x128xf32, #tpu.memory_space<vmem_shared>>) target(%dma_start3A_31 : memref<640x128xf32, #tpu.memory_space<hbm>>) target_semaphore(%run_scoped3A : memref<!tpu.dma_semaphore, #tpu.memory_space<semaphore_mem>>)
      %dma_wait3A_34 = arith.constant 0 : i32
      %dma_wait3A_35 = tpu.memref_slice %arg5[%arg0, %mul3A_2, %dma_wait3A_34] : memref<2x10240x128xf32, #tpu.memory_space<hbm>> -> memref<1x640x128xf32, #tpu.memory_space<hbm>>
      %dma_wait3A_36 = tpu.memref_squeeze %dma_wait3A_35 : memref<1x640x128xf32, #tpu.memory_space<hbm>> -> memref<640x128xf32, #tpu.memory_space<hbm>>
      %dma_wait3A_37 = arith.constant 0 : i32
      %dma_wait3A_38 = tpu.memref_slice %arg6[%mul3A_2, %dma_wait3A_37] : memref<10240x128xf32, #tpu.memory_space<vmem_shared>> -> memref<640x128xf32, #tpu.memory_space<vmem_shared>>
      tpu.wait_dma2 semaphore(%run_scoped3A : memref<!tpu.dma_semaphore, #tpu.memory_space<semaphore_mem>>) src(%dma_wait3A_38 : memref<640x128xf32, #tpu.memory_space<vmem_shared>>) dst(%dma_wait3A_36 : memref<640x128xf32, #tpu.memory_space<hbm>>)
      tpu.yield
    }) : () -> ()
    return
  }
}

#map = affine_map<(d0, d1) -> (0, 0, 0, 0)>
#map1 = affine_map<(d0, d1) -> (0, 0)>
#map2 = affine_map<(d0, d1) -> (0, 0, 0)>
module attributes {stable_mosaic.version = 14 : i64} {
  func.func @_sc_count_body(%arg0: i32, %arg1: i32, %arg2: memref<32x20x8x64xi32, #tpu.memory_space<hbm>>, %arg3: memref<10240x128xf32, #tpu.memory_space<hbm>>, %arg4: memref<64x128xf32, #tpu.memory_space<hbm>>, %arg5: memref<2x10240x128xf32, #tpu.memory_space<hbm>>, %arg6: memref<10240x128xf32, #tpu.memory_space<vmem_shared>>, %arg7: memref<8x64xi32, #tpu.memory_space<vmem>>, %arg8: memref<64x128xf32, #tpu.memory_space<vmem>>) attributes {dimension_semantics = [#tpu.dimension_semantics<core_parallel>, #tpu.dimension_semantics<subcore_parallel>], iteration_bounds = array<i64: 2, 16>, scalar_prefetch = 0 : i64, scratch_operands = 3 : i64, tpu.core_type = #tpu.core_type<sc_vector_subcore>, window_params = [{transform_indices = #map}, {transform_indices = #map1}, {transform_indices = #map1}, {transform_indices = #map2}]} {
    %mul3A = arith.constant 16 : i32
    %mul3A_0 = arith.muli %arg0, %mul3A : i32
    %add3A = arith.addi %mul3A_0, %arg1 : i32
    %mul3A_1 = arith.constant 640 : i32
    %mul3A_2 = arith.muli %arg1, %mul3A_1 : i32
    "tpu.region"() ({
      %run_scoped3A = tpu.sem_alloc : memref<!tpu.dma_semaphore, #tpu.memory_space<semaphore_mem>>
      %dma_start3A = arith.constant 0 : i32
      %dma_start3A_9 = tpu.memref_slice %arg6[%mul3A_2, %dma_start3A] : memref<10240x128xf32, #tpu.memory_space<vmem_shared>> -> memref<640x128xf32, #tpu.memory_space<vmem_shared>>
      %dma_start3A_10 = arith.constant 0 : i32
      %dma_start3A_11 = tpu.memref_slice %arg3[%mul3A_2, %dma_start3A_10] : memref<10240x128xf32, #tpu.memory_space<hbm>> -> memref<640x128xf32, #tpu.memory_space<hbm>>
      tpu.enqueue_dma source(%dma_start3A_11 : memref<640x128xf32, #tpu.memory_space<hbm>>) target(%dma_start3A_9 : memref<640x128xf32, #tpu.memory_space<vmem_shared>>) target_semaphore(%run_scoped3A : memref<!tpu.dma_semaphore, #tpu.memory_space<semaphore_mem>>)
      %dma_wait3A = arith.constant 0 : i32
      %dma_wait3A_12 = tpu.memref_slice %arg6[%mul3A_2, %dma_wait3A] : memref<10240x128xf32, #tpu.memory_space<vmem_shared>> -> memref<640x128xf32, #tpu.memory_space<vmem_shared>>
      %dma_wait3A_13 = arith.constant 0 : i32
      %dma_wait3A_14 = tpu.memref_slice %arg3[%mul3A_2, %dma_wait3A_13] : memref<10240x128xf32, #tpu.memory_space<hbm>> -> memref<640x128xf32, #tpu.memory_space<hbm>>
      tpu.wait_dma2 semaphore(%run_scoped3A : memref<!tpu.dma_semaphore, #tpu.memory_space<semaphore_mem>>) src(%dma_wait3A_14 : memref<640x128xf32, #tpu.memory_space<hbm>>) dst(%dma_wait3A_12 : memref<640x128xf32, #tpu.memory_space<vmem_shared>>)
      tpu.yield
    }) : () -> ()
    "tpu.region"() ({
      %run_scoped3A = tpu.sem_alloc : memref<!tpu.dma_semaphore, #tpu.memory_space<semaphore_mem>>
      tpu.enqueue_dma source(%arg4 : memref<64x128xf32, #tpu.memory_space<hbm>>) target(%arg8 : memref<64x128xf32, #tpu.memory_space<vmem>>) target_semaphore(%run_scoped3A : memref<!tpu.dma_semaphore, #tpu.memory_space<semaphore_mem>>)
      tpu.wait_dma2 semaphore(%run_scoped3A : memref<!tpu.dma_semaphore, #tpu.memory_space<semaphore_mem>>) src(%arg4 : memref<64x128xf32, #tpu.memory_space<hbm>>) dst(%arg8 : memref<64x128xf32, #tpu.memory_space<vmem>>)
      tpu.yield
    }) : () -> ()
    %barrier3A = arith.constant 0 : index
    tpu.barrier barrier_id(%barrier3A)
    %scan3A = arith.constant 0 : i32
    %scan3A_3 = arith.constant 0 : i32
    %scan3A_4 = arith.constant 20 : i32
    %scan3A_5 = arith.addi %scan3A_3, %scan3A_4 : i32
    %scan3A_6 = arith.constant 1 : i32
    scf.for %scan3A_9 = %scan3A_3 to %scan3A_5 step %scan3A_6  : i32 {
      "tpu.region"() ({
        %run_scoped3A_17 = tpu.sem_alloc : memref<!tpu.dma_semaphore, #tpu.memory_space<semaphore_mem>>
        %dma_start3A = arith.constant 0 : i32
        %dma_start3A_18 = arith.constant 0 : i32
        %dma_start3A_19 = tpu.memref_slice %arg2[%add3A, %scan3A_9, %dma_start3A, %dma_start3A_18] : memref<32x20x8x64xi32, #tpu.memory_space<hbm>> -> memref<1x1x8x64xi32, #tpu.memory_space<hbm>>
        %dma_start3A_20 = tpu.memref_squeeze %dma_start3A_19 : memref<1x1x8x64xi32, #tpu.memory_space<hbm>> -> memref<8x64xi32, #tpu.memory_space<hbm>>
        %dma_start3A_21 = arith.constant 0 : i32
        %dma_start3A_22 = arith.constant 0 : i32
        %dma_start3A_23 = tpu.memref_slice %arg2[%add3A, %scan3A_9, %dma_start3A_21, %dma_start3A_22] : memref<32x20x8x64xi32, #tpu.memory_space<hbm>> -> memref<1x1x8x64xi32, #tpu.memory_space<hbm>>
        %dma_start3A_24 = tpu.memref_squeeze %dma_start3A_23 : memref<1x1x8x64xi32, #tpu.memory_space<hbm>> -> memref<8x64xi32, #tpu.memory_space<hbm>>
        tpu.enqueue_dma source(%dma_start3A_24 : memref<8x64xi32, #tpu.memory_space<hbm>>) target(%arg7 : memref<8x64xi32, #tpu.memory_space<vmem>>) target_semaphore(%run_scoped3A_17 : memref<!tpu.dma_semaphore, #tpu.memory_space<semaphore_mem>>)
        %dma_wait3A = arith.constant 0 : i32
        %dma_wait3A_25 = arith.constant 0 : i32
        %dma_wait3A_26 = tpu.memref_slice %arg2[%add3A, %scan3A_9, %dma_wait3A, %dma_wait3A_25] : memref<32x20x8x64xi32, #tpu.memory_space<hbm>> -> memref<1x1x8x64xi32, #tpu.memory_space<hbm>>
        %dma_wait3A_27 = tpu.memref_squeeze %dma_wait3A_26 : memref<1x1x8x64xi32, #tpu.memory_space<hbm>> -> memref<8x64xi32, #tpu.memory_space<hbm>>
        %dma_wait3A_28 = arith.constant 0 : i32
        %dma_wait3A_29 = arith.constant 0 : i32
        %dma_wait3A_30 = tpu.memref_slice %arg2[%add3A, %scan3A_9, %dma_wait3A_28, %dma_wait3A_29] : memref<32x20x8x64xi32, #tpu.memory_space<hbm>> -> memref<1x1x8x64xi32, #tpu.memory_space<hbm>>
        %dma_wait3A_31 = tpu.memref_squeeze %dma_wait3A_30 : memref<1x1x8x64xi32, #tpu.memory_space<hbm>> -> memref<8x64xi32, #tpu.memory_space<hbm>>
        tpu.wait_dma2 semaphore(%run_scoped3A_17 : memref<!tpu.dma_semaphore, #tpu.memory_space<semaphore_mem>>) src(%dma_wait3A_31 : memref<8x64xi32, #tpu.memory_space<hbm>>) dst(%arg7 : memref<8x64xi32, #tpu.memory_space<vmem>>)
        tpu.yield
      }) : () -> ()
      %run_scoped3A = arith.constant 0 : i32
      "tpu.region"() ({
        %run_scoped3A_17 = tpu.sem_alloc : memref<!tpu.dma_semaphore, #tpu.memory_space<semaphore_mem>>
        %dma_start3A = arith.constant 0 : i32
        %dma_start3A_18 = tpu.memref_slice %arg7[%run_scoped3A, %dma_start3A] : memref<8x64xi32, #tpu.memory_space<vmem>> -> memref<1x64xi32, #tpu.memory_space<vmem>>
        %dma_start3A_19 = tpu.memref_squeeze %dma_start3A_18 : memref<1x64xi32, #tpu.memory_space<vmem>> -> memref<64xi32, #tpu.memory_space<vmem>>
        %dma_start3A_20 = arith.constant 0 : i32
        %dma_start3A_21 = arith.constant 0 : i32
        %dma_start3A_22 = tpu.memref_slice %arg6[%dma_start3A_20, %dma_start3A_21] : memref<10240x128xf32, #tpu.memory_space<vmem_shared>> -> memref<10240x128xf32, #tpu.memory_space<vmem_shared>>
        tpu.enqueue_indirect_dma source(%arg8 : memref<64x128xf32, #tpu.memory_space<vmem>>) target(%dma_start3A_22 : memref<10240x128xf32, #tpu.memory_space<vmem_shared>>) offsets(%dma_start3A_19 : memref<64xi32, #tpu.memory_space<vmem>>) semaphore(%run_scoped3A_17 : memref<!tpu.dma_semaphore, #tpu.memory_space<semaphore_mem>>) {add = true}
        %dma_wait3A = arith.constant 0 : i32
        %dma_wait3A_23 = tpu.memref_slice %arg7[%run_scoped3A, %dma_wait3A] : memref<8x64xi32, #tpu.memory_space<vmem>> -> memref<1x64xi32, #tpu.memory_space<vmem>>
        %dma_wait3A_24 = tpu.memref_squeeze %dma_wait3A_23 : memref<1x64xi32, #tpu.memory_space<vmem>> -> memref<64xi32, #tpu.memory_space<vmem>>
        %dma_wait3A_25 = arith.constant 0 : i32
        %dma_wait3A_26 = arith.constant 0 : i32
        %dma_wait3A_27 = tpu.memref_slice %arg6[%dma_wait3A_25, %dma_wait3A_26] : memref<10240x128xf32, #tpu.memory_space<vmem_shared>> -> memref<10240x128xf32, #tpu.memory_space<vmem_shared>>
        tpu.wait_indirect_dma semaphore(%run_scoped3A_17 : memref<!tpu.dma_semaphore, #tpu.memory_space<semaphore_mem>>) src(%arg8 : memref<64x128xf32, #tpu.memory_space<vmem>>) dst(%dma_wait3A_27 : memref<10240x128xf32, #tpu.memory_space<vmem_shared>>)
        tpu.yield
      }) : () -> ()
      %run_scoped3A_10 = arith.constant 1 : i32
      "tpu.region"() ({
        %run_scoped3A_17 = tpu.sem_alloc : memref<!tpu.dma_semaphore, #tpu.memory_space<semaphore_mem>>
        %dma_start3A = arith.constant 0 : i32
        %dma_start3A_18 = tpu.memref_slice %arg7[%run_scoped3A_10, %dma_start3A] : memref<8x64xi32, #tpu.memory_space<vmem>> -> memref<1x64xi32, #tpu.memory_space<vmem>>
        %dma_start3A_19 = tpu.memref_squeeze %dma_start3A_18 : memref<1x64xi32, #tpu.memory_space<vmem>> -> memref<64xi32, #tpu.memory_space<vmem>>
        %dma_start3A_20 = arith.constant 0 : i32
        %dma_start3A_21 = arith.constant 0 : i32
        %dma_start3A_22 = tpu.memref_slice %arg6[%dma_start3A_20, %dma_start3A_21] : memref<10240x128xf32, #tpu.memory_space<vmem_shared>> -> memref<10240x128xf32, #tpu.memory_space<vmem_shared>>
        tpu.enqueue_indirect_dma source(%arg8 : memref<64x128xf32, #tpu.memory_space<vmem>>) target(%dma_start3A_22 : memref<10240x128xf32, #tpu.memory_space<vmem_shared>>) offsets(%dma_start3A_19 : memref<64xi32, #tpu.memory_space<vmem>>) semaphore(%run_scoped3A_17 : memref<!tpu.dma_semaphore, #tpu.memory_space<semaphore_mem>>) {add = true}
        %dma_wait3A = arith.constant 0 : i32
        %dma_wait3A_23 = tpu.memref_slice %arg7[%run_scoped3A_10, %dma_wait3A] : memref<8x64xi32, #tpu.memory_space<vmem>> -> memref<1x64xi32, #tpu.memory_space<vmem>>
        %dma_wait3A_24 = tpu.memref_squeeze %dma_wait3A_23 : memref<1x64xi32, #tpu.memory_space<vmem>> -> memref<64xi32, #tpu.memory_space<vmem>>
        %dma_wait3A_25 = arith.constant 0 : i32
        %dma_wait3A_26 = arith.constant 0 : i32
        %dma_wait3A_27 = tpu.memref_slice %arg6[%dma_wait3A_25, %dma_wait3A_26] : memref<10240x128xf32, #tpu.memory_space<vmem_shared>> -> memref<10240x128xf32, #tpu.memory_space<vmem_shared>>
        tpu.wait_indirect_dma semaphore(%run_scoped3A_17 : memref<!tpu.dma_semaphore, #tpu.memory_space<semaphore_mem>>) src(%arg8 : memref<64x128xf32, #tpu.memory_space<vmem>>) dst(%dma_wait3A_27 : memref<10240x128xf32, #tpu.memory_space<vmem_shared>>)
        tpu.yield
      }) : () -> ()
      %run_scoped3A_11 = arith.constant 2 : i32
      "tpu.region"() ({
        %run_scoped3A_17 = tpu.sem_alloc : memref<!tpu.dma_semaphore, #tpu.memory_space<semaphore_mem>>
        %dma_start3A = arith.constant 0 : i32
        %dma_start3A_18 = tpu.memref_slice %arg7[%run_scoped3A_11, %dma_start3A] : memref<8x64xi32, #tpu.memory_space<vmem>> -> memref<1x64xi32, #tpu.memory_space<vmem>>
        %dma_start3A_19 = tpu.memref_squeeze %dma_start3A_18 : memref<1x64xi32, #tpu.memory_space<vmem>> -> memref<64xi32, #tpu.memory_space<vmem>>
        %dma_start3A_20 = arith.constant 0 : i32
        %dma_start3A_21 = arith.constant 0 : i32
        %dma_start3A_22 = tpu.memref_slice %arg6[%dma_start3A_20, %dma_start3A_21] : memref<10240x128xf32, #tpu.memory_space<vmem_shared>> -> memref<10240x128xf32, #tpu.memory_space<vmem_shared>>
        tpu.enqueue_indirect_dma source(%arg8 : memref<64x128xf32, #tpu.memory_space<vmem>>) target(%dma_start3A_22 : memref<10240x128xf32, #tpu.memory_space<vmem_shared>>) offsets(%dma_start3A_19 : memref<64xi32, #tpu.memory_space<vmem>>) semaphore(%run_scoped3A_17 : memref<!tpu.dma_semaphore, #tpu.memory_space<semaphore_mem>>) {add = true}
        %dma_wait3A = arith.constant 0 : i32
        %dma_wait3A_23 = tpu.memref_slice %arg7[%run_scoped3A_11, %dma_wait3A] : memref<8x64xi32, #tpu.memory_space<vmem>> -> memref<1x64xi32, #tpu.memory_space<vmem>>
        %dma_wait3A_24 = tpu.memref_squeeze %dma_wait3A_23 : memref<1x64xi32, #tpu.memory_space<vmem>> -> memref<64xi32, #tpu.memory_space<vmem>>
        %dma_wait3A_25 = arith.constant 0 : i32
        %dma_wait3A_26 = arith.constant 0 : i32
        %dma_wait3A_27 = tpu.memref_slice %arg6[%dma_wait3A_25, %dma_wait3A_26] : memref<10240x128xf32, #tpu.memory_space<vmem_shared>> -> memref<10240x128xf32, #tpu.memory_space<vmem_shared>>
        tpu.wait_indirect_dma semaphore(%run_scoped3A_17 : memref<!tpu.dma_semaphore, #tpu.memory_space<semaphore_mem>>) src(%arg8 : memref<64x128xf32, #tpu.memory_space<vmem>>) dst(%dma_wait3A_27 : memref<10240x128xf32, #tpu.memory_space<vmem_shared>>)
        tpu.yield
      }) : () -> ()
      %run_scoped3A_12 = arith.constant 3 : i32
      "tpu.region"() ({
        %run_scoped3A_17 = tpu.sem_alloc : memref<!tpu.dma_semaphore, #tpu.memory_space<semaphore_mem>>
        %dma_start3A = arith.constant 0 : i32
        %dma_start3A_18 = tpu.memref_slice %arg7[%run_scoped3A_12, %dma_start3A] : memref<8x64xi32, #tpu.memory_space<vmem>> -> memref<1x64xi32, #tpu.memory_space<vmem>>
        %dma_start3A_19 = tpu.memref_squeeze %dma_start3A_18 : memref<1x64xi32, #tpu.memory_space<vmem>> -> memref<64xi32, #tpu.memory_space<vmem>>
        %dma_start3A_20 = arith.constant 0 : i32
        %dma_start3A_21 = arith.constant 0 : i32
        %dma_start3A_22 = tpu.memref_slice %arg6[%dma_start3A_20, %dma_start3A_21] : memref<10240x128xf32, #tpu.memory_space<vmem_shared>> -> memref<10240x128xf32, #tpu.memory_space<vmem_shared>>
        tpu.enqueue_indirect_dma source(%arg8 : memref<64x128xf32, #tpu.memory_space<vmem>>) target(%dma_start3A_22 : memref<10240x128xf32, #tpu.memory_space<vmem_shared>>) offsets(%dma_start3A_19 : memref<64xi32, #tpu.memory_space<vmem>>) semaphore(%run_scoped3A_17 : memref<!tpu.dma_semaphore, #tpu.memory_space<semaphore_mem>>) {add = true}
        %dma_wait3A = arith.constant 0 : i32
        %dma_wait3A_23 = tpu.memref_slice %arg7[%run_scoped3A_12, %dma_wait3A] : memref<8x64xi32, #tpu.memory_space<vmem>> -> memref<1x64xi32, #tpu.memory_space<vmem>>
        %dma_wait3A_24 = tpu.memref_squeeze %dma_wait3A_23 : memref<1x64xi32, #tpu.memory_space<vmem>> -> memref<64xi32, #tpu.memory_space<vmem>>
        %dma_wait3A_25 = arith.constant 0 : i32
        %dma_wait3A_26 = arith.constant 0 : i32
        %dma_wait3A_27 = tpu.memref_slice %arg6[%dma_wait3A_25, %dma_wait3A_26] : memref<10240x128xf32, #tpu.memory_space<vmem_shared>> -> memref<10240x128xf32, #tpu.memory_space<vmem_shared>>
        tpu.wait_indirect_dma semaphore(%run_scoped3A_17 : memref<!tpu.dma_semaphore, #tpu.memory_space<semaphore_mem>>) src(%arg8 : memref<64x128xf32, #tpu.memory_space<vmem>>) dst(%dma_wait3A_27 : memref<10240x128xf32, #tpu.memory_space<vmem_shared>>)
        tpu.yield
      }) : () -> ()
      %run_scoped3A_13 = arith.constant 4 : i32
      "tpu.region"() ({
        %run_scoped3A_17 = tpu.sem_alloc : memref<!tpu.dma_semaphore, #tpu.memory_space<semaphore_mem>>
        %dma_start3A = arith.constant 0 : i32
        %dma_start3A_18 = tpu.memref_slice %arg7[%run_scoped3A_13, %dma_start3A] : memref<8x64xi32, #tpu.memory_space<vmem>> -> memref<1x64xi32, #tpu.memory_space<vmem>>
        %dma_start3A_19 = tpu.memref_squeeze %dma_start3A_18 : memref<1x64xi32, #tpu.memory_space<vmem>> -> memref<64xi32, #tpu.memory_space<vmem>>
        %dma_start3A_20 = arith.constant 0 : i32
        %dma_start3A_21 = arith.constant 0 : i32
        %dma_start3A_22 = tpu.memref_slice %arg6[%dma_start3A_20, %dma_start3A_21] : memref<10240x128xf32, #tpu.memory_space<vmem_shared>> -> memref<10240x128xf32, #tpu.memory_space<vmem_shared>>
        tpu.enqueue_indirect_dma source(%arg8 : memref<64x128xf32, #tpu.memory_space<vmem>>) target(%dma_start3A_22 : memref<10240x128xf32, #tpu.memory_space<vmem_shared>>) offsets(%dma_start3A_19 : memref<64xi32, #tpu.memory_space<vmem>>) semaphore(%run_scoped3A_17 : memref<!tpu.dma_semaphore, #tpu.memory_space<semaphore_mem>>) {add = true}
        %dma_wait3A = arith.constant 0 : i32
        %dma_wait3A_23 = tpu.memref_slice %arg7[%run_scoped3A_13, %dma_wait3A] : memref<8x64xi32, #tpu.memory_space<vmem>> -> memref<1x64xi32, #tpu.memory_space<vmem>>
        %dma_wait3A_24 = tpu.memref_squeeze %dma_wait3A_23 : memref<1x64xi32, #tpu.memory_space<vmem>> -> memref<64xi32, #tpu.memory_space<vmem>>
        %dma_wait3A_25 = arith.constant 0 : i32
        %dma_wait3A_26 = arith.constant 0 : i32
        %dma_wait3A_27 = tpu.memref_slice %arg6[%dma_wait3A_25, %dma_wait3A_26] : memref<10240x128xf32, #tpu.memory_space<vmem_shared>> -> memref<10240x128xf32, #tpu.memory_space<vmem_shared>>
        tpu.wait_indirect_dma semaphore(%run_scoped3A_17 : memref<!tpu.dma_semaphore, #tpu.memory_space<semaphore_mem>>) src(%arg8 : memref<64x128xf32, #tpu.memory_space<vmem>>) dst(%dma_wait3A_27 : memref<10240x128xf32, #tpu.memory_space<vmem_shared>>)
        tpu.yield
      }) : () -> ()
      %run_scoped3A_14 = arith.constant 5 : i32
      "tpu.region"() ({
        %run_scoped3A_17 = tpu.sem_alloc : memref<!tpu.dma_semaphore, #tpu.memory_space<semaphore_mem>>
        %dma_start3A = arith.constant 0 : i32
        %dma_start3A_18 = tpu.memref_slice %arg7[%run_scoped3A_14, %dma_start3A] : memref<8x64xi32, #tpu.memory_space<vmem>> -> memref<1x64xi32, #tpu.memory_space<vmem>>
        %dma_start3A_19 = tpu.memref_squeeze %dma_start3A_18 : memref<1x64xi32, #tpu.memory_space<vmem>> -> memref<64xi32, #tpu.memory_space<vmem>>
        %dma_start3A_20 = arith.constant 0 : i32
        %dma_start3A_21 = arith.constant 0 : i32
        %dma_start3A_22 = tpu.memref_slice %arg6[%dma_start3A_20, %dma_start3A_21] : memref<10240x128xf32, #tpu.memory_space<vmem_shared>> -> memref<10240x128xf32, #tpu.memory_space<vmem_shared>>
        tpu.enqueue_indirect_dma source(%arg8 : memref<64x128xf32, #tpu.memory_space<vmem>>) target(%dma_start3A_22 : memref<10240x128xf32, #tpu.memory_space<vmem_shared>>) offsets(%dma_start3A_19 : memref<64xi32, #tpu.memory_space<vmem>>) semaphore(%run_scoped3A_17 : memref<!tpu.dma_semaphore, #tpu.memory_space<semaphore_mem>>) {add = true}
        %dma_wait3A = arith.constant 0 : i32
        %dma_wait3A_23 = tpu.memref_slice %arg7[%run_scoped3A_14, %dma_wait3A] : memref<8x64xi32, #tpu.memory_space<vmem>> -> memref<1x64xi32, #tpu.memory_space<vmem>>
        %dma_wait3A_24 = tpu.memref_squeeze %dma_wait3A_23 : memref<1x64xi32, #tpu.memory_space<vmem>> -> memref<64xi32, #tpu.memory_space<vmem>>
        %dma_wait3A_25 = arith.constant 0 : i32
        %dma_wait3A_26 = arith.constant 0 : i32
        %dma_wait3A_27 = tpu.memref_slice %arg6[%dma_wait3A_25, %dma_wait3A_26] : memref<10240x128xf32, #tpu.memory_space<vmem_shared>> -> memref<10240x128xf32, #tpu.memory_space<vmem_shared>>
        tpu.wait_indirect_dma semaphore(%run_scoped3A_17 : memref<!tpu.dma_semaphore, #tpu.memory_space<semaphore_mem>>) src(%arg8 : memref<64x128xf32, #tpu.memory_space<vmem>>) dst(%dma_wait3A_27 : memref<10240x128xf32, #tpu.memory_space<vmem_shared>>)
        tpu.yield
      }) : () -> ()
      %run_scoped3A_15 = arith.constant 6 : i32
      "tpu.region"() ({
        %run_scoped3A_17 = tpu.sem_alloc : memref<!tpu.dma_semaphore, #tpu.memory_space<semaphore_mem>>
        %dma_start3A = arith.constant 0 : i32
        %dma_start3A_18 = tpu.memref_slice %arg7[%run_scoped3A_15, %dma_start3A] : memref<8x64xi32, #tpu.memory_space<vmem>> -> memref<1x64xi32, #tpu.memory_space<vmem>>
        %dma_start3A_19 = tpu.memref_squeeze %dma_start3A_18 : memref<1x64xi32, #tpu.memory_space<vmem>> -> memref<64xi32, #tpu.memory_space<vmem>>
        %dma_start3A_20 = arith.constant 0 : i32
        %dma_start3A_21 = arith.constant 0 : i32
        %dma_start3A_22 = tpu.memref_slice %arg6[%dma_start3A_20, %dma_start3A_21] : memref<10240x128xf32, #tpu.memory_space<vmem_shared>> -> memref<10240x128xf32, #tpu.memory_space<vmem_shared>>
        tpu.enqueue_indirect_dma source(%arg8 : memref<64x128xf32, #tpu.memory_space<vmem>>) target(%dma_start3A_22 : memref<10240x128xf32, #tpu.memory_space<vmem_shared>>) offsets(%dma_start3A_19 : memref<64xi32, #tpu.memory_space<vmem>>) semaphore(%run_scoped3A_17 : memref<!tpu.dma_semaphore, #tpu.memory_space<semaphore_mem>>) {add = true}
        %dma_wait3A = arith.constant 0 : i32
        %dma_wait3A_23 = tpu.memref_slice %arg7[%run_scoped3A_15, %dma_wait3A] : memref<8x64xi32, #tpu.memory_space<vmem>> -> memref<1x64xi32, #tpu.memory_space<vmem>>
        %dma_wait3A_24 = tpu.memref_squeeze %dma_wait3A_23 : memref<1x64xi32, #tpu.memory_space<vmem>> -> memref<64xi32, #tpu.memory_space<vmem>>
        %dma_wait3A_25 = arith.constant 0 : i32
        %dma_wait3A_26 = arith.constant 0 : i32
        %dma_wait3A_27 = tpu.memref_slice %arg6[%dma_wait3A_25, %dma_wait3A_26] : memref<10240x128xf32, #tpu.memory_space<vmem_shared>> -> memref<10240x128xf32, #tpu.memory_space<vmem_shared>>
        tpu.wait_indirect_dma semaphore(%run_scoped3A_17 : memref<!tpu.dma_semaphore, #tpu.memory_space<semaphore_mem>>) src(%arg8 : memref<64x128xf32, #tpu.memory_space<vmem>>) dst(%dma_wait3A_27 : memref<10240x128xf32, #tpu.memory_space<vmem_shared>>)
        tpu.yield
      }) : () -> ()
      %run_scoped3A_16 = arith.constant 7 : i32
      "tpu.region"() ({
        %run_scoped3A_17 = tpu.sem_alloc : memref<!tpu.dma_semaphore, #tpu.memory_space<semaphore_mem>>
        %dma_start3A = arith.constant 0 : i32
        %dma_start3A_18 = tpu.memref_slice %arg7[%run_scoped3A_16, %dma_start3A] : memref<8x64xi32, #tpu.memory_space<vmem>> -> memref<1x64xi32, #tpu.memory_space<vmem>>
        %dma_start3A_19 = tpu.memref_squeeze %dma_start3A_18 : memref<1x64xi32, #tpu.memory_space<vmem>> -> memref<64xi32, #tpu.memory_space<vmem>>
        %dma_start3A_20 = arith.constant 0 : i32
        %dma_start3A_21 = arith.constant 0 : i32
        %dma_start3A_22 = tpu.memref_slice %arg6[%dma_start3A_20, %dma_start3A_21] : memref<10240x128xf32, #tpu.memory_space<vmem_shared>> -> memref<10240x128xf32, #tpu.memory_space<vmem_shared>>
        tpu.enqueue_indirect_dma source(%arg8 : memref<64x128xf32, #tpu.memory_space<vmem>>) target(%dma_start3A_22 : memref<10240x128xf32, #tpu.memory_space<vmem_shared>>) offsets(%dma_start3A_19 : memref<64xi32, #tpu.memory_space<vmem>>) semaphore(%run_scoped3A_17 : memref<!tpu.dma_semaphore, #tpu.memory_space<semaphore_mem>>) {add = true}
        %dma_wait3A = arith.constant 0 : i32
        %dma_wait3A_23 = tpu.memref_slice %arg7[%run_scoped3A_16, %dma_wait3A] : memref<8x64xi32, #tpu.memory_space<vmem>> -> memref<1x64xi32, #tpu.memory_space<vmem>>
        %dma_wait3A_24 = tpu.memref_squeeze %dma_wait3A_23 : memref<1x64xi32, #tpu.memory_space<vmem>> -> memref<64xi32, #tpu.memory_space<vmem>>
        %dma_wait3A_25 = arith.constant 0 : i32
        %dma_wait3A_26 = arith.constant 0 : i32
        %dma_wait3A_27 = tpu.memref_slice %arg6[%dma_wait3A_25, %dma_wait3A_26] : memref<10240x128xf32, #tpu.memory_space<vmem_shared>> -> memref<10240x128xf32, #tpu.memory_space<vmem_shared>>
        tpu.wait_indirect_dma semaphore(%run_scoped3A_17 : memref<!tpu.dma_semaphore, #tpu.memory_space<semaphore_mem>>) src(%arg8 : memref<64x128xf32, #tpu.memory_space<vmem>>) dst(%dma_wait3A_27 : memref<10240x128xf32, #tpu.memory_space<vmem_shared>>)
        tpu.yield
      }) : () -> ()
    }
    %scan3A_7 = arith.constant 20 : i32
    %barrier3A_8 = arith.constant 0 : index
    tpu.barrier barrier_id(%barrier3A_8)
    "tpu.region"() ({
      %run_scoped3A = tpu.sem_alloc : memref<!tpu.dma_semaphore, #tpu.memory_space<semaphore_mem>>
      %dma_start3A = arith.constant 0 : i32
      %dma_start3A_9 = tpu.memref_slice %arg5[%arg0, %mul3A_2, %dma_start3A] : memref<2x10240x128xf32, #tpu.memory_space<hbm>> -> memref<1x640x128xf32, #tpu.memory_space<hbm>>
      %dma_start3A_10 = tpu.memref_squeeze %dma_start3A_9 : memref<1x640x128xf32, #tpu.memory_space<hbm>> -> memref<640x128xf32, #tpu.memory_space<hbm>>
      %dma_start3A_11 = arith.constant 0 : i32
      %dma_start3A_12 = tpu.memref_slice %arg6[%mul3A_2, %dma_start3A_11] : memref<10240x128xf32, #tpu.memory_space<vmem_shared>> -> memref<640x128xf32, #tpu.memory_space<vmem_shared>>
      tpu.enqueue_dma source(%dma_start3A_12 : memref<640x128xf32, #tpu.memory_space<vmem_shared>>) target(%dma_start3A_10 : memref<640x128xf32, #tpu.memory_space<hbm>>) target_semaphore(%run_scoped3A : memref<!tpu.dma_semaphore, #tpu.memory_space<semaphore_mem>>)
      %dma_wait3A = arith.constant 0 : i32
      %dma_wait3A_13 = tpu.memref_slice %arg5[%arg0, %mul3A_2, %dma_wait3A] : memref<2x10240x128xf32, #tpu.memory_space<hbm>> -> memref<1x640x128xf32, #tpu.memory_space<hbm>>
      %dma_wait3A_14 = tpu.memref_squeeze %dma_wait3A_13 : memref<1x640x128xf32, #tpu.memory_space<hbm>> -> memref<640x128xf32, #tpu.memory_space<hbm>>
      %dma_wait3A_15 = arith.constant 0 : i32
      %dma_wait3A_16 = tpu.memref_slice %arg6[%mul3A_2, %dma_wait3A_15] : memref<10240x128xf32, #tpu.memory_space<vmem_shared>> -> memref<640x128xf32, #tpu.memory_space<vmem_shared>>
      tpu.wait_dma2 semaphore(%run_scoped3A : memref<!tpu.dma_semaphore, #tpu.memory_space<semaphore_mem>>) src(%dma_wait3A_16 : memref<640x128xf32, #tpu.memory_space<vmem_shared>>) dst(%dma_wait3A_14 : memref<640x128xf32, #tpu.memory_space<hbm>>)
      tpu.yield
    }) : () -> ()
    return
  }
}

#map = affine_map<(d0, d1) -> (0, 0)>
#map1 = affine_map<(d0, d1) -> (0, 0, 0, 0, 0)>
#map2 = affine_map<(d0, d1) -> (0, 0, 0)>
module attributes {stable_mosaic.version = 14 : i64} {
  func.func @_sc_aggregate_body(%arg0: i32, %arg1: i32, %arg2: memref<10240x128xf32, #tpu.memory_space<hbm>>, %arg3: memref<32x20x2x8x64xi32, #tpu.memory_space<hbm>>, %arg4: memref<10240x128xf32, #tpu.memory_space<hbm>>, %arg5: memref<2x10240x128xf32, #tpu.memory_space<hbm>>, %arg6: memref<10240x128xf32, #tpu.memory_space<vmem_shared>>, %arg7: memref<2x8x64xi32, #tpu.memory_space<vmem>>, %arg8: memref<2x8x64xi32, #tpu.memory_space<vmem>>, %arg9: memref<64x128xf32, #tpu.memory_space<vmem>>, %arg10: memref<64x128xf32, #tpu.memory_space<vmem>>, %arg11: memref<!tpu.dma_semaphore, #tpu.memory_space<semaphore_mem>>, %arg12: memref<!tpu.dma_semaphore, #tpu.memory_space<semaphore_mem>>, %arg13: memref<!tpu.dma_semaphore, #tpu.memory_space<semaphore_mem>>, %arg14: memref<!tpu.dma_semaphore, #tpu.memory_space<semaphore_mem>>) attributes {dimension_semantics = [#tpu.dimension_semantics<core_parallel>, #tpu.dimension_semantics<subcore_parallel>], iteration_bounds = array<i64: 2, 16>, scalar_prefetch = 0 : i64, scratch_operands = 9 : i64, tpu.core_type = #tpu.core_type<sc_vector_subcore>, window_params = [{transform_indices = #map}, {transform_indices = #map1}, {transform_indices = #map}, {transform_indices = #map2}]} {
    %mul3A = arith.constant 16 : i32
    %mul3A_0 = arith.muli %arg0, %mul3A : i32
    %add3A = arith.addi %mul3A_0, %arg1 : i32
    %mul3A_1 = arith.constant 640 : i32
    %mul3A_2 = arith.muli %arg1, %mul3A_1 : i32
    "tpu.region"() ({
      %run_scoped3A = tpu.sem_alloc : memref<!tpu.dma_semaphore, #tpu.memory_space<semaphore_mem>>
      %dma_start3A_29 = arith.constant 0 : i32
      %dma_start3A_30 = tpu.memref_slice %arg6[%mul3A_2, %dma_start3A_29] : memref<10240x128xf32, #tpu.memory_space<vmem_shared>> -> memref<640x128xf32, #tpu.memory_space<vmem_shared>>
      %dma_start3A_31 = arith.constant 0 : i32
      %dma_start3A_32 = tpu.memref_slice %arg4[%mul3A_2, %dma_start3A_31] : memref<10240x128xf32, #tpu.memory_space<hbm>> -> memref<640x128xf32, #tpu.memory_space<hbm>>
      tpu.enqueue_dma source(%dma_start3A_32 : memref<640x128xf32, #tpu.memory_space<hbm>>) target(%dma_start3A_30 : memref<640x128xf32, #tpu.memory_space<vmem_shared>>) target_semaphore(%run_scoped3A : memref<!tpu.dma_semaphore, #tpu.memory_space<semaphore_mem>>)
      %dma_wait3A_33 = arith.constant 0 : i32
      %dma_wait3A_34 = tpu.memref_slice %arg6[%mul3A_2, %dma_wait3A_33] : memref<10240x128xf32, #tpu.memory_space<vmem_shared>> -> memref<640x128xf32, #tpu.memory_space<vmem_shared>>
      %dma_wait3A_35 = arith.constant 0 : i32
      %dma_wait3A_36 = tpu.memref_slice %arg4[%mul3A_2, %dma_wait3A_35] : memref<10240x128xf32, #tpu.memory_space<hbm>> -> memref<640x128xf32, #tpu.memory_space<hbm>>
      tpu.wait_dma2 semaphore(%run_scoped3A : memref<!tpu.dma_semaphore, #tpu.memory_space<semaphore_mem>>) src(%dma_wait3A_36 : memref<640x128xf32, #tpu.memory_space<hbm>>) dst(%dma_wait3A_34 : memref<640x128xf32, #tpu.memory_space<vmem_shared>>)
      tpu.yield
    }) : () -> ()
    %barrier3A = arith.constant 0 : index
    tpu.barrier barrier_id(%barrier3A)
    %dma_start3A = arith.constant 0 : i32
    %dma_start3A_3 = arith.constant 0 : i32
    %dma_start3A_4 = arith.constant 0 : i32
    %dma_start3A_5 = arith.constant 0 : i32
    %dma_start3A_6 = tpu.memref_slice %arg3[%add3A, %dma_start3A, %dma_start3A_3, %dma_start3A_4, %dma_start3A_5] : memref<32x20x2x8x64xi32, #tpu.memory_space<hbm>> -> memref<1x1x2x8x64xi32, #tpu.memory_space<hbm>>
    %dma_start3A_7 = tpu.memref_squeeze %dma_start3A_6 : memref<1x1x2x8x64xi32, #tpu.memory_space<hbm>> -> memref<2x8x64xi32, #tpu.memory_space<hbm>>
    %dma_start3A_8 = arith.constant 0 : i32
    %dma_start3A_9 = arith.constant 0 : i32
    %dma_start3A_10 = arith.constant 0 : i32
    %dma_start3A_11 = tpu.memref_slice %arg3[%add3A, %dma_start3A, %dma_start3A_8, %dma_start3A_9, %dma_start3A_10] : memref<32x20x2x8x64xi32, #tpu.memory_space<hbm>> -> memref<1x1x2x8x64xi32, #tpu.memory_space<hbm>>
    %dma_start3A_12 = tpu.memref_squeeze %dma_start3A_11 : memref<1x1x2x8x64xi32, #tpu.memory_space<hbm>> -> memref<2x8x64xi32, #tpu.memory_space<hbm>>
    tpu.enqueue_dma source(%dma_start3A_12 : memref<2x8x64xi32, #tpu.memory_space<hbm>>) target(%arg7 : memref<2x8x64xi32, #tpu.memory_space<vmem>>) target_semaphore(%arg13 : memref<!tpu.dma_semaphore, #tpu.memory_space<semaphore_mem>>)
    %scan3A = arith.constant 0 : i32
    %scan3A_13 = arith.constant 0 : i32
    %scan3A_14 = arith.constant 10 : i32
    %scan3A_15 = arith.addi %scan3A_13, %scan3A_14 : i32
    %scan3A_16 = arith.constant 1 : i32
    scf.for %scan3A_29 = %scan3A_13 to %scan3A_15 step %scan3A_16  : i32 {
      %mul3A_30 = arith.constant 2 : i32
      %mul3A_31 = arith.muli %mul3A_30, %scan3A_29 : i32
      %dma_wait3A_32 = arith.constant 0 : i32
      %dma_wait3A_33 = arith.constant 0 : i32
      %dma_wait3A_34 = arith.constant 0 : i32
      %dma_wait3A_35 = arith.constant 0 : i32
      %dma_wait3A_36 = tpu.memref_slice %arg3[%add3A, %dma_wait3A_32, %dma_wait3A_33, %dma_wait3A_34, %dma_wait3A_35] : memref<32x20x2x8x64xi32, #tpu.memory_space<hbm>> -> memref<1x1x2x8x64xi32, #tpu.memory_space<hbm>>
      %dma_wait3A_37 = tpu.memref_squeeze %dma_wait3A_36 : memref<1x1x2x8x64xi32, #tpu.memory_space<hbm>> -> memref<2x8x64xi32, #tpu.memory_space<hbm>>
      %dma_wait3A_38 = arith.constant 0 : i32
      %dma_wait3A_39 = arith.constant 0 : i32
      %dma_wait3A_40 = arith.constant 0 : i32
      %dma_wait3A_41 = tpu.memref_slice %arg3[%add3A, %dma_wait3A_32, %dma_wait3A_38, %dma_wait3A_39, %dma_wait3A_40] : memref<32x20x2x8x64xi32, #tpu.memory_space<hbm>> -> memref<1x1x2x8x64xi32, #tpu.memory_space<hbm>>
      %dma_wait3A_42 = tpu.memref_squeeze %dma_wait3A_41 : memref<1x1x2x8x64xi32, #tpu.memory_space<hbm>> -> memref<2x8x64xi32, #tpu.memory_space<hbm>>
      tpu.wait_dma2 semaphore(%arg13 : memref<!tpu.dma_semaphore, #tpu.memory_space<semaphore_mem>>) src(%dma_wait3A_42 : memref<2x8x64xi32, #tpu.memory_space<hbm>>) dst(%arg7 : memref<2x8x64xi32, #tpu.memory_space<vmem>>)
      %add3A_43 = arith.constant 1 : i32
      %add3A_44 = arith.addi %mul3A_31, %add3A_43 : i32
      %dma_start3A_45 = arith.constant 0 : i32
      %dma_start3A_46 = arith.constant 0 : i32
      %dma_start3A_47 = arith.constant 0 : i32
      %dma_start3A_48 = tpu.memref_slice %arg3[%add3A, %add3A_44, %dma_start3A_45, %dma_start3A_46, %dma_start3A_47] : memref<32x20x2x8x64xi32, #tpu.memory_space<hbm>> -> memref<1x1x2x8x64xi32, #tpu.memory_space<hbm>>
      %dma_start3A_49 = tpu.memref_squeeze %dma_start3A_48 : memref<1x1x2x8x64xi32, #tpu.memory_space<hbm>> -> memref<2x8x64xi32, #tpu.memory_space<hbm>>
      %dma_start3A_50 = arith.constant 0 : i32
      %dma_start3A_51 = arith.constant 0 : i32
      %dma_start3A_52 = arith.constant 0 : i32
      %dma_start3A_53 = tpu.memref_slice %arg3[%add3A, %add3A_44, %dma_start3A_50, %dma_start3A_51, %dma_start3A_52] : memref<32x20x2x8x64xi32, #tpu.memory_space<hbm>> -> memref<1x1x2x8x64xi32, #tpu.memory_space<hbm>>
      %dma_start3A_54 = tpu.memref_squeeze %dma_start3A_53 : memref<1x1x2x8x64xi32, #tpu.memory_space<hbm>> -> memref<2x8x64xi32, #tpu.memory_space<hbm>>
      tpu.enqueue_dma source(%dma_start3A_54 : memref<2x8x64xi32, #tpu.memory_space<hbm>>) target(%arg8 : memref<2x8x64xi32, #tpu.memory_space<vmem>>) target_semaphore(%arg14 : memref<!tpu.dma_semaphore, #tpu.memory_space<semaphore_mem>>)
      %dma_start3A_55 = arith.constant 0 : i32
      %dma_start3A_56 = arith.constant 0 : i32
      %dma_start3A_57 = arith.constant 0 : i32
      %dma_start3A_58 = tpu.memref_slice %arg7[%dma_start3A_55, %dma_start3A_56, %dma_start3A_57] : memref<2x8x64xi32, #tpu.memory_space<vmem>> -> memref<1x1x64xi32, #tpu.memory_space<vmem>>
      %dma_start3A_59 = tpu.memref_squeeze %dma_start3A_58 : memref<1x1x64xi32, #tpu.memory_space<vmem>> -> memref<64xi32, #tpu.memory_space<vmem>>
      %dma_start3A_60 = arith.constant 0 : i32
      %dma_start3A_61 = arith.constant 0 : i32
      %dma_start3A_62 = tpu.memref_slice %arg2[%dma_start3A_60, %dma_start3A_61] : memref<10240x128xf32, #tpu.memory_space<hbm>> -> memref<10240x128xf32, #tpu.memory_space<hbm>>
      tpu.enqueue_indirect_dma source(%dma_start3A_62 : memref<10240x128xf32, #tpu.memory_space<hbm>>) target(%arg9 : memref<64x128xf32, #tpu.memory_space<vmem>>) offsets(%dma_start3A_59 : memref<64xi32, #tpu.memory_space<vmem>>) semaphore(%arg11 : memref<!tpu.dma_semaphore, #tpu.memory_space<semaphore_mem>>)
      %dma_start3A_63 = arith.constant 0 : i32
      %dma_start3A_64 = arith.constant 1 : i32
      %dma_start3A_65 = arith.constant 0 : i32
      %dma_start3A_66 = tpu.memref_slice %arg7[%dma_start3A_63, %dma_start3A_64, %dma_start3A_65] : memref<2x8x64xi32, #tpu.memory_space<vmem>> -> memref<1x1x64xi32, #tpu.memory_space<vmem>>
      %dma_start3A_67 = tpu.memref_squeeze %dma_start3A_66 : memref<1x1x64xi32, #tpu.memory_space<vmem>> -> memref<64xi32, #tpu.memory_space<vmem>>
      %dma_start3A_68 = arith.constant 0 : i32
      %dma_start3A_69 = arith.constant 0 : i32
      %dma_start3A_70 = tpu.memref_slice %arg2[%dma_start3A_68, %dma_start3A_69] : memref<10240x128xf32, #tpu.memory_space<hbm>> -> memref<10240x128xf32, #tpu.memory_space<hbm>>
      tpu.enqueue_indirect_dma source(%dma_start3A_70 : memref<10240x128xf32, #tpu.memory_space<hbm>>) target(%arg10 : memref<64x128xf32, #tpu.memory_space<vmem>>) offsets(%dma_start3A_67 : memref<64xi32, #tpu.memory_space<vmem>>) semaphore(%arg12 : memref<!tpu.dma_semaphore, #tpu.memory_space<semaphore_mem>>)
      %dma_wait3A_71 = arith.constant 0 : i32
      %dma_wait3A_72 = arith.constant 0 : i32
      %dma_wait3A_73 = arith.constant 0 : i32
      %dma_wait3A_74 = tpu.memref_slice %arg7[%dma_wait3A_71, %dma_wait3A_72, %dma_wait3A_73] : memref<2x8x64xi32, #tpu.memory_space<vmem>> -> memref<1x1x64xi32, #tpu.memory_space<vmem>>
      %dma_wait3A_75 = tpu.memref_squeeze %dma_wait3A_74 : memref<1x1x64xi32, #tpu.memory_space<vmem>> -> memref<64xi32, #tpu.memory_space<vmem>>
      %dma_wait3A_76 = arith.constant 0 : i32
      %dma_wait3A_77 = arith.constant 0 : i32
      %dma_wait3A_78 = tpu.memref_slice %arg2[%dma_wait3A_76, %dma_wait3A_77] : memref<10240x128xf32, #tpu.memory_space<hbm>> -> memref<10240x128xf32, #tpu.memory_space<hbm>>
      tpu.wait_indirect_dma semaphore(%arg11 : memref<!tpu.dma_semaphore, #tpu.memory_space<semaphore_mem>>) src(%dma_wait3A_78 : memref<10240x128xf32, #tpu.memory_space<hbm>>) dst(%arg9 : memref<64x128xf32, #tpu.memory_space<vmem>>)
      %run_scoped3A = arith.constant 1 : i32
      %run_scoped3A_79 = arith.constant 0 : i32
      "tpu.region"() ({
        %run_scoped3A_366 = tpu.sem_alloc : memref<!tpu.dma_semaphore, #tpu.memory_space<semaphore_mem>>
        %dma_start3A_367 = arith.constant 0 : i32
        %dma_start3A_368 = tpu.memref_slice %arg7[%run_scoped3A, %run_scoped3A_79, %dma_start3A_367] : memref<2x8x64xi32, #tpu.memory_space<vmem>> -> memref<1x1x64xi32, #tpu.memory_space<vmem>>
        %dma_start3A_369 = tpu.memref_squeeze %dma_start3A_368 : memref<1x1x64xi32, #tpu.memory_space<vmem>> -> memref<64xi32, #tpu.memory_space<vmem>>
        %dma_start3A_370 = arith.constant 0 : i32
        %dma_start3A_371 = arith.constant 0 : i32
        %dma_start3A_372 = tpu.memref_slice %arg6[%dma_start3A_370, %dma_start3A_371] : memref<10240x128xf32, #tpu.memory_space<vmem_shared>> -> memref<10240x128xf32, #tpu.memory_space<vmem_shared>>
        tpu.enqueue_indirect_dma source(%arg9 : memref<64x128xf32, #tpu.memory_space<vmem>>) target(%dma_start3A_372 : memref<10240x128xf32, #tpu.memory_space<vmem_shared>>) offsets(%dma_start3A_369 : memref<64xi32, #tpu.memory_space<vmem>>) semaphore(%run_scoped3A_366 : memref<!tpu.dma_semaphore, #tpu.memory_space<semaphore_mem>>) {add = true}
        %dma_wait3A_373 = arith.constant 0 : i32
        %dma_wait3A_374 = tpu.memref_slice %arg7[%run_scoped3A, %run_scoped3A_79, %dma_wait3A_373] : memref<2x8x64xi32, #tpu.memory_space<vmem>> -> memref<1x1x64xi32, #tpu.memory_space<vmem>>
        %dma_wait3A_375 = tpu.memref_squeeze %dma_wait3A_374 : memref<1x1x64xi32, #tpu.memory_space<vmem>> -> memref<64xi32, #tpu.memory_space<vmem>>
        %dma_wait3A_376 = arith.constant 0 : i32
        %dma_wait3A_377 = arith.constant 0 : i32
        %dma_wait3A_378 = tpu.memref_slice %arg6[%dma_wait3A_376, %dma_wait3A_377] : memref<10240x128xf32, #tpu.memory_space<vmem_shared>> -> memref<10240x128xf32, #tpu.memory_space<vmem_shared>>
        tpu.wait_indirect_dma semaphore(%run_scoped3A_366 : memref<!tpu.dma_semaphore, #tpu.memory_space<semaphore_mem>>) src(%arg9 : memref<64x128xf32, #tpu.memory_space<vmem>>) dst(%dma_wait3A_378 : memref<10240x128xf32, #tpu.memory_space<vmem_shared>>)
        tpu.yield
      }) : () -> ()
      %dma_start3A_80 = arith.constant 0 : i32
      %dma_start3A_81 = arith.constant 2 : i32
      %dma_start3A_82 = arith.constant 0 : i32
      %dma_start3A_83 = tpu.memref_slice %arg7[%dma_start3A_80, %dma_start3A_81, %dma_start3A_82] : memref<2x8x64xi32, #tpu.memory_space<vmem>> -> memref<1x1x64xi32, #tpu.memory_space<vmem>>
      %dma_start3A_84 = tpu.memref_squeeze %dma_start3A_83 : memref<1x1x64xi32, #tpu.memory_space<vmem>> -> memref<64xi32, #tpu.memory_space<vmem>>
      %dma_start3A_85 = arith.constant 0 : i32
      %dma_start3A_86 = arith.constant 0 : i32
      %dma_start3A_87 = tpu.memref_slice %arg2[%dma_start3A_85, %dma_start3A_86] : memref<10240x128xf32, #tpu.memory_space<hbm>> -> memref<10240x128xf32, #tpu.memory_space<hbm>>
      tpu.enqueue_indirect_dma source(%dma_start3A_87 : memref<10240x128xf32, #tpu.memory_space<hbm>>) target(%arg9 : memref<64x128xf32, #tpu.memory_space<vmem>>) offsets(%dma_start3A_84 : memref<64xi32, #tpu.memory_space<vmem>>) semaphore(%arg11 : memref<!tpu.dma_semaphore, #tpu.memory_space<semaphore_mem>>)
      %dma_wait3A_88 = arith.constant 0 : i32
      %dma_wait3A_89 = arith.constant 1 : i32
      %dma_wait3A_90 = arith.constant 0 : i32
      %dma_wait3A_91 = tpu.memref_slice %arg7[%dma_wait3A_88, %dma_wait3A_89, %dma_wait3A_90] : memref<2x8x64xi32, #tpu.memory_space<vmem>> -> memref<1x1x64xi32, #tpu.memory_space<vmem>>
      %dma_wait3A_92 = tpu.memref_squeeze %dma_wait3A_91 : memref<1x1x64xi32, #tpu.memory_space<vmem>> -> memref<64xi32, #tpu.memory_space<vmem>>
      %dma_wait3A_93 = arith.constant 0 : i32
      %dma_wait3A_94 = arith.constant 0 : i32
      %dma_wait3A_95 = tpu.memref_slice %arg2[%dma_wait3A_93, %dma_wait3A_94] : memref<10240x128xf32, #tpu.memory_space<hbm>> -> memref<10240x128xf32, #tpu.memory_space<hbm>>
      tpu.wait_indirect_dma semaphore(%arg12 : memref<!tpu.dma_semaphore, #tpu.memory_space<semaphore_mem>>) src(%dma_wait3A_95 : memref<10240x128xf32, #tpu.memory_space<hbm>>) dst(%arg10 : memref<64x128xf32, #tpu.memory_space<vmem>>)
      %run_scoped3A_96 = arith.constant 1 : i32
      %run_scoped3A_97 = arith.constant 1 : i32
      "tpu.region"() ({
        %run_scoped3A_366 = tpu.sem_alloc : memref<!tpu.dma_semaphore, #tpu.memory_space<semaphore_mem>>
        %dma_start3A_367 = arith.constant 0 : i32
        %dma_start3A_368 = tpu.memref_slice %arg7[%run_scoped3A_96, %run_scoped3A_97, %dma_start3A_367] : memref<2x8x64xi32, #tpu.memory_space<vmem>> -> memref<1x1x64xi32, #tpu.memory_space<vmem>>
        %dma_start3A_369 = tpu.memref_squeeze %dma_start3A_368 : memref<1x1x64xi32, #tpu.memory_space<vmem>> -> memref<64xi32, #tpu.memory_space<vmem>>
        %dma_start3A_370 = arith.constant 0 : i32
        %dma_start3A_371 = arith.constant 0 : i32
        %dma_start3A_372 = tpu.memref_slice %arg6[%dma_start3A_370, %dma_start3A_371] : memref<10240x128xf32, #tpu.memory_space<vmem_shared>> -> memref<10240x128xf32, #tpu.memory_space<vmem_shared>>
        tpu.enqueue_indirect_dma source(%arg10 : memref<64x128xf32, #tpu.memory_space<vmem>>) target(%dma_start3A_372 : memref<10240x128xf32, #tpu.memory_space<vmem_shared>>) offsets(%dma_start3A_369 : memref<64xi32, #tpu.memory_space<vmem>>) semaphore(%run_scoped3A_366 : memref<!tpu.dma_semaphore, #tpu.memory_space<semaphore_mem>>) {add = true}
        %dma_wait3A_373 = arith.constant 0 : i32
        %dma_wait3A_374 = tpu.memref_slice %arg7[%run_scoped3A_96, %run_scoped3A_97, %dma_wait3A_373] : memref<2x8x64xi32, #tpu.memory_space<vmem>> -> memref<1x1x64xi32, #tpu.memory_space<vmem>>
        %dma_wait3A_375 = tpu.memref_squeeze %dma_wait3A_374 : memref<1x1x64xi32, #tpu.memory_space<vmem>> -> memref<64xi32, #tpu.memory_space<vmem>>
        %dma_wait3A_376 = arith.constant 0 : i32
        %dma_wait3A_377 = arith.constant 0 : i32
        %dma_wait3A_378 = tpu.memref_slice %arg6[%dma_wait3A_376, %dma_wait3A_377] : memref<10240x128xf32, #tpu.memory_space<vmem_shared>> -> memref<10240x128xf32, #tpu.memory_space<vmem_shared>>
        tpu.wait_indirect_dma semaphore(%run_scoped3A_366 : memref<!tpu.dma_semaphore, #tpu.memory_space<semaphore_mem>>) src(%arg10 : memref<64x128xf32, #tpu.memory_space<vmem>>) dst(%dma_wait3A_378 : memref<10240x128xf32, #tpu.memory_space<vmem_shared>>)
        tpu.yield
      }) : () -> ()
      %dma_start3A_98 = arith.constant 0 : i32
      %dma_start3A_99 = arith.constant 3 : i32
      %dma_start3A_100 = arith.constant 0 : i32
      %dma_start3A_101 = tpu.memref_slice %arg7[%dma_start3A_98, %dma_start3A_99, %dma_start3A_100] : memref<2x8x64xi32, #tpu.memory_space<vmem>> -> memref<1x1x64xi32, #tpu.memory_space<vmem>>
      %dma_start3A_102 = tpu.memref_squeeze %dma_start3A_101 : memref<1x1x64xi32, #tpu.memory_space<vmem>> -> memref<64xi32, #tpu.memory_space<vmem>>
      %dma_start3A_103 = arith.constant 0 : i32
      %dma_start3A_104 = arith.constant 0 : i32
      %dma_start3A_105 = tpu.memref_slice %arg2[%dma_start3A_103, %dma_start3A_104] : memref<10240x128xf32, #tpu.memory_space<hbm>> -> memref<10240x128xf32, #tpu.memory_space<hbm>>
      tpu.enqueue_indirect_dma source(%dma_start3A_105 : memref<10240x128xf32, #tpu.memory_space<hbm>>) target(%arg10 : memref<64x128xf32, #tpu.memory_space<vmem>>) offsets(%dma_start3A_102 : memref<64xi32, #tpu.memory_space<vmem>>) semaphore(%arg12 : memref<!tpu.dma_semaphore, #tpu.memory_space<semaphore_mem>>)
      %dma_wait3A_106 = arith.constant 0 : i32
      %dma_wait3A_107 = arith.constant 2 : i32
      %dma_wait3A_108 = arith.constant 0 : i32
      %dma_wait3A_109 = tpu.memref_slice %arg7[%dma_wait3A_106, %dma_wait3A_107, %dma_wait3A_108] : memref<2x8x64xi32, #tpu.memory_space<vmem>> -> memref<1x1x64xi32, #tpu.memory_space<vmem>>
      %dma_wait3A_110 = tpu.memref_squeeze %dma_wait3A_109 : memref<1x1x64xi32, #tpu.memory_space<vmem>> -> memref<64xi32, #tpu.memory_space<vmem>>
      %dma_wait3A_111 = arith.constant 0 : i32
      %dma_wait3A_112 = arith.constant 0 : i32
      %dma_wait3A_113 = tpu.memref_slice %arg2[%dma_wait3A_111, %dma_wait3A_112] : memref<10240x128xf32, #tpu.memory_space<hbm>> -> memref<10240x128xf32, #tpu.memory_space<hbm>>
      tpu.wait_indirect_dma semaphore(%arg11 : memref<!tpu.dma_semaphore, #tpu.memory_space<semaphore_mem>>) src(%dma_wait3A_113 : memref<10240x128xf32, #tpu.memory_space<hbm>>) dst(%arg9 : memref<64x128xf32, #tpu.memory_space<vmem>>)
      %run_scoped3A_114 = arith.constant 1 : i32
      %run_scoped3A_115 = arith.constant 2 : i32
      "tpu.region"() ({
        %run_scoped3A_366 = tpu.sem_alloc : memref<!tpu.dma_semaphore, #tpu.memory_space<semaphore_mem>>
        %dma_start3A_367 = arith.constant 0 : i32
        %dma_start3A_368 = tpu.memref_slice %arg7[%run_scoped3A_114, %run_scoped3A_115, %dma_start3A_367] : memref<2x8x64xi32, #tpu.memory_space<vmem>> -> memref<1x1x64xi32, #tpu.memory_space<vmem>>
        %dma_start3A_369 = tpu.memref_squeeze %dma_start3A_368 : memref<1x1x64xi32, #tpu.memory_space<vmem>> -> memref<64xi32, #tpu.memory_space<vmem>>
        %dma_start3A_370 = arith.constant 0 : i32
        %dma_start3A_371 = arith.constant 0 : i32
        %dma_start3A_372 = tpu.memref_slice %arg6[%dma_start3A_370, %dma_start3A_371] : memref<10240x128xf32, #tpu.memory_space<vmem_shared>> -> memref<10240x128xf32, #tpu.memory_space<vmem_shared>>
        tpu.enqueue_indirect_dma source(%arg9 : memref<64x128xf32, #tpu.memory_space<vmem>>) target(%dma_start3A_372 : memref<10240x128xf32, #tpu.memory_space<vmem_shared>>) offsets(%dma_start3A_369 : memref<64xi32, #tpu.memory_space<vmem>>) semaphore(%run_scoped3A_366 : memref<!tpu.dma_semaphore, #tpu.memory_space<semaphore_mem>>) {add = true}
        %dma_wait3A_373 = arith.constant 0 : i32
        %dma_wait3A_374 = tpu.memref_slice %arg7[%run_scoped3A_114, %run_scoped3A_115, %dma_wait3A_373] : memref<2x8x64xi32, #tpu.memory_space<vmem>> -> memref<1x1x64xi32, #tpu.memory_space<vmem>>
        %dma_wait3A_375 = tpu.memref_squeeze %dma_wait3A_374 : memref<1x1x64xi32, #tpu.memory_space<vmem>> -> memref<64xi32, #tpu.memory_space<vmem>>
        %dma_wait3A_376 = arith.constant 0 : i32
        %dma_wait3A_377 = arith.constant 0 : i32
        %dma_wait3A_378 = tpu.memref_slice %arg6[%dma_wait3A_376, %dma_wait3A_377] : memref<10240x128xf32, #tpu.memory_space<vmem_shared>> -> memref<10240x128xf32, #tpu.memory_space<vmem_shared>>
        tpu.wait_indirect_dma semaphore(%run_scoped3A_366 : memref<!tpu.dma_semaphore, #tpu.memory_space<semaphore_mem>>) src(%arg9 : memref<64x128xf32, #tpu.memory_space<vmem>>) dst(%dma_wait3A_378 : memref<10240x128xf32, #tpu.memory_space<vmem_shared>>)
        tpu.yield
      }) : () -> ()
      %dma_start3A_116 = arith.constant 0 : i32
      %dma_start3A_117 = arith.constant 4 : i32
      %dma_start3A_118 = arith.constant 0 : i32
      %dma_start3A_119 = tpu.memref_slice %arg7[%dma_start3A_116, %dma_start3A_117, %dma_start3A_118] : memref<2x8x64xi32, #tpu.memory_space<vmem>> -> memref<1x1x64xi32, #tpu.memory_space<vmem>>
      %dma_start3A_120 = tpu.memref_squeeze %dma_start3A_119 : memref<1x1x64xi32, #tpu.memory_space<vmem>> -> memref<64xi32, #tpu.memory_space<vmem>>
      %dma_start3A_121 = arith.constant 0 : i32
      %dma_start3A_122 = arith.constant 0 : i32
      %dma_start3A_123 = tpu.memref_slice %arg2[%dma_start3A_121, %dma_start3A_122] : memref<10240x128xf32, #tpu.memory_space<hbm>> -> memref<10240x128xf32, #tpu.memory_space<hbm>>
      tpu.enqueue_indirect_dma source(%dma_start3A_123 : memref<10240x128xf32, #tpu.memory_space<hbm>>) target(%arg9 : memref<64x128xf32, #tpu.memory_space<vmem>>) offsets(%dma_start3A_120 : memref<64xi32, #tpu.memory_space<vmem>>) semaphore(%arg11 : memref<!tpu.dma_semaphore, #tpu.memory_space<semaphore_mem>>)
      %dma_wait3A_124 = arith.constant 0 : i32
      %dma_wait3A_125 = arith.constant 3 : i32
      %dma_wait3A_126 = arith.constant 0 : i32
      %dma_wait3A_127 = tpu.memref_slice %arg7[%dma_wait3A_124, %dma_wait3A_125, %dma_wait3A_126] : memref<2x8x64xi32, #tpu.memory_space<vmem>> -> memref<1x1x64xi32, #tpu.memory_space<vmem>>
      %dma_wait3A_128 = tpu.memref_squeeze %dma_wait3A_127 : memref<1x1x64xi32, #tpu.memory_space<vmem>> -> memref<64xi32, #tpu.memory_space<vmem>>
      %dma_wait3A_129 = arith.constant 0 : i32
      %dma_wait3A_130 = arith.constant 0 : i32
      %dma_wait3A_131 = tpu.memref_slice %arg2[%dma_wait3A_129, %dma_wait3A_130] : memref<10240x128xf32, #tpu.memory_space<hbm>> -> memref<10240x128xf32, #tpu.memory_space<hbm>>
      tpu.wait_indirect_dma semaphore(%arg12 : memref<!tpu.dma_semaphore, #tpu.memory_space<semaphore_mem>>) src(%dma_wait3A_131 : memref<10240x128xf32, #tpu.memory_space<hbm>>) dst(%arg10 : memref<64x128xf32, #tpu.memory_space<vmem>>)
      %run_scoped3A_132 = arith.constant 1 : i32
      %run_scoped3A_133 = arith.constant 3 : i32
      "tpu.region"() ({
        %run_scoped3A_366 = tpu.sem_alloc : memref<!tpu.dma_semaphore, #tpu.memory_space<semaphore_mem>>
        %dma_start3A_367 = arith.constant 0 : i32
        %dma_start3A_368 = tpu.memref_slice %arg7[%run_scoped3A_132, %run_scoped3A_133, %dma_start3A_367] : memref<2x8x64xi32, #tpu.memory_space<vmem>> -> memref<1x1x64xi32, #tpu.memory_space<vmem>>
        %dma_start3A_369 = tpu.memref_squeeze %dma_start3A_368 : memref<1x1x64xi32, #tpu.memory_space<vmem>> -> memref<64xi32, #tpu.memory_space<vmem>>
        %dma_start3A_370 = arith.constant 0 : i32
        %dma_start3A_371 = arith.constant 0 : i32
        %dma_start3A_372 = tpu.memref_slice %arg6[%dma_start3A_370, %dma_start3A_371] : memref<10240x128xf32, #tpu.memory_space<vmem_shared>> -> memref<10240x128xf32, #tpu.memory_space<vmem_shared>>
        tpu.enqueue_indirect_dma source(%arg10 : memref<64x128xf32, #tpu.memory_space<vmem>>) target(%dma_start3A_372 : memref<10240x128xf32, #tpu.memory_space<vmem_shared>>) offsets(%dma_start3A_369 : memref<64xi32, #tpu.memory_space<vmem>>) semaphore(%run_scoped3A_366 : memref<!tpu.dma_semaphore, #tpu.memory_space<semaphore_mem>>) {add = true}
        %dma_wait3A_373 = arith.constant 0 : i32
        %dma_wait3A_374 = tpu.memref_slice %arg7[%run_scoped3A_132, %run_scoped3A_133, %dma_wait3A_373] : memref<2x8x64xi32, #tpu.memory_space<vmem>> -> memref<1x1x64xi32, #tpu.memory_space<vmem>>
        %dma_wait3A_375 = tpu.memref_squeeze %dma_wait3A_374 : memref<1x1x64xi32, #tpu.memory_space<vmem>> -> memref<64xi32, #tpu.memory_space<vmem>>
        %dma_wait3A_376 = arith.constant 0 : i32
        %dma_wait3A_377 = arith.constant 0 : i32
        %dma_wait3A_378 = tpu.memref_slice %arg6[%dma_wait3A_376, %dma_wait3A_377] : memref<10240x128xf32, #tpu.memory_space<vmem_shared>> -> memref<10240x128xf32, #tpu.memory_space<vmem_shared>>
        tpu.wait_indirect_dma semaphore(%run_scoped3A_366 : memref<!tpu.dma_semaphore, #tpu.memory_space<semaphore_mem>>) src(%arg10 : memref<64x128xf32, #tpu.memory_space<vmem>>) dst(%dma_wait3A_378 : memref<10240x128xf32, #tpu.memory_space<vmem_shared>>)
        tpu.yield
      }) : () -> ()
      %dma_start3A_134 = arith.constant 0 : i32
      %dma_start3A_135 = arith.constant 5 : i32
      %dma_start3A_136 = arith.constant 0 : i32
      %dma_start3A_137 = tpu.memref_slice %arg7[%dma_start3A_134, %dma_start3A_135, %dma_start3A_136] : memref<2x8x64xi32, #tpu.memory_space<vmem>> -> memref<1x1x64xi32, #tpu.memory_space<vmem>>
      %dma_start3A_138 = tpu.memref_squeeze %dma_start3A_137 : memref<1x1x64xi32, #tpu.memory_space<vmem>> -> memref<64xi32, #tpu.memory_space<vmem>>
      %dma_start3A_139 = arith.constant 0 : i32
      %dma_start3A_140 = arith.constant 0 : i32
      %dma_start3A_141 = tpu.memref_slice %arg2[%dma_start3A_139, %dma_start3A_140] : memref<10240x128xf32, #tpu.memory_space<hbm>> -> memref<10240x128xf32, #tpu.memory_space<hbm>>
      tpu.enqueue_indirect_dma source(%dma_start3A_141 : memref<10240x128xf32, #tpu.memory_space<hbm>>) target(%arg10 : memref<64x128xf32, #tpu.memory_space<vmem>>) offsets(%dma_start3A_138 : memref<64xi32, #tpu.memory_space<vmem>>) semaphore(%arg12 : memref<!tpu.dma_semaphore, #tpu.memory_space<semaphore_mem>>)
      %dma_wait3A_142 = arith.constant 0 : i32
      %dma_wait3A_143 = arith.constant 4 : i32
      %dma_wait3A_144 = arith.constant 0 : i32
      %dma_wait3A_145 = tpu.memref_slice %arg7[%dma_wait3A_142, %dma_wait3A_143, %dma_wait3A_144] : memref<2x8x64xi32, #tpu.memory_space<vmem>> -> memref<1x1x64xi32, #tpu.memory_space<vmem>>
      %dma_wait3A_146 = tpu.memref_squeeze %dma_wait3A_145 : memref<1x1x64xi32, #tpu.memory_space<vmem>> -> memref<64xi32, #tpu.memory_space<vmem>>
      %dma_wait3A_147 = arith.constant 0 : i32
      %dma_wait3A_148 = arith.constant 0 : i32
      %dma_wait3A_149 = tpu.memref_slice %arg2[%dma_wait3A_147, %dma_wait3A_148] : memref<10240x128xf32, #tpu.memory_space<hbm>> -> memref<10240x128xf32, #tpu.memory_space<hbm>>
      tpu.wait_indirect_dma semaphore(%arg11 : memref<!tpu.dma_semaphore, #tpu.memory_space<semaphore_mem>>) src(%dma_wait3A_149 : memref<10240x128xf32, #tpu.memory_space<hbm>>) dst(%arg9 : memref<64x128xf32, #tpu.memory_space<vmem>>)
      %run_scoped3A_150 = arith.constant 1 : i32
      %run_scoped3A_151 = arith.constant 4 : i32
      "tpu.region"() ({
        %run_scoped3A_366 = tpu.sem_alloc : memref<!tpu.dma_semaphore, #tpu.memory_space<semaphore_mem>>
        %dma_start3A_367 = arith.constant 0 : i32
        %dma_start3A_368 = tpu.memref_slice %arg7[%run_scoped3A_150, %run_scoped3A_151, %dma_start3A_367] : memref<2x8x64xi32, #tpu.memory_space<vmem>> -> memref<1x1x64xi32, #tpu.memory_space<vmem>>
        %dma_start3A_369 = tpu.memref_squeeze %dma_start3A_368 : memref<1x1x64xi32, #tpu.memory_space<vmem>> -> memref<64xi32, #tpu.memory_space<vmem>>
        %dma_start3A_370 = arith.constant 0 : i32
        %dma_start3A_371 = arith.constant 0 : i32
        %dma_start3A_372 = tpu.memref_slice %arg6[%dma_start3A_370, %dma_start3A_371] : memref<10240x128xf32, #tpu.memory_space<vmem_shared>> -> memref<10240x128xf32, #tpu.memory_space<vmem_shared>>
        tpu.enqueue_indirect_dma source(%arg9 : memref<64x128xf32, #tpu.memory_space<vmem>>) target(%dma_start3A_372 : memref<10240x128xf32, #tpu.memory_space<vmem_shared>>) offsets(%dma_start3A_369 : memref<64xi32, #tpu.memory_space<vmem>>) semaphore(%run_scoped3A_366 : memref<!tpu.dma_semaphore, #tpu.memory_space<semaphore_mem>>) {add = true}
        %dma_wait3A_373 = arith.constant 0 : i32
        %dma_wait3A_374 = tpu.memref_slice %arg7[%run_scoped3A_150, %run_scoped3A_151, %dma_wait3A_373] : memref<2x8x64xi32, #tpu.memory_space<vmem>> -> memref<1x1x64xi32, #tpu.memory_space<vmem>>
        %dma_wait3A_375 = tpu.memref_squeeze %dma_wait3A_374 : memref<1x1x64xi32, #tpu.memory_space<vmem>> -> memref<64xi32, #tpu.memory_space<vmem>>
        %dma_wait3A_376 = arith.constant 0 : i32
        %dma_wait3A_377 = arith.constant 0 : i32
        %dma_wait3A_378 = tpu.memref_slice %arg6[%dma_wait3A_376, %dma_wait3A_377] : memref<10240x128xf32, #tpu.memory_space<vmem_shared>> -> memref<10240x128xf32, #tpu.memory_space<vmem_shared>>
        tpu.wait_indirect_dma semaphore(%run_scoped3A_366 : memref<!tpu.dma_semaphore, #tpu.memory_space<semaphore_mem>>) src(%arg9 : memref<64x128xf32, #tpu.memory_space<vmem>>) dst(%dma_wait3A_378 : memref<10240x128xf32, #tpu.memory_space<vmem_shared>>)
        tpu.yield
      }) : () -> ()
      %dma_start3A_152 = arith.constant 0 : i32
      %dma_start3A_153 = arith.constant 6 : i32
      %dma_start3A_154 = arith.constant 0 : i32
      %dma_start3A_155 = tpu.memref_slice %arg7[%dma_start3A_152, %dma_start3A_153, %dma_start3A_154] : memref<2x8x64xi32, #tpu.memory_space<vmem>> -> memref<1x1x64xi32, #tpu.memory_space<vmem>>
      %dma_start3A_156 = tpu.memref_squeeze %dma_start3A_155 : memref<1x1x64xi32, #tpu.memory_space<vmem>> -> memref<64xi32, #tpu.memory_space<vmem>>
      %dma_start3A_157 = arith.constant 0 : i32
      %dma_start3A_158 = arith.constant 0 : i32
      %dma_start3A_159 = tpu.memref_slice %arg2[%dma_start3A_157, %dma_start3A_158] : memref<10240x128xf32, #tpu.memory_space<hbm>> -> memref<10240x128xf32, #tpu.memory_space<hbm>>
      tpu.enqueue_indirect_dma source(%dma_start3A_159 : memref<10240x128xf32, #tpu.memory_space<hbm>>) target(%arg9 : memref<64x128xf32, #tpu.memory_space<vmem>>) offsets(%dma_start3A_156 : memref<64xi32, #tpu.memory_space<vmem>>) semaphore(%arg11 : memref<!tpu.dma_semaphore, #tpu.memory_space<semaphore_mem>>)
      %dma_wait3A_160 = arith.constant 0 : i32
      %dma_wait3A_161 = arith.constant 5 : i32
      %dma_wait3A_162 = arith.constant 0 : i32
      %dma_wait3A_163 = tpu.memref_slice %arg7[%dma_wait3A_160, %dma_wait3A_161, %dma_wait3A_162] : memref<2x8x64xi32, #tpu.memory_space<vmem>> -> memref<1x1x64xi32, #tpu.memory_space<vmem>>
      %dma_wait3A_164 = tpu.memref_squeeze %dma_wait3A_163 : memref<1x1x64xi32, #tpu.memory_space<vmem>> -> memref<64xi32, #tpu.memory_space<vmem>>
      %dma_wait3A_165 = arith.constant 0 : i32
      %dma_wait3A_166 = arith.constant 0 : i32
      %dma_wait3A_167 = tpu.memref_slice %arg2[%dma_wait3A_165, %dma_wait3A_166] : memref<10240x128xf32, #tpu.memory_space<hbm>> -> memref<10240x128xf32, #tpu.memory_space<hbm>>
      tpu.wait_indirect_dma semaphore(%arg12 : memref<!tpu.dma_semaphore, #tpu.memory_space<semaphore_mem>>) src(%dma_wait3A_167 : memref<10240x128xf32, #tpu.memory_space<hbm>>) dst(%arg10 : memref<64x128xf32, #tpu.memory_space<vmem>>)
      %run_scoped3A_168 = arith.constant 1 : i32
      %run_scoped3A_169 = arith.constant 5 : i32
      "tpu.region"() ({
        %run_scoped3A_366 = tpu.sem_alloc : memref<!tpu.dma_semaphore, #tpu.memory_space<semaphore_mem>>
        %dma_start3A_367 = arith.constant 0 : i32
        %dma_start3A_368 = tpu.memref_slice %arg7[%run_scoped3A_168, %run_scoped3A_169, %dma_start3A_367] : memref<2x8x64xi32, #tpu.memory_space<vmem>> -> memref<1x1x64xi32, #tpu.memory_space<vmem>>
        %dma_start3A_369 = tpu.memref_squeeze %dma_start3A_368 : memref<1x1x64xi32, #tpu.memory_space<vmem>> -> memref<64xi32, #tpu.memory_space<vmem>>
        %dma_start3A_370 = arith.constant 0 : i32
        %dma_start3A_371 = arith.constant 0 : i32
        %dma_start3A_372 = tpu.memref_slice %arg6[%dma_start3A_370, %dma_start3A_371] : memref<10240x128xf32, #tpu.memory_space<vmem_shared>> -> memref<10240x128xf32, #tpu.memory_space<vmem_shared>>
        tpu.enqueue_indirect_dma source(%arg10 : memref<64x128xf32, #tpu.memory_space<vmem>>) target(%dma_start3A_372 : memref<10240x128xf32, #tpu.memory_space<vmem_shared>>) offsets(%dma_start3A_369 : memref<64xi32, #tpu.memory_space<vmem>>) semaphore(%run_scoped3A_366 : memref<!tpu.dma_semaphore, #tpu.memory_space<semaphore_mem>>) {add = true}
        %dma_wait3A_373 = arith.constant 0 : i32
        %dma_wait3A_374 = tpu.memref_slice %arg7[%run_scoped3A_168, %run_scoped3A_169, %dma_wait3A_373] : memref<2x8x64xi32, #tpu.memory_space<vmem>> -> memref<1x1x64xi32, #tpu.memory_space<vmem>>
        %dma_wait3A_375 = tpu.memref_squeeze %dma_wait3A_374 : memref<1x1x64xi32, #tpu.memory_space<vmem>> -> memref<64xi32, #tpu.memory_space<vmem>>
        %dma_wait3A_376 = arith.constant 0 : i32
        %dma_wait3A_377 = arith.constant 0 : i32
        %dma_wait3A_378 = tpu.memref_slice %arg6[%dma_wait3A_376, %dma_wait3A_377] : memref<10240x128xf32, #tpu.memory_space<vmem_shared>> -> memref<10240x128xf32, #tpu.memory_space<vmem_shared>>
        tpu.wait_indirect_dma semaphore(%run_scoped3A_366 : memref<!tpu.dma_semaphore, #tpu.memory_space<semaphore_mem>>) src(%arg10 : memref<64x128xf32, #tpu.memory_space<vmem>>) dst(%dma_wait3A_378 : memref<10240x128xf32, #tpu.memory_space<vmem_shared>>)
        tpu.yield
      }) : () -> ()
      %dma_start3A_170 = arith.constant 0 : i32
      %dma_start3A_171 = arith.constant 7 : i32
      %dma_start3A_172 = arith.constant 0 : i32
      %dma_start3A_173 = tpu.memref_slice %arg7[%dma_start3A_170, %dma_start3A_171, %dma_start3A_172] : memref<2x8x64xi32, #tpu.memory_space<vmem>> -> memref<1x1x64xi32, #tpu.memory_space<vmem>>
      %dma_start3A_174 = tpu.memref_squeeze %dma_start3A_173 : memref<1x1x64xi32, #tpu.memory_space<vmem>> -> memref<64xi32, #tpu.memory_space<vmem>>
      %dma_start3A_175 = arith.constant 0 : i32
      %dma_start3A_176 = arith.constant 0 : i32
      %dma_start3A_177 = tpu.memref_slice %arg2[%dma_start3A_175, %dma_start3A_176] : memref<10240x128xf32, #tpu.memory_space<hbm>> -> memref<10240x128xf32, #tpu.memory_space<hbm>>
      tpu.enqueue_indirect_dma source(%dma_start3A_177 : memref<10240x128xf32, #tpu.memory_space<hbm>>) target(%arg10 : memref<64x128xf32, #tpu.memory_space<vmem>>) offsets(%dma_start3A_174 : memref<64xi32, #tpu.memory_space<vmem>>) semaphore(%arg12 : memref<!tpu.dma_semaphore, #tpu.memory_space<semaphore_mem>>)
      %dma_wait3A_178 = arith.constant 0 : i32
      %dma_wait3A_179 = arith.constant 6 : i32
      %dma_wait3A_180 = arith.constant 0 : i32
      %dma_wait3A_181 = tpu.memref_slice %arg7[%dma_wait3A_178, %dma_wait3A_179, %dma_wait3A_180] : memref<2x8x64xi32, #tpu.memory_space<vmem>> -> memref<1x1x64xi32, #tpu.memory_space<vmem>>
      %dma_wait3A_182 = tpu.memref_squeeze %dma_wait3A_181 : memref<1x1x64xi32, #tpu.memory_space<vmem>> -> memref<64xi32, #tpu.memory_space<vmem>>
      %dma_wait3A_183 = arith.constant 0 : i32
      %dma_wait3A_184 = arith.constant 0 : i32
      %dma_wait3A_185 = tpu.memref_slice %arg2[%dma_wait3A_183, %dma_wait3A_184] : memref<10240x128xf32, #tpu.memory_space<hbm>> -> memref<10240x128xf32, #tpu.memory_space<hbm>>
      tpu.wait_indirect_dma semaphore(%arg11 : memref<!tpu.dma_semaphore, #tpu.memory_space<semaphore_mem>>) src(%dma_wait3A_185 : memref<10240x128xf32, #tpu.memory_space<hbm>>) dst(%arg9 : memref<64x128xf32, #tpu.memory_space<vmem>>)
      %run_scoped3A_186 = arith.constant 1 : i32
      %run_scoped3A_187 = arith.constant 6 : i32
      "tpu.region"() ({
        %run_scoped3A_366 = tpu.sem_alloc : memref<!tpu.dma_semaphore, #tpu.memory_space<semaphore_mem>>
        %dma_start3A_367 = arith.constant 0 : i32
        %dma_start3A_368 = tpu.memref_slice %arg7[%run_scoped3A_186, %run_scoped3A_187, %dma_start3A_367] : memref<2x8x64xi32, #tpu.memory_space<vmem>> -> memref<1x1x64xi32, #tpu.memory_space<vmem>>
        %dma_start3A_369 = tpu.memref_squeeze %dma_start3A_368 : memref<1x1x64xi32, #tpu.memory_space<vmem>> -> memref<64xi32, #tpu.memory_space<vmem>>
        %dma_start3A_370 = arith.constant 0 : i32
        %dma_start3A_371 = arith.constant 0 : i32
        %dma_start3A_372 = tpu.memref_slice %arg6[%dma_start3A_370, %dma_start3A_371] : memref<10240x128xf32, #tpu.memory_space<vmem_shared>> -> memref<10240x128xf32, #tpu.memory_space<vmem_shared>>
        tpu.enqueue_indirect_dma source(%arg9 : memref<64x128xf32, #tpu.memory_space<vmem>>) target(%dma_start3A_372 : memref<10240x128xf32, #tpu.memory_space<vmem_shared>>) offsets(%dma_start3A_369 : memref<64xi32, #tpu.memory_space<vmem>>) semaphore(%run_scoped3A_366 : memref<!tpu.dma_semaphore, #tpu.memory_space<semaphore_mem>>) {add = true}
        %dma_wait3A_373 = arith.constant 0 : i32
        %dma_wait3A_374 = tpu.memref_slice %arg7[%run_scoped3A_186, %run_scoped3A_187, %dma_wait3A_373] : memref<2x8x64xi32, #tpu.memory_space<vmem>> -> memref<1x1x64xi32, #tpu.memory_space<vmem>>
        %dma_wait3A_375 = tpu.memref_squeeze %dma_wait3A_374 : memref<1x1x64xi32, #tpu.memory_space<vmem>> -> memref<64xi32, #tpu.memory_space<vmem>>
        %dma_wait3A_376 = arith.constant 0 : i32
        %dma_wait3A_377 = arith.constant 0 : i32
        %dma_wait3A_378 = tpu.memref_slice %arg6[%dma_wait3A_376, %dma_wait3A_377] : memref<10240x128xf32, #tpu.memory_space<vmem_shared>> -> memref<10240x128xf32, #tpu.memory_space<vmem_shared>>
        tpu.wait_indirect_dma semaphore(%run_scoped3A_366 : memref<!tpu.dma_semaphore, #tpu.memory_space<semaphore_mem>>) src(%arg9 : memref<64x128xf32, #tpu.memory_space<vmem>>) dst(%dma_wait3A_378 : memref<10240x128xf32, #tpu.memory_space<vmem_shared>>)
        tpu.yield
      }) : () -> ()
      %dma_wait3A_188 = arith.constant 0 : i32
      %dma_wait3A_189 = arith.constant 7 : i32
      %dma_wait3A_190 = arith.constant 0 : i32
      %dma_wait3A_191 = tpu.memref_slice %arg7[%dma_wait3A_188, %dma_wait3A_189, %dma_wait3A_190] : memref<2x8x64xi32, #tpu.memory_space<vmem>> -> memref<1x1x64xi32, #tpu.memory_space<vmem>>
      %dma_wait3A_192 = tpu.memref_squeeze %dma_wait3A_191 : memref<1x1x64xi32, #tpu.memory_space<vmem>> -> memref<64xi32, #tpu.memory_space<vmem>>
      %dma_wait3A_193 = arith.constant 0 : i32
      %dma_wait3A_194 = arith.constant 0 : i32
      %dma_wait3A_195 = tpu.memref_slice %arg2[%dma_wait3A_193, %dma_wait3A_194] : memref<10240x128xf32, #tpu.memory_space<hbm>> -> memref<10240x128xf32, #tpu.memory_space<hbm>>
      tpu.wait_indirect_dma semaphore(%arg12 : memref<!tpu.dma_semaphore, #tpu.memory_space<semaphore_mem>>) src(%dma_wait3A_195 : memref<10240x128xf32, #tpu.memory_space<hbm>>) dst(%arg10 : memref<64x128xf32, #tpu.memory_space<vmem>>)
      %run_scoped3A_196 = arith.constant 1 : i32
      %run_scoped3A_197 = arith.constant 7 : i32
      "tpu.region"() ({
        %run_scoped3A_366 = tpu.sem_alloc : memref<!tpu.dma_semaphore, #tpu.memory_space<semaphore_mem>>
        %dma_start3A_367 = arith.constant 0 : i32
        %dma_start3A_368 = tpu.memref_slice %arg7[%run_scoped3A_196, %run_scoped3A_197, %dma_start3A_367] : memref<2x8x64xi32, #tpu.memory_space<vmem>> -> memref<1x1x64xi32, #tpu.memory_space<vmem>>
        %dma_start3A_369 = tpu.memref_squeeze %dma_start3A_368 : memref<1x1x64xi32, #tpu.memory_space<vmem>> -> memref<64xi32, #tpu.memory_space<vmem>>
        %dma_start3A_370 = arith.constant 0 : i32
        %dma_start3A_371 = arith.constant 0 : i32
        %dma_start3A_372 = tpu.memref_slice %arg6[%dma_start3A_370, %dma_start3A_371] : memref<10240x128xf32, #tpu.memory_space<vmem_shared>> -> memref<10240x128xf32, #tpu.memory_space<vmem_shared>>
        tpu.enqueue_indirect_dma source(%arg10 : memref<64x128xf32, #tpu.memory_space<vmem>>) target(%dma_start3A_372 : memref<10240x128xf32, #tpu.memory_space<vmem_shared>>) offsets(%dma_start3A_369 : memref<64xi32, #tpu.memory_space<vmem>>) semaphore(%run_scoped3A_366 : memref<!tpu.dma_semaphore, #tpu.memory_space<semaphore_mem>>) {add = true}
        %dma_wait3A_373 = arith.constant 0 : i32
        %dma_wait3A_374 = tpu.memref_slice %arg7[%run_scoped3A_196, %run_scoped3A_197, %dma_wait3A_373] : memref<2x8x64xi32, #tpu.memory_space<vmem>> -> memref<1x1x64xi32, #tpu.memory_space<vmem>>
        %dma_wait3A_375 = tpu.memref_squeeze %dma_wait3A_374 : memref<1x1x64xi32, #tpu.memory_space<vmem>> -> memref<64xi32, #tpu.memory_space<vmem>>
        %dma_wait3A_376 = arith.constant 0 : i32
        %dma_wait3A_377 = arith.constant 0 : i32
        %dma_wait3A_378 = tpu.memref_slice %arg6[%dma_wait3A_376, %dma_wait3A_377] : memref<10240x128xf32, #tpu.memory_space<vmem_shared>> -> memref<10240x128xf32, #tpu.memory_space<vmem_shared>>
        tpu.wait_indirect_dma semaphore(%run_scoped3A_366 : memref<!tpu.dma_semaphore, #tpu.memory_space<semaphore_mem>>) src(%arg10 : memref<64x128xf32, #tpu.memory_space<vmem>>) dst(%dma_wait3A_378 : memref<10240x128xf32, #tpu.memory_space<vmem_shared>>)
        tpu.yield
      }) : () -> ()
      %dma_wait3A_198 = arith.constant 0 : i32
      %dma_wait3A_199 = arith.constant 0 : i32
      %dma_wait3A_200 = arith.constant 0 : i32
      %dma_wait3A_201 = arith.constant 0 : i32
      %dma_wait3A_202 = tpu.memref_slice %arg3[%add3A, %dma_wait3A_198, %dma_wait3A_199, %dma_wait3A_200, %dma_wait3A_201] : memref<32x20x2x8x64xi32, #tpu.memory_space<hbm>> -> memref<1x1x2x8x64xi32, #tpu.memory_space<hbm>>
      %dma_wait3A_203 = tpu.memref_squeeze %dma_wait3A_202 : memref<1x1x2x8x64xi32, #tpu.memory_space<hbm>> -> memref<2x8x64xi32, #tpu.memory_space<hbm>>
      %dma_wait3A_204 = arith.constant 0 : i32
      %dma_wait3A_205 = arith.constant 0 : i32
      %dma_wait3A_206 = arith.constant 0 : i32
      %dma_wait3A_207 = tpu.memref_slice %arg3[%add3A, %dma_wait3A_198, %dma_wait3A_204, %dma_wait3A_205, %dma_wait3A_206] : memref<32x20x2x8x64xi32, #tpu.memory_space<hbm>> -> memref<1x1x2x8x64xi32, #tpu.memory_space<hbm>>
      %dma_wait3A_208 = tpu.memref_squeeze %dma_wait3A_207 : memref<1x1x2x8x64xi32, #tpu.memory_space<hbm>> -> memref<2x8x64xi32, #tpu.memory_space<hbm>>
      tpu.wait_dma2 semaphore(%arg14 : memref<!tpu.dma_semaphore, #tpu.memory_space<semaphore_mem>>) src(%dma_wait3A_208 : memref<2x8x64xi32, #tpu.memory_space<hbm>>) dst(%arg8 : memref<2x8x64xi32, #tpu.memory_space<vmem>>)
      %add3A_209 = arith.constant 2 : i32
      %add3A_210 = arith.addi %mul3A_31, %add3A_209 : i32
      %min3A = arith.constant 19 : i32
      %min3A_211 = arith.minsi %add3A_210, %min3A : i32
      %dma_start3A_212 = arith.constant 0 : i32
      %dma_start3A_213 = arith.constant 0 : i32
      %dma_start3A_214 = arith.constant 0 : i32
      %dma_start3A_215 = tpu.memref_slice %arg3[%add3A, %min3A_211, %dma_start3A_212, %dma_start3A_213, %dma_start3A_214] : memref<32x20x2x8x64xi32, #tpu.memory_space<hbm>> -> memref<1x1x2x8x64xi32, #tpu.memory_space<hbm>>
      %dma_start3A_216 = tpu.memref_squeeze %dma_start3A_215 : memref<1x1x2x8x64xi32, #tpu.memory_space<hbm>> -> memref<2x8x64xi32, #tpu.memory_space<hbm>>
      %dma_start3A_217 = arith.constant 0 : i32
      %dma_start3A_218 = arith.constant 0 : i32
      %dma_start3A_219 = arith.constant 0 : i32
      %dma_start3A_220 = tpu.memref_slice %arg3[%add3A, %min3A_211, %dma_start3A_217, %dma_start3A_218, %dma_start3A_219] : memref<32x20x2x8x64xi32, #tpu.memory_space<hbm>> -> memref<1x1x2x8x64xi32, #tpu.memory_space<hbm>>
      %dma_start3A_221 = tpu.memref_squeeze %dma_start3A_220 : memref<1x1x2x8x64xi32, #tpu.memory_space<hbm>> -> memref<2x8x64xi32, #tpu.memory_space<hbm>>
      tpu.enqueue_dma source(%dma_start3A_221 : memref<2x8x64xi32, #tpu.memory_space<hbm>>) target(%arg7 : memref<2x8x64xi32, #tpu.memory_space<vmem>>) target_semaphore(%arg13 : memref<!tpu.dma_semaphore, #tpu.memory_space<semaphore_mem>>)
      %dma_start3A_222 = arith.constant 0 : i32
      %dma_start3A_223 = arith.constant 0 : i32
      %dma_start3A_224 = arith.constant 0 : i32
      %dma_start3A_225 = tpu.memref_slice %arg8[%dma_start3A_222, %dma_start3A_223, %dma_start3A_224] : memref<2x8x64xi32, #tpu.memory_space<vmem>> -> memref<1x1x64xi32, #tpu.memory_space<vmem>>
      %dma_start3A_226 = tpu.memref_squeeze %dma_start3A_225 : memref<1x1x64xi32, #tpu.memory_space<vmem>> -> memref<64xi32, #tpu.memory_space<vmem>>
      %dma_start3A_227 = arith.constant 0 : i32
      %dma_start3A_228 = arith.constant 0 : i32
      %dma_start3A_229 = tpu.memref_slice %arg2[%dma_start3A_227, %dma_start3A_228] : memref<10240x128xf32, #tpu.memory_space<hbm>> -> memref<10240x128xf32, #tpu.memory_space<hbm>>
      tpu.enqueue_indirect_dma source(%dma_start3A_229 : memref<10240x128xf32, #tpu.memory_space<hbm>>) target(%arg9 : memref<64x128xf32, #tpu.memory_space<vmem>>) offsets(%dma_start3A_226 : memref<64xi32, #tpu.memory_space<vmem>>) semaphore(%arg11 : memref<!tpu.dma_semaphore, #tpu.memory_space<semaphore_mem>>)
      %dma_start3A_230 = arith.constant 0 : i32
      %dma_start3A_231 = arith.constant 1 : i32
      %dma_start3A_232 = arith.constant 0 : i32
      %dma_start3A_233 = tpu.memref_slice %arg8[%dma_start3A_230, %dma_start3A_231, %dma_start3A_232] : memref<2x8x64xi32, #tpu.memory_space<vmem>> -> memref<1x1x64xi32, #tpu.memory_space<vmem>>
      %dma_start3A_234 = tpu.memref_squeeze %dma_start3A_233 : memref<1x1x64xi32, #tpu.memory_space<vmem>> -> memref<64xi32, #tpu.memory_space<vmem>>
      %dma_start3A_235 = arith.constant 0 : i32
      %dma_start3A_236 = arith.constant 0 : i32
      %dma_start3A_237 = tpu.memref_slice %arg2[%dma_start3A_235, %dma_start3A_236] : memref<10240x128xf32, #tpu.memory_space<hbm>> -> memref<10240x128xf32, #tpu.memory_space<hbm>>
      tpu.enqueue_indirect_dma source(%dma_start3A_237 : memref<10240x128xf32, #tpu.memory_space<hbm>>) target(%arg10 : memref<64x128xf32, #tpu.memory_space<vmem>>) offsets(%dma_start3A_234 : memref<64xi32, #tpu.memory_space<vmem>>) semaphore(%arg12 : memref<!tpu.dma_semaphore, #tpu.memory_space<semaphore_mem>>)
      %dma_wait3A_238 = arith.constant 0 : i32
      %dma_wait3A_239 = arith.constant 0 : i32
      %dma_wait3A_240 = arith.constant 0 : i32
      %dma_wait3A_241 = tpu.memref_slice %arg8[%dma_wait3A_238, %dma_wait3A_239, %dma_wait3A_240] : memref<2x8x64xi32, #tpu.memory_space<vmem>> -> memref<1x1x64xi32, #tpu.memory_space<vmem>>
      %dma_wait3A_242 = tpu.memref_squeeze %dma_wait3A_241 : memref<1x1x64xi32, #tpu.memory_space<vmem>> -> memref<64xi32, #tpu.memory_space<vmem>>
      %dma_wait3A_243 = arith.constant 0 : i32
      %dma_wait3A_244 = arith.constant 0 : i32
      %dma_wait3A_245 = tpu.memref_slice %arg2[%dma_wait3A_243, %dma_wait3A_244] : memref<10240x128xf32, #tpu.memory_space<hbm>> -> memref<10240x128xf32, #tpu.memory_space<hbm>>
      tpu.wait_indirect_dma semaphore(%arg11 : memref<!tpu.dma_semaphore, #tpu.memory_space<semaphore_mem>>) src(%dma_wait3A_245 : memref<10240x128xf32, #tpu.memory_space<hbm>>) dst(%arg9 : memref<64x128xf32, #tpu.memory_space<vmem>>)
      %run_scoped3A_246 = arith.constant 1 : i32
      %run_scoped3A_247 = arith.constant 0 : i32
      "tpu.region"() ({
        %run_scoped3A_366 = tpu.sem_alloc : memref<!tpu.dma_semaphore, #tpu.memory_space<semaphore_mem>>
        %dma_start3A_367 = arith.constant 0 : i32
        %dma_start3A_368 = tpu.memref_slice %arg8[%run_scoped3A_246, %run_scoped3A_247, %dma_start3A_367] : memref<2x8x64xi32, #tpu.memory_space<vmem>> -> memref<1x1x64xi32, #tpu.memory_space<vmem>>
        %dma_start3A_369 = tpu.memref_squeeze %dma_start3A_368 : memref<1x1x64xi32, #tpu.memory_space<vmem>> -> memref<64xi32, #tpu.memory_space<vmem>>
        %dma_start3A_370 = arith.constant 0 : i32
        %dma_start3A_371 = arith.constant 0 : i32
        %dma_start3A_372 = tpu.memref_slice %arg6[%dma_start3A_370, %dma_start3A_371] : memref<10240x128xf32, #tpu.memory_space<vmem_shared>> -> memref<10240x128xf32, #tpu.memory_space<vmem_shared>>
        tpu.enqueue_indirect_dma source(%arg9 : memref<64x128xf32, #tpu.memory_space<vmem>>) target(%dma_start3A_372 : memref<10240x128xf32, #tpu.memory_space<vmem_shared>>) offsets(%dma_start3A_369 : memref<64xi32, #tpu.memory_space<vmem>>) semaphore(%run_scoped3A_366 : memref<!tpu.dma_semaphore, #tpu.memory_space<semaphore_mem>>) {add = true}
        %dma_wait3A_373 = arith.constant 0 : i32
        %dma_wait3A_374 = tpu.memref_slice %arg8[%run_scoped3A_246, %run_scoped3A_247, %dma_wait3A_373] : memref<2x8x64xi32, #tpu.memory_space<vmem>> -> memref<1x1x64xi32, #tpu.memory_space<vmem>>
        %dma_wait3A_375 = tpu.memref_squeeze %dma_wait3A_374 : memref<1x1x64xi32, #tpu.memory_space<vmem>> -> memref<64xi32, #tpu.memory_space<vmem>>
        %dma_wait3A_376 = arith.constant 0 : i32
        %dma_wait3A_377 = arith.constant 0 : i32
        %dma_wait3A_378 = tpu.memref_slice %arg6[%dma_wait3A_376, %dma_wait3A_377] : memref<10240x128xf32, #tpu.memory_space<vmem_shared>> -> memref<10240x128xf32, #tpu.memory_space<vmem_shared>>
        tpu.wait_indirect_dma semaphore(%run_scoped3A_366 : memref<!tpu.dma_semaphore, #tpu.memory_space<semaphore_mem>>) src(%arg9 : memref<64x128xf32, #tpu.memory_space<vmem>>) dst(%dma_wait3A_378 : memref<10240x128xf32, #tpu.memory_space<vmem_shared>>)
        tpu.yield
      }) : () -> ()
      %dma_start3A_248 = arith.constant 0 : i32
      %dma_start3A_249 = arith.constant 2 : i32
      %dma_start3A_250 = arith.constant 0 : i32
      %dma_start3A_251 = tpu.memref_slice %arg8[%dma_start3A_248, %dma_start3A_249, %dma_start3A_250] : memref<2x8x64xi32, #tpu.memory_space<vmem>> -> memref<1x1x64xi32, #tpu.memory_space<vmem>>
      %dma_start3A_252 = tpu.memref_squeeze %dma_start3A_251 : memref<1x1x64xi32, #tpu.memory_space<vmem>> -> memref<64xi32, #tpu.memory_space<vmem>>
      %dma_start3A_253 = arith.constant 0 : i32
      %dma_start3A_254 = arith.constant 0 : i32
      %dma_start3A_255 = tpu.memref_slice %arg2[%dma_start3A_253, %dma_start3A_254] : memref<10240x128xf32, #tpu.memory_space<hbm>> -> memref<10240x128xf32, #tpu.memory_space<hbm>>
      tpu.enqueue_indirect_dma source(%dma_start3A_255 : memref<10240x128xf32, #tpu.memory_space<hbm>>) target(%arg9 : memref<64x128xf32, #tpu.memory_space<vmem>>) offsets(%dma_start3A_252 : memref<64xi32, #tpu.memory_space<vmem>>) semaphore(%arg11 : memref<!tpu.dma_semaphore, #tpu.memory_space<semaphore_mem>>)
      %dma_wait3A_256 = arith.constant 0 : i32
      %dma_wait3A_257 = arith.constant 1 : i32
      %dma_wait3A_258 = arith.constant 0 : i32
      %dma_wait3A_259 = tpu.memref_slice %arg8[%dma_wait3A_256, %dma_wait3A_257, %dma_wait3A_258] : memref<2x8x64xi32, #tpu.memory_space<vmem>> -> memref<1x1x64xi32, #tpu.memory_space<vmem>>
      %dma_wait3A_260 = tpu.memref_squeeze %dma_wait3A_259 : memref<1x1x64xi32, #tpu.memory_space<vmem>> -> memref<64xi32, #tpu.memory_space<vmem>>
      %dma_wait3A_261 = arith.constant 0 : i32
      %dma_wait3A_262 = arith.constant 0 : i32
      %dma_wait3A_263 = tpu.memref_slice %arg2[%dma_wait3A_261, %dma_wait3A_262] : memref<10240x128xf32, #tpu.memory_space<hbm>> -> memref<10240x128xf32, #tpu.memory_space<hbm>>
      tpu.wait_indirect_dma semaphore(%arg12 : memref<!tpu.dma_semaphore, #tpu.memory_space<semaphore_mem>>) src(%dma_wait3A_263 : memref<10240x128xf32, #tpu.memory_space<hbm>>) dst(%arg10 : memref<64x128xf32, #tpu.memory_space<vmem>>)
      %run_scoped3A_264 = arith.constant 1 : i32
      %run_scoped3A_265 = arith.constant 1 : i32
      "tpu.region"() ({
        %run_scoped3A_366 = tpu.sem_alloc : memref<!tpu.dma_semaphore, #tpu.memory_space<semaphore_mem>>
        %dma_start3A_367 = arith.constant 0 : i32
        %dma_start3A_368 = tpu.memref_slice %arg8[%run_scoped3A_264, %run_scoped3A_265, %dma_start3A_367] : memref<2x8x64xi32, #tpu.memory_space<vmem>> -> memref<1x1x64xi32, #tpu.memory_space<vmem>>
        %dma_start3A_369 = tpu.memref_squeeze %dma_start3A_368 : memref<1x1x64xi32, #tpu.memory_space<vmem>> -> memref<64xi32, #tpu.memory_space<vmem>>
        %dma_start3A_370 = arith.constant 0 : i32
        %dma_start3A_371 = arith.constant 0 : i32
        %dma_start3A_372 = tpu.memref_slice %arg6[%dma_start3A_370, %dma_start3A_371] : memref<10240x128xf32, #tpu.memory_space<vmem_shared>> -> memref<10240x128xf32, #tpu.memory_space<vmem_shared>>
        tpu.enqueue_indirect_dma source(%arg10 : memref<64x128xf32, #tpu.memory_space<vmem>>) target(%dma_start3A_372 : memref<10240x128xf32, #tpu.memory_space<vmem_shared>>) offsets(%dma_start3A_369 : memref<64xi32, #tpu.memory_space<vmem>>) semaphore(%run_scoped3A_366 : memref<!tpu.dma_semaphore, #tpu.memory_space<semaphore_mem>>) {add = true}
        %dma_wait3A_373 = arith.constant 0 : i32
        %dma_wait3A_374 = tpu.memref_slice %arg8[%run_scoped3A_264, %run_scoped3A_265, %dma_wait3A_373] : memref<2x8x64xi32, #tpu.memory_space<vmem>> -> memref<1x1x64xi32, #tpu.memory_space<vmem>>
        %dma_wait3A_375 = tpu.memref_squeeze %dma_wait3A_374 : memref<1x1x64xi32, #tpu.memory_space<vmem>> -> memref<64xi32, #tpu.memory_space<vmem>>
        %dma_wait3A_376 = arith.constant 0 : i32
        %dma_wait3A_377 = arith.constant 0 : i32
        %dma_wait3A_378 = tpu.memref_slice %arg6[%dma_wait3A_376, %dma_wait3A_377] : memref<10240x128xf32, #tpu.memory_space<vmem_shared>> -> memref<10240x128xf32, #tpu.memory_space<vmem_shared>>
        tpu.wait_indirect_dma semaphore(%run_scoped3A_366 : memref<!tpu.dma_semaphore, #tpu.memory_space<semaphore_mem>>) src(%arg10 : memref<64x128xf32, #tpu.memory_space<vmem>>) dst(%dma_wait3A_378 : memref<10240x128xf32, #tpu.memory_space<vmem_shared>>)
        tpu.yield
      }) : () -> ()
      %dma_start3A_266 = arith.constant 0 : i32
      %dma_start3A_267 = arith.constant 3 : i32
      %dma_start3A_268 = arith.constant 0 : i32
      %dma_start3A_269 = tpu.memref_slice %arg8[%dma_start3A_266, %dma_start3A_267, %dma_start3A_268] : memref<2x8x64xi32, #tpu.memory_space<vmem>> -> memref<1x1x64xi32, #tpu.memory_space<vmem>>
      %dma_start3A_270 = tpu.memref_squeeze %dma_start3A_269 : memref<1x1x64xi32, #tpu.memory_space<vmem>> -> memref<64xi32, #tpu.memory_space<vmem>>
      %dma_start3A_271 = arith.constant 0 : i32
      %dma_start3A_272 = arith.constant 0 : i32
      %dma_start3A_273 = tpu.memref_slice %arg2[%dma_start3A_271, %dma_start3A_272] : memref<10240x128xf32, #tpu.memory_space<hbm>> -> memref<10240x128xf32, #tpu.memory_space<hbm>>
      tpu.enqueue_indirect_dma source(%dma_start3A_273 : memref<10240x128xf32, #tpu.memory_space<hbm>>) target(%arg10 : memref<64x128xf32, #tpu.memory_space<vmem>>) offsets(%dma_start3A_270 : memref<64xi32, #tpu.memory_space<vmem>>) semaphore(%arg12 : memref<!tpu.dma_semaphore, #tpu.memory_space<semaphore_mem>>)
      %dma_wait3A_274 = arith.constant 0 : i32
      %dma_wait3A_275 = arith.constant 2 : i32
      %dma_wait3A_276 = arith.constant 0 : i32
      %dma_wait3A_277 = tpu.memref_slice %arg8[%dma_wait3A_274, %dma_wait3A_275, %dma_wait3A_276] : memref<2x8x64xi32, #tpu.memory_space<vmem>> -> memref<1x1x64xi32, #tpu.memory_space<vmem>>
      %dma_wait3A_278 = tpu.memref_squeeze %dma_wait3A_277 : memref<1x1x64xi32, #tpu.memory_space<vmem>> -> memref<64xi32, #tpu.memory_space<vmem>>
      %dma_wait3A_279 = arith.constant 0 : i32
      %dma_wait3A_280 = arith.constant 0 : i32
      %dma_wait3A_281 = tpu.memref_slice %arg2[%dma_wait3A_279, %dma_wait3A_280] : memref<10240x128xf32, #tpu.memory_space<hbm>> -> memref<10240x128xf32, #tpu.memory_space<hbm>>
      tpu.wait_indirect_dma semaphore(%arg11 : memref<!tpu.dma_semaphore, #tpu.memory_space<semaphore_mem>>) src(%dma_wait3A_281 : memref<10240x128xf32, #tpu.memory_space<hbm>>) dst(%arg9 : memref<64x128xf32, #tpu.memory_space<vmem>>)
      %run_scoped3A_282 = arith.constant 1 : i32
      %run_scoped3A_283 = arith.constant 2 : i32
      "tpu.region"() ({
        %run_scoped3A_366 = tpu.sem_alloc : memref<!tpu.dma_semaphore, #tpu.memory_space<semaphore_mem>>
        %dma_start3A_367 = arith.constant 0 : i32
        %dma_start3A_368 = tpu.memref_slice %arg8[%run_scoped3A_282, %run_scoped3A_283, %dma_start3A_367] : memref<2x8x64xi32, #tpu.memory_space<vmem>> -> memref<1x1x64xi32, #tpu.memory_space<vmem>>
        %dma_start3A_369 = tpu.memref_squeeze %dma_start3A_368 : memref<1x1x64xi32, #tpu.memory_space<vmem>> -> memref<64xi32, #tpu.memory_space<vmem>>
        %dma_start3A_370 = arith.constant 0 : i32
        %dma_start3A_371 = arith.constant 0 : i32
        %dma_start3A_372 = tpu.memref_slice %arg6[%dma_start3A_370, %dma_start3A_371] : memref<10240x128xf32, #tpu.memory_space<vmem_shared>> -> memref<10240x128xf32, #tpu.memory_space<vmem_shared>>
        tpu.enqueue_indirect_dma source(%arg9 : memref<64x128xf32, #tpu.memory_space<vmem>>) target(%dma_start3A_372 : memref<10240x128xf32, #tpu.memory_space<vmem_shared>>) offsets(%dma_start3A_369 : memref<64xi32, #tpu.memory_space<vmem>>) semaphore(%run_scoped3A_366 : memref<!tpu.dma_semaphore, #tpu.memory_space<semaphore_mem>>) {add = true}
        %dma_wait3A_373 = arith.constant 0 : i32
        %dma_wait3A_374 = tpu.memref_slice %arg8[%run_scoped3A_282, %run_scoped3A_283, %dma_wait3A_373] : memref<2x8x64xi32, #tpu.memory_space<vmem>> -> memref<1x1x64xi32, #tpu.memory_space<vmem>>
        %dma_wait3A_375 = tpu.memref_squeeze %dma_wait3A_374 : memref<1x1x64xi32, #tpu.memory_space<vmem>> -> memref<64xi32, #tpu.memory_space<vmem>>
        %dma_wait3A_376 = arith.constant 0 : i32
        %dma_wait3A_377 = arith.constant 0 : i32
        %dma_wait3A_378 = tpu.memref_slice %arg6[%dma_wait3A_376, %dma_wait3A_377] : memref<10240x128xf32, #tpu.memory_space<vmem_shared>> -> memref<10240x128xf32, #tpu.memory_space<vmem_shared>>
        tpu.wait_indirect_dma semaphore(%run_scoped3A_366 : memref<!tpu.dma_semaphore, #tpu.memory_space<semaphore_mem>>) src(%arg9 : memref<64x128xf32, #tpu.memory_space<vmem>>) dst(%dma_wait3A_378 : memref<10240x128xf32, #tpu.memory_space<vmem_shared>>)
        tpu.yield
      }) : () -> ()
      %dma_start3A_284 = arith.constant 0 : i32
      %dma_start3A_285 = arith.constant 4 : i32
      %dma_start3A_286 = arith.constant 0 : i32
      %dma_start3A_287 = tpu.memref_slice %arg8[%dma_start3A_284, %dma_start3A_285, %dma_start3A_286] : memref<2x8x64xi32, #tpu.memory_space<vmem>> -> memref<1x1x64xi32, #tpu.memory_space<vmem>>
      %dma_start3A_288 = tpu.memref_squeeze %dma_start3A_287 : memref<1x1x64xi32, #tpu.memory_space<vmem>> -> memref<64xi32, #tpu.memory_space<vmem>>
      %dma_start3A_289 = arith.constant 0 : i32
      %dma_start3A_290 = arith.constant 0 : i32
      %dma_start3A_291 = tpu.memref_slice %arg2[%dma_start3A_289, %dma_start3A_290] : memref<10240x128xf32, #tpu.memory_space<hbm>> -> memref<10240x128xf32, #tpu.memory_space<hbm>>
      tpu.enqueue_indirect_dma source(%dma_start3A_291 : memref<10240x128xf32, #tpu.memory_space<hbm>>) target(%arg9 : memref<64x128xf32, #tpu.memory_space<vmem>>) offsets(%dma_start3A_288 : memref<64xi32, #tpu.memory_space<vmem>>) semaphore(%arg11 : memref<!tpu.dma_semaphore, #tpu.memory_space<semaphore_mem>>)
      %dma_wait3A_292 = arith.constant 0 : i32
      %dma_wait3A_293 = arith.constant 3 : i32
      %dma_wait3A_294 = arith.constant 0 : i32
      %dma_wait3A_295 = tpu.memref_slice %arg8[%dma_wait3A_292, %dma_wait3A_293, %dma_wait3A_294] : memref<2x8x64xi32, #tpu.memory_space<vmem>> -> memref<1x1x64xi32, #tpu.memory_space<vmem>>
      %dma_wait3A_296 = tpu.memref_squeeze %dma_wait3A_295 : memref<1x1x64xi32, #tpu.memory_space<vmem>> -> memref<64xi32, #tpu.memory_space<vmem>>
      %dma_wait3A_297 = arith.constant 0 : i32
      %dma_wait3A_298 = arith.constant 0 : i32
      %dma_wait3A_299 = tpu.memref_slice %arg2[%dma_wait3A_297, %dma_wait3A_298] : memref<10240x128xf32, #tpu.memory_space<hbm>> -> memref<10240x128xf32, #tpu.memory_space<hbm>>
      tpu.wait_indirect_dma semaphore(%arg12 : memref<!tpu.dma_semaphore, #tpu.memory_space<semaphore_mem>>) src(%dma_wait3A_299 : memref<10240x128xf32, #tpu.memory_space<hbm>>) dst(%arg10 : memref<64x128xf32, #tpu.memory_space<vmem>>)
      %run_scoped3A_300 = arith.constant 1 : i32
      %run_scoped3A_301 = arith.constant 3 : i32
      "tpu.region"() ({
        %run_scoped3A_366 = tpu.sem_alloc : memref<!tpu.dma_semaphore, #tpu.memory_space<semaphore_mem>>
        %dma_start3A_367 = arith.constant 0 : i32
        %dma_start3A_368 = tpu.memref_slice %arg8[%run_scoped3A_300, %run_scoped3A_301, %dma_start3A_367] : memref<2x8x64xi32, #tpu.memory_space<vmem>> -> memref<1x1x64xi32, #tpu.memory_space<vmem>>
        %dma_start3A_369 = tpu.memref_squeeze %dma_start3A_368 : memref<1x1x64xi32, #tpu.memory_space<vmem>> -> memref<64xi32, #tpu.memory_space<vmem>>
        %dma_start3A_370 = arith.constant 0 : i32
        %dma_start3A_371 = arith.constant 0 : i32
        %dma_start3A_372 = tpu.memref_slice %arg6[%dma_start3A_370, %dma_start3A_371] : memref<10240x128xf32, #tpu.memory_space<vmem_shared>> -> memref<10240x128xf32, #tpu.memory_space<vmem_shared>>
        tpu.enqueue_indirect_dma source(%arg10 : memref<64x128xf32, #tpu.memory_space<vmem>>) target(%dma_start3A_372 : memref<10240x128xf32, #tpu.memory_space<vmem_shared>>) offsets(%dma_start3A_369 : memref<64xi32, #tpu.memory_space<vmem>>) semaphore(%run_scoped3A_366 : memref<!tpu.dma_semaphore, #tpu.memory_space<semaphore_mem>>) {add = true}
        %dma_wait3A_373 = arith.constant 0 : i32
        %dma_wait3A_374 = tpu.memref_slice %arg8[%run_scoped3A_300, %run_scoped3A_301, %dma_wait3A_373] : memref<2x8x64xi32, #tpu.memory_space<vmem>> -> memref<1x1x64xi32, #tpu.memory_space<vmem>>
        %dma_wait3A_375 = tpu.memref_squeeze %dma_wait3A_374 : memref<1x1x64xi32, #tpu.memory_space<vmem>> -> memref<64xi32, #tpu.memory_space<vmem>>
        %dma_wait3A_376 = arith.constant 0 : i32
        %dma_wait3A_377 = arith.constant 0 : i32
        %dma_wait3A_378 = tpu.memref_slice %arg6[%dma_wait3A_376, %dma_wait3A_377] : memref<10240x128xf32, #tpu.memory_space<vmem_shared>> -> memref<10240x128xf32, #tpu.memory_space<vmem_shared>>
        tpu.wait_indirect_dma semaphore(%run_scoped3A_366 : memref<!tpu.dma_semaphore, #tpu.memory_space<semaphore_mem>>) src(%arg10 : memref<64x128xf32, #tpu.memory_space<vmem>>) dst(%dma_wait3A_378 : memref<10240x128xf32, #tpu.memory_space<vmem_shared>>)
        tpu.yield
      }) : () -> ()
      %dma_start3A_302 = arith.constant 0 : i32
      %dma_start3A_303 = arith.constant 5 : i32
      %dma_start3A_304 = arith.constant 0 : i32
      %dma_start3A_305 = tpu.memref_slice %arg8[%dma_start3A_302, %dma_start3A_303, %dma_start3A_304] : memref<2x8x64xi32, #tpu.memory_space<vmem>> -> memref<1x1x64xi32, #tpu.memory_space<vmem>>
      %dma_start3A_306 = tpu.memref_squeeze %dma_start3A_305 : memref<1x1x64xi32, #tpu.memory_space<vmem>> -> memref<64xi32, #tpu.memory_space<vmem>>
      %dma_start3A_307 = arith.constant 0 : i32
      %dma_start3A_308 = arith.constant 0 : i32
      %dma_start3A_309 = tpu.memref_slice %arg2[%dma_start3A_307, %dma_start3A_308] : memref<10240x128xf32, #tpu.memory_space<hbm>> -> memref<10240x128xf32, #tpu.memory_space<hbm>>
      tpu.enqueue_indirect_dma source(%dma_start3A_309 : memref<10240x128xf32, #tpu.memory_space<hbm>>) target(%arg10 : memref<64x128xf32, #tpu.memory_space<vmem>>) offsets(%dma_start3A_306 : memref<64xi32, #tpu.memory_space<vmem>>) semaphore(%arg12 : memref<!tpu.dma_semaphore, #tpu.memory_space<semaphore_mem>>)
      %dma_wait3A_310 = arith.constant 0 : i32
      %dma_wait3A_311 = arith.constant 4 : i32
      %dma_wait3A_312 = arith.constant 0 : i32
      %dma_wait3A_313 = tpu.memref_slice %arg8[%dma_wait3A_310, %dma_wait3A_311, %dma_wait3A_312] : memref<2x8x64xi32, #tpu.memory_space<vmem>> -> memref<1x1x64xi32, #tpu.memory_space<vmem>>
      %dma_wait3A_314 = tpu.memref_squeeze %dma_wait3A_313 : memref<1x1x64xi32, #tpu.memory_space<vmem>> -> memref<64xi32, #tpu.memory_space<vmem>>
      %dma_wait3A_315 = arith.constant 0 : i32
      %dma_wait3A_316 = arith.constant 0 : i32
      %dma_wait3A_317 = tpu.memref_slice %arg2[%dma_wait3A_315, %dma_wait3A_316] : memref<10240x128xf32, #tpu.memory_space<hbm>> -> memref<10240x128xf32, #tpu.memory_space<hbm>>
      tpu.wait_indirect_dma semaphore(%arg11 : memref<!tpu.dma_semaphore, #tpu.memory_space<semaphore_mem>>) src(%dma_wait3A_317 : memref<10240x128xf32, #tpu.memory_space<hbm>>) dst(%arg9 : memref<64x128xf32, #tpu.memory_space<vmem>>)
      %run_scoped3A_318 = arith.constant 1 : i32
      %run_scoped3A_319 = arith.constant 4 : i32
      "tpu.region"() ({
        %run_scoped3A_366 = tpu.sem_alloc : memref<!tpu.dma_semaphore, #tpu.memory_space<semaphore_mem>>
        %dma_start3A_367 = arith.constant 0 : i32
        %dma_start3A_368 = tpu.memref_slice %arg8[%run_scoped3A_318, %run_scoped3A_319, %dma_start3A_367] : memref<2x8x64xi32, #tpu.memory_space<vmem>> -> memref<1x1x64xi32, #tpu.memory_space<vmem>>
        %dma_start3A_369 = tpu.memref_squeeze %dma_start3A_368 : memref<1x1x64xi32, #tpu.memory_space<vmem>> -> memref<64xi32, #tpu.memory_space<vmem>>
        %dma_start3A_370 = arith.constant 0 : i32
        %dma_start3A_371 = arith.constant 0 : i32
        %dma_start3A_372 = tpu.memref_slice %arg6[%dma_start3A_370, %dma_start3A_371] : memref<10240x128xf32, #tpu.memory_space<vmem_shared>> -> memref<10240x128xf32, #tpu.memory_space<vmem_shared>>
        tpu.enqueue_indirect_dma source(%arg9 : memref<64x128xf32, #tpu.memory_space<vmem>>) target(%dma_start3A_372 : memref<10240x128xf32, #tpu.memory_space<vmem_shared>>) offsets(%dma_start3A_369 : memref<64xi32, #tpu.memory_space<vmem>>) semaphore(%run_scoped3A_366 : memref<!tpu.dma_semaphore, #tpu.memory_space<semaphore_mem>>) {add = true}
        %dma_wait3A_373 = arith.constant 0 : i32
        %dma_wait3A_374 = tpu.memref_slice %arg8[%run_scoped3A_318, %run_scoped3A_319, %dma_wait3A_373] : memref<2x8x64xi32, #tpu.memory_space<vmem>> -> memref<1x1x64xi32, #tpu.memory_space<vmem>>
        %dma_wait3A_375 = tpu.memref_squeeze %dma_wait3A_374 : memref<1x1x64xi32, #tpu.memory_space<vmem>> -> memref<64xi32, #tpu.memory_space<vmem>>
        %dma_wait3A_376 = arith.constant 0 : i32
        %dma_wait3A_377 = arith.constant 0 : i32
        %dma_wait3A_378 = tpu.memref_slice %arg6[%dma_wait3A_376, %dma_wait3A_377] : memref<10240x128xf32, #tpu.memory_space<vmem_shared>> -> memref<10240x128xf32, #tpu.memory_space<vmem_shared>>
        tpu.wait_indirect_dma semaphore(%run_scoped3A_366 : memref<!tpu.dma_semaphore, #tpu.memory_space<semaphore_mem>>) src(%arg9 : memref<64x128xf32, #tpu.memory_space<vmem>>) dst(%dma_wait3A_378 : memref<10240x128xf32, #tpu.memory_space<vmem_shared>>)
        tpu.yield
      }) : () -> ()
      %dma_start3A_320 = arith.constant 0 : i32
      %dma_start3A_321 = arith.constant 6 : i32
      %dma_start3A_322 = arith.constant 0 : i32
      %dma_start3A_323 = tpu.memref_slice %arg8[%dma_start3A_320, %dma_start3A_321, %dma_start3A_322] : memref<2x8x64xi32, #tpu.memory_space<vmem>> -> memref<1x1x64xi32, #tpu.memory_space<vmem>>
      %dma_start3A_324 = tpu.memref_squeeze %dma_start3A_323 : memref<1x1x64xi32, #tpu.memory_space<vmem>> -> memref<64xi32, #tpu.memory_space<vmem>>
      %dma_start3A_325 = arith.constant 0 : i32
      %dma_start3A_326 = arith.constant 0 : i32
      %dma_start3A_327 = tpu.memref_slice %arg2[%dma_start3A_325, %dma_start3A_326] : memref<10240x128xf32, #tpu.memory_space<hbm>> -> memref<10240x128xf32, #tpu.memory_space<hbm>>
      tpu.enqueue_indirect_dma source(%dma_start3A_327 : memref<10240x128xf32, #tpu.memory_space<hbm>>) target(%arg9 : memref<64x128xf32, #tpu.memory_space<vmem>>) offsets(%dma_start3A_324 : memref<64xi32, #tpu.memory_space<vmem>>) semaphore(%arg11 : memref<!tpu.dma_semaphore, #tpu.memory_space<semaphore_mem>>)
      %dma_wait3A_328 = arith.constant 0 : i32
      %dma_wait3A_329 = arith.constant 5 : i32
      %dma_wait3A_330 = arith.constant 0 : i32
      %dma_wait3A_331 = tpu.memref_slice %arg8[%dma_wait3A_328, %dma_wait3A_329, %dma_wait3A_330] : memref<2x8x64xi32, #tpu.memory_space<vmem>> -> memref<1x1x64xi32, #tpu.memory_space<vmem>>
      %dma_wait3A_332 = tpu.memref_squeeze %dma_wait3A_331 : memref<1x1x64xi32, #tpu.memory_space<vmem>> -> memref<64xi32, #tpu.memory_space<vmem>>
      %dma_wait3A_333 = arith.constant 0 : i32
      %dma_wait3A_334 = arith.constant 0 : i32
      %dma_wait3A_335 = tpu.memref_slice %arg2[%dma_wait3A_333, %dma_wait3A_334] : memref<10240x128xf32, #tpu.memory_space<hbm>> -> memref<10240x128xf32, #tpu.memory_space<hbm>>
      tpu.wait_indirect_dma semaphore(%arg12 : memref<!tpu.dma_semaphore, #tpu.memory_space<semaphore_mem>>) src(%dma_wait3A_335 : memref<10240x128xf32, #tpu.memory_space<hbm>>) dst(%arg10 : memref<64x128xf32, #tpu.memory_space<vmem>>)
      %run_scoped3A_336 = arith.constant 1 : i32
      %run_scoped3A_337 = arith.constant 5 : i32
      "tpu.region"() ({
        %run_scoped3A_366 = tpu.sem_alloc : memref<!tpu.dma_semaphore, #tpu.memory_space<semaphore_mem>>
        %dma_start3A_367 = arith.constant 0 : i32
        %dma_start3A_368 = tpu.memref_slice %arg8[%run_scoped3A_336, %run_scoped3A_337, %dma_start3A_367] : memref<2x8x64xi32, #tpu.memory_space<vmem>> -> memref<1x1x64xi32, #tpu.memory_space<vmem>>
        %dma_start3A_369 = tpu.memref_squeeze %dma_start3A_368 : memref<1x1x64xi32, #tpu.memory_space<vmem>> -> memref<64xi32, #tpu.memory_space<vmem>>
        %dma_start3A_370 = arith.constant 0 : i32
        %dma_start3A_371 = arith.constant 0 : i32
        %dma_start3A_372 = tpu.memref_slice %arg6[%dma_start3A_370, %dma_start3A_371] : memref<10240x128xf32, #tpu.memory_space<vmem_shared>> -> memref<10240x128xf32, #tpu.memory_space<vmem_shared>>
        tpu.enqueue_indirect_dma source(%arg10 : memref<64x128xf32, #tpu.memory_space<vmem>>) target(%dma_start3A_372 : memref<10240x128xf32, #tpu.memory_space<vmem_shared>>) offsets(%dma_start3A_369 : memref<64xi32, #tpu.memory_space<vmem>>) semaphore(%run_scoped3A_366 : memref<!tpu.dma_semaphore, #tpu.memory_space<semaphore_mem>>) {add = true}
        %dma_wait3A_373 = arith.constant 0 : i32
        %dma_wait3A_374 = tpu.memref_slice %arg8[%run_scoped3A_336, %run_scoped3A_337, %dma_wait3A_373] : memref<2x8x64xi32, #tpu.memory_space<vmem>> -> memref<1x1x64xi32, #tpu.memory_space<vmem>>
        %dma_wait3A_375 = tpu.memref_squeeze %dma_wait3A_374 : memref<1x1x64xi32, #tpu.memory_space<vmem>> -> memref<64xi32, #tpu.memory_space<vmem>>
        %dma_wait3A_376 = arith.constant 0 : i32
        %dma_wait3A_377 = arith.constant 0 : i32
        %dma_wait3A_378 = tpu.memref_slice %arg6[%dma_wait3A_376, %dma_wait3A_377] : memref<10240x128xf32, #tpu.memory_space<vmem_shared>> -> memref<10240x128xf32, #tpu.memory_space<vmem_shared>>
        tpu.wait_indirect_dma semaphore(%run_scoped3A_366 : memref<!tpu.dma_semaphore, #tpu.memory_space<semaphore_mem>>) src(%arg10 : memref<64x128xf32, #tpu.memory_space<vmem>>) dst(%dma_wait3A_378 : memref<10240x128xf32, #tpu.memory_space<vmem_shared>>)
        tpu.yield
      }) : () -> ()
      %dma_start3A_338 = arith.constant 0 : i32
      %dma_start3A_339 = arith.constant 7 : i32
      %dma_start3A_340 = arith.constant 0 : i32
      %dma_start3A_341 = tpu.memref_slice %arg8[%dma_start3A_338, %dma_start3A_339, %dma_start3A_340] : memref<2x8x64xi32, #tpu.memory_space<vmem>> -> memref<1x1x64xi32, #tpu.memory_space<vmem>>
      %dma_start3A_342 = tpu.memref_squeeze %dma_start3A_341 : memref<1x1x64xi32, #tpu.memory_space<vmem>> -> memref<64xi32, #tpu.memory_space<vmem>>
      %dma_start3A_343 = arith.constant 0 : i32
      %dma_start3A_344 = arith.constant 0 : i32
      %dma_start3A_345 = tpu.memref_slice %arg2[%dma_start3A_343, %dma_start3A_344] : memref<10240x128xf32, #tpu.memory_space<hbm>> -> memref<10240x128xf32, #tpu.memory_space<hbm>>
      tpu.enqueue_indirect_dma source(%dma_start3A_345 : memref<10240x128xf32, #tpu.memory_space<hbm>>) target(%arg10 : memref<64x128xf32, #tpu.memory_space<vmem>>) offsets(%dma_start3A_342 : memref<64xi32, #tpu.memory_space<vmem>>) semaphore(%arg12 : memref<!tpu.dma_semaphore, #tpu.memory_space<semaphore_mem>>)
      %dma_wait3A_346 = arith.constant 0 : i32
      %dma_wait3A_347 = arith.constant 6 : i32
      %dma_wait3A_348 = arith.constant 0 : i32
      %dma_wait3A_349 = tpu.memref_slice %arg8[%dma_wait3A_346, %dma_wait3A_347, %dma_wait3A_348] : memref<2x8x64xi32, #tpu.memory_space<vmem>> -> memref<1x1x64xi32, #tpu.memory_space<vmem>>
      %dma_wait3A_350 = tpu.memref_squeeze %dma_wait3A_349 : memref<1x1x64xi32, #tpu.memory_space<vmem>> -> memref<64xi32, #tpu.memory_space<vmem>>
      %dma_wait3A_351 = arith.constant 0 : i32
      %dma_wait3A_352 = arith.constant 0 : i32
      %dma_wait3A_353 = tpu.memref_slice %arg2[%dma_wait3A_351, %dma_wait3A_352] : memref<10240x128xf32, #tpu.memory_space<hbm>> -> memref<10240x128xf32, #tpu.memory_space<hbm>>
      tpu.wait_indirect_dma semaphore(%arg11 : memref<!tpu.dma_semaphore, #tpu.memory_space<semaphore_mem>>) src(%dma_wait3A_353 : memref<10240x128xf32, #tpu.memory_space<hbm>>) dst(%arg9 : memref<64x128xf32, #tpu.memory_space<vmem>>)
      %run_scoped3A_354 = arith.constant 1 : i32
      %run_scoped3A_355 = arith.constant 6 : i32
      "tpu.region"() ({
        %run_scoped3A_366 = tpu.sem_alloc : memref<!tpu.dma_semaphore, #tpu.memory_space<semaphore_mem>>
        %dma_start3A_367 = arith.constant 0 : i32
        %dma_start3A_368 = tpu.memref_slice %arg8[%run_scoped3A_354, %run_scoped3A_355, %dma_start3A_367] : memref<2x8x64xi32, #tpu.memory_space<vmem>> -> memref<1x1x64xi32, #tpu.memory_space<vmem>>
        %dma_start3A_369 = tpu.memref_squeeze %dma_start3A_368 : memref<1x1x64xi32, #tpu.memory_space<vmem>> -> memref<64xi32, #tpu.memory_space<vmem>>
        %dma_start3A_370 = arith.constant 0 : i32
        %dma_start3A_371 = arith.constant 0 : i32
        %dma_start3A_372 = tpu.memref_slice %arg6[%dma_start3A_370, %dma_start3A_371] : memref<10240x128xf32, #tpu.memory_space<vmem_shared>> -> memref<10240x128xf32, #tpu.memory_space<vmem_shared>>
        tpu.enqueue_indirect_dma source(%arg9 : memref<64x128xf32, #tpu.memory_space<vmem>>) target(%dma_start3A_372 : memref<10240x128xf32, #tpu.memory_space<vmem_shared>>) offsets(%dma_start3A_369 : memref<64xi32, #tpu.memory_space<vmem>>) semaphore(%run_scoped3A_366 : memref<!tpu.dma_semaphore, #tpu.memory_space<semaphore_mem>>) {add = true}
        %dma_wait3A_373 = arith.constant 0 : i32
        %dma_wait3A_374 = tpu.memref_slice %arg8[%run_scoped3A_354, %run_scoped3A_355, %dma_wait3A_373] : memref<2x8x64xi32, #tpu.memory_space<vmem>> -> memref<1x1x64xi32, #tpu.memory_space<vmem>>
        %dma_wait3A_375 = tpu.memref_squeeze %dma_wait3A_374 : memref<1x1x64xi32, #tpu.memory_space<vmem>> -> memref<64xi32, #tpu.memory_space<vmem>>
        %dma_wait3A_376 = arith.constant 0 : i32
        %dma_wait3A_377 = arith.constant 0 : i32
        %dma_wait3A_378 = tpu.memref_slice %arg6[%dma_wait3A_376, %dma_wait3A_377] : memref<10240x128xf32, #tpu.memory_space<vmem_shared>> -> memref<10240x128xf32, #tpu.memory_space<vmem_shared>>
        tpu.wait_indirect_dma semaphore(%run_scoped3A_366 : memref<!tpu.dma_semaphore, #tpu.memory_space<semaphore_mem>>) src(%arg9 : memref<64x128xf32, #tpu.memory_space<vmem>>) dst(%dma_wait3A_378 : memref<10240x128xf32, #tpu.memory_space<vmem_shared>>)
        tpu.yield
      }) : () -> ()
      %dma_wait3A_356 = arith.constant 0 : i32
      %dma_wait3A_357 = arith.constant 7 : i32
      %dma_wait3A_358 = arith.constant 0 : i32
      %dma_wait3A_359 = tpu.memref_slice %arg8[%dma_wait3A_356, %dma_wait3A_357, %dma_wait3A_358] : memref<2x8x64xi32, #tpu.memory_space<vmem>> -> memref<1x1x64xi32, #tpu.memory_space<vmem>>
      %dma_wait3A_360 = tpu.memref_squeeze %dma_wait3A_359 : memref<1x1x64xi32, #tpu.memory_space<vmem>> -> memref<64xi32, #tpu.memory_space<vmem>>
      %dma_wait3A_361 = arith.constant 0 : i32
      %dma_wait3A_362 = arith.constant 0 : i32
      %dma_wait3A_363 = tpu.memref_slice %arg2[%dma_wait3A_361, %dma_wait3A_362] : memref<10240x128xf32, #tpu.memory_space<hbm>> -> memref<10240x128xf32, #tpu.memory_space<hbm>>
      tpu.wait_indirect_dma semaphore(%arg12 : memref<!tpu.dma_semaphore, #tpu.memory_space<semaphore_mem>>) src(%dma_wait3A_363 : memref<10240x128xf32, #tpu.memory_space<hbm>>) dst(%arg10 : memref<64x128xf32, #tpu.memory_space<vmem>>)
      %run_scoped3A_364 = arith.constant 1 : i32
      %run_scoped3A_365 = arith.constant 7 : i32
      "tpu.region"() ({
        %run_scoped3A_366 = tpu.sem_alloc : memref<!tpu.dma_semaphore, #tpu.memory_space<semaphore_mem>>
        %dma_start3A_367 = arith.constant 0 : i32
        %dma_start3A_368 = tpu.memref_slice %arg8[%run_scoped3A_364, %run_scoped3A_365, %dma_start3A_367] : memref<2x8x64xi32, #tpu.memory_space<vmem>> -> memref<1x1x64xi32, #tpu.memory_space<vmem>>
        %dma_start3A_369 = tpu.memref_squeeze %dma_start3A_368 : memref<1x1x64xi32, #tpu.memory_space<vmem>> -> memref<64xi32, #tpu.memory_space<vmem>>
        %dma_start3A_370 = arith.constant 0 : i32
        %dma_start3A_371 = arith.constant 0 : i32
        %dma_start3A_372 = tpu.memref_slice %arg6[%dma_start3A_370, %dma_start3A_371] : memref<10240x128xf32, #tpu.memory_space<vmem_shared>> -> memref<10240x128xf32, #tpu.memory_space<vmem_shared>>
        tpu.enqueue_indirect_dma source(%arg10 : memref<64x128xf32, #tpu.memory_space<vmem>>) target(%dma_start3A_372 : memref<10240x128xf32, #tpu.memory_space<vmem_shared>>) offsets(%dma_start3A_369 : memref<64xi32, #tpu.memory_space<vmem>>) semaphore(%run_scoped3A_366 : memref<!tpu.dma_semaphore, #tpu.memory_space<semaphore_mem>>) {add = true}
        %dma_wait3A_373 = arith.constant 0 : i32
        %dma_wait3A_374 = tpu.memref_slice %arg8[%run_scoped3A_364, %run_scoped3A_365, %dma_wait3A_373] : memref<2x8x64xi32, #tpu.memory_space<vmem>> -> memref<1x1x64xi32, #tpu.memory_space<vmem>>
        %dma_wait3A_375 = tpu.memref_squeeze %dma_wait3A_374 : memref<1x1x64xi32, #tpu.memory_space<vmem>> -> memref<64xi32, #tpu.memory_space<vmem>>
        %dma_wait3A_376 = arith.constant 0 : i32
        %dma_wait3A_377 = arith.constant 0 : i32
        %dma_wait3A_378 = tpu.memref_slice %arg6[%dma_wait3A_376, %dma_wait3A_377] : memref<10240x128xf32, #tpu.memory_space<vmem_shared>> -> memref<10240x128xf32, #tpu.memory_space<vmem_shared>>
        tpu.wait_indirect_dma semaphore(%run_scoped3A_366 : memref<!tpu.dma_semaphore, #tpu.memory_space<semaphore_mem>>) src(%arg10 : memref<64x128xf32, #tpu.memory_space<vmem>>) dst(%dma_wait3A_378 : memref<10240x128xf32, #tpu.memory_space<vmem_shared>>)
        tpu.yield
      }) : () -> ()
    }
    %scan3A_17 = arith.constant 10 : i32
    %dma_wait3A = arith.constant 0 : i32
    %dma_wait3A_18 = arith.constant 0 : i32
    %dma_wait3A_19 = arith.constant 0 : i32
    %dma_wait3A_20 = arith.constant 0 : i32
    %dma_wait3A_21 = tpu.memref_slice %arg3[%add3A, %dma_wait3A, %dma_wait3A_18, %dma_wait3A_19, %dma_wait3A_20] : memref<32x20x2x8x64xi32, #tpu.memory_space<hbm>> -> memref<1x1x2x8x64xi32, #tpu.memory_space<hbm>>
    %dma_wait3A_22 = tpu.memref_squeeze %dma_wait3A_21 : memref<1x1x2x8x64xi32, #tpu.memory_space<hbm>> -> memref<2x8x64xi32, #tpu.memory_space<hbm>>
    %dma_wait3A_23 = arith.constant 0 : i32
    %dma_wait3A_24 = arith.constant 0 : i32
    %dma_wait3A_25 = arith.constant 0 : i32
    %dma_wait3A_26 = tpu.memref_slice %arg3[%add3A, %dma_wait3A, %dma_wait3A_23, %dma_wait3A_24, %dma_wait3A_25] : memref<32x20x2x8x64xi32, #tpu.memory_space<hbm>> -> memref<1x1x2x8x64xi32, #tpu.memory_space<hbm>>
    %dma_wait3A_27 = tpu.memref_squeeze %dma_wait3A_26 : memref<1x1x2x8x64xi32, #tpu.memory_space<hbm>> -> memref<2x8x64xi32, #tpu.memory_space<hbm>>
    tpu.wait_dma2 semaphore(%arg13 : memref<!tpu.dma_semaphore, #tpu.memory_space<semaphore_mem>>) src(%dma_wait3A_27 : memref<2x8x64xi32, #tpu.memory_space<hbm>>) dst(%arg7 : memref<2x8x64xi32, #tpu.memory_space<vmem>>)
    %barrier3A_28 = arith.constant 0 : index
    tpu.barrier barrier_id(%barrier3A_28)
    "tpu.region"() ({
      %run_scoped3A = tpu.sem_alloc : memref<!tpu.dma_semaphore, #tpu.memory_space<semaphore_mem>>
      %dma_start3A_29 = arith.constant 0 : i32
      %dma_start3A_30 = tpu.memref_slice %arg5[%arg0, %mul3A_2, %dma_start3A_29] : memref<2x10240x128xf32, #tpu.memory_space<hbm>> -> memref<1x640x128xf32, #tpu.memory_space<hbm>>
      %dma_start3A_31 = tpu.memref_squeeze %dma_start3A_30 : memref<1x640x128xf32, #tpu.memory_space<hbm>> -> memref<640x128xf32, #tpu.memory_space<hbm>>
      %dma_start3A_32 = arith.constant 0 : i32
      %dma_start3A_33 = tpu.memref_slice %arg6[%mul3A_2, %dma_start3A_32] : memref<10240x128xf32, #tpu.memory_space<vmem_shared>> -> memref<640x128xf32, #tpu.memory_space<vmem_shared>>
      tpu.enqueue_dma source(%dma_start3A_33 : memref<640x128xf32, #tpu.memory_space<vmem_shared>>) target(%dma_start3A_31 : memref<640x128xf32, #tpu.memory_space<hbm>>) target_semaphore(%run_scoped3A : memref<!tpu.dma_semaphore, #tpu.memory_space<semaphore_mem>>)
      %dma_wait3A_34 = arith.constant 0 : i32
      %dma_wait3A_35 = tpu.memref_slice %arg5[%arg0, %mul3A_2, %dma_wait3A_34] : memref<2x10240x128xf32, #tpu.memory_space<hbm>> -> memref<1x640x128xf32, #tpu.memory_space<hbm>>
      %dma_wait3A_36 = tpu.memref_squeeze %dma_wait3A_35 : memref<1x640x128xf32, #tpu.memory_space<hbm>> -> memref<640x128xf32, #tpu.memory_space<hbm>>
      %dma_wait3A_37 = arith.constant 0 : i32
      %dma_wait3A_38 = tpu.memref_slice %arg6[%mul3A_2, %dma_wait3A_37] : memref<10240x128xf32, #tpu.memory_space<vmem_shared>> -> memref<640x128xf32, #tpu.memory_space<vmem_shared>>
      tpu.wait_dma2 semaphore(%run_scoped3A : memref<!tpu.dma_semaphore, #tpu.memory_space<semaphore_mem>>) src(%dma_wait3A_38 : memref<640x128xf32, #tpu.memory_space<vmem_shared>>) dst(%dma_wait3A_36 : memref<640x128xf32, #tpu.memory_space<hbm>>)
      tpu.yield
    }) : () -> ()
    return
  }
}

module attributes {stable_mosaic.version = 14 : i64} {
  func.func @_tc_layer_body(%arg0: i32, %arg1: memref<1024x128xf32, #tpu.memory_space<vmem>>, %arg2: memref<1024x128xf32, #tpu.memory_space<vmem>>, %arg3: memref<1024x128xf32, #tpu.memory_space<vmem>>, %arg4: memref<1024x1xf32, #tpu.memory_space<vmem>>, %arg5: memref<1024x1xf32, #tpu.memory_space<vmem>>, %arg6: memref<128x128xf32, #tpu.memory_space<vmem>>, %arg7: memref<128x128xf32, #tpu.memory_space<vmem>>, %arg8: memref<1x128xf32, #tpu.memory_space<vmem>>, %arg9: memref<1024x128xf32, #tpu.memory_space<vmem>>) attributes {dimension_semantics = [#tpu.dimension_semantics<arbitrary>], iteration_bounds = array<i64: 10>, scalar_prefetch = 0 : i64, scratch_operands = 0 : i64, tpu.core_type = #tpu.core_type<tc>, window_params = [{transform_indices = @transform_0, window_bounds = array<i64: 1024, 128>}, {transform_indices = @transform_1, window_bounds = array<i64: 1024, 128>}, {transform_indices = @transform_2, window_bounds = array<i64: 1024, 128>}, {transform_indices = @transform_3, window_bounds = array<i64: 1024, 1>}, {transform_indices = @transform_4, window_bounds = array<i64: 1024, 1>}, {pipeline_mode = #tpu.pipeline_mode<synchronous>, transform_indices = @transform_5, window_bounds = array<i64: 128, 128>}, {pipeline_mode = #tpu.pipeline_mode<synchronous>, transform_indices = @transform_6, window_bounds = array<i64: 128, 128>}, {pipeline_mode = #tpu.pipeline_mode<synchronous>, transform_indices = @transform_7, window_bounds = array<i64: 1, 128>}, {transform_indices = @transform_8, window_bounds = array<i64: 1024, 128>}]} {
    %get3A = arith.constant 0 : index
    %get3A_0 = arith.constant 0 : index
    %get3A_1 = vector.load %arg4[%get3A, %get3A_0] : memref<1024x1xf32, #tpu.memory_space<vmem>>, vector<1024x1xf32>
    %get3A_2 = arith.constant 0 : index
    %get3A_3 = arith.constant 0 : index
    %get3A_4 = vector.load %arg5[%get3A_2, %get3A_3] : memref<1024x1xf32, #tpu.memory_space<vmem>>, vector<1024x1xf32>
    %add3A = arith.addf %get3A_1, %get3A_4 : vector<1024x1xf32>
    %max3A = arith.constant 1.000000e+00 : f32
    %max3A_5 = vector.broadcast %max3A : f32 to vector<1024x1xf32>
    %max3A_6 = arith.maximumf %add3A, %max3A_5 : vector<1024x1xf32>
    %get3A_7 = arith.constant 0 : index
    %get3A_8 = arith.constant 0 : index
    %get3A_9 = vector.load %arg1[%get3A_7, %get3A_8] : memref<1024x128xf32, #tpu.memory_space<vmem>>, vector<1024x128xf32>
    %get3A_10 = arith.constant 0 : index
    %get3A_11 = arith.constant 0 : index
    %get3A_12 = vector.load %arg2[%get3A_10, %get3A_11] : memref<1024x128xf32, #tpu.memory_space<vmem>>, vector<1024x128xf32>
    %add3A_13 = arith.addf %get3A_9, %get3A_12 : vector<1024x128xf32>
    %div3A = vector.broadcast %max3A_6 : vector<1024x1xf32> to vector<1024x128xf32>
    %div3A_14 = arith.divf %add3A_13, %div3A : vector<1024x128xf32>
    %get3A_15 = arith.constant 0 : index
    %get3A_16 = arith.constant 0 : index
    %get3A_17 = vector.load %arg6[%get3A_15, %get3A_16] : memref<128x128xf32, #tpu.memory_space<vmem>>, vector<128x128xf32>
    %dot_general3A = arith.constant dense<0.000000e+00> : vector<1024x128xf32>
    %dot_general3A_18 = tpu.matmul %div3A_14, %get3A_17, %dot_general3A {dimension_numbers = #tpu.dot_dimension_numbers<[1], [0], [0], [1], [0, 0, 1, 1], [], []>, transpose_lhs_hint = false} : vector<1024x128xf32>, vector<128x128xf32>, vector<1024x128xf32> -> vector<1024x128xf32>
    %get3A_19 = arith.constant 0 : index
    %get3A_20 = arith.constant 0 : index
    %get3A_21 = vector.load %arg3[%get3A_19, %get3A_20] : memref<1024x128xf32, #tpu.memory_space<vmem>>, vector<1024x128xf32>
    %get3A_22 = arith.constant 0 : index
    %get3A_23 = arith.constant 0 : index
    %get3A_24 = vector.load %arg7[%get3A_22, %get3A_23] : memref<128x128xf32, #tpu.memory_space<vmem>>, vector<128x128xf32>
    %dot_general3A_25 = arith.constant dense<0.000000e+00> : vector<1024x128xf32>
    %dot_general3A_26 = tpu.matmul %get3A_21, %get3A_24, %dot_general3A_25 {dimension_numbers = #tpu.dot_dimension_numbers<[1], [0], [0], [1], [0, 0, 1, 1], [], []>, transpose_lhs_hint = false} : vector<1024x128xf32>, vector<128x128xf32>, vector<1024x128xf32> -> vector<1024x128xf32>
    %add3A_27 = arith.addf %dot_general3A_18, %dot_general3A_26 : vector<1024x128xf32>
    %get3A_28 = arith.constant 0 : index
    %get3A_29 = arith.constant 0 : index
    %get3A_30 = vector.load %arg8[%get3A_28, %get3A_29] : memref<1x128xf32, #tpu.memory_space<vmem>>, vector<1x128xf32>
    %add3A_31 = vector.broadcast %get3A_30 : vector<1x128xf32> to vector<1024x128xf32>
    %add3A_32 = arith.addf %add3A_27, %add3A_31 : vector<1024x128xf32>
    %max3A_33 = arith.constant 0.000000e+00 : f32
    %max3A_34 = vector.broadcast %max3A_33 : f32 to vector<1024x128xf32>
    %max3A_35 = arith.maximumf %add3A_32, %max3A_34 : vector<1024x128xf32>
    %mul3A = arith.mulf %max3A_35, %max3A_35 : vector<1024x128xf32>
    %reduce_sum3A = arith.constant dense<0.000000e+00> : vector<1024xf32>
    %reduce_sum3A_36 = vector.multi_reduction <add>, %mul3A, %reduce_sum3A [1] : vector<1024x128xf32> to vector<1024xf32>
    %broadcast_in_dim3A = vector.shape_cast %reduce_sum3A_36 : vector<1024xf32> to vector<1024x1xf32>
    %sqrt3A = math.sqrt %broadcast_in_dim3A : vector<1024x1xf32>
    %max3A_37 = arith.constant 9.99999996E-13 : f32
    %max3A_38 = vector.broadcast %max3A_37 : f32 to vector<1024x1xf32>
    %max3A_39 = arith.maximumf %sqrt3A, %max3A_38 : vector<1024x1xf32>
    %div3A_40 = vector.broadcast %max3A_39 : vector<1024x1xf32> to vector<1024x128xf32>
    %div3A_41 = arith.divf %max3A_35, %div3A_40 : vector<1024x128xf32>
    %swap3A = arith.constant 0 : index
    %swap3A_42 = arith.constant 0 : index
    %swap3A_43 = vector.load %arg9[%swap3A, %swap3A_42] : memref<1024x128xf32, #tpu.memory_space<vmem>>, vector<1024x128xf32>
    tpu.vector_store %arg9[%swap3A, %swap3A_42], %div3A_41 {strides = array<i32>} : memref<1024x128xf32, #tpu.memory_space<vmem>>, vector<1024x128xf32>,
    return
  }
  func.func @transform_0(%arg0: i32) -> (i32, i32) {
    %c0_i32 = arith.constant 0 : i32
    %c0_i32_0 = arith.constant 0 : i32
    return %arg0, %c0_i32 : i32, i32
  }
  func.func @transform_1(%arg0: i32) -> (i32, i32) {
    %c0_i32 = arith.constant 0 : i32
    %c0_i32_0 = arith.constant 0 : i32
    return %arg0, %c0_i32 : i32, i32
  }
  func.func @transform_2(%arg0: i32) -> (i32, i32) {
    %c0_i32 = arith.constant 0 : i32
    %c0_i32_0 = arith.constant 0 : i32
    return %arg0, %c0_i32 : i32, i32
  }
  func.func @transform_3(%arg0: i32) -> (i32, i32) {
    %c0_i32 = arith.constant 0 : i32
    %c0_i32_0 = arith.constant 0 : i32
    return %arg0, %c0_i32 : i32, i32
  }
  func.func @transform_4(%arg0: i32) -> (i32, i32) {
    %c0_i32 = arith.constant 0 : i32
    %c0_i32_0 = arith.constant 0 : i32
    return %arg0, %c0_i32 : i32, i32
  }
  func.func @transform_5(%arg0: i32) -> (i32, i32) {
    %c0_i32 = arith.constant 0 : i32
    %c0_i32_0 = arith.constant 0 : i32
    %c0_i32_1 = arith.constant 0 : i32
    return %c0_i32, %c0_i32_0 : i32, i32
  }
  func.func @transform_6(%arg0: i32) -> (i32, i32) {
    %c0_i32 = arith.constant 0 : i32
    %c0_i32_0 = arith.constant 0 : i32
    %c0_i32_1 = arith.constant 0 : i32
    return %c0_i32, %c0_i32_0 : i32, i32
  }
  func.func @transform_7(%arg0: i32) -> (i32, i32) {
    %c0_i32 = arith.constant 0 : i32
    %c0_i32_0 = arith.constant 0 : i32
    %c0_i32_1 = arith.constant 0 : i32
    return %c0_i32, %c0_i32_0 : i32, i32
  }
  func.func @transform_8(%arg0: i32) -> (i32, i32) {
    %c0_i32 = arith.constant 0 : i32
    %c0_i32_0 = arith.constant 0 : i32
    return %arg0, %c0_i32 : i32, i32
  }
}

module attributes {stable_mosaic.version = 14 : i64} {
  func.func @_tc_final_body(%arg0: i32, %arg1: memref<1024x128xf32, #tpu.memory_space<vmem>>, %arg2: memref<1024x128xf32, #tpu.memory_space<vmem>>, %arg3: memref<1024x128xf32, #tpu.memory_space<vmem>>, %arg4: memref<1024x1xf32, #tpu.memory_space<vmem>>, %arg5: memref<1024x1xf32, #tpu.memory_space<vmem>>, %arg6: memref<128x128xf32, #tpu.memory_space<vmem>>, %arg7: memref<128x128xf32, #tpu.memory_space<vmem>>, %arg8: memref<1x128xf32, #tpu.memory_space<vmem>>, %arg9: memref<1x1x1024xi32, #tpu.memory_space<vmem>>, %arg10: memref<16x128xf32, #tpu.memory_space<vmem>>, %arg11: memref<16x128xf32, #tpu.memory_space<vmem>>, %arg12: memref<16x1xf32, #tpu.memory_space<vmem>>) attributes {dimension_semantics = [#tpu.dimension_semantics<arbitrary>], iteration_bounds = array<i64: 10>, scalar_prefetch = 0 : i64, scratch_operands = 2 : i64, tpu.core_type = #tpu.core_type<tc>, window_params = [{transform_indices = @transform_0, window_bounds = array<i64: 1024, 128>}, {transform_indices = @transform_1, window_bounds = array<i64: 1024, 128>}, {transform_indices = @transform_2, window_bounds = array<i64: 1024, 128>}, {transform_indices = @transform_3, window_bounds = array<i64: 1024, 1>}, {transform_indices = @transform_4, window_bounds = array<i64: 1024, 1>}, {pipeline_mode = #tpu.pipeline_mode<synchronous>, transform_indices = @transform_5, window_bounds = array<i64: 128, 128>}, {pipeline_mode = #tpu.pipeline_mode<synchronous>, transform_indices = @transform_6, window_bounds = array<i64: 128, 128>}, {pipeline_mode = #tpu.pipeline_mode<synchronous>, transform_indices = @transform_7, window_bounds = array<i64: 1, 128>}, {transform_indices = @transform_8, window_bounds = array<i64: 1, 1, 1024>}, {pipeline_mode = #tpu.pipeline_mode<synchronous>, transform_indices = @transform_9, window_bounds = array<i64: 16, 128>}]} {
    %get3A = arith.constant 0 : index
    %get3A_0 = arith.constant 0 : index
    %get3A_1 = vector.load %arg4[%get3A, %get3A_0] : memref<1024x1xf32, #tpu.memory_space<vmem>>, vector<1024x1xf32>
    %get3A_2 = arith.constant 0 : index
    %get3A_3 = arith.constant 0 : index
    %get3A_4 = vector.load %arg5[%get3A_2, %get3A_3] : memref<1024x1xf32, #tpu.memory_space<vmem>>, vector<1024x1xf32>
    %add3A = arith.addf %get3A_1, %get3A_4 : vector<1024x1xf32>
    %max3A = arith.constant 1.000000e+00 : f32
    %max3A_5 = vector.broadcast %max3A : f32 to vector<1024x1xf32>
    %max3A_6 = arith.maximumf %add3A, %max3A_5 : vector<1024x1xf32>
    %get3A_7 = arith.constant 0 : index
    %get3A_8 = arith.constant 0 : index
    %get3A_9 = vector.load %arg1[%get3A_7, %get3A_8] : memref<1024x128xf32, #tpu.memory_space<vmem>>, vector<1024x128xf32>
    %get3A_10 = arith.constant 0 : index
    %get3A_11 = arith.constant 0 : index
    %get3A_12 = vector.load %arg2[%get3A_10, %get3A_11] : memref<1024x128xf32, #tpu.memory_space<vmem>>, vector<1024x128xf32>
    %add3A_13 = arith.addf %get3A_9, %get3A_12 : vector<1024x128xf32>
    %div3A = vector.broadcast %max3A_6 : vector<1024x1xf32> to vector<1024x128xf32>
    %div3A_14 = arith.divf %add3A_13, %div3A : vector<1024x128xf32>
    %get3A_15 = arith.constant 0 : index
    %get3A_16 = arith.constant 0 : index
    %get3A_17 = vector.load %arg6[%get3A_15, %get3A_16] : memref<128x128xf32, #tpu.memory_space<vmem>>, vector<128x128xf32>
    %dot_general3A = arith.constant dense<0.000000e+00> : vector<1024x128xf32>
    %dot_general3A_18 = tpu.matmul %div3A_14, %get3A_17, %dot_general3A {dimension_numbers = #tpu.dot_dimension_numbers<[1], [0], [0], [1], [0, 0, 1, 1], [], []>, transpose_lhs_hint = false} : vector<1024x128xf32>, vector<128x128xf32>, vector<1024x128xf32> -> vector<1024x128xf32>
    %get3A_19 = arith.constant 0 : index
    %get3A_20 = arith.constant 0 : index
    %get3A_21 = vector.load %arg3[%get3A_19, %get3A_20] : memref<1024x128xf32, #tpu.memory_space<vmem>>, vector<1024x128xf32>
    %get3A_22 = arith.constant 0 : index
    %get3A_23 = arith.constant 0 : index
    %get3A_24 = vector.load %arg7[%get3A_22, %get3A_23] : memref<128x128xf32, #tpu.memory_space<vmem>>, vector<128x128xf32>
    %dot_general3A_25 = arith.constant dense<0.000000e+00> : vector<1024x128xf32>
    %dot_general3A_26 = tpu.matmul %get3A_21, %get3A_24, %dot_general3A_25 {dimension_numbers = #tpu.dot_dimension_numbers<[1], [0], [0], [1], [0, 0, 1, 1], [], []>, transpose_lhs_hint = false} : vector<1024x128xf32>, vector<128x128xf32>, vector<1024x128xf32> -> vector<1024x128xf32>
    %add3A_27 = arith.addf %dot_general3A_18, %dot_general3A_26 : vector<1024x128xf32>
    %get3A_28 = arith.constant 0 : index
    %get3A_29 = arith.constant 0 : index
    %get3A_30 = vector.load %arg8[%get3A_28, %get3A_29] : memref<1x128xf32, #tpu.memory_space<vmem>>, vector<1x128xf32>
    %add3A_31 = vector.broadcast %get3A_30 : vector<1x128xf32> to vector<1024x128xf32>
    %add3A_32 = arith.addf %add3A_27, %add3A_31 : vector<1024x128xf32>
    %mul3A = arith.mulf %add3A_32, %add3A_32 : vector<1024x128xf32>
    %reduce_sum3A = arith.constant dense<0.000000e+00> : vector<1024xf32>
    %reduce_sum3A_33 = vector.multi_reduction <add>, %mul3A, %reduce_sum3A [1] : vector<1024x128xf32> to vector<1024xf32>
    %broadcast_in_dim3A = vector.shape_cast %reduce_sum3A_33 : vector<1024xf32> to vector<1024x1xf32>
    %sqrt3A = math.sqrt %broadcast_in_dim3A : vector<1024x1xf32>
    %max3A_34 = arith.constant 9.99999996E-13 : f32
    %max3A_35 = vector.broadcast %max3A_34 : f32 to vector<1024x1xf32>
    %max3A_36 = arith.maximumf %sqrt3A, %max3A_35 : vector<1024x1xf32>
    %div3A_37 = vector.broadcast %max3A_36 : vector<1024x1xf32> to vector<1024x128xf32>
    %div3A_38 = arith.divf %add3A_32, %div3A_37 : vector<1024x128xf32>
    %iota3A = tpu.iota {dimensions = array<i32: 0>} : vector<16x1xi32>
    %get3A_39 = arith.constant 0 : index
    %get3A_40 = arith.constant 0 : index
    %get3A_41 = arith.constant 0 : index
    %get3A_42 = vector.load %arg9[%get3A_39, %get3A_40, %get3A_41] : memref<1x1x1024xi32, #tpu.memory_space<vmem>>, vector<1x1x1024xi32>
    %get3A_43 = vector.shape_cast %get3A_42 : vector<1x1x1024xi32> to vector<1x1024xi32>
    %eq3A = vector.broadcast %get3A_43 : vector<1x1024xi32> to vector<16x1024xi32>
    %eq3A_44 = vector.broadcast %iota3A : vector<16x1xi32> to vector<16x1024xi32>
    %eq3A_45 = arith.cmpi eq, %eq3A, %eq3A_44 : vector<16x1024xi32>
    %convert_element_type3A = arith.extui %eq3A_45 : vector<16x1024xi1> to vector<16x1024xi32>
    %convert_element_type3A_46 = arith.sitofp %convert_element_type3A : vector<16x1024xi32> to vector<16x1024xf32>
    %eq3A_47 = arith.constant 0 : i32
    %eq3A_48 = arith.cmpi eq, %arg0, %eq3A_47 : i32
    %convert_element_type3A_49 = arith.extui %eq3A_48 : i1 to i32
    %cond3A = arith.constant 0 : i32
    %cond3A_50 = arith.cmpi ne, %convert_element_type3A_49, %cond3A : i32
    scf.if %cond3A_50 {
      %broadcast_in_dim3A_74 = arith.constant 0.000000e+00 : f32
      %broadcast_in_dim3A_75 = vector.broadcast %broadcast_in_dim3A_74 : f32 to vector<16x128xf32>
      %swap3A_76 = arith.constant 0 : index
      %swap3A_77 = arith.constant 0 : index
      %swap3A_78 = vector.load %arg11[%swap3A_76, %swap3A_77] : memref<16x128xf32, #tpu.memory_space<vmem>>, vector<16x128xf32>
      tpu.vector_store %arg11[%swap3A_76, %swap3A_77], %broadcast_in_dim3A_75 {strides = array<i32>} : memref<16x128xf32, #tpu.memory_space<vmem>>, vector<16x128xf32>,
      %broadcast_in_dim3A_79 = arith.constant 0.000000e+00 : f32
      %broadcast_in_dim3A_80 = vector.broadcast %broadcast_in_dim3A_79 : f32 to vector<16x1xf32>
      %swap3A_81 = arith.constant 0 : index
      %swap3A_82 = arith.constant 0 : index
      %swap3A_83 = vector.load %arg12[%swap3A_81, %swap3A_82] : memref<16x1xf32, #tpu.memory_space<vmem>>, vector<16x1xf32>
      tpu.vector_store %arg12[%swap3A_81, %swap3A_82], %broadcast_in_dim3A_80 {strides = array<i32>} : memref<16x1xf32, #tpu.memory_space<vmem>>, vector<16x1xf32>,
    } else {
    }
    %get3A_51 = arith.constant 0 : index
    %get3A_52 = arith.constant 0 : index
    %get3A_53 = vector.load %arg11[%get3A_51, %get3A_52] : memref<16x128xf32, #tpu.memory_space<vmem>>, vector<16x128xf32>
    %dot_general3A_54 = arith.constant dense<0.000000e+00> : vector<16x128xf32>
    %dot_general3A_55 = tpu.matmul %convert_element_type3A_46, %div3A_38, %dot_general3A_54 {dimension_numbers = #tpu.dot_dimension_numbers<[1], [0], [0], [1], [0, 0, 1, 1], [], []>, transpose_lhs_hint = false} : vector<16x1024xf32>, vector<1024x128xf32>, vector<16x128xf32> -> vector<16x128xf32>
    %add3A_56 = arith.addf %get3A_53, %dot_general3A_55 : vector<16x128xf32>
    %swap3A = arith.constant 0 : index
    %swap3A_57 = arith.constant 0 : index
    %swap3A_58 = vector.load %arg11[%swap3A, %swap3A_57] : memref<16x128xf32, #tpu.memory_space<vmem>>, vector<16x128xf32>
    tpu.vector_store %arg11[%swap3A, %swap3A_57], %add3A_56 {strides = array<i32>} : memref<16x128xf32, #tpu.memory_space<vmem>>, vector<16x128xf32>,
    %get3A_59 = arith.constant 0 : index
    %get3A_60 = arith.constant 0 : index
    %get3A_61 = vector.load %arg12[%get3A_59, %get3A_60] : memref<16x1xf32, #tpu.memory_space<vmem>>, vector<16x1xf32>
    %reduce_sum3A_62 = arith.constant dense<0.000000e+00> : vector<16xf32>
    %reduce_sum3A_63 = vector.multi_reduction <add>, %convert_element_type3A_46, %reduce_sum3A_62 [1] : vector<16x1024xf32> to vector<16xf32>
    %broadcast_in_dim3A_64 = vector.shape_cast %reduce_sum3A_63 : vector<16xf32> to vector<16x1xf32>
    %add3A_65 = arith.addf %get3A_61, %broadcast_in_dim3A_64 : vector<16x1xf32>
    %swap3A_66 = arith.constant 0 : index
    %swap3A_67 = arith.constant 0 : index
    %swap3A_68 = vector.load %arg12[%swap3A_66, %swap3A_67] : memref<16x1xf32, #tpu.memory_space<vmem>>, vector<16x1xf32>
    tpu.vector_store %arg12[%swap3A_66, %swap3A_67], %add3A_65 {strides = array<i32>} : memref<16x1xf32, #tpu.memory_space<vmem>>, vector<16x1xf32>,
    %eq3A_69 = arith.constant 9 : i32
    %eq3A_70 = arith.cmpi eq, %arg0, %eq3A_69 : i32
    %convert_element_type3A_71 = arith.extui %eq3A_70 : i1 to i32
    %cond3A_72 = arith.constant 0 : i32
    %cond3A_73 = arith.cmpi ne, %convert_element_type3A_71, %cond3A_72 : i32
    scf.if %cond3A_73 {
      %get3A_74 = arith.constant 0 : index
      %get3A_75 = arith.constant 0 : index
      %get3A_76 = vector.load %arg11[%get3A_74, %get3A_75] : memref<16x128xf32, #tpu.memory_space<vmem>>, vector<16x128xf32>
      %get3A_77 = arith.constant 0 : index
      %get3A_78 = arith.constant 0 : index
      %get3A_79 = vector.load %arg12[%get3A_77, %get3A_78] : memref<16x1xf32, #tpu.memory_space<vmem>>, vector<16x1xf32>
      %max3A_80 = arith.constant 1.000000e+00 : f32
      %max3A_81 = vector.broadcast %max3A_80 : f32 to vector<16x1xf32>
      %max3A_82 = arith.maximumf %get3A_79, %max3A_81 : vector<16x1xf32>
      %div3A_83 = vector.broadcast %max3A_82 : vector<16x1xf32> to vector<16x128xf32>
      %div3A_84 = arith.divf %get3A_76, %div3A_83 : vector<16x128xf32>
      %swap3A_85 = arith.constant 0 : index
      %swap3A_86 = arith.constant 0 : index
      %swap3A_87 = vector.load %arg10[%swap3A_85, %swap3A_86] : memref<16x128xf32, #tpu.memory_space<vmem>>, vector<16x128xf32>
      tpu.vector_store %arg10[%swap3A_85, %swap3A_86], %div3A_84 {strides = array<i32>} : memref<16x128xf32, #tpu.memory_space<vmem>>, vector<16x128xf32>,
    } else {
    }
    return
  }
  func.func @transform_0(%arg0: i32) -> (i32, i32) {
    %c0_i32 = arith.constant 0 : i32
    %c0_i32_0 = arith.constant 0 : i32
    return %arg0, %c0_i32 : i32, i32
  }
  func.func @transform_1(%arg0: i32) -> (i32, i32) {
    %c0_i32 = arith.constant 0 : i32
    %c0_i32_0 = arith.constant 0 : i32
    return %arg0, %c0_i32 : i32, i32
  }
  func.func @transform_2(%arg0: i32) -> (i32, i32) {
    %c0_i32 = arith.constant 0 : i32
    %c0_i32_0 = arith.constant 0 : i32
    return %arg0, %c0_i32 : i32, i32
  }
  func.func @transform_3(%arg0: i32) -> (i32, i32) {
    %c0_i32 = arith.constant 0 : i32
    %c0_i32_0 = arith.constant 0 : i32
    return %arg0, %c0_i32 : i32, i32
  }
  func.func @transform_4(%arg0: i32) -> (i32, i32) {
    %c0_i32 = arith.constant 0 : i32
    %c0_i32_0 = arith.constant 0 : i32
    return %arg0, %c0_i32 : i32, i32
  }
  func.func @transform_5(%arg0: i32) -> (i32, i32) {
    %c0_i32 = arith.constant 0 : i32
    %c0_i32_0 = arith.constant 0 : i32
    %c0_i32_1 = arith.constant 0 : i32
    return %c0_i32, %c0_i32_0 : i32, i32
  }
  func.func @transform_6(%arg0: i32) -> (i32, i32) {
    %c0_i32 = arith.constant 0 : i32
    %c0_i32_0 = arith.constant 0 : i32
    %c0_i32_1 = arith.constant 0 : i32
    return %c0_i32, %c0_i32_0 : i32, i32
  }
  func.func @transform_7(%arg0: i32) -> (i32, i32) {
    %c0_i32 = arith.constant 0 : i32
    %c0_i32_0 = arith.constant 0 : i32
    %c0_i32_1 = arith.constant 0 : i32
    return %c0_i32, %c0_i32_0 : i32, i32
  }
  func.func @transform_8(%arg0: i32) -> (i32, i32, i32) {
    %c0_i32 = arith.constant 0 : i32
    %c0_i32_0 = arith.constant 0 : i32
    %c0_i32_1 = arith.constant 0 : i32
    return %arg0, %c0_i32, %c0_i32_0 : i32, i32, i32
  }
  func.func @transform_9(%arg0: i32) -> (i32, i32) {
    %c0_i32 = arith.constant 0 : i32
    %c0_i32_0 = arith.constant 0 : i32
    %c0_i32_1 = arith.constant 0 : i32
    return %c0_i32, %c0_i32_0 : i32, i32
  }
}

</mosaic_0001>

<sc_bundles>
// kernel: kernel.12.cloned.1.call-start
scs
__scs_entry_jumppad:
0x0: {  	(pc) =	sbr.rel $0x88, $3  }
0x1: {  	(tag) =	ssettag $0x0;
	lr =	simm.s32 $0x1  }
0x2: {  	[smem:$0x3F95] =	sst lr;
	_ =	strace $0xD0000000  }
0x3: {  	_ = 	snop  }
0x4: {  	_ = 	snop  }
0x5: {  	_ = 	snop  }
0x6: {  	_ = 	snop  }
0x7: {  	_ = 	snop  }
__scs_overlays_trampoline_lowered:
0x8: {  	[smem:$0x3FA4] =	sst s0  }
0x9: {  	[smem:$0x3FA5] =	sst s1  }
0xa: {  	[smem:$0x3FA6] =	sst s2  }
0xb: {  	[smem:$0x3FA7] =	sst s3  }
0xc: {  	[smem:$0x3FA8] =	sst s4  }
0xd: {  	[smem:$0x3FA9] =	sst s5  }
0xe: {  	[smem:$0x3FAA] =	sst s6  }
0xf: {  	[smem:$0x3FAB] =	sst s7  }
0x10: {  	[smem:$0x3FAC] =	sst s8  }
0x11: {  	[smem:$0x3FAD] =	sst s9;
	s0 =	simm.s32 @!p0 $0x0  }
0x12: {  	s1 =	sld [smem:$0x3F93];
	s0 =	simm.s32 @p0 $0x1  }
0x13: {  	[smem:$0x3FAE] =	sst s0;
	s0 =	simm.s32 @!p1 $0x0  }
0x14: {  	s2 =	sld [smem:$0x3F92];
	s0 =	simm.s32 @p1 $0x1  }
0x15: {  	[smem:$0x3FAF] =	sst s0;
	s0 =	simm.s32 @!p2 $0x0  }
0x16: {  	s3 =	sld [smem:$0x3FDB];
	s0 =	simm.s32 @p2 $0x1  }
0x17: {  	s4 =	simm.s32 $0x1BF5;
	[smem:$0x3FB1] =	sst s0  }
0x18: {  	s0 =	sld [smem:$0x3F94];
	_ =	swait.ge [sflag:s4], $0x0  }
0x19: {  	s7 =	sld [smem:$0x3F95]  }
0x1a: {  	s8 =	sadd.s32 $0xFFFFE003, lr  }
0x1b: {  	s9 =	sadd.s32 $0xFFFFFEF7, lr;
	s5 =	simm.s32 $0xFFFFFFFF;
	p2 =	slt.u32 s8, $0xFFFFF086  }
0x1c: {  	p1 =	slt.u32 s9, $0xF7A;
	s5 =	simm.s32 @!p2 $0x0  }
0x1d: {  	s5 =	simm.s32 @p1 $0x1;
	p0 =	seq.s32 s7, s2  }
0x1e: {  	s7 =	smul.u32 @!p0 $0xF7A, s2;
	p2 =	seq.s32 @!p0 s5, $0x0  }
0x1f: {  	s9 =	smul.u32 $0xF7A, s1;
	s8 =	simm.s32 @!p0 $0x1BF5;
	p2 =	por !p2, p0  }
0x20: {  	[sflag:s8] =	ssyncset.s32 @!p0 $0xFFFFF086;
	s6 =	sadd.s32 @!p0 s3, s7;
	s7 =	simm.s32 @!p0 $0x108  }
0x21: {  	s3 =	sadd.s32 s3, s9;
	s6 =	sadd.s32 @!p0 $0x88, s6;
	s7 =	simm.s32 @p2 $0x1082  }
0x22: {  	[simem:s7], [sflag:s8] =	dma.local @!p0 [hbm:s6], $0xF7A  }
0x23: {  	s9 =	sor.u32 $0xD0000000, s2;
	s6 =	simm.s32 $0x108;
	_ =	swait.ge @!p0 [sflag:s8], $0x0  }
0x24: {  	s3 =	sadd.s32 $0x88, s3;
	s6 =	simm.s32 @!p1 $0x1082;
	[sflag:s4] =	ssyncset.s32 $0xFFFFF086  }
0x25: {  	[simem:s6], [sflag:s4] =	dma.local [hbm:s3], $0xF7A  }
0x26: {  	[smem:$0x3F95] =	sst s1;
	(tag) =	ssettag s2;
	_ =	strace s9  }
0x27: {  	s1 =	sld [smem:$0x3FA5]  }
0x28: {  	s2 =	sld [smem:$0x3FA6]  }
0x29: {  	s4 =	sld [smem:$0x3FA8]  }
0x2a: {  	p0 =	seq.s32 s5, $0x0;
	s5 =	sld [smem:$0x3FA9]  }
0x2b: {  	s6 =	sld [smem:$0x3FAA]  }
0x2c: {  	s7 =	sld [smem:$0x3FAB]  }
0x2d: {  	s3 =	simm.s32 $0x108;
	s8 =	sld [smem:$0x3FAC]  }
0x2e: {  	s3 =	simm.s32 @!p0 $0x1082;
	s9 =	sld [smem:$0x3FAD]  }
0x2f: {  	lr =	sadd.s32 s0, s3;
	s0 =	sld [smem:$0x3FA4]  }
0x30: {  	s3 =	sld [smem:$0x3FA7]  }
0x31: {  	[smem:$0x3FB0] =	sst s10  }
0x32: {  	s10 =	sld [smem:$0x3FAE];
	_ =	sdelay $0x3  }
0x33: {  	p0 =	seq.s32 s10, $0x1;
	s10 =	sld [smem:$0x3FB0];
	_ =	sdelay $0x3  }
0x34: {  	[smem:$0x3FB0] =	sst s10  }
0x35: {  	s10 =	sld [smem:$0x3FAF];
	_ =	sdelay $0x3  }
0x36: {  	p1 =	seq.s32 s10, $0x1;
	s10 =	sld [smem:$0x3FB0];
	_ =	sdelay $0x3  }
0x37: {  	[smem:$0x3FB0] =	sst s10  }
0x38: {  	s10 =	sld [smem:$0x3FB1]  }
0x39: {  	_ = 	snop;
	(pc) =	sbr.ind lr, $3  }
0x3a: {  	_ = 	snop  }
0x3b: {  	_ = 	snop  }
0x3c: {  	p2 =	seq.s32 s10, $0x1;
	s10 =	sld [smem:$0x3FB0]  }
0x3d: {  	_ =	shalt  }
0x3e: {  	_ =	shalt  }
0x3f: {  	_ =	shalt  }
0x40: {  	_ =	shalt  }
0x41: {  	_ =	shalt  }
0x42: {  	_ =	shalt  }
0x43: {  	_ =	shalt  }
0x44: {  	_ =	shalt  }
0x45: {  	_ =	shalt  }
0x46: {  	_ =	shalt  }
0x47: {  	_ =	shalt  }
0x48: {  	_ =	shalt  }
0x49: {  	_ =	shalt  }
0x4a: {  	_ =	shalt  }
0x4b: {  	_ =	shalt  }
0x4c: {  	_ =	shalt  }
0x4d: {  	_ =	shalt  }
0x4e: {  	_ =	shalt  }
0x4f: {  	_ =	shalt  }
0x50: {  	_ =	shalt  }
0x51: {  	_ =	shalt  }
0x52: {  	_ =	shalt  }
0x53: {  	_ =	shalt  }
0x54: {  	_ =	shalt  }
0x55: {  	_ =	shalt  }
0x56: {  	_ =	shalt  }
0x57: {  	_ =	shalt  }
0x58: {  	_ =	shalt  }
0x59: {  	_ =	shalt  }
0x5a: {  	_ =	shalt  }
0x5b: {  	_ =	shalt  }
0x5c: {  	_ =	shalt  }
0x5d: {  	_ =	shalt  }
0x5e: {  	_ =	shalt  }
0x5f: {  	_ =	shalt  }
0x60: {  	_ =	shalt  }
0x61: {  	_ =	shalt  }
0x62: {  	_ =	shalt  }
0x63: {  	_ =	shalt  }
0x64: {  	_ =	shalt  }
0x65: {  	_ =	shalt  }
0x66: {  	_ =	shalt  }
0x67: {  	_ =	shalt  }
0x68: {  	_ =	shalt  }
0x69: {  	_ =	shalt  }
0x6a: {  	_ =	shalt  }
0x6b: {  	_ =	shalt  }
0x6c: {  	_ =	shalt  }
0x6d: {  	_ =	shalt  }
0x6e: {  	_ =	shalt  }
0x6f: {  	_ =	shalt  }
0x70: {  	_ =	shalt  }
0x71: {  	_ =	shalt  }
0x72: {  	_ =	shalt  }
0x73: {  	_ =	shalt  }
0x74: {  	_ =	shalt  }
0x75: {  	_ =	shalt  }
0x76: {  	_ =	shalt  }
0x77: {  	_ =	shalt  }
0x78: {  	_ =	shalt  }
0x79: {  	_ =	shalt  }
0x7a: {  	_ =	shalt  }
0x7b: {  	_ =	shalt  }
0x7c: {  	_ =	shalt  }
0x7d: {  	_ =	shalt  }
0x7e: {  	_ =	shalt  }
0x7f: {  	_ =	shalt  }
0x80: {  	_ =	shalt  }
0x81: {  	_ =	shalt  }
0x82: {  	_ =	shalt  }
0x83: {  	_ =	shalt  }
0x84: {  	_ =	shalt  }
0x85: {  	_ =	shalt  }
0x86: {  	_ =	shalt  }
0x87: {  	_ =	shalt  }
.Lfunc_end0:
.L_simem_size_0:
called_computation.1_lowered:
.L_overlay_start_0:
0x88: {  	s2 =	sld [smem:$0x3FD9]  }
0x89: {  	s3 =	sld [smem:$0x3FFE];
	_ =	sdelay $0x1  }
0x8a: {  	s1 =	srdreg.scid  }
0x8b: {  	s0 =	sand.u32 $0x1, s1  }
0x8c: {  	s16 =	sshll.u32 s0, $0xA;
	s2 =	sadd.s32 s3, s2  }
0x8d: {  	s2 =	sadd.s32 s2, s16  }
0x8e: {  	[smem:$0x3FBC] =	sst s2  }
0x8f: {  	_ = 	snop  }
0x90: {  	(tm) =	ssettm $0x1  }
0x91: {  	s17 =	sld [smem:$0x3FFB];
	_ =	sdelay $0x3  }
0x92: {  	_ =	strace s17  }
0x93: {  	s2 =	sld [smem:$0x3FFC];
	_ =	sdelay $0x3  }
0x94: {  	_ =	strace s2  }
0x95: {  	s2 =	sld [smem:$0x3FFD];
	_ =	sdelay $0x3  }
0x96: {  	_ =	strace s2  }
0x97: {  	_ =	strace $0x8FFFFFFF  }
0x98: {  	s18 =	sld [smem:$0x3FDB];
	_ =	sdelay $0x1  }
0x99: {  	s19 =	simm.s32 $_scs_section_size  }
0x9a: {  	s4 =	simm.s32 $_size__tile_overlayer_lowered;
	s5 =	simm.s32 $_tile_overlayer_lowered  }
0x9b: {  	s22 =	simm.s32 $0x1BFF;
	s21 =	sshll.u32 s5, $0x1;
	s2 =	sadd.s32 s19, s18  }
0x9c: {  	s6 =	simm.s32 $0x0;
	s20 =	sshll.u32 s4, $0x1;
	s4 =	sadd.s32 s21, s2  }
0x9d: {  	[timem:s6], [sflag:s22] =	dma.local [hbm:s4], s20  }
0x9e: {  	_ =	swait.ge [sflag:s22], s20  }
0x9f: {  	s3 =	ssub.s32 $0x0, s20;
	[sflag:s22] =	ssyncset.done $0x0  }
0xa0: {  	[sflag:s22] =	ssyncadd.s32 s3;
	_ =	sdelay $0x1  }
0xa1: {  	s23 =	simm.s32 $0x1B8B  }
0xa2: {  	_ =	swait.ge [sflag:s23], $0x1  }
0xa3: {  	[sflag:s23] =	ssyncset.done $0x0  }
0xa4: {  	s25 =	simm.s32 $0x1B8E;
	s24 =	sld [smem:$0x3FFE];
	[sflag:s23] =	ssyncadd.s32 $0xFFFFFFFF  }
0xa5: {  	s26 =	simm.s32 $execute0_lowered;
	[smem:$0x3FD2] =	sst s25  }
0xa6: {  	s4 =	sshll.u32 s26, $0x1;
	_ =	strace $0x80000046;
	[dreg:$0x1] =	wrdreg $0xFFFFFFFF  }
0xa7: {  	s28 =	simm.s32 $_size_execute0_lowered;
	s2 =	sadd.s32 s2, s4;
	[dreg:$0x0] =	wrdreg $0x0  }
0xa8: {  	s4 =	sshll.u32 s28, $0x1;
	[dreg:$0x2] =	wrdreg s2  }
0xa9: {  	[dreg:$0x3] =	wrdreg s4  }
0xaa: {  	[dreg:$0x4] =	wrdreg $0xC0  }
0xab: {  	_ =	task [dreg:s6], $0x5FFFF  }
0xac: {  	[dreg:$0x1] =	wrdreg $0xFFFFFFFF  }
0xad: {  	[dreg:$0x0] =	wrdreg $0x60  }
0xae: {  	[dreg:$0x2] =	wrdreg s24  }
0xaf: {  	[dreg:$0x3] =	wrdreg $0x0  }
0xb0: {  	[dreg:$0x4] =	wrdreg $0xA  }
0xb1: {  	_ =	task.clear_ibuf [dreg:s6], $0x5FFFF;
	_ =	strace $0x90000046  }
0xb2: {  	s29 =	simm.s32 $0xA;
	_ =	strace $0x80000048  }
0xb3: {  	_ =	swait.ge [sflag:s29], $0x1  }
0xb4: {  	[sflag:s29] =	ssyncadd.s32 $0xFFFFFFFF  }
0xb5: {  	_ =	strace $0x90000048  }
0xb6: {  	_ =	sfence  }
0xb7: {  	s30 =	sld [smem:$0x0];
	_ =	sdelay $0x2  }
0xb8: {  	s31 =	sshll.u32 s1, $0xD;
	s1 =	sshrl.u32 s1, $0x2  }
0xb9: {  	s3 =	sand.u32 $0x4000, s31;
	s1 =	sadd.s32 s1, s30  }
0xba: {  	s0 =	sor.u32 s3, s0;
	s1 =	sshll.u32 s1, $0x11  }
0xbb: {  	s0 =	sor.u32 s1, s0  }
0xbc: {  	s0 =	sadd.s32 $0x8F2B, s0  }
0xbd: {  	[sflag:s0] =	ssyncadd.remote.s32 $0x1  }
0xbe: {  	_ =	sfence.sel $0xFFFF  }
0xbf: {  	[dreg:$0x0] =	wrdreg $0xFFFFFFFF;
	(pc) =	sbr.abs _section_cstart, $3  }
0xc0: {  	[dreg:$0x1] =	wrdreg $0xFFFFFFFF  }
0xc1: {  	_ =	task.clear_ibuf [dreg:s6], $0x2FFFF;
	_ =	strace $0x9FFFFFFF  }
0xc2: {  	(tm) =	ssettm $0x7FFFFFFF  }
0xc3: {  	_ =	shalt  }
tec
execute0_lowered:
.L_overlay_start_1:
0x0: {  	(tag) =	ssettag $0x1  }
0x1: {  	s0 =	rddreg [dreg:$0x0]  }
0x2: {  	s2 =	rddreg [dreg:$0x1];
	s12 =	stileid.u32  }
0x3: {  	s3 =	simm.s32 $0x0;
	s4 =	srdreg.scid;
	s21 =	simm.s32 $0x14080  }
0x4: {  	s22 =	simm.s32 $0x14400;
	s23 =	simm.s32 $0x14100;
	s24 =	simm.s32 $0x14480  }
0x5: {  	s25 =	simm.s32 $0x14180;
	s13 =	simm.s32 $0x14580;
	s14 =	simm.s32 $0x14280  }
0x6: {  	s15 =	simm.s32 $0x14600;
	s28 =	simm.s32 $0x14B00;
	[smem:$0x7FF] =	sst s3  }
0x7: {  	s29 =	simm.s32 $0x14E80;
	_ =	strace $0x80000047;
	[dreg:$0x4] =	wrdreg s21  }
0x8: {  	s30 =	simm.s32 $0x14B80;
	s31 =	simm.s32 $0x14F00;
	[dreg:$0x5] =	wrdreg s22  }
0x9: {  	s1 =	smul.u32 $0x14000, s12;
	s6 =	sand.u32 $0x1, s4;
	[dreg:$0x6] =	wrdreg s23  }
0xa: {  	s4 =	sadd.s32 $0x2D400, s0;
	s16 =	smul.u32 $0x50000, s12;
	[dreg:$0x7] =	wrdreg s24  }
0xb: {  	s5 =	sadd.s32 $0x5400, s0;
	s26 =	smul.u32 $0xA000, s12;
	[dreg:$0x8] =	wrdreg s25  }
0xc: {  	s19 =	sshll.u32 s12, $0x6;
	s8 =	smul.u32 $0x140000, s6;
	[dreg:$0xb] =	wrdreg s13  }
0xd: {  	s9 =	sshll.u32 s6, $0x4;
	s10 =	ssub.s32 $0x2, s6;
	[dreg:$0xc] =	wrdreg s14  }
0xe: {  	s6 =	smul.u32 $0xA0000, s6;
	[dreg:$0xd] =	wrdreg s15;
	s13 =	simm.s32 $0x5  }
0xf: {  	s14 =	simm.s32 $0x14000;
	s15 =	simm.s32 $0x3;
	s21 =	simm.s32 $0x14880  }
0x10: {  	s22 =	simm.s32 $0x14C00;
	s23 =	simm.s32 $0x14900;
	[dreg:$0x13] =	wrdreg s21  }
0x11: {  	s24 =	simm.s32 $0x14C80;
	s25 =	simm.s32 $0x14980;
	[dreg:$0x14] =	wrdreg s22  }
0x12: {  	s7 =	sshrl.u32 s1, $0x3;
	s9 =	sor.u32 s12, s9;
	[dreg:$0x15] =	wrdreg s23  }
0x13: {  	s11 =	sshrl.u32 s10, $0x1;
	[dreg:$0x16] =	wrdreg s24;
	s21 =	simm.s32 $0x2  }
0x14: {  	[dreg:$0x17] =	wrdreg s25;
	s22 =	simm.s32 $0x4;
	s23 =	simm.s32 $0x14A00  }
0x15: {  	s24 =	simm.s32 $0x14D80;
	s25 =	simm.s32 $0x14A80;
	s7 =	sadd.s32 s7, s0  }
0x16: {  	s1 =	sadd.s32 s1, s8;
	s8 =	sshrl.u32 s16, $0x2;
	s9 =	smul.u32 $0xA000, s9  }
0x17: {  	s17 =	ssub.s32 s10, s11;
	s10 =	simm.s32 $0x14200;
	s12 =	sadd.s32 s26, s6  }
0x18: {  	s16 =	simm.s32 $0x14300;
	s26 =	simm.s32 $0x14D00;
	[dreg:$0xa] =	wrdreg s10  }
0x19: {  	s1 =	sshrl.u32 s1, $0x3;
	s18 =	sadd.s32 s8, s2;
	[dreg:$0xe] =	wrdreg s16  }
0x1a: {  	s7 =	sadd.s32 $0x55400, s7;
	s16 =	simm.s32 $0x14800;
	[dreg:$0x18] =	wrdreg s26  }
0x1b: {  	s26 =	simm.s32 $0x14E00;
	[dreg:$0x19] =	wrdreg s7;
	s20 =	sor.u32 $0x1000, s9  }
0x1c: {  	s0 =	sadd.s32 s1, s0;
	s1 =	smax.u32 s17, $0x1;
	[dreg:$0x3] =	wrdreg s20  }
0x1d: {  	s7 =	sor.u32 $0x1C05, s19;
	s17 =	simm.s32 $0x14680;
	[dreg:$0x1c] =	wrdreg s1  }
0x1e: {  	s9 =	sshrl.u32 s9, $0x3;
	s19 =	simm.s32 $0x14700;
	[dreg:$0xf] =	wrdreg s17  }
0x1f: {  	s9 =	sadd.s32 s5, s9;
	s0 =	sadd.s32 $0x7D400, s0;
	[dreg:$0x11] =	wrdreg s19  }
0x20: {  	s1 =	sor.u32 $0x800, s12;
	s12 =	sshrl.u32 s18, $0x3;
	[dreg:$0x1a] =	wrdreg s9  }
0x21: {  	s18 =	simm.s32 $0x14380;
	s20 =	simm.s32 $0x14780;
	[dreg:$0x1b] =	wrdreg s0  }
0x22: {  	s17 =	simm.s32 $0x40;
	s19 =	simm.s32 $0x17000;
	[dreg:$0x10] =	wrdreg s18  }
0x23: {  	s9 =	simm.s32 $0x14500;
	s1 =	sshrl.u32 s1, $0x3;
	[dreg:$0x12] =	wrdreg s20  }
0x24: {  	s18 =	simm.s32 $0x15000;
	s20 =	simm.s32 $0x1;
	s0 =	simm.s32 $0x14F80  }
0x25: {  	[dreg:$0x9] =	wrdreg s9;
	s8 =	sadd.s32 s1, s5;
	s1 =	simm.s32 $0x0  }
.LBB2_1:
0x26: {  	s6 =	rddreg [dreg:$0x19]  }
0x27: {  	[spmem:s12], [sflag:s7] =	dma.local [hbm:s6], $0x2800  }
0x28: {  	_ =	swait.ge [sflag:s13], $0x2800  }
0x29: {  	[sflag:s13] =	ssyncset.done $0x0  }
0x2a: {  	[sflag:s13] =	ssyncadd.s32 $0xFFFFD800  }
0x2b: {  	[bflag:$0x0] =	sbarrier.arrive $0xFFFF  }
0x2c: {  	s10 =	rddreg [dreg:$0x1a]  }
0x2d: {  	[tilespmem:s14], [sflag:$0x3] =	stream.linear.gather [hbm4b:s10+s3], $0x800, $0x38;
	[tilespmem:$0x19000] =	vst v63  }
0x2e: {  	_ =	swait.ge [sflag:s15], $0x800  }
0x2f: {  	[sflag:s15] =	ssyncset.done $0x0  }
0x30: {  	[sflag:s15] =	ssyncadd.s32 $0xFFFFF800  }
0x31: {  	[tilespmem:s16], [sflag:$0x4] =	stream.linear.gather [hbm4b:s8+s3], $0x800, $0x38;
	[tilespmem:$0x19000] =	vst v63  }
0x32: {  	_ = 	snop  }
0x33: {  	[tilespmem:s18], [sflag:$0x1] =	stream.indirect.gather [hbm4b:s4+s17], $0x80, s14, s17, $0xb8;
	[tilespmem:$0x19000] =	vst v63  }
0x34: {  	s11 =	rddreg [dreg:$0x4]  }
0x35: {  	[tilespmem:s19], [sflag:$0x2] =	stream.indirect.gather [hbm4b:s4+s17], $0x80, s11, s17, $0xb8;
	[tilespmem:$0x19000] =	vst v63  }
0x36: {  	_ =	swait.ge [sflag:s20], $0x2000  }
0x37: {  	[sflag:s20] =	ssyncset.done $0x0  }
0x38: {  	s9 =	rddreg [dreg:$0x5];
	[sflag:s20] =	ssyncadd.s32 $0xFFFFE000  }
0x39: {  	[spmem:s2] =	stream.indirect.scatter.add.f32 [tilespmem:s18], [sflag:$0x5], $0x80, s9, s17, $0xb8;
	[tilespmem:$0x19000] =	vst v63  }
0x3a: {  	_ =	swait.ge [sflag:s13], $0x2000  }
0x3b: {  	[sflag:s13] =	ssyncset.done $0x0  }
0x3c: {  	s10 =	rddreg [dreg:$0x6];
	[sflag:s13] =	ssyncadd.s32 $0xFFFFE000  }
0x3d: {  	[tilespmem:s18], [sflag:$0x1] =	stream.indirect.gather [hbm4b:s4+s17], $0x80, s10, s17, $0xb8;
	[tilespmem:$0x19000] =	vst v63  }
0x3e: {  	_ =	swait.ge [sflag:s21], $0x2000  }
0x3f: {  	[sflag:s21] =	ssyncset.done $0x0  }
0x40: {  	s11 =	rddreg [dreg:$0x7];
	[sflag:s21] =	ssyncadd.s32 $0xFFFFE000  }
0x41: {  	[spmem:s2] =	stream.indirect.scatter.add.f32 [tilespmem:s19], [sflag:$0x5], $0x80, s11, s17, $0xb8;
	[tilespmem:$0x19000] =	vst v63  }
0x42: {  	_ =	swait.ge [sflag:s13], $0x2000  }
0x43: {  	[sflag:s13] =	ssyncset.done $0x0  }
0x44: {  	s9 =	rddreg [dreg:$0x8];
	[sflag:s13] =	ssyncadd.s32 $0xFFFFE000  }
0x45: {  	[tilespmem:s19], [sflag:$0x2] =	stream.indirect.gather [hbm4b:s4+s17], $0x80, s9, s17, $0xb8;
	[tilespmem:$0x19000] =	vst v63  }
0x46: {  	_ =	swait.ge [sflag:s20], $0x2000  }
0x47: {  	[sflag:s20] =	ssyncset.done $0x0  }
0x48: {  	s10 =	rddreg [dreg:$0x9];
	[sflag:s20] =	ssyncadd.s32 $0xFFFFE000  }
0x49: {  	[spmem:s2] =	stream.indirect.scatter.add.f32 [tilespmem:s18], [sflag:$0x5], $0x80, s10, s17, $0xb8;
	[tilespmem:$0x19000] =	vst v63  }
0x4a: {  	_ =	swait.ge [sflag:s13], $0x2000  }
0x4b: {  	[sflag:s13] =	ssyncset.done $0x0  }
0x4c: {  	s11 =	rddreg [dreg:$0xa];
	[sflag:s13] =	ssyncadd.s32 $0xFFFFE000  }
0x4d: {  	[tilespmem:s18], [sflag:$0x1] =	stream.indirect.gather [hbm4b:s4+s17], $0x80, s11, s17, $0xb8;
	[tilespmem:$0x19000] =	vst v63  }
0x4e: {  	_ =	swait.ge [sflag:s21], $0x2000  }
0x4f: {  	[sflag:s21] =	ssyncset.done $0x0  }
0x50: {  	s9 =	rddreg [dreg:$0xb];
	[sflag:s21] =	ssyncadd.s32 $0xFFFFE000  }
0x51: {  	[spmem:s2] =	stream.indirect.scatter.add.f32 [tilespmem:s19], [sflag:$0x5], $0x80, s9, s17, $0xb8;
	[tilespmem:$0x19000] =	vst v63  }
0x52: {  	_ =	swait.ge [sflag:s13], $0x2000  }
0x53: {  	[sflag:s13] =	ssyncset.done $0x0  }
0x54: {  	s10 =	rddreg [dreg:$0xc];
	[sflag:s13] =	ssyncadd.s32 $0xFFFFE000  }
0x55: {  	[tilespmem:s19], [sflag:$0x2] =	stream.indirect.gather [hbm4b:s4+s17], $0x80, s10, s17, $0xb8;
	[tilespmem:$0x19000] =	vst v63  }
0x56: {  	_ =	swait.ge [sflag:s20], $0x2000  }
0x57: {  	[sflag:s20] =	ssyncset.done $0x0  }
0x58: {  	s11 =	rddreg [dreg:$0xd];
	[sflag:s20] =	ssyncadd.s32 $0xFFFFE000  }
0x59: {  	[spmem:s2] =	stream.indirect.scatter.add.f32 [tilespmem:s18], [sflag:$0x5], $0x80, s11, s17, $0xb8;
	[tilespmem:$0x19000] =	vst v63  }
0x5a: {  	_ =	swait.ge [sflag:s13], $0x2000  }
0x5b: {  	[sflag:s13] =	ssyncset.done $0x0  }
0x5c: {  	s9 =	rddreg [dreg:$0xe];
	[sflag:s13] =	ssyncadd.s32 $0xFFFFE000  }
0x5d: {  	[tilespmem:s18], [sflag:$0x1] =	stream.indirect.gather [hbm4b:s4+s17], $0x80, s9, s17, $0xb8;
	[tilespmem:$0x19000] =	vst v63  }
0x5e: {  	_ =	swait.ge [sflag:s21], $0x2000  }
0x5f: {  	[sflag:s21] =	ssyncset.done $0x0  }
0x60: {  	s10 =	rddreg [dreg:$0xf];
	[sflag:s21] =	ssyncadd.s32 $0xFFFFE000  }
0x61: {  	[spmem:s2] =	stream.indirect.scatter.add.f32 [tilespmem:s19], [sflag:$0x5], $0x80, s10, s17, $0xb8;
	[tilespmem:$0x19000] =	vst v63  }
0x62: {  	_ =	swait.ge [sflag:s13], $0x2000  }
0x63: {  	[sflag:s13] =	ssyncset.done $0x0  }
0x64: {  	s11 =	rddreg [dreg:$0x10];
	[sflag:s13] =	ssyncadd.s32 $0xFFFFE000  }
0x65: {  	[tilespmem:s19], [sflag:$0x2] =	stream.indirect.gather [hbm4b:s4+s17], $0x80, s11, s17, $0xb8;
	[tilespmem:$0x19000] =	vst v63  }
0x66: {  	_ =	swait.ge [sflag:s20], $0x2000  }
0x67: {  	[sflag:s20] =	ssyncset.done $0x0  }
0x68: {  	s9 =	rddreg [dreg:$0x11];
	[sflag:s20] =	ssyncadd.s32 $0xFFFFE000  }
0x69: {  	[spmem:s2] =	stream.indirect.scatter.add.f32 [tilespmem:s18], [sflag:$0x5], $0x80, s9, s17, $0xb8;
	[tilespmem:$0x19000] =	vst v63  }
0x6a: {  	_ =	swait.ge [sflag:s13], $0x2000  }
0x6b: {  	[sflag:s13] =	ssyncset.done $0x0  }
0x6c: {  	[sflag:s13] =	ssyncadd.s32 $0xFFFFE000  }
0x6d: {  	_ =	swait.ge [sflag:s21], $0x2000  }
0x6e: {  	[sflag:s21] =	ssyncset.done $0x0  }
0x6f: {  	s10 =	rddreg [dreg:$0x12];
	[sflag:s21] =	ssyncadd.s32 $0xFFFFE000  }
0x70: {  	[spmem:s2] =	stream.indirect.scatter.add.f32 [tilespmem:s19], [sflag:$0x5], $0x80, s10, s17, $0xb8;
	[tilespmem:$0x19000] =	vst v63  }
0x71: {  	_ =	swait.ge [sflag:s13], $0x2000  }
0x72: {  	[sflag:s13] =	ssyncset.done $0x0  }
0x73: {  	[sflag:s13] =	ssyncadd.s32 $0xFFFFE000  }
0x74: {  	s9 =	smin.u32 s3, $0x11;
	_ =	swait.ge [sflag:s22], $0x800  }
0x75: {  	s9 =	sshll.u32 s9, $0xB;
	s11 =	rddreg [dreg:$0x3]  }
0x76: {  	s6 =	sadd.s32 s9, s11  }
0x77: {  	[sflag:s22] =	ssyncset.done $0x0;
	s6 =	sshrl.u32 s6, $0x3  }
0x78: {  	[sflag:s22] =	ssyncadd.s32 $0xFFFFF800;
	s6 =	sadd.s32 s5, s6  }
0x79: {  	[tilespmem:s14], [sflag:$0x3] =	stream.linear.gather [hbm4b:s6+s3], $0x800, $0x38;
	[tilespmem:$0x19000] =	vst v63  }
0x7a: {  	_ = 	snop  }
0x7b: {  	[tilespmem:s18], [sflag:$0x1] =	stream.indirect.gather [hbm4b:s4+s17], $0x80, s16, s17, $0xb8;
	[tilespmem:$0x19000] =	vst v63  }
0x7c: {  	s9 =	rddreg [dreg:$0x13]  }
0x7d: {  	[tilespmem:s19], [sflag:$0x2] =	stream.indirect.gather [hbm4b:s4+s17], $0x80, s9, s17, $0xb8;
	[tilespmem:$0x19000] =	vst v63  }
0x7e: {  	_ =	swait.ge [sflag:s20], $0x2000  }
0x7f: {  	[sflag:s20] =	ssyncset.done $0x0  }
0x80: {  	s10 =	rddreg [dreg:$0x14];
	[sflag:s20] =	ssyncadd.s32 $0xFFFFE000  }
0x81: {  	[spmem:s2] =	stream.indirect.scatter.add.f32 [tilespmem:s18], [sflag:$0x5], $0x80, s10, s17, $0xb8;
	[tilespmem:$0x19000] =	vst v63  }
0x82: {  	_ =	swait.ge [sflag:s13], $0x2000  }
0x83: {  	[sflag:s13] =	ssyncset.done $0x0  }
0x84: {  	s11 =	rddreg [dreg:$0x15];
	[sflag:s13] =	ssyncadd.s32 $0xFFFFE000  }
0x85: {  	[tilespmem:s18], [sflag:$0x1] =	stream.indirect.gather [hbm4b:s4+s17], $0x80, s11, s17, $0xb8;
	[tilespmem:$0x19000] =	vst v63  }
0x86: {  	_ =	swait.ge [sflag:s21], $0x2000  }
0x87: {  	[sflag:s21] =	ssyncset.done $0x0  }
0x88: {  	s9 =	rddreg [dreg:$0x16];
	[sflag:s21] =	ssyncadd.s32 $0xFFFFE000  }
0x89: {  	[spmem:s2] =	stream.indirect.scatter.add.f32 [tilespmem:s19], [sflag:$0x5], $0x80, s9, s17, $0xb8;
	[tilespmem:$0x19000] =	vst v63  }
0x8a: {  	_ =	swait.ge [sflag:s13], $0x2000  }
0x8b: {  	[sflag:s13] =	ssyncset.done $0x0  }
0x8c: {  	s10 =	rddreg [dreg:$0x17];
	[sflag:s13] =	ssyncadd.s32 $0xFFFFE000  }
0x8d: {  	[tilespmem:s19], [sflag:$0x2] =	stream.indirect.gather [hbm4b:s4+s17], $0x80, s10, s17, $0xb8;
	[tilespmem:$0x19000] =	vst v63  }
0x8e: {  	_ =	swait.ge [sflag:s20], $0x2000  }
0x8f: {  	[sflag:s20] =	ssyncset.done $0x0  }
0x90: {  	s11 =	rddreg [dreg:$0x18];
	[sflag:s20] =	ssyncadd.s32 $0xFFFFE000  }
0x91: {  	[spmem:s2] =	stream.indirect.scatter.add.f32 [tilespmem:s18], [sflag:$0x5], $0x80, s11, s17, $0xb8;
	[tilespmem:$0x19000] =	vst v63  }
0x92: {  	_ =	swait.ge [sflag:s13], $0x2000  }
0x93: {  	[sflag:s13] =	ssyncset.done $0x0  }
0x94: {  	[sflag:s13] =	ssyncadd.s32 $0xFFFFE000  }
0x95: {  	[tilespmem:s18], [sflag:$0x1] =	stream.indirect.gather [hbm4b:s4+s17], $0x80, s23, s17, $0xb8;
	[tilespmem:$0x19000] =	vst v63  }
0x96: {  	_ =	swait.ge [sflag:s21], $0x2000  }
0x97: {  	[sflag:s21] =	ssyncset.done $0x0  }
0x98: {  	[sflag:s21] =	ssyncadd.s32 $0xFFFFE000  }
0x99: {  	[spmem:s2] =	stream.indirect.scatter.add.f32 [tilespmem:s19], [sflag:$0x5], $0x80, s24, s17, $0xb8;
	[tilespmem:$0x19000] =	vst v63  }
0x9a: {  	_ =	swait.ge [sflag:s13], $0x2000  }
0x9b: {  	[sflag:s13] =	ssyncset.done $0x0  }
0x9c: {  	[sflag:s13] =	ssyncadd.s32 $0xFFFFE000  }
0x9d: {  	[tilespmem:s19], [sflag:$0x2] =	stream.indirect.gather [hbm4b:s4+s17], $0x80, s25, s17, $0xb8;
	[tilespmem:$0x19000] =	vst v63  }
0x9e: {  	_ =	swait.ge [sflag:s20], $0x2000  }
0x9f: {  	[sflag:s20] =	ssyncset.done $0x0  }
0xa0: {  	[sflag:s20] =	ssyncadd.s32 $0xFFFFE000  }
0xa1: {  	[spmem:s2] =	stream.indirect.scatter.add.f32 [tilespmem:s18], [sflag:$0x5], $0x80, s26, s17, $0xb8;
	[tilespmem:$0x19000] =	vst v63  }
0xa2: {  	_ =	swait.ge [sflag:s13], $0x2000  }
0xa3: {  	[sflag:s13] =	ssyncset.done $0x0  }
0xa4: {  	[sflag:s13] =	ssyncadd.s32 $0xFFFFE000  }
0xa5: {  	[tilespmem:s18], [sflag:$0x1] =	stream.indirect.gather [hbm4b:s4+s17], $0x80, s28, s17, $0xb8;
	[tilespmem:$0x19000] =	vst v63  }
0xa6: {  	_ =	swait.ge [sflag:s21], $0x2000  }
0xa7: {  	[sflag:s21] =	ssyncset.done $0x0  }
0xa8: {  	[sflag:s21] =	ssyncadd.s32 $0xFFFFE000  }
0xa9: {  	[spmem:s2] =	stream.indirect.scatter.add.f32 [tilespmem:s19], [sflag:$0x5], $0x80, s29, s17, $0xb8;
	[tilespmem:$0x19000] =	vst v63  }
0xaa: {  	_ =	swait.ge [sflag:s13], $0x2000  }
0xab: {  	[sflag:s13] =	ssyncset.done $0x0  }
0xac: {  	[sflag:s13] =	ssyncadd.s32 $0xFFFFE000  }
0xad: {  	[tilespmem:s19], [sflag:$0x2] =	stream.indirect.gather [hbm4b:s4+s17], $0x80, s30, s17, $0xb8;
	[tilespmem:$0x19000] =	vst v63  }
0xae: {  	_ =	swait.ge [sflag:s20], $0x2000  }
0xaf: {  	[sflag:s20] =	ssyncset.done $0x0  }
0xb0: {  	[sflag:s20] =	ssyncadd.s32 $0xFFFFE000  }
0xb1: {  	[spmem:s2] =	stream.indirect.scatter.add.f32 [tilespmem:s18], [sflag:$0x5], $0x80, s31, s17, $0xb8;
	[tilespmem:$0x19000] =	vst v63  }
0xb2: {  	_ =	swait.ge [sflag:s13], $0x2000  }
0xb3: {  	[sflag:s13] =	ssyncset.done $0x0  }
0xb4: {  	[sflag:s13] =	ssyncadd.s32 $0xFFFFE000  }
0xb5: {  	_ =	swait.ge [sflag:s21], $0x2000  }
0xb6: {  	[sflag:s21] =	ssyncset.done $0x0  }
0xb7: {  	[sflag:s21] =	ssyncadd.s32 $0xFFFFE000  }
0xb8: {  	[spmem:s2] =	stream.indirect.scatter.add.f32 [tilespmem:s19], [sflag:$0x5], $0x80, s0, s17, $0xb8;
	[tilespmem:$0x19000] =	vst v63  }
0xb9: {  	_ =	swait.ge [sflag:s13], $0x2000  }
0xba: {  	s6 =	simm.s32 $0x2;
	s11 =	smov.u32 s8;
	[sflag:s13] =	ssyncset.done $0x0  }
.LBB2_2:
0xbb: {  	[sflag:s13] =	ssyncadd.s32 $0xFFFFE000  }
0xbc: {  	_ =	swait.ge [sflag:s15], $0x800  }
0xbd: {  	[sflag:s15] =	ssyncset.done $0x0  }
0xbe: {  	s11 =	sadd.s32 $0x200, s11;
	[sflag:s15] =	ssyncadd.s32 $0xFFFFF800  }
0xbf: {  	[tilespmem:s16], [sflag:$0x4] =	stream.linear.gather [hbm4b:s11+s3], $0x800, $0x38;
	[tilespmem:$0x19000] =	vst v63  }
0xc0: {  	_ = 	snop  }
0xc1: {  	[tilespmem:s18], [sflag:$0x1] =	stream.indirect.gather [hbm4b:s4+s17], $0x80, s14, s17, $0xb8;
	[tilespmem:$0x19000] =	vst v63  }
0xc2: {  	s10 =	rddreg [dreg:$0x4]  }
0xc3: {  	[tilespmem:s19], [sflag:$0x2] =	stream.indirect.gather [hbm4b:s4+s17], $0x80, s10, s17, $0xb8;
	[tilespmem:$0x19000] =	vst v63  }
0xc4: {  	_ =	swait.ge [sflag:s20], $0x2000  }
0xc5: {  	[sflag:s20] =	ssyncset.done $0x0  }
0xc6: {  	s10 =	rddreg [dreg:$0x5];
	[sflag:s20] =	ssyncadd.s32 $0xFFFFE000  }
0xc7: {  	[spmem:s2] =	stream.indirect.scatter.add.f32 [tilespmem:s18], [sflag:$0x5], $0x80, s10, s17, $0xb8;
	[tilespmem:$0x19000] =	vst v63  }
0xc8: {  	_ =	swait.ge [sflag:s13], $0x2000  }
0xc9: {  	[sflag:s13] =	ssyncset.done $0x0  }
0xca: {  	s10 =	rddreg [dreg:$0x6];
	[sflag:s13] =	ssyncadd.s32 $0xFFFFE000  }
0xcb: {  	[tilespmem:s18], [sflag:$0x1] =	stream.indirect.gather [hbm4b:s4+s17], $0x80, s10, s17, $0xb8;
	[tilespmem:$0x19000] =	vst v63  }
0xcc: {  	_ =	swait.ge [sflag:s21], $0x2000  }
0xcd: {  	[sflag:s21] =	ssyncset.done $0x0  }
0xce: {  	s10 =	rddreg [dreg:$0x7];
	[sflag:s21] =	ssyncadd.s32 $0xFFFFE000  }
0xcf: {  	[spmem:s2] =	stream.indirect.scatter.add.f32 [tilespmem:s19], [sflag:$0x5], $0x80, s10, s17, $0xb8;
	[tilespmem:$0x19000] =	vst v63  }
0xd0: {  	_ =	swait.ge [sflag:s13], $0x2000  }
0xd1: {  	[sflag:s13] =	ssyncset.done $0x0  }
0xd2: {  	s10 =	rddreg [dreg:$0x8];
	[sflag:s13] =	ssyncadd.s32 $0xFFFFE000  }
0xd3: {  	[tilespmem:s19], [sflag:$0x2] =	stream.indirect.gather [hbm4b:s4+s17], $0x80, s10, s17, $0xb8;
	[tilespmem:$0x19000] =	vst v63  }
0xd4: {  	_ =	swait.ge [sflag:s20], $0x2000  }
0xd5: {  	[sflag:s20] =	ssyncset.done $0x0  }
0xd6: {  	s10 =	rddreg [dreg:$0x9];
	[sflag:s20] =	ssyncadd.s32 $0xFFFFE000  }
0xd7: {  	[spmem:s2] =	stream.indirect.scatter.add.f32 [tilespmem:s18], [sflag:$0x5], $0x80, s10, s17, $0xb8;
	[tilespmem:$0x19000] =	vst v63  }
0xd8: {  	_ =	swait.ge [sflag:s13], $0x2000  }
0xd9: {  	[sflag:s13] =	ssyncset.done $0x0  }
0xda: {  	s10 =	rddreg [dreg:$0xa];
	[sflag:s13] =	ssyncadd.s32 $0xFFFFE000  }
0xdb: {  	[tilespmem:s18], [sflag:$0x1] =	stream.indirect.gather [hbm4b:s4+s17], $0x80, s10, s17, $0xb8;
	[tilespmem:$0x19000] =	vst v63  }
0xdc: {  	_ =	swait.ge [sflag:s21], $0x2000  }
0xdd: {  	[sflag:s21] =	ssyncset.done $0x0  }
0xde: {  	s10 =	rddreg [dreg:$0xb];
	[sflag:s21] =	ssyncadd.s32 $0xFFFFE000  }
0xdf: {  	[spmem:s2] =	stream.indirect.scatter.add.f32 [tilespmem:s19], [sflag:$0x5], $0x80, s10, s17, $0xb8;
	[tilespmem:$0x19000] =	vst v63  }
0xe0: {  	_ =	swait.ge [sflag:s13], $0x2000  }
0xe1: {  	[sflag:s13] =	ssyncset.done $0x0  }
0xe2: {  	s10 =	rddreg [dreg:$0xc];
	[sflag:s13] =	ssyncadd.s32 $0xFFFFE000  }
0xe3: {  	[tilespmem:s19], [sflag:$0x2] =	stream.indirect.gather [hbm4b:s4+s17], $0x80, s10, s17, $0xb8;
	[tilespmem:$0x19000] =	vst v63  }
0xe4: {  	_ =	swait.ge [sflag:s20], $0x2000  }
0xe5: {  	[sflag:s20] =	ssyncset.done $0x0  }
0xe6: {  	s10 =	rddreg [dreg:$0xd];
	[sflag:s20] =	ssyncadd.s32 $0xFFFFE000  }
0xe7: {  	[spmem:s2] =	stream.indirect.scatter.add.f32 [tilespmem:s18], [sflag:$0x5], $0x80, s10, s17, $0xb8;
	[tilespmem:$0x19000] =	vst v63  }
0xe8: {  	_ =	swait.ge [sflag:s13], $0x2000  }
0xe9: {  	[sflag:s13] =	ssyncset.done $0x0  }
0xea: {  	s10 =	rddreg [dreg:$0xe];
	[sflag:s13] =	ssyncadd.s32 $0xFFFFE000  }
0xeb: {  	[tilespmem:s18], [sflag:$0x1] =	stream.indirect.gather [hbm4b:s4+s17], $0x80, s10, s17, $0xb8;
	[tilespmem:$0x19000] =	vst v63  }
0xec: {  	_ =	swait.ge [sflag:s21], $0x2000  }
0xed: {  	[sflag:s21] =	ssyncset.done $0x0  }
0xee: {  	s10 =	rddreg [dreg:$0xf];
	[sflag:s21] =	ssyncadd.s32 $0xFFFFE000  }
0xef: {  	[spmem:s2] =	stream.indirect.scatter.add.f32 [tilespmem:s19], [sflag:$0x5], $0x80, s10, s17, $0xb8;
	[tilespmem:$0x19000] =	vst v63  }
0xf0: {  	_ =	swait.ge [sflag:s13], $0x2000  }
0xf1: {  	[sflag:s13] =	ssyncset.done $0x0  }
0xf2: {  	s10 =	rddreg [dreg:$0x10];
	[sflag:s13] =	ssyncadd.s32 $0xFFFFE000  }
0xf3: {  	[tilespmem:s19], [sflag:$0x2] =	stream.indirect.gather [hbm4b:s4+s17], $0x80, s10, s17, $0xb8;
	[tilespmem:$0x19000] =	vst v63  }
0xf4: {  	_ =	swait.ge [sflag:s20], $0x2000  }
0xf5: {  	[sflag:s20] =	ssyncset.done $0x0  }
0xf6: {  	s10 =	rddreg [dreg:$0x11];
	[sflag:s20] =	ssyncadd.s32 $0xFFFFE000  }
0xf7: {  	[spmem:s2] =	stream.indirect.scatter.add.f32 [tilespmem:s18], [sflag:$0x5], $0x80, s10, s17, $0xb8;
	[tilespmem:$0x19000] =	vst v63  }
0xf8: {  	_ =	swait.ge [sflag:s13], $0x2000  }
0xf9: {  	[sflag:s13] =	ssyncset.done $0x0  }
0xfa: {  	[sflag:s13] =	ssyncadd.s32 $0xFFFFE000  }
0xfb: {  	_ =	swait.ge [sflag:s21], $0x2000  }
0xfc: {  	[sflag:s21] =	ssyncset.done $0x0  }
0xfd: {  	s10 =	rddreg [dreg:$0x12];
	[sflag:s21] =	ssyncadd.s32 $0xFFFFE000  }
0xfe: {  	[spmem:s2] =	stream.indirect.scatter.add.f32 [tilespmem:s19], [sflag:$0x5], $0x80, s10, s17, $0xb8;
	[tilespmem:$0x19000] =	vst v63  }
0xff: {  	_ =	swait.ge [sflag:s13], $0x2000  }
0x100: {  	[sflag:s13] =	ssyncset.done $0x0  }
0x101: {  	s9 =	smov.u32 s6;
	[sflag:s13] =	ssyncadd.s32 $0xFFFFE000  }
0x102: {  	s9 =	smin.u32 s9, $0x11;
	_ =	swait.ge [sflag:s22], $0x800  }
0x103: {  	s9 =	sshll.u32 s9, $0xB;
	s10 =	rddreg [dreg:$0x3]  }
0x104: {  	s9 =	sadd.s32 s9, s10  }
0x105: {  	[sflag:s22] =	ssyncset.done $0x0;
	s9 =	sshrl.u32 s9, $0x3  }
0x106: {  	[sflag:s22] =	ssyncadd.s32 $0xFFFFF800;
	s9 =	sadd.s32 s5, s9  }
0x107: {  	[tilespmem:s14], [sflag:$0x3] =	stream.linear.gather [hbm4b:s9+s3], $0x800, $0x38;
	[tilespmem:$0x19000] =	vst v63  }
0x108: {  	_ = 	snop  }
0x109: {  	[tilespmem:s18], [sflag:$0x1] =	stream.indirect.gather [hbm4b:s4+s17], $0x80, s16, s17, $0xb8;
	[tilespmem:$0x19000] =	vst v63  }
0x10a: {  	s10 =	rddreg [dreg:$0x13]  }
0x10b: {  	[tilespmem:s19], [sflag:$0x2] =	stream.indirect.gather [hbm4b:s4+s17], $0x80, s10, s17, $0xb8;
	[tilespmem:$0x19000] =	vst v63  }
0x10c: {  	_ =	swait.ge [sflag:s20], $0x2000  }
0x10d: {  	[sflag:s20] =	ssyncset.done $0x0  }
0x10e: {  	s10 =	rddreg [dreg:$0x14];
	[sflag:s20] =	ssyncadd.s32 $0xFFFFE000  }
0x10f: {  	[spmem:s2] =	stream.indirect.scatter.add.f32 [tilespmem:s18], [sflag:$0x5], $0x80, s10, s17, $0xb8;
	[tilespmem:$0x19000] =	vst v63  }
0x110: {  	_ =	swait.ge [sflag:s13], $0x2000  }
0x111: {  	[sflag:s13] =	ssyncset.done $0x0  }
0x112: {  	s10 =	rddreg [dreg:$0x15];
	[sflag:s13] =	ssyncadd.s32 $0xFFFFE000  }
0x113: {  	[tilespmem:s18], [sflag:$0x1] =	stream.indirect.gather [hbm4b:s4+s17], $0x80, s10, s17, $0xb8;
	[tilespmem:$0x19000] =	vst v63  }
0x114: {  	_ =	swait.ge [sflag:s21], $0x2000  }
0x115: {  	[sflag:s21] =	ssyncset.done $0x0  }
0x116: {  	s10 =	rddreg [dreg:$0x16];
	[sflag:s21] =	ssyncadd.s32 $0xFFFFE000  }
0x117: {  	[spmem:s2] =	stream.indirect.scatter.add.f32 [tilespmem:s19], [sflag:$0x5], $0x80, s10, s17, $0xb8;
	[tilespmem:$0x19000] =	vst v63  }
0x118: {  	_ =	swait.ge [sflag:s13], $0x2000  }
0x119: {  	[sflag:s13] =	ssyncset.done $0x0  }
0x11a: {  	s10 =	rddreg [dreg:$0x17];
	[sflag:s13] =	ssyncadd.s32 $0xFFFFE000  }
0x11b: {  	[tilespmem:s19], [sflag:$0x2] =	stream.indirect.gather [hbm4b:s4+s17], $0x80, s10, s17, $0xb8;
	[tilespmem:$0x19000] =	vst v63  }
0x11c: {  	_ =	swait.ge [sflag:s20], $0x2000  }
0x11d: {  	[sflag:s20] =	ssyncset.done $0x0  }
0x11e: {  	s10 =	rddreg [dreg:$0x18];
	[sflag:s20] =	ssyncadd.s32 $0xFFFFE000  }
0x11f: {  	[spmem:s2] =	stream.indirect.scatter.add.f32 [tilespmem:s18], [sflag:$0x5], $0x80, s10, s17, $0xb8;
	[tilespmem:$0x19000] =	vst v63  }
0x120: {  	_ =	swait.ge [sflag:s13], $0x2000  }
0x121: {  	[sflag:s13] =	ssyncset.done $0x0  }
0x122: {  	[sflag:s13] =	ssyncadd.s32 $0xFFFFE000  }
0x123: {  	[tilespmem:s18], [sflag:$0x1] =	stream.indirect.gather [hbm4b:s4+s17], $0x80, s23, s17, $0xb8;
	[tilespmem:$0x19000] =	vst v63  }
0x124: {  	_ =	swait.ge [sflag:s21], $0x2000  }
0x125: {  	[sflag:s21] =	ssyncset.done $0x0  }
0x126: {  	[sflag:s21] =	ssyncadd.s32 $0xFFFFE000  }
0x127: {  	[spmem:s2] =	stream.indirect.scatter.add.f32 [tilespmem:s19], [sflag:$0x5], $0x80, s24, s17, $0xb8;
	[tilespmem:$0x19000] =	vst v63  }
0x128: {  	_ =	swait.ge [sflag:s13], $0x2000  }
0x129: {  	[sflag:s13] =	ssyncset.done $0x0  }
0x12a: {  	[sflag:s13] =	ssyncadd.s32 $0xFFFFE000  }
0x12b: {  	[tilespmem:s19], [sflag:$0x2] =	stream.indirect.gather [hbm4b:s4+s17], $0x80, s25, s17, $0xb8;
	[tilespmem:$0x19000] =	vst v63  }
0x12c: {  	_ =	swait.ge [sflag:s20], $0x2000  }
0x12d: {  	[sflag:s20] =	ssyncset.done $0x0  }
0x12e: {  	[sflag:s20] =	ssyncadd.s32 $0xFFFFE000  }
0x12f: {  	[spmem:s2] =	stream.indirect.scatter.add.f32 [tilespmem:s18], [sflag:$0x5], $0x80, s26, s17, $0xb8;
	[tilespmem:$0x19000] =	vst v63  }
0x130: {  	_ =	swait.ge [sflag:s13], $0x2000  }
0x131: {  	[sflag:s13] =	ssyncset.done $0x0  }
0x132: {  	[sflag:s13] =	ssyncadd.s32 $0xFFFFE000  }
0x133: {  	[tilespmem:s18], [sflag:$0x1] =	stream.indirect.gather [hbm4b:s4+s17], $0x80, s28, s17, $0xb8;
	[tilespmem:$0x19000] =	vst v63  }
0x134: {  	_ =	swait.ge [sflag:s21], $0x2000  }
0x135: {  	[sflag:s21] =	ssyncset.done $0x0  }
0x136: {  	[sflag:s21] =	ssyncadd.s32 $0xFFFFE000  }
0x137: {  	[spmem:s2] =	stream.indirect.scatter.add.f32 [tilespmem:s19], [sflag:$0x5], $0x80, s29, s17, $0xb8;
	[tilespmem:$0x19000] =	vst v63  }
0x138: {  	_ =	swait.ge [sflag:s13], $0x2000  }
0x139: {  	[sflag:s13] =	ssyncset.done $0x0  }
0x13a: {  	[sflag:s13] =	ssyncadd.s32 $0xFFFFE000  }
0x13b: {  	[tilespmem:s19], [sflag:$0x2] =	stream.indirect.gather [hbm4b:s4+s17], $0x80, s30, s17, $0xb8;
	[tilespmem:$0x19000] =	vst v63  }
0x13c: {  	_ =	swait.ge [sflag:s20], $0x2000  }
0x13d: {  	[sflag:s20] =	ssyncset.done $0x0  }
0x13e: {  	[sflag:s20] =	ssyncadd.s32 $0xFFFFE000  }
0x13f: {  	[spmem:s2] =	stream.indirect.scatter.add.f32 [tilespmem:s18], [sflag:$0x5], $0x80, s31, s17, $0xb8;
	[tilespmem:$0x19000] =	vst v63  }
0x140: {  	_ =	swait.ge [sflag:s13], $0x2000  }
0x141: {  	[sflag:s13] =	ssyncset.done $0x0  }
0x142: {  	[sflag:s13] =	ssyncadd.s32 $0xFFFFE000  }
0x143: {  	p0 =	sne.s32 s6, $0x12;
	_ =	swait.ge [sflag:s21], $0x2000  }
.Ltmp0:
0x144: {  	[sflag:s21] =	ssyncset.done $0x0;
	(pc) =	sbr.rel @p0 .LBB2_2-.Ltmp0, $4  }
0x145: {  	[sflag:s21] =	ssyncadd.s32 $0xFFFFE000  }
0x146: {  	[spmem:s2] =	stream.indirect.scatter.add.f32 [tilespmem:s19], [sflag:$0x5], $0x80, s0, s17, $0xb8;
	[tilespmem:$0x19000] =	vst v63  }
0x147: {  	_ =	swait.ge [sflag:s13], $0x2000  }
0x148: {  	s6 =	sadd.s32 $0x2, s6;
	[sflag:s13] =	ssyncset.done $0x0  }
0x149: {  	[sflag:s13] =	ssyncadd.s32 $0xFFFFE000  }
0x14a: {  	_ =	swait.ge [sflag:s15], $0x800  }
0x14b: {  	[sflag:s15] =	ssyncset.done $0x0  }
0x14c: {  	[sflag:s15] =	ssyncadd.s32 $0xFFFFF800  }
0x14d: {  	[bflag:$0x0] =	sbarrier.arrive $0xFFFF  }
0x14e: {  	s6 =	rddreg [dreg:$0x1b]  }
0x14f: {  	[hbm:s6], [sflag:s7] =	dma.local [spmem:s12], $0x2800  }
0x150: {  	_ =	swait.ge [sflag:s13], $0x2800  }
0x151: {  	s1 =	sadd.s32 $0x1, s1;
	s11 =	rddreg [dreg:$0x1c]  }
0x152: {  	p0 =	sne.s32 s1, s11  }
.Ltmp1:
0x153: {  	_ = 	snop;
	(pc) =	sbr.rel @p0 .LBB2_1-.Ltmp1, $3  }
0x154: {  	_ =	sdelay $0x1  }
0x155: {  	[sflag:s13] =	ssyncset.done $0x0  }
0x156: {  	[sflag:s13] =	ssyncadd.s32 $0xFFFFD800  }
0x157: {  	_ =	sfence.sel $0x180000  }
0x158: {  	[bflag:$0x0] =	sbarrier.arrive $0xFFFF  }
0x159: {  	_ =	strace $0x90000047  }
0x15a: {  	s0 =	stileid.u32;
	[bflag:$0x2] =	sbarrier.arrive $0xFFFF  }
0x15b: {  	p0 =	sne.s32 s0, $0x0;
	s0 =	rddreg [dreg:$0x2]  }
0x15c: {  	s0 =	sadd.s32 @!p0 $0x100000, s0  }
0x15d: {  	[sflag:s0] =	ssyncadd.tile.s32 @!p0 $0x1;
	_ =	shalt  }
.Lfunc_end2:
_tile_overlayer_lowered:
.L_overlay_start_2:
0x15e: {  	(tag) =	ssettag $0x2  }
0x15f: {  	s0 =	rddreg [dreg:$0x0];
	s2 =	stileid.u32  }
0x160: {  	s1 =	rddreg [dreg:$0x1];
	p0 =	sne.s32 s2, $0x0  }
0x161: {  	s3 =	rddreg [dreg:$0x2];
	[bflag:$0x3] =	sbarrier.arrive $0xFFFF;
	s2 =	simm.s32 @!p0 $0x1C05  }
0x162: {  	[timem:s3], [sflag:s2] =	dma.local @!p0 [hbm:s0], s1  }
0x163: {  	s0 =	simm.s32 @!p0 $0x5  }
0x164: {  	_ =	swait.ge @!p0 [sflag:s0], s1  }
0x165: {  	s1 =	ssub.s32 @!p0 $0x0, s1;
	[sflag:s0] =	ssyncset.done @!p0 $0x0  }
0x166: {  	[sflag:s0] =	ssyncadd.s32 @!p0 s1  }
0x167: {  	[bflag:$0x3] =	sbarrier.arrive $0xFFFF  }
0x168: {  	_ =	shalt  }

// kernel: kernel.15.cloned.1.call-start
scs
__scs_entry_jumppad:
0x0: {  	(pc) =	sbr.rel $0x88, $3  }
0x1: {  	(tag) =	ssettag $0x0;
	lr =	simm.s32 $0x1  }
0x2: {  	[smem:$0x3F95] =	sst lr;
	_ =	strace $0xD0000000  }
0x3: {  	_ = 	snop  }
0x4: {  	_ = 	snop  }
0x5: {  	_ = 	snop  }
0x6: {  	_ = 	snop  }
0x7: {  	_ = 	snop  }
__scs_overlays_trampoline_lowered:
0x8: {  	[smem:$0x3FA4] =	sst s0  }
0x9: {  	[smem:$0x3FA5] =	sst s1  }
0xa: {  	[smem:$0x3FA6] =	sst s2  }
0xb: {  	[smem:$0x3FA7] =	sst s3  }
0xc: {  	[smem:$0x3FA8] =	sst s4  }
0xd: {  	[smem:$0x3FA9] =	sst s5  }
0xe: {  	[smem:$0x3FAA] =	sst s6  }
0xf: {  	[smem:$0x3FAB] =	sst s7  }
0x10: {  	[smem:$0x3FAC] =	sst s8  }
0x11: {  	[smem:$0x3FAD] =	sst s9;
	s0 =	simm.s32 @!p0 $0x0  }
0x12: {  	s1 =	sld [smem:$0x3F93];
	s0 =	simm.s32 @p0 $0x1  }
0x13: {  	[smem:$0x3FAE] =	sst s0;
	s0 =	simm.s32 @!p1 $0x0  }
0x14: {  	s2 =	sld [smem:$0x3F92];
	s0 =	simm.s32 @p1 $0x1  }
0x15: {  	[smem:$0x3FAF] =	sst s0;
	s0 =	simm.s32 @!p2 $0x0  }
0x16: {  	s3 =	sld [smem:$0x3FDB];
	s0 =	simm.s32 @p2 $0x1  }
0x17: {  	s4 =	simm.s32 $0x1BF5;
	[smem:$0x3FB1] =	sst s0  }
0x18: {  	s0 =	sld [smem:$0x3F94];
	_ =	swait.ge [sflag:s4], $0x0  }
0x19: {  	s7 =	sld [smem:$0x3F95]  }
0x1a: {  	s8 =	sadd.s32 $0xFFFFE003, lr  }
0x1b: {  	s9 =	sadd.s32 $0xFFFFFEF7, lr;
	s5 =	simm.s32 $0xFFFFFFFF;
	p2 =	slt.u32 s8, $0xFFFFF086  }
0x1c: {  	p1 =	slt.u32 s9, $0xF7A;
	s5 =	simm.s32 @!p2 $0x0  }
0x1d: {  	s5 =	simm.s32 @p1 $0x1;
	p0 =	seq.s32 s7, s2  }
0x1e: {  	s7 =	smul.u32 @!p0 $0xF7A, s2;
	p2 =	seq.s32 @!p0 s5, $0x0  }
0x1f: {  	s9 =	smul.u32 $0xF7A, s1;
	s8 =	simm.s32 @!p0 $0x1BF5;
	p2 =	por !p2, p0  }
0x20: {  	[sflag:s8] =	ssyncset.s32 @!p0 $0xFFFFF086;
	s6 =	sadd.s32 @!p0 s3, s7;
	s7 =	simm.s32 @!p0 $0x108  }
0x21: {  	s3 =	sadd.s32 s3, s9;
	s6 =	sadd.s32 @!p0 $0x88, s6;
	s7 =	simm.s32 @p2 $0x1082  }
0x22: {  	[simem:s7], [sflag:s8] =	dma.local @!p0 [hbm:s6], $0xF7A  }
0x23: {  	s9 =	sor.u32 $0xD0000000, s2;
	s6 =	simm.s32 $0x108;
	_ =	swait.ge @!p0 [sflag:s8], $0x0  }
0x24: {  	s3 =	sadd.s32 $0x88, s3;
	s6 =	simm.s32 @!p1 $0x1082;
	[sflag:s4] =	ssyncset.s32 $0xFFFFF086  }
0x25: {  	[simem:s6], [sflag:s4] =	dma.local [hbm:s3], $0xF7A  }
0x26: {  	[smem:$0x3F95] =	sst s1;
	(tag) =	ssettag s2;
	_ =	strace s9  }
0x27: {  	s1 =	sld [smem:$0x3FA5]  }
0x28: {  	s2 =	sld [smem:$0x3FA6]  }
0x29: {  	s4 =	sld [smem:$0x3FA8]  }
0x2a: {  	p0 =	seq.s32 s5, $0x0;
	s5 =	sld [smem:$0x3FA9]  }
0x2b: {  	s6 =	sld [smem:$0x3FAA]  }
0x2c: {  	s7 =	sld [smem:$0x3FAB]  }
0x2d: {  	s3 =	simm.s32 $0x108;
	s8 =	sld [smem:$0x3FAC]  }
0x2e: {  	s3 =	simm.s32 @!p0 $0x1082;
	s9 =	sld [smem:$0x3FAD]  }
0x2f: {  	lr =	sadd.s32 s0, s3;
	s0 =	sld [smem:$0x3FA4]  }
0x30: {  	s3 =	sld [smem:$0x3FA7]  }
0x31: {  	[smem:$0x3FB0] =	sst s10  }
0x32: {  	s10 =	sld [smem:$0x3FAE];
	_ =	sdelay $0x3  }
0x33: {  	p0 =	seq.s32 s10, $0x1;
	s10 =	sld [smem:$0x3FB0];
	_ =	sdelay $0x3  }
0x34: {  	[smem:$0x3FB0] =	sst s10  }
0x35: {  	s10 =	sld [smem:$0x3FAF];
	_ =	sdelay $0x3  }
0x36: {  	p1 =	seq.s32 s10, $0x1;
	s10 =	sld [smem:$0x3FB0];
	_ =	sdelay $0x3  }
0x37: {  	[smem:$0x3FB0] =	sst s10  }
0x38: {  	s10 =	sld [smem:$0x3FB1]  }
0x39: {  	_ = 	snop;
	(pc) =	sbr.ind lr, $3  }
0x3a: {  	_ = 	snop  }
0x3b: {  	_ = 	snop  }
0x3c: {  	p2 =	seq.s32 s10, $0x1;
	s10 =	sld [smem:$0x3FB0]  }
0x3d: {  	_ =	shalt  }
0x3e: {  	_ =	shalt  }
0x3f: {  	_ =	shalt  }
0x40: {  	_ =	shalt  }
0x41: {  	_ =	shalt  }
0x42: {  	_ =	shalt  }
0x43: {  	_ =	shalt  }
0x44: {  	_ =	shalt  }
0x45: {  	_ =	shalt  }
0x46: {  	_ =	shalt  }
0x47: {  	_ =	shalt  }
0x48: {  	_ =	shalt  }
0x49: {  	_ =	shalt  }
0x4a: {  	_ =	shalt  }
0x4b: {  	_ =	shalt  }
0x4c: {  	_ =	shalt  }
0x4d: {  	_ =	shalt  }
0x4e: {  	_ =	shalt  }
0x4f: {  	_ =	shalt  }
0x50: {  	_ =	shalt  }
0x51: {  	_ =	shalt  }
0x52: {  	_ =	shalt  }
0x53: {  	_ =	shalt  }
0x54: {  	_ =	shalt  }
0x55: {  	_ =	shalt  }
0x56: {  	_ =	shalt  }
0x57: {  	_ =	shalt  }
0x58: {  	_ =	shalt  }
0x59: {  	_ =	shalt  }
0x5a: {  	_ =	shalt  }
0x5b: {  	_ =	shalt  }
0x5c: {  	_ =	shalt  }
0x5d: {  	_ =	shalt  }
0x5e: {  	_ =	shalt  }
0x5f: {  	_ =	shalt  }
0x60: {  	_ =	shalt  }
0x61: {  	_ =	shalt  }
0x62: {  	_ =	shalt  }
0x63: {  	_ =	shalt  }
0x64: {  	_ =	shalt  }
0x65: {  	_ =	shalt  }
0x66: {  	_ =	shalt  }
0x67: {  	_ =	shalt  }
0x68: {  	_ =	shalt  }
0x69: {  	_ =	shalt  }
0x6a: {  	_ =	shalt  }
0x6b: {  	_ =	shalt  }
0x6c: {  	_ =	shalt  }
0x6d: {  	_ =	shalt  }
0x6e: {  	_ =	shalt  }
0x6f: {  	_ =	shalt  }
0x70: {  	_ =	shalt  }
0x71: {  	_ =	shalt  }
0x72: {  	_ =	shalt  }
0x73: {  	_ =	shalt  }
0x74: {  	_ =	shalt  }
0x75: {  	_ =	shalt  }
0x76: {  	_ =	shalt  }
0x77: {  	_ =	shalt  }
0x78: {  	_ =	shalt  }
0x79: {  	_ =	shalt  }
0x7a: {  	_ =	shalt  }
0x7b: {  	_ =	shalt  }
0x7c: {  	_ =	shalt  }
0x7d: {  	_ =	shalt  }
0x7e: {  	_ =	shalt  }
0x7f: {  	_ =	shalt  }
0x80: {  	_ =	shalt  }
0x81: {  	_ =	shalt  }
0x82: {  	_ =	shalt  }
0x83: {  	_ =	shalt  }
0x84: {  	_ =	shalt  }
0x85: {  	_ =	shalt  }
0x86: {  	_ =	shalt  }
0x87: {  	_ =	shalt  }
.Lfunc_end0:
.L_simem_size_0:
called_computation.2_lowered:
.L_overlay_start_0:
0x88: {  	s2 =	sld [smem:$0x3FD9]  }
0x89: {  	s3 =	sld [smem:$0x3FFE];
	_ =	sdelay $0x1  }
0x8a: {  	s1 =	srdreg.scid  }
0x8b: {  	s0 =	sand.u32 $0x1, s1  }
0x8c: {  	s16 =	sshll.u32 s0, $0xA;
	s2 =	sadd.s32 s3, s2  }
0x8d: {  	s2 =	sadd.s32 s2, s16  }
0x8e: {  	[smem:$0x3FBC] =	sst s2  }
0x8f: {  	_ = 	snop  }
0x90: {  	(tm) =	ssettm $0x1  }
0x91: {  	s17 =	sld [smem:$0x3FFB];
	_ =	sdelay $0x3  }
0x92: {  	_ =	strace s17  }
0x93: {  	s2 =	sld [smem:$0x3FFC];
	_ =	sdelay $0x3  }
0x94: {  	_ =	strace s2  }
0x95: {  	s2 =	sld [smem:$0x3FFD];
	_ =	sdelay $0x3  }
0x96: {  	_ =	strace s2  }
0x97: {  	_ =	strace $0x8FFFFFFF  }
0x98: {  	s18 =	sld [smem:$0x3FDB];
	_ =	sdelay $0x1  }
0x99: {  	s19 =	simm.s32 $_scs_section_size  }
0x9a: {  	s4 =	simm.s32 $_size__tile_overlayer_lowered;
	s5 =	simm.s32 $_tile_overlayer_lowered  }
0x9b: {  	s22 =	simm.s32 $0x1BFF;
	s21 =	sshll.u32 s5, $0x1;
	s2 =	sadd.s32 s19, s18  }
0x9c: {  	s6 =	simm.s32 $0x0;
	s20 =	sshll.u32 s4, $0x1;
	s4 =	sadd.s32 s21, s2  }
0x9d: {  	[timem:s6], [sflag:s22] =	dma.local [hbm:s4], s20  }
0x9e: {  	_ =	swait.ge [sflag:s22], s20  }
0x9f: {  	s3 =	ssub.s32 $0x0, s20;
	[sflag:s22] =	ssyncset.done $0x0  }
0xa0: {  	[sflag:s22] =	ssyncadd.s32 s3;
	_ =	sdelay $0x1  }
0xa1: {  	s23 =	simm.s32 $0x1B8B  }
0xa2: {  	_ =	swait.ge [sflag:s23], $0x1  }
0xa3: {  	[sflag:s23] =	ssyncset.done $0x0  }
0xa4: {  	s25 =	simm.s32 $0x1B8E;
	s24 =	sld [smem:$0x3FFE];
	[sflag:s23] =	ssyncadd.s32 $0xFFFFFFFF  }
0xa5: {  	s26 =	simm.s32 $execute0_lowered;
	[smem:$0x3FD2] =	sst s25  }
0xa6: {  	s4 =	sshll.u32 s26, $0x1;
	_ =	strace $0x8000004C;
	[dreg:$0x1] =	wrdreg $0xFFFFFFFF  }
0xa7: {  	s28 =	simm.s32 $_size_execute0_lowered;
	s2 =	sadd.s32 s2, s4;
	[dreg:$0x0] =	wrdreg $0x0  }
0xa8: {  	s4 =	sshll.u32 s28, $0x1;
	[dreg:$0x2] =	wrdreg s2  }
0xa9: {  	[dreg:$0x3] =	wrdreg s4  }
0xaa: {  	[dreg:$0x4] =	wrdreg $0xC0  }
0xab: {  	_ =	task [dreg:s6], $0x5FFFF  }
0xac: {  	[dreg:$0x1] =	wrdreg $0xFFFFFFFF  }
0xad: {  	[dreg:$0x0] =	wrdreg $0x60  }
0xae: {  	[dreg:$0x2] =	wrdreg s24  }
0xaf: {  	[dreg:$0x3] =	wrdreg $0x0  }
0xb0: {  	[dreg:$0x4] =	wrdreg $0x9  }
0xb1: {  	_ =	task.clear_ibuf [dreg:s6], $0x5FFFF;
	_ =	strace $0x9000004C  }
0xb2: {  	s29 =	simm.s32 $0x9;
	_ =	strace $0x8000004E  }
0xb3: {  	_ =	swait.ge [sflag:s29], $0x1  }
0xb4: {  	[sflag:s29] =	ssyncadd.s32 $0xFFFFFFFF  }
0xb5: {  	_ =	strace $0x9000004E  }
0xb6: {  	_ =	sfence  }
0xb7: {  	s30 =	sld [smem:$0x0];
	_ =	sdelay $0x2  }
0xb8: {  	s31 =	sshll.u32 s1, $0xD;
	s1 =	sshrl.u32 s1, $0x2  }
0xb9: {  	s3 =	sand.u32 $0x4000, s31;
	s1 =	sadd.s32 s1, s30  }
0xba: {  	s0 =	sor.u32 s3, s0;
	s1 =	sshll.u32 s1, $0x11  }
0xbb: {  	s0 =	sor.u32 s1, s0  }
0xbc: {  	s0 =	sadd.s32 $0x8F2B, s0  }
0xbd: {  	[sflag:s0] =	ssyncadd.remote.s32 $0x1  }
0xbe: {  	_ =	sfence.sel $0xFFFF  }
0xbf: {  	[dreg:$0x0] =	wrdreg $0xFFFFFFFF;
	(pc) =	sbr.abs _section_cstart, $3  }
0xc0: {  	[dreg:$0x1] =	wrdreg $0xFFFFFFFF  }
0xc1: {  	_ =	task.clear_ibuf [dreg:s6], $0x2FFFF;
	_ =	strace $0x9FFFFFFF  }
0xc2: {  	(tm) =	ssettm $0x7FFFFFFF  }
0xc3: {  	_ =	shalt  }
tec
execute0_lowered:
.L_overlay_start_1:
0x0: {  	(tag) =	ssettag $0x1  }
0x1: {  	s0 =	rddreg [dreg:$0x0]  }
0x2: {  	s2 =	rddreg [dreg:$0x1];
	s12 =	stileid.u32  }
0x3: {  	s3 =	simm.s32 $0x0;
	s4 =	srdreg.scid;
	s21 =	simm.s32 $0x14080  }
0x4: {  	s22 =	simm.s32 $0x14400;
	s23 =	simm.s32 $0x14100;
	s24 =	simm.s32 $0x14480  }
0x5: {  	s25 =	simm.s32 $0x14180;
	s13 =	simm.s32 $0x14580;
	s14 =	simm.s32 $0x14280  }
0x6: {  	s15 =	simm.s32 $0x14600;
	s28 =	simm.s32 $0x14B00;
	[smem:$0x7FF] =	sst s3  }
0x7: {  	s29 =	simm.s32 $0x14E80;
	_ =	strace $0x8000004D;
	[dreg:$0x4] =	wrdreg s21  }
0x8: {  	s30 =	simm.s32 $0x14B80;
	s31 =	simm.s32 $0x14F00;
	[dreg:$0x5] =	wrdreg s22  }
0x9: {  	s1 =	smul.u32 $0x14000, s12;
	s6 =	sand.u32 $0x1, s4;
	[dreg:$0x6] =	wrdreg s23  }
0xa: {  	s4 =	sadd.s32 $0x2D400, s0;
	s16 =	smul.u32 $0x50000, s12;
	[dreg:$0x7] =	wrdreg s24  }
0xb: {  	s5 =	sadd.s32 $0x5400, s0;
	s26 =	smul.u32 $0xA000, s12;
	[dreg:$0x8] =	wrdreg s25  }
0xc: {  	s19 =	sshll.u32 s12, $0x6;
	s8 =	smul.u32 $0x140000, s6;
	[dreg:$0xb] =	wrdreg s13  }
0xd: {  	s9 =	sshll.u32 s6, $0x4;
	s10 =	ssub.s32 $0x2, s6;
	[dreg:$0xc] =	wrdreg s14  }
0xe: {  	s6 =	smul.u32 $0xA0000, s6;
	[dreg:$0xd] =	wrdreg s15;
	s13 =	simm.s32 $0x5  }
0xf: {  	s14 =	simm.s32 $0x14000;
	s15 =	simm.s32 $0x3;
	s21 =	simm.s32 $0x14880  }
0x10: {  	s22 =	simm.s32 $0x14C00;
	s23 =	simm.s32 $0x14900;
	[dreg:$0x13] =	wrdreg s21  }
0x11: {  	s24 =	simm.s32 $0x14C80;
	s25 =	simm.s32 $0x14980;
	[dreg:$0x14] =	wrdreg s22  }
0x12: {  	s7 =	sshrl.u32 s1, $0x3;
	s9 =	sor.u32 s12, s9;
	[dreg:$0x15] =	wrdreg s23  }
0x13: {  	s11 =	sshrl.u32 s10, $0x1;
	[dreg:$0x16] =	wrdreg s24;
	s21 =	simm.s32 $0x2  }
0x14: {  	[dreg:$0x17] =	wrdreg s25;
	s22 =	simm.s32 $0x4;
	s23 =	simm.s32 $0x14A00  }
0x15: {  	s24 =	simm.s32 $0x14D80;
	s25 =	simm.s32 $0x14A80;
	s7 =	sadd.s32 s7, s0  }
0x16: {  	s1 =	sadd.s32 s1, s8;
	s8 =	sshrl.u32 s16, $0x2;
	s9 =	smul.u32 $0xA000, s9  }
0x17: {  	s17 =	ssub.s32 s10, s11;
	s10 =	simm.s32 $0x14200;
	s12 =	sadd.s32 s26, s6  }
0x18: {  	s16 =	simm.s32 $0x14300;
	s26 =	simm.s32 $0x14D00;
	[dreg:$0xa] =	wrdreg s10  }
0x19: {  	s1 =	sshrl.u32 s1, $0x3;
	s18 =	sadd.s32 s8, s2;
	[dreg:$0xe] =	wrdreg s16  }
0x1a: {  	s7 =	sadd.s32 $0x55400, s7;
	s16 =	simm.s32 $0x14800;
	[dreg:$0x18] =	wrdreg s26  }
0x1b: {  	s26 =	simm.s32 $0x14E00;
	[dreg:$0x19] =	wrdreg s7;
	s20 =	sor.u32 $0x1000, s9  }
0x1c: {  	s0 =	sadd.s32 s1, s0;
	s1 =	smax.u32 s17, $0x1;
	[dreg:$0x3] =	wrdreg s20  }
0x1d: {  	s7 =	sor.u32 $0x1C05, s19;
	s17 =	simm.s32 $0x14680;
	[dreg:$0x1c] =	wrdreg s1  }
0x1e: {  	s9 =	sshrl.u32 s9, $0x3;
	s19 =	simm.s32 $0x14700;
	[dreg:$0xf] =	wrdreg s17  }
0x1f: {  	s9 =	sadd.s32 s5, s9;
	s0 =	sadd.s32 $0xCD400, s0;
	[dreg:$0x11] =	wrdreg s19  }
0x20: {  	s1 =	sor.u32 $0x800, s12;
	s12 =	sshrl.u32 s18, $0x3;
	[dreg:$0x1a] =	wrdreg s9  }
0x21: {  	s18 =	simm.s32 $0x14380;
	s20 =	simm.s32 $0x14780;
	[dreg:$0x1b] =	wrdreg s0  }
0x22: {  	s17 =	simm.s32 $0x40;
	s19 =	simm.s32 $0x17000;
	[dreg:$0x10] =	wrdreg s18  }
0x23: {  	s9 =	simm.s32 $0x14500;
	s1 =	sshrl.u32 s1, $0x3;
	[dreg:$0x12] =	wrdreg s20  }
0x24: {  	s18 =	simm.s32 $0x15000;
	s20 =	simm.s32 $0x1;
	s0 =	simm.s32 $0x14F80  }
0x25: {  	[dreg:$0x9] =	wrdreg s9;
	s8 =	sadd.s32 s1, s5;
	s1 =	simm.s32 $0x0  }
.LBB2_1:
0x26: {  	s6 =	rddreg [dreg:$0x19]  }
0x27: {  	[spmem:s12], [sflag:s7] =	dma.local [hbm:s6], $0x2800  }
0x28: {  	_ =	swait.ge [sflag:s13], $0x2800  }
0x29: {  	[sflag:s13] =	ssyncset.done $0x0  }
0x2a: {  	[sflag:s13] =	ssyncadd.s32 $0xFFFFD800  }
0x2b: {  	[bflag:$0x0] =	sbarrier.arrive $0xFFFF  }
0x2c: {  	s10 =	rddreg [dreg:$0x1a]  }
0x2d: {  	[tilespmem:s14], [sflag:$0x3] =	stream.linear.gather [hbm4b:s10+s3], $0x800, $0x38;
	[tilespmem:$0x19000] =	vst v63  }
0x2e: {  	_ =	swait.ge [sflag:s15], $0x800  }
0x2f: {  	[sflag:s15] =	ssyncset.done $0x0  }
0x30: {  	[sflag:s15] =	ssyncadd.s32 $0xFFFFF800  }
0x31: {  	[tilespmem:s16], [sflag:$0x4] =	stream.linear.gather [hbm4b:s8+s3], $0x800, $0x38;
	[tilespmem:$0x19000] =	vst v63  }
0x32: {  	_ = 	snop  }
0x33: {  	[tilespmem:s18], [sflag:$0x1] =	stream.indirect.gather [hbm4b:s4+s17], $0x80, s14, s17, $0xb8;
	[tilespmem:$0x19000] =	vst v63  }
0x34: {  	s11 =	rddreg [dreg:$0x4]  }
0x35: {  	[tilespmem:s19], [sflag:$0x2] =	stream.indirect.gather [hbm4b:s4+s17], $0x80, s11, s17, $0xb8;
	[tilespmem:$0x19000] =	vst v63  }
0x36: {  	_ =	swait.ge [sflag:s20], $0x2000  }
0x37: {  	[sflag:s20] =	ssyncset.done $0x0  }
0x38: {  	s9 =	rddreg [dreg:$0x5];
	[sflag:s20] =	ssyncadd.s32 $0xFFFFE000  }
0x39: {  	[spmem:s2] =	stream.indirect.scatter.add.f32 [tilespmem:s18], [sflag:$0x5], $0x80, s9, s17, $0xb8;
	[tilespmem:$0x19000] =	vst v63  }
0x3a: {  	_ =	swait.ge [sflag:s13], $0x2000  }
0x3b: {  	[sflag:s13] =	ssyncset.done $0x0  }
0x3c: {  	s10 =	rddreg [dreg:$0x6];
	[sflag:s13] =	ssyncadd.s32 $0xFFFFE000  }
0x3d: {  	[tilespmem:s18], [sflag:$0x1] =	stream.indirect.gather [hbm4b:s4+s17], $0x80, s10, s17, $0xb8;
	[tilespmem:$0x19000] =	vst v63  }
0x3e: {  	_ =	swait.ge [sflag:s21], $0x2000  }
0x3f: {  	[sflag:s21] =	ssyncset.done $0x0  }
0x40: {  	s11 =	rddreg [dreg:$0x7];
	[sflag:s21] =	ssyncadd.s32 $0xFFFFE000  }
0x41: {  	[spmem:s2] =	stream.indirect.scatter.add.f32 [tilespmem:s19], [sflag:$0x5], $0x80, s11, s17, $0xb8;
	[tilespmem:$0x19000] =	vst v63  }
0x42: {  	_ =	swait.ge [sflag:s13], $0x2000  }
0x43: {  	[sflag:s13] =	ssyncset.done $0x0  }
0x44: {  	s9 =	rddreg [dreg:$0x8];
	[sflag:s13] =	ssyncadd.s32 $0xFFFFE000  }
0x45: {  	[tilespmem:s19], [sflag:$0x2] =	stream.indirect.gather [hbm4b:s4+s17], $0x80, s9, s17, $0xb8;
	[tilespmem:$0x19000] =	vst v63  }
0x46: {  	_ =	swait.ge [sflag:s20], $0x2000  }
0x47: {  	[sflag:s20] =	ssyncset.done $0x0  }
0x48: {  	s10 =	rddreg [dreg:$0x9];
	[sflag:s20] =	ssyncadd.s32 $0xFFFFE000  }
0x49: {  	[spmem:s2] =	stream.indirect.scatter.add.f32 [tilespmem:s18], [sflag:$0x5], $0x80, s10, s17, $0xb8;
	[tilespmem:$0x19000] =	vst v63  }
0x4a: {  	_ =	swait.ge [sflag:s13], $0x2000  }
0x4b: {  	[sflag:s13] =	ssyncset.done $0x0  }
0x4c: {  	s11 =	rddreg [dreg:$0xa];
	[sflag:s13] =	ssyncadd.s32 $0xFFFFE000  }
0x4d: {  	[tilespmem:s18], [sflag:$0x1] =	stream.indirect.gather [hbm4b:s4+s17], $0x80, s11, s17, $0xb8;
	[tilespmem:$0x19000] =	vst v63  }
0x4e: {  	_ =	swait.ge [sflag:s21], $0x2000  }
0x4f: {  	[sflag:s21] =	ssyncset.done $0x0  }
0x50: {  	s9 =	rddreg [dreg:$0xb];
	[sflag:s21] =	ssyncadd.s32 $0xFFFFE000  }
0x51: {  	[spmem:s2] =	stream.indirect.scatter.add.f32 [tilespmem:s19], [sflag:$0x5], $0x80, s9, s17, $0xb8;
	[tilespmem:$0x19000] =	vst v63  }
0x52: {  	_ =	swait.ge [sflag:s13], $0x2000  }
0x53: {  	[sflag:s13] =	ssyncset.done $0x0  }
0x54: {  	s10 =	rddreg [dreg:$0xc];
	[sflag:s13] =	ssyncadd.s32 $0xFFFFE000  }
0x55: {  	[tilespmem:s19], [sflag:$0x2] =	stream.indirect.gather [hbm4b:s4+s17], $0x80, s10, s17, $0xb8;
	[tilespmem:$0x19000] =	vst v63  }
0x56: {  	_ =	swait.ge [sflag:s20], $0x2000  }
0x57: {  	[sflag:s20] =	ssyncset.done $0x0  }
0x58: {  	s11 =	rddreg [dreg:$0xd];
	[sflag:s20] =	ssyncadd.s32 $0xFFFFE000  }
0x59: {  	[spmem:s2] =	stream.indirect.scatter.add.f32 [tilespmem:s18], [sflag:$0x5], $0x80, s11, s17, $0xb8;
	[tilespmem:$0x19000] =	vst v63  }
0x5a: {  	_ =	swait.ge [sflag:s13], $0x2000  }
0x5b: {  	[sflag:s13] =	ssyncset.done $0x0  }
0x5c: {  	s9 =	rddreg [dreg:$0xe];
	[sflag:s13] =	ssyncadd.s32 $0xFFFFE000  }
0x5d: {  	[tilespmem:s18], [sflag:$0x1] =	stream.indirect.gather [hbm4b:s4+s17], $0x80, s9, s17, $0xb8;
	[tilespmem:$0x19000] =	vst v63  }
0x5e: {  	_ =	swait.ge [sflag:s21], $0x2000  }
0x5f: {  	[sflag:s21] =	ssyncset.done $0x0  }
0x60: {  	s10 =	rddreg [dreg:$0xf];
	[sflag:s21] =	ssyncadd.s32 $0xFFFFE000  }
0x61: {  	[spmem:s2] =	stream.indirect.scatter.add.f32 [tilespmem:s19], [sflag:$0x5], $0x80, s10, s17, $0xb8;
	[tilespmem:$0x19000] =	vst v63  }
0x62: {  	_ =	swait.ge [sflag:s13], $0x2000  }
0x63: {  	[sflag:s13] =	ssyncset.done $0x0  }
0x64: {  	s11 =	rddreg [dreg:$0x10];
	[sflag:s13] =	ssyncadd.s32 $0xFFFFE000  }
0x65: {  	[tilespmem:s19], [sflag:$0x2] =	stream.indirect.gather [hbm4b:s4+s17], $0x80, s11, s17, $0xb8;
	[tilespmem:$0x19000] =	vst v63  }
0x66: {  	_ =	swait.ge [sflag:s20], $0x2000  }
0x67: {  	[sflag:s20] =	ssyncset.done $0x0  }
0x68: {  	s9 =	rddreg [dreg:$0x11];
	[sflag:s20] =	ssyncadd.s32 $0xFFFFE000  }
0x69: {  	[spmem:s2] =	stream.indirect.scatter.add.f32 [tilespmem:s18], [sflag:$0x5], $0x80, s9, s17, $0xb8;
	[tilespmem:$0x19000] =	vst v63  }
0x6a: {  	_ =	swait.ge [sflag:s13], $0x2000  }
0x6b: {  	[sflag:s13] =	ssyncset.done $0x0  }
0x6c: {  	[sflag:s13] =	ssyncadd.s32 $0xFFFFE000  }
0x6d: {  	_ =	swait.ge [sflag:s21], $0x2000  }
0x6e: {  	[sflag:s21] =	ssyncset.done $0x0  }
0x6f: {  	s10 =	rddreg [dreg:$0x12];
	[sflag:s21] =	ssyncadd.s32 $0xFFFFE000  }
0x70: {  	[spmem:s2] =	stream.indirect.scatter.add.f32 [tilespmem:s19], [sflag:$0x5], $0x80, s10, s17, $0xb8;
	[tilespmem:$0x19000] =	vst v63  }
0x71: {  	_ =	swait.ge [sflag:s13], $0x2000  }
0x72: {  	[sflag:s13] =	ssyncset.done $0x0  }
0x73: {  	[sflag:s13] =	ssyncadd.s32 $0xFFFFE000  }
0x74: {  	s9 =	smin.u32 s3, $0x11;
	_ =	swait.ge [sflag:s22], $0x800  }
0x75: {  	s9 =	sshll.u32 s9, $0xB;
	s11 =	rddreg [dreg:$0x3]  }
0x76: {  	s6 =	sadd.s32 s9, s11  }
0x77: {  	[sflag:s22] =	ssyncset.done $0x0;
	s6 =	sshrl.u32 s6, $0x3  }
0x78: {  	[sflag:s22] =	ssyncadd.s32 $0xFFFFF800;
	s6 =	sadd.s32 s5, s6  }
0x79: {  	[tilespmem:s14], [sflag:$0x3] =	stream.linear.gather [hbm4b:s6+s3], $0x800, $0x38;
	[tilespmem:$0x19000] =	vst v63  }
0x7a: {  	_ = 	snop  }
0x7b: {  	[tilespmem:s18], [sflag:$0x1] =	stream.indirect.gather [hbm4b:s4+s17], $0x80, s16, s17, $0xb8;
	[tilespmem:$0x19000] =	vst v63  }
0x7c: {  	s9 =	rddreg [dreg:$0x13]  }
0x7d: {  	[tilespmem:s19], [sflag:$0x2] =	stream.indirect.gather [hbm4b:s4+s17], $0x80, s9, s17, $0xb8;
	[tilespmem:$0x19000] =	vst v63  }
0x7e: {  	_ =	swait.ge [sflag:s20], $0x2000  }
0x7f: {  	[sflag:s20] =	ssyncset.done $0x0  }
0x80: {  	s10 =	rddreg [dreg:$0x14];
	[sflag:s20] =	ssyncadd.s32 $0xFFFFE000  }
0x81: {  	[spmem:s2] =	stream.indirect.scatter.add.f32 [tilespmem:s18], [sflag:$0x5], $0x80, s10, s17, $0xb8;
	[tilespmem:$0x19000] =	vst v63  }
0x82: {  	_ =	swait.ge [sflag:s13], $0x2000  }
0x83: {  	[sflag:s13] =	ssyncset.done $0x0  }
0x84: {  	s11 =	rddreg [dreg:$0x15];
	[sflag:s13] =	ssyncadd.s32 $0xFFFFE000  }
0x85: {  	[tilespmem:s18], [sflag:$0x1] =	stream.indirect.gather [hbm4b:s4+s17], $0x80, s11, s17, $0xb8;
	[tilespmem:$0x19000] =	vst v63  }
0x86: {  	_ =	swait.ge [sflag:s21], $0x2000  }
0x87: {  	[sflag:s21] =	ssyncset.done $0x0  }
0x88: {  	s9 =	rddreg [dreg:$0x16];
	[sflag:s21] =	ssyncadd.s32 $0xFFFFE000  }
0x89: {  	[spmem:s2] =	stream.indirect.scatter.add.f32 [tilespmem:s19], [sflag:$0x5], $0x80, s9, s17, $0xb8;
	[tilespmem:$0x19000] =	vst v63  }
0x8a: {  	_ =	swait.ge [sflag:s13], $0x2000  }
0x8b: {  	[sflag:s13] =	ssyncset.done $0x0  }
0x8c: {  	s10 =	rddreg [dreg:$0x17];
	[sflag:s13] =	ssyncadd.s32 $0xFFFFE000  }
0x8d: {  	[tilespmem:s19], [sflag:$0x2] =	stream.indirect.gather [hbm4b:s4+s17], $0x80, s10, s17, $0xb8;
	[tilespmem:$0x19000] =	vst v63  }
0x8e: {  	_ =	swait.ge [sflag:s20], $0x2000  }
0x8f: {  	[sflag:s20] =	ssyncset.done $0x0  }
0x90: {  	s11 =	rddreg [dreg:$0x18];
	[sflag:s20] =	ssyncadd.s32 $0xFFFFE000  }
0x91: {  	[spmem:s2] =	stream.indirect.scatter.add.f32 [tilespmem:s18], [sflag:$0x5], $0x80, s11, s17, $0xb8;
	[tilespmem:$0x19000] =	vst v63  }
0x92: {  	_ =	swait.ge [sflag:s13], $0x2000  }
0x93: {  	[sflag:s13] =	ssyncset.done $0x0  }
0x94: {  	[sflag:s13] =	ssyncadd.s32 $0xFFFFE000  }
0x95: {  	[tilespmem:s18], [sflag:$0x1] =	stream.indirect.gather [hbm4b:s4+s17], $0x80, s23, s17, $0xb8;
	[tilespmem:$0x19000] =	vst v63  }
0x96: {  	_ =	swait.ge [sflag:s21], $0x2000  }
0x97: {  	[sflag:s21] =	ssyncset.done $0x0  }
0x98: {  	[sflag:s21] =	ssyncadd.s32 $0xFFFFE000  }
0x99: {  	[spmem:s2] =	stream.indirect.scatter.add.f32 [tilespmem:s19], [sflag:$0x5], $0x80, s24, s17, $0xb8;
	[tilespmem:$0x19000] =	vst v63  }
0x9a: {  	_ =	swait.ge [sflag:s13], $0x2000  }
0x9b: {  	[sflag:s13] =	ssyncset.done $0x0  }
0x9c: {  	[sflag:s13] =	ssyncadd.s32 $0xFFFFE000  }
0x9d: {  	[tilespmem:s19], [sflag:$0x2] =	stream.indirect.gather [hbm4b:s4+s17], $0x80, s25, s17, $0xb8;
	[tilespmem:$0x19000] =	vst v63  }
0x9e: {  	_ =	swait.ge [sflag:s20], $0x2000  }
0x9f: {  	[sflag:s20] =	ssyncset.done $0x0  }
0xa0: {  	[sflag:s20] =	ssyncadd.s32 $0xFFFFE000  }
0xa1: {  	[spmem:s2] =	stream.indirect.scatter.add.f32 [tilespmem:s18], [sflag:$0x5], $0x80, s26, s17, $0xb8;
	[tilespmem:$0x19000] =	vst v63  }
0xa2: {  	_ =	swait.ge [sflag:s13], $0x2000  }
0xa3: {  	[sflag:s13] =	ssyncset.done $0x0  }
0xa4: {  	[sflag:s13] =	ssyncadd.s32 $0xFFFFE000  }
0xa5: {  	[tilespmem:s18], [sflag:$0x1] =	stream.indirect.gather [hbm4b:s4+s17], $0x80, s28, s17, $0xb8;
	[tilespmem:$0x19000] =	vst v63  }
0xa6: {  	_ =	swait.ge [sflag:s21], $0x2000  }
0xa7: {  	[sflag:s21] =	ssyncset.done $0x0  }
0xa8: {  	[sflag:s21] =	ssyncadd.s32 $0xFFFFE000  }
0xa9: {  	[spmem:s2] =	stream.indirect.scatter.add.f32 [tilespmem:s19], [sflag:$0x5], $0x80, s29, s17, $0xb8;
	[tilespmem:$0x19000] =	vst v63  }
0xaa: {  	_ =	swait.ge [sflag:s13], $0x2000  }
0xab: {  	[sflag:s13] =	ssyncset.done $0x0  }
0xac: {  	[sflag:s13] =	ssyncadd.s32 $0xFFFFE000  }
0xad: {  	[tilespmem:s19], [sflag:$0x2] =	stream.indirect.gather [hbm4b:s4+s17], $0x80, s30, s17, $0xb8;
	[tilespmem:$0x19000] =	vst v63  }
0xae: {  	_ =	swait.ge [sflag:s20], $0x2000  }
0xaf: {  	[sflag:s20] =	ssyncset.done $0x0  }
0xb0: {  	[sflag:s20] =	ssyncadd.s32 $0xFFFFE000  }
0xb1: {  	[spmem:s2] =	stream.indirect.scatter.add.f32 [tilespmem:s18], [sflag:$0x5], $0x80, s31, s17, $0xb8;
	[tilespmem:$0x19000] =	vst v63  }
0xb2: {  	_ =	swait.ge [sflag:s13], $0x2000  }
0xb3: {  	[sflag:s13] =	ssyncset.done $0x0  }
0xb4: {  	[sflag:s13] =	ssyncadd.s32 $0xFFFFE000  }
0xb5: {  	_ =	swait.ge [sflag:s21], $0x2000  }
0xb6: {  	[sflag:s21] =	ssyncset.done $0x0  }
0xb7: {  	[sflag:s21] =	ssyncadd.s32 $0xFFFFE000  }
0xb8: {  	[spmem:s2] =	stream.indirect.scatter.add.f32 [tilespmem:s19], [sflag:$0x5], $0x80, s0, s17, $0xb8;
	[tilespmem:$0x19000] =	vst v63  }
0xb9: {  	_ =	swait.ge [sflag:s13], $0x2000  }
0xba: {  	s6 =	simm.s32 $0x2;
	s11 =	smov.u32 s8;
	[sflag:s13] =	ssyncset.done $0x0  }
.LBB2_2:
0xbb: {  	[sflag:s13] =	ssyncadd.s32 $0xFFFFE000  }
0xbc: {  	_ =	swait.ge [sflag:s15], $0x800  }
0xbd: {  	[sflag:s15] =	ssyncset.done $0x0  }
0xbe: {  	s11 =	sadd.s32 $0x200, s11;
	[sflag:s15] =	ssyncadd.s32 $0xFFFFF800  }
0xbf: {  	[tilespmem:s16], [sflag:$0x4] =	stream.linear.gather [hbm4b:s11+s3], $0x800, $0x38;
	[tilespmem:$0x19000] =	vst v63  }
0xc0: {  	_ = 	snop  }
0xc1: {  	[tilespmem:s18], [sflag:$0x1] =	stream.indirect.gather [hbm4b:s4+s17], $0x80, s14, s17, $0xb8;
	[tilespmem:$0x19000] =	vst v63  }
0xc2: {  	s10 =	rddreg [dreg:$0x4]  }
0xc3: {  	[tilespmem:s19], [sflag:$0x2] =	stream.indirect.gather [hbm4b:s4+s17], $0x80, s10, s17, $0xb8;
	[tilespmem:$0x19000] =	vst v63  }
0xc4: {  	_ =	swait.ge [sflag:s20], $0x2000  }
0xc5: {  	[sflag:s20] =	ssyncset.done $0x0  }
0xc6: {  	s10 =	rddreg [dreg:$0x5];
	[sflag:s20] =	ssyncadd.s32 $0xFFFFE000  }
0xc7: {  	[spmem:s2] =	stream.indirect.scatter.add.f32 [tilespmem:s18], [sflag:$0x5], $0x80, s10, s17, $0xb8;
	[tilespmem:$0x19000] =	vst v63  }
0xc8: {  	_ =	swait.ge [sflag:s13], $0x2000  }
0xc9: {  	[sflag:s13] =	ssyncset.done $0x0  }
0xca: {  	s10 =	rddreg [dreg:$0x6];
	[sflag:s13] =	ssyncadd.s32 $0xFFFFE000  }
0xcb: {  	[tilespmem:s18], [sflag:$0x1] =	stream.indirect.gather [hbm4b:s4+s17], $0x80, s10, s17, $0xb8;
	[tilespmem:$0x19000] =	vst v63  }
0xcc: {  	_ =	swait.ge [sflag:s21], $0x2000  }
0xcd: {  	[sflag:s21] =	ssyncset.done $0x0  }
0xce: {  	s10 =	rddreg [dreg:$0x7];
	[sflag:s21] =	ssyncadd.s32 $0xFFFFE000  }
0xcf: {  	[spmem:s2] =	stream.indirect.scatter.add.f32 [tilespmem:s19], [sflag:$0x5], $0x80, s10, s17, $0xb8;
	[tilespmem:$0x19000] =	vst v63  }
0xd0: {  	_ =	swait.ge [sflag:s13], $0x2000  }
0xd1: {  	[sflag:s13] =	ssyncset.done $0x0  }
0xd2: {  	s10 =	rddreg [dreg:$0x8];
	[sflag:s13] =	ssyncadd.s32 $0xFFFFE000  }
0xd3: {  	[tilespmem:s19], [sflag:$0x2] =	stream.indirect.gather [hbm4b:s4+s17], $0x80, s10, s17, $0xb8;
	[tilespmem:$0x19000] =	vst v63  }
0xd4: {  	_ =	swait.ge [sflag:s20], $0x2000  }
0xd5: {  	[sflag:s20] =	ssyncset.done $0x0  }
0xd6: {  	s10 =	rddreg [dreg:$0x9];
	[sflag:s20] =	ssyncadd.s32 $0xFFFFE000  }
0xd7: {  	[spmem:s2] =	stream.indirect.scatter.add.f32 [tilespmem:s18], [sflag:$0x5], $0x80, s10, s17, $0xb8;
	[tilespmem:$0x19000] =	vst v63  }
0xd8: {  	_ =	swait.ge [sflag:s13], $0x2000  }
0xd9: {  	[sflag:s13] =	ssyncset.done $0x0  }
0xda: {  	s10 =	rddreg [dreg:$0xa];
	[sflag:s13] =	ssyncadd.s32 $0xFFFFE000  }
0xdb: {  	[tilespmem:s18], [sflag:$0x1] =	stream.indirect.gather [hbm4b:s4+s17], $0x80, s10, s17, $0xb8;
	[tilespmem:$0x19000] =	vst v63  }
0xdc: {  	_ =	swait.ge [sflag:s21], $0x2000  }
0xdd: {  	[sflag:s21] =	ssyncset.done $0x0  }
0xde: {  	s10 =	rddreg [dreg:$0xb];
	[sflag:s21] =	ssyncadd.s32 $0xFFFFE000  }
0xdf: {  	[spmem:s2] =	stream.indirect.scatter.add.f32 [tilespmem:s19], [sflag:$0x5], $0x80, s10, s17, $0xb8;
	[tilespmem:$0x19000] =	vst v63  }
0xe0: {  	_ =	swait.ge [sflag:s13], $0x2000  }
0xe1: {  	[sflag:s13] =	ssyncset.done $0x0  }
0xe2: {  	s10 =	rddreg [dreg:$0xc];
	[sflag:s13] =	ssyncadd.s32 $0xFFFFE000  }
0xe3: {  	[tilespmem:s19], [sflag:$0x2] =	stream.indirect.gather [hbm4b:s4+s17], $0x80, s10, s17, $0xb8;
	[tilespmem:$0x19000] =	vst v63  }
0xe4: {  	_ =	swait.ge [sflag:s20], $0x2000  }
0xe5: {  	[sflag:s20] =	ssyncset.done $0x0  }
0xe6: {  	s10 =	rddreg [dreg:$0xd];
	[sflag:s20] =	ssyncadd.s32 $0xFFFFE000  }
0xe7: {  	[spmem:s2] =	stream.indirect.scatter.add.f32 [tilespmem:s18], [sflag:$0x5], $0x80, s10, s17, $0xb8;
	[tilespmem:$0x19000] =	vst v63  }
0xe8: {  	_ =	swait.ge [sflag:s13], $0x2000  }
0xe9: {  	[sflag:s13] =	ssyncset.done $0x0  }
0xea: {  	s10 =	rddreg [dreg:$0xe];
	[sflag:s13] =	ssyncadd.s32 $0xFFFFE000  }
0xeb: {  	[tilespmem:s18], [sflag:$0x1] =	stream.indirect.gather [hbm4b:s4+s17], $0x80, s10, s17, $0xb8;
	[tilespmem:$0x19000] =	vst v63  }
0xec: {  	_ =	swait.ge [sflag:s21], $0x2000  }
0xed: {  	[sflag:s21] =	ssyncset.done $0x0  }
0xee: {  	s10 =	rddreg [dreg:$0xf];
	[sflag:s21] =	ssyncadd.s32 $0xFFFFE000  }
0xef: {  	[spmem:s2] =	stream.indirect.scatter.add.f32 [tilespmem:s19], [sflag:$0x5], $0x80, s10, s17, $0xb8;
	[tilespmem:$0x19000] =	vst v63  }
0xf0: {  	_ =	swait.ge [sflag:s13], $0x2000  }
0xf1: {  	[sflag:s13] =	ssyncset.done $0x0  }
0xf2: {  	s10 =	rddreg [dreg:$0x10];
	[sflag:s13] =	ssyncadd.s32 $0xFFFFE000  }
0xf3: {  	[tilespmem:s19], [sflag:$0x2] =	stream.indirect.gather [hbm4b:s4+s17], $0x80, s10, s17, $0xb8;
	[tilespmem:$0x19000] =	vst v63  }
0xf4: {  	_ =	swait.ge [sflag:s20], $0x2000  }
0xf5: {  	[sflag:s20] =	ssyncset.done $0x0  }
0xf6: {  	s10 =	rddreg [dreg:$0x11];
	[sflag:s20] =	ssyncadd.s32 $0xFFFFE000  }
0xf7: {  	[spmem:s2] =	stream.indirect.scatter.add.f32 [tilespmem:s18], [sflag:$0x5], $0x80, s10, s17, $0xb8;
	[tilespmem:$0x19000] =	vst v63  }
0xf8: {  	_ =	swait.ge [sflag:s13], $0x2000  }
0xf9: {  	[sflag:s13] =	ssyncset.done $0x0  }
0xfa: {  	[sflag:s13] =	ssyncadd.s32 $0xFFFFE000  }
0xfb: {  	_ =	swait.ge [sflag:s21], $0x2000  }
0xfc: {  	[sflag:s21] =	ssyncset.done $0x0  }
0xfd: {  	s10 =	rddreg [dreg:$0x12];
	[sflag:s21] =	ssyncadd.s32 $0xFFFFE000  }
0xfe: {  	[spmem:s2] =	stream.indirect.scatter.add.f32 [tilespmem:s19], [sflag:$0x5], $0x80, s10, s17, $0xb8;
	[tilespmem:$0x19000] =	vst v63  }
0xff: {  	_ =	swait.ge [sflag:s13], $0x2000  }
0x100: {  	[sflag:s13] =	ssyncset.done $0x0  }
0x101: {  	s9 =	smov.u32 s6;
	[sflag:s13] =	ssyncadd.s32 $0xFFFFE000  }
0x102: {  	s9 =	smin.u32 s9, $0x11;
	_ =	swait.ge [sflag:s22], $0x800  }
0x103: {  	s9 =	sshll.u32 s9, $0xB;
	s10 =	rddreg [dreg:$0x3]  }
0x104: {  	s9 =	sadd.s32 s9, s10  }
0x105: {  	[sflag:s22] =	ssyncset.done $0x0;
	s9 =	sshrl.u32 s9, $0x3  }
0x106: {  	[sflag:s22] =	ssyncadd.s32 $0xFFFFF800;
	s9 =	sadd.s32 s5, s9  }
0x107: {  	[tilespmem:s14], [sflag:$0x3] =	stream.linear.gather [hbm4b:s9+s3], $0x800, $0x38;
	[tilespmem:$0x19000] =	vst v63  }
0x108: {  	_ = 	snop  }
0x109: {  	[tilespmem:s18], [sflag:$0x1] =	stream.indirect.gather [hbm4b:s4+s17], $0x80, s16, s17, $0xb8;
	[tilespmem:$0x19000] =	vst v63  }
0x10a: {  	s10 =	rddreg [dreg:$0x13]  }
0x10b: {  	[tilespmem:s19], [sflag:$0x2] =	stream.indirect.gather [hbm4b:s4+s17], $0x80, s10, s17, $0xb8;
	[tilespmem:$0x19000] =	vst v63  }
0x10c: {  	_ =	swait.ge [sflag:s20], $0x2000  }
0x10d: {  	[sflag:s20] =	ssyncset.done $0x0  }
0x10e: {  	s10 =	rddreg [dreg:$0x14];
	[sflag:s20] =	ssyncadd.s32 $0xFFFFE000  }
0x10f: {  	[spmem:s2] =	stream.indirect.scatter.add.f32 [tilespmem:s18], [sflag:$0x5], $0x80, s10, s17, $0xb8;
	[tilespmem:$0x19000] =	vst v63  }
0x110: {  	_ =	swait.ge [sflag:s13], $0x2000  }
0x111: {  	[sflag:s13] =	ssyncset.done $0x0  }
0x112: {  	s10 =	rddreg [dreg:$0x15];
	[sflag:s13] =	ssyncadd.s32 $0xFFFFE000  }
0x113: {  	[tilespmem:s18], [sflag:$0x1] =	stream.indirect.gather [hbm4b:s4+s17], $0x80, s10, s17, $0xb8;
	[tilespmem:$0x19000] =	vst v63  }
0x114: {  	_ =	swait.ge [sflag:s21], $0x2000  }
0x115: {  	[sflag:s21] =	ssyncset.done $0x0  }
0x116: {  	s10 =	rddreg [dreg:$0x16];
	[sflag:s21] =	ssyncadd.s32 $0xFFFFE000  }
0x117: {  	[spmem:s2] =	stream.indirect.scatter.add.f32 [tilespmem:s19], [sflag:$0x5], $0x80, s10, s17, $0xb8;
	[tilespmem:$0x19000] =	vst v63  }
0x118: {  	_ =	swait.ge [sflag:s13], $0x2000  }
0x119: {  	[sflag:s13] =	ssyncset.done $0x0  }
0x11a: {  	s10 =	rddreg [dreg:$0x17];
	[sflag:s13] =	ssyncadd.s32 $0xFFFFE000  }
0x11b: {  	[tilespmem:s19], [sflag:$0x2] =	stream.indirect.gather [hbm4b:s4+s17], $0x80, s10, s17, $0xb8;
	[tilespmem:$0x19000] =	vst v63  }
0x11c: {  	_ =	swait.ge [sflag:s20], $0x2000  }
0x11d: {  	[sflag:s20] =	ssyncset.done $0x0  }
0x11e: {  	s10 =	rddreg [dreg:$0x18];
	[sflag:s20] =	ssyncadd.s32 $0xFFFFE000  }
0x11f: {  	[spmem:s2] =	stream.indirect.scatter.add.f32 [tilespmem:s18], [sflag:$0x5], $0x80, s10, s17, $0xb8;
	[tilespmem:$0x19000] =	vst v63  }
0x120: {  	_ =	swait.ge [sflag:s13], $0x2000  }
0x121: {  	[sflag:s13] =	ssyncset.done $0x0  }
0x122: {  	[sflag:s13] =	ssyncadd.s32 $0xFFFFE000  }
0x123: {  	[tilespmem:s18], [sflag:$0x1] =	stream.indirect.gather [hbm4b:s4+s17], $0x80, s23, s17, $0xb8;
	[tilespmem:$0x19000] =	vst v63  }
0x124: {  	_ =	swait.ge [sflag:s21], $0x2000  }
0x125: {  	[sflag:s21] =	ssyncset.done $0x0  }
0x126: {  	[sflag:s21] =	ssyncadd.s32 $0xFFFFE000  }
0x127: {  	[spmem:s2] =	stream.indirect.scatter.add.f32 [tilespmem:s19], [sflag:$0x5], $0x80, s24, s17, $0xb8;
	[tilespmem:$0x19000] =	vst v63  }
0x128: {  	_ =	swait.ge [sflag:s13], $0x2000  }
0x129: {  	[sflag:s13] =	ssyncset.done $0x0  }
0x12a: {  	[sflag:s13] =	ssyncadd.s32 $0xFFFFE000  }
0x12b: {  	[tilespmem:s19], [sflag:$0x2] =	stream.indirect.gather [hbm4b:s4+s17], $0x80, s25, s17, $0xb8;
	[tilespmem:$0x19000] =	vst v63  }
0x12c: {  	_ =	swait.ge [sflag:s20], $0x2000  }
0x12d: {  	[sflag:s20] =	ssyncset.done $0x0  }
0x12e: {  	[sflag:s20] =	ssyncadd.s32 $0xFFFFE000  }
0x12f: {  	[spmem:s2] =	stream.indirect.scatter.add.f32 [tilespmem:s18], [sflag:$0x5], $0x80, s26, s17, $0xb8;
	[tilespmem:$0x19000] =	vst v63  }
0x130: {  	_ =	swait.ge [sflag:s13], $0x2000  }
0x131: {  	[sflag:s13] =	ssyncset.done $0x0  }
0x132: {  	[sflag:s13] =	ssyncadd.s32 $0xFFFFE000  }
0x133: {  	[tilespmem:s18], [sflag:$0x1] =	stream.indirect.gather [hbm4b:s4+s17], $0x80, s28, s17, $0xb8;
	[tilespmem:$0x19000] =	vst v63  }
0x134: {  	_ =	swait.ge [sflag:s21], $0x2000  }
0x135: {  	[sflag:s21] =	ssyncset.done $0x0  }
0x136: {  	[sflag:s21] =	ssyncadd.s32 $0xFFFFE000  }
0x137: {  	[spmem:s2] =	stream.indirect.scatter.add.f32 [tilespmem:s19], [sflag:$0x5], $0x80, s29, s17, $0xb8;
	[tilespmem:$0x19000] =	vst v63  }
0x138: {  	_ =	swait.ge [sflag:s13], $0x2000  }
0x139: {  	[sflag:s13] =	ssyncset.done $0x0  }
0x13a: {  	[sflag:s13] =	ssyncadd.s32 $0xFFFFE000  }
0x13b: {  	[tilespmem:s19], [sflag:$0x2] =	stream.indirect.gather [hbm4b:s4+s17], $0x80, s30, s17, $0xb8;
	[tilespmem:$0x19000] =	vst v63  }
0x13c: {  	_ =	swait.ge [sflag:s20], $0x2000  }
0x13d: {  	[sflag:s20] =	ssyncset.done $0x0  }
0x13e: {  	[sflag:s20] =	ssyncadd.s32 $0xFFFFE000  }
0x13f: {  	[spmem:s2] =	stream.indirect.scatter.add.f32 [tilespmem:s18], [sflag:$0x5], $0x80, s31, s17, $0xb8;
	[tilespmem:$0x19000] =	vst v63  }
0x140: {  	_ =	swait.ge [sflag:s13], $0x2000  }
0x141: {  	[sflag:s13] =	ssyncset.done $0x0  }
0x142: {  	[sflag:s13] =	ssyncadd.s32 $0xFFFFE000  }
0x143: {  	p0 =	sne.s32 s6, $0x12;
	_ =	swait.ge [sflag:s21], $0x2000  }
.Ltmp0:
0x144: {  	[sflag:s21] =	ssyncset.done $0x0;
	(pc) =	sbr.rel @p0 .LBB2_2-.Ltmp0, $4  }
0x145: {  	[sflag:s21] =	ssyncadd.s32 $0xFFFFE000  }
0x146: {  	[spmem:s2] =	stream.indirect.scatter.add.f32 [tilespmem:s19], [sflag:$0x5], $0x80, s0, s17, $0xb8;
	[tilespmem:$0x19000] =	vst v63  }
0x147: {  	_ =	swait.ge [sflag:s13], $0x2000  }
0x148: {  	s6 =	sadd.s32 $0x2, s6;
	[sflag:s13] =	ssyncset.done $0x0  }
0x149: {  	[sflag:s13] =	ssyncadd.s32 $0xFFFFE000  }
0x14a: {  	_ =	swait.ge [sflag:s15], $0x800  }
0x14b: {  	[sflag:s15] =	ssyncset.done $0x0  }
0x14c: {  	[sflag:s15] =	ssyncadd.s32 $0xFFFFF800  }
0x14d: {  	[bflag:$0x0] =	sbarrier.arrive $0xFFFF  }
0x14e: {  	s6 =	rddreg [dreg:$0x1b]  }
0x14f: {  	[hbm:s6], [sflag:s7] =	dma.local [spmem:s12], $0x2800  }
0x150: {  	_ =	swait.ge [sflag:s13], $0x2800  }
0x151: {  	s1 =	sadd.s32 $0x1, s1;
	s11 =	rddreg [dreg:$0x1c]  }
0x152: {  	p0 =	sne.s32 s1, s11  }
.Ltmp1:
0x153: {  	_ = 	snop;
	(pc) =	sbr.rel @p0 .LBB2_1-.Ltmp1, $3  }
0x154: {  	_ =	sdelay $0x1  }
0x155: {  	[sflag:s13] =	ssyncset.done $0x0  }
0x156: {  	[sflag:s13] =	ssyncadd.s32 $0xFFFFD800  }
0x157: {  	_ =	sfence.sel $0x180000  }
0x158: {  	[bflag:$0x0] =	sbarrier.arrive $0xFFFF  }
0x159: {  	_ =	strace $0x9000004D  }
0x15a: {  	s0 =	stileid.u32;
	[bflag:$0x2] =	sbarrier.arrive $0xFFFF  }
0x15b: {  	p0 =	sne.s32 s0, $0x0;
	s0 =	rddreg [dreg:$0x2]  }
0x15c: {  	s0 =	sadd.s32 @!p0 $0x100000, s0  }
0x15d: {  	[sflag:s0] =	ssyncadd.tile.s32 @!p0 $0x1;
	_ =	shalt  }
.Lfunc_end2:
_tile_overlayer_lowered:
.L_overlay_start_2:
0x15e: {  	(tag) =	ssettag $0x2  }
0x15f: {  	s0 =	rddreg [dreg:$0x0];
	s2 =	stileid.u32  }
0x160: {  	s1 =	rddreg [dreg:$0x1];
	p0 =	sne.s32 s2, $0x0  }
0x161: {  	s3 =	rddreg [dreg:$0x2];
	[bflag:$0x3] =	sbarrier.arrive $0xFFFF;
	s2 =	simm.s32 @!p0 $0x1C05  }
0x162: {  	[timem:s3], [sflag:s2] =	dma.local @!p0 [hbm:s0], s1  }
0x163: {  	s0 =	simm.s32 @!p0 $0x5  }
0x164: {  	_ =	swait.ge @!p0 [sflag:s0], s1  }
0x165: {  	s1 =	ssub.s32 @!p0 $0x0, s1;
	[sflag:s0] =	ssyncset.done @!p0 $0x0  }
0x166: {  	[sflag:s0] =	ssyncadd.s32 @!p0 s1  }
0x167: {  	[bflag:$0x3] =	sbarrier.arrive $0xFFFF  }
0x168: {  	_ =	shalt  }

// kernel: kernel.18.cloned.1.call-start
scs
__scs_entry_jumppad:
0x0: {  	(pc) =	sbr.rel $0x88, $3  }
0x1: {  	(tag) =	ssettag $0x0;
	lr =	simm.s32 $0x1  }
0x2: {  	[smem:$0x3F95] =	sst lr;
	_ =	strace $0xD0000000  }
0x3: {  	_ = 	snop  }
0x4: {  	_ = 	snop  }
0x5: {  	_ = 	snop  }
0x6: {  	_ = 	snop  }
0x7: {  	_ = 	snop  }
__scs_overlays_trampoline_lowered:
0x8: {  	[smem:$0x3FA4] =	sst s0  }
0x9: {  	[smem:$0x3FA5] =	sst s1  }
0xa: {  	[smem:$0x3FA6] =	sst s2  }
0xb: {  	[smem:$0x3FA7] =	sst s3  }
0xc: {  	[smem:$0x3FA8] =	sst s4  }
0xd: {  	[smem:$0x3FA9] =	sst s5  }
0xe: {  	[smem:$0x3FAA] =	sst s6  }
0xf: {  	[smem:$0x3FAB] =	sst s7  }
0x10: {  	[smem:$0x3FAC] =	sst s8  }
0x11: {  	[smem:$0x3FAD] =	sst s9;
	s0 =	simm.s32 @!p0 $0x0  }
0x12: {  	s1 =	sld [smem:$0x3F93];
	s0 =	simm.s32 @p0 $0x1  }
0x13: {  	[smem:$0x3FAE] =	sst s0;
	s0 =	simm.s32 @!p1 $0x0  }
0x14: {  	s2 =	sld [smem:$0x3F92];
	s0 =	simm.s32 @p1 $0x1  }
0x15: {  	[smem:$0x3FAF] =	sst s0;
	s0 =	simm.s32 @!p2 $0x0  }
0x16: {  	s3 =	sld [smem:$0x3FDB];
	s0 =	simm.s32 @p2 $0x1  }
0x17: {  	s4 =	simm.s32 $0x1BF5;
	[smem:$0x3FB1] =	sst s0  }
0x18: {  	s0 =	sld [smem:$0x3F94];
	_ =	swait.ge [sflag:s4], $0x0  }
0x19: {  	s7 =	sld [smem:$0x3F95]  }
0x1a: {  	s8 =	sadd.s32 $0xFFFFE003, lr  }
0x1b: {  	s9 =	sadd.s32 $0xFFFFFEF7, lr;
	s5 =	simm.s32 $0xFFFFFFFF;
	p2 =	slt.u32 s8, $0xFFFFF086  }
0x1c: {  	p1 =	slt.u32 s9, $0xF7A;
	s5 =	simm.s32 @!p2 $0x0  }
0x1d: {  	s5 =	simm.s32 @p1 $0x1;
	p0 =	seq.s32 s7, s2  }
0x1e: {  	s7 =	smul.u32 @!p0 $0xF7A, s2;
	p2 =	seq.s32 @!p0 s5, $0x0  }
0x1f: {  	s9 =	smul.u32 $0xF7A, s1;
	s8 =	simm.s32 @!p0 $0x1BF5;
	p2 =	por !p2, p0  }
0x20: {  	[sflag:s8] =	ssyncset.s32 @!p0 $0xFFFFF086;
	s6 =	sadd.s32 @!p0 s3, s7;
	s7 =	simm.s32 @!p0 $0x108  }
0x21: {  	s3 =	sadd.s32 s3, s9;
	s6 =	sadd.s32 @!p0 $0x88, s6;
	s7 =	simm.s32 @p2 $0x1082  }
0x22: {  	[simem:s7], [sflag:s8] =	dma.local @!p0 [hbm:s6], $0xF7A  }
0x23: {  	s9 =	sor.u32 $0xD0000000, s2;
	s6 =	simm.s32 $0x108;
	_ =	swait.ge @!p0 [sflag:s8], $0x0  }
0x24: {  	s3 =	sadd.s32 $0x88, s3;
	s6 =	simm.s32 @!p1 $0x1082;
	[sflag:s4] =	ssyncset.s32 $0xFFFFF086  }
0x25: {  	[simem:s6], [sflag:s4] =	dma.local [hbm:s3], $0xF7A  }
0x26: {  	[smem:$0x3F95] =	sst s1;
	(tag) =	ssettag s2;
	_ =	strace s9  }
0x27: {  	s1 =	sld [smem:$0x3FA5]  }
0x28: {  	s2 =	sld [smem:$0x3FA6]  }
0x29: {  	s4 =	sld [smem:$0x3FA8]  }
0x2a: {  	p0 =	seq.s32 s5, $0x0;
	s5 =	sld [smem:$0x3FA9]  }
0x2b: {  	s6 =	sld [smem:$0x3FAA]  }
0x2c: {  	s7 =	sld [smem:$0x3FAB]  }
0x2d: {  	s3 =	simm.s32 $0x108;
	s8 =	sld [smem:$0x3FAC]  }
0x2e: {  	s3 =	simm.s32 @!p0 $0x1082;
	s9 =	sld [smem:$0x3FAD]  }
0x2f: {  	lr =	sadd.s32 s0, s3;
	s0 =	sld [smem:$0x3FA4]  }
0x30: {  	s3 =	sld [smem:$0x3FA7]  }
0x31: {  	[smem:$0x3FB0] =	sst s10  }
0x32: {  	s10 =	sld [smem:$0x3FAE];
	_ =	sdelay $0x3  }
0x33: {  	p0 =	seq.s32 s10, $0x1;
	s10 =	sld [smem:$0x3FB0];
	_ =	sdelay $0x3  }
0x34: {  	[smem:$0x3FB0] =	sst s10  }
0x35: {  	s10 =	sld [smem:$0x3FAF];
	_ =	sdelay $0x3  }
0x36: {  	p1 =	seq.s32 s10, $0x1;
	s10 =	sld [smem:$0x3FB0];
	_ =	sdelay $0x3  }
0x37: {  	[smem:$0x3FB0] =	sst s10  }
0x38: {  	s10 =	sld [smem:$0x3FB1]  }
0x39: {  	_ = 	snop;
	(pc) =	sbr.ind lr, $3  }
0x3a: {  	_ = 	snop  }
0x3b: {  	_ = 	snop  }
0x3c: {  	p2 =	seq.s32 s10, $0x1;
	s10 =	sld [smem:$0x3FB0]  }
0x3d: {  	_ =	shalt  }
0x3e: {  	_ =	shalt  }
0x3f: {  	_ =	shalt  }
0x40: {  	_ =	shalt  }
0x41: {  	_ =	shalt  }
0x42: {  	_ =	shalt  }
0x43: {  	_ =	shalt  }
0x44: {  	_ =	shalt  }
0x45: {  	_ =	shalt  }
0x46: {  	_ =	shalt  }
0x47: {  	_ =	shalt  }
0x48: {  	_ =	shalt  }
0x49: {  	_ =	shalt  }
0x4a: {  	_ =	shalt  }
0x4b: {  	_ =	shalt  }
0x4c: {  	_ =	shalt  }
0x4d: {  	_ =	shalt  }
0x4e: {  	_ =	shalt  }
0x4f: {  	_ =	shalt  }
0x50: {  	_ =	shalt  }
0x51: {  	_ =	shalt  }
0x52: {  	_ =	shalt  }
0x53: {  	_ =	shalt  }
0x54: {  	_ =	shalt  }
0x55: {  	_ =	shalt  }
0x56: {  	_ =	shalt  }
0x57: {  	_ =	shalt  }
0x58: {  	_ =	shalt  }
0x59: {  	_ =	shalt  }
0x5a: {  	_ =	shalt  }
0x5b: {  	_ =	shalt  }
0x5c: {  	_ =	shalt  }
0x5d: {  	_ =	shalt  }
0x5e: {  	_ =	shalt  }
0x5f: {  	_ =	shalt  }
0x60: {  	_ =	shalt  }
0x61: {  	_ =	shalt  }
0x62: {  	_ =	shalt  }
0x63: {  	_ =	shalt  }
0x64: {  	_ =	shalt  }
0x65: {  	_ =	shalt  }
0x66: {  	_ =	shalt  }
0x67: {  	_ =	shalt  }
0x68: {  	_ =	shalt  }
0x69: {  	_ =	shalt  }
0x6a: {  	_ =	shalt  }
0x6b: {  	_ =	shalt  }
0x6c: {  	_ =	shalt  }
0x6d: {  	_ =	shalt  }
0x6e: {  	_ =	shalt  }
0x6f: {  	_ =	shalt  }
0x70: {  	_ =	shalt  }
0x71: {  	_ =	shalt  }
0x72: {  	_ =	shalt  }
0x73: {  	_ =	shalt  }
0x74: {  	_ =	shalt  }
0x75: {  	_ =	shalt  }
0x76: {  	_ =	shalt  }
0x77: {  	_ =	shalt  }
0x78: {  	_ =	shalt  }
0x79: {  	_ =	shalt  }
0x7a: {  	_ =	shalt  }
0x7b: {  	_ =	shalt  }
0x7c: {  	_ =	shalt  }
0x7d: {  	_ =	shalt  }
0x7e: {  	_ =	shalt  }
0x7f: {  	_ =	shalt  }
0x80: {  	_ =	shalt  }
0x81: {  	_ =	shalt  }
0x82: {  	_ =	shalt  }
0x83: {  	_ =	shalt  }
0x84: {  	_ =	shalt  }
0x85: {  	_ =	shalt  }
0x86: {  	_ =	shalt  }
0x87: {  	_ =	shalt  }
.Lfunc_end0:
.L_simem_size_0:
called_computation.3_lowered:
.L_overlay_start_0:
0x88: {  	s2 =	sld [smem:$0x3FD9]  }
0x89: {  	s3 =	sld [smem:$0x3FFE];
	_ =	sdelay $0x1  }
0x8a: {  	s1 =	srdreg.scid  }
0x8b: {  	s0 =	sand.u32 $0x1, s1  }
0x8c: {  	s16 =	sshll.u32 s0, $0xA;
	s2 =	sadd.s32 s3, s2  }
0x8d: {  	s2 =	sadd.s32 s2, s16  }
0x8e: {  	[smem:$0x3FBC] =	sst s2  }
0x8f: {  	_ = 	snop  }
0x90: {  	(tm) =	ssettm $0x1  }
0x91: {  	s17 =	sld [smem:$0x3FFB];
	_ =	sdelay $0x3  }
0x92: {  	_ =	strace s17  }
0x93: {  	s2 =	sld [smem:$0x3FFC];
	_ =	sdelay $0x3  }
0x94: {  	_ =	strace s2  }
0x95: {  	s2 =	sld [smem:$0x3FFD];
	_ =	sdelay $0x3  }
0x96: {  	_ =	strace s2  }
0x97: {  	_ =	strace $0x8FFFFFFF  }
0x98: {  	s18 =	sld [smem:$0x3FDB];
	_ =	sdelay $0x1  }
0x99: {  	s19 =	simm.s32 $_scs_section_size  }
0x9a: {  	s4 =	simm.s32 $_size__tile_overlayer_lowered;
	s5 =	simm.s32 $_tile_overlayer_lowered  }
0x9b: {  	s22 =	simm.s32 $0x1BFF;
	s21 =	sshll.u32 s5, $0x1;
	s2 =	sadd.s32 s19, s18  }
0x9c: {  	s6 =	simm.s32 $0x0;
	s20 =	sshll.u32 s4, $0x1;
	s4 =	sadd.s32 s21, s2  }
0x9d: {  	[timem:s6], [sflag:s22] =	dma.local [hbm:s4], s20  }
0x9e: {  	_ =	swait.ge [sflag:s22], s20  }
0x9f: {  	s3 =	ssub.s32 $0x0, s20;
	[sflag:s22] =	ssyncset.done $0x0  }
0xa0: {  	[sflag:s22] =	ssyncadd.s32 s3;
	_ =	sdelay $0x1  }
0xa1: {  	s23 =	simm.s32 $0x1B8B  }
0xa2: {  	_ =	swait.ge [sflag:s23], $0x1  }
0xa3: {  	[sflag:s23] =	ssyncset.done $0x0  }
0xa4: {  	s25 =	simm.s32 $0x1B8E;
	s24 =	sld [smem:$0x3FFE];
	[sflag:s23] =	ssyncadd.s32 $0xFFFFFFFF  }
0xa5: {  	s26 =	simm.s32 $execute0_lowered;
	[smem:$0x3FD2] =	sst s25  }
0xa6: {  	s4 =	sshll.u32 s26, $0x1;
	_ =	strace $0x8000004F;
	[dreg:$0x1] =	wrdreg $0xFFFFFFFF  }
0xa7: {  	s28 =	simm.s32 $_size_execute0_lowered;
	s2 =	sadd.s32 s2, s4;
	[dreg:$0x0] =	wrdreg $0x0  }
0xa8: {  	s4 =	sshll.u32 s28, $0x1;
	[dreg:$0x2] =	wrdreg s2  }
0xa9: {  	[dreg:$0x3] =	wrdreg s4  }
0xaa: {  	[dreg:$0x4] =	wrdreg $0xC0  }
0xab: {  	_ =	task [dreg:s6], $0x5FFFF  }
0xac: {  	[dreg:$0x1] =	wrdreg $0xFFFFFFFF  }
0xad: {  	[dreg:$0x0] =	wrdreg $0x60  }
0xae: {  	[dreg:$0x2] =	wrdreg s24  }
0xaf: {  	[dreg:$0x3] =	wrdreg $0x0  }
0xb0: {  	[dreg:$0x4] =	wrdreg $0x9  }
0xb1: {  	_ =	task.clear_ibuf [dreg:s6], $0x5FFFF;
	_ =	strace $0x9000004F  }
0xb2: {  	s29 =	simm.s32 $0x9;
	_ =	strace $0x80000051  }
0xb3: {  	_ =	swait.ge [sflag:s29], $0x1  }
0xb4: {  	[sflag:s29] =	ssyncadd.s32 $0xFFFFFFFF  }
0xb5: {  	_ =	strace $0x90000051  }
0xb6: {  	_ =	sfence  }
0xb7: {  	s30 =	sld [smem:$0x0];
	_ =	sdelay $0x2  }
0xb8: {  	s31 =	sshll.u32 s1, $0xD;
	s1 =	sshrl.u32 s1, $0x2  }
0xb9: {  	s3 =	sand.u32 $0x4000, s31;
	s1 =	sadd.s32 s1, s30  }
0xba: {  	s0 =	sor.u32 s3, s0;
	s1 =	sshll.u32 s1, $0x11  }
0xbb: {  	s0 =	sor.u32 s1, s0  }
0xbc: {  	s0 =	sadd.s32 $0x8F2B, s0  }
0xbd: {  	[sflag:s0] =	ssyncadd.remote.s32 $0x1  }
0xbe: {  	_ =	sfence.sel $0xFFFF  }
0xbf: {  	[dreg:$0x0] =	wrdreg $0xFFFFFFFF;
	(pc) =	sbr.abs _section_cstart, $3  }
0xc0: {  	[dreg:$0x1] =	wrdreg $0xFFFFFFFF  }
0xc1: {  	_ =	task.clear_ibuf [dreg:s6], $0x2FFFF;
	_ =	strace $0x9FFFFFFF  }
0xc2: {  	(tm) =	ssettm $0x7FFFFFFF  }
0xc3: {  	_ =	shalt  }
tec
execute0_lowered:
.L_overlay_start_1:
0x0: {  	(tag) =	ssettag $0x1  }
0x1: {  	s0 =	rddreg [dreg:$0x0]  }
0x2: {  	s2 =	rddreg [dreg:$0x1];
	s12 =	stileid.u32  }
0x3: {  	s3 =	simm.s32 $0x0;
	s4 =	srdreg.scid;
	s21 =	simm.s32 $0x14080  }
0x4: {  	s22 =	simm.s32 $0x14400;
	s23 =	simm.s32 $0x14100;
	s24 =	simm.s32 $0x14480  }
0x5: {  	s25 =	simm.s32 $0x14180;
	s13 =	simm.s32 $0x14580;
	s14 =	simm.s32 $0x14280  }
0x6: {  	s15 =	simm.s32 $0x14600;
	s28 =	simm.s32 $0x14B00;
	[smem:$0x7FF] =	sst s3  }
0x7: {  	s29 =	simm.s32 $0x14E80;
	_ =	strace $0x80000050;
	[dreg:$0x4] =	wrdreg s21  }
0x8: {  	s30 =	simm.s32 $0x14B80;
	s31 =	simm.s32 $0x14F00;
	[dreg:$0x5] =	wrdreg s22  }
0x9: {  	s1 =	smul.u32 $0x14000, s12;
	s6 =	sand.u32 $0x1, s4;
	[dreg:$0x6] =	wrdreg s23  }
0xa: {  	s4 =	sadd.s32 $0x2D400, s0;
	s16 =	smul.u32 $0x50000, s12;
	[dreg:$0x7] =	wrdreg s24  }
0xb: {  	s5 =	sadd.s32 $0x5400, s0;
	s26 =	smul.u32 $0xA000, s12;
	[dreg:$0x8] =	wrdreg s25  }
0xc: {  	s19 =	sshll.u32 s12, $0x6;
	s8 =	smul.u32 $0x140000, s6;
	[dreg:$0xb] =	wrdreg s13  }
0xd: {  	s9 =	sshll.u32 s6, $0x4;
	s10 =	ssub.s32 $0x2, s6;
	[dreg:$0xc] =	wrdreg s14  }
0xe: {  	s6 =	smul.u32 $0xA0000, s6;
	[dreg:$0xd] =	wrdreg s15;
	s13 =	simm.s32 $0x5  }
0xf: {  	s14 =	simm.s32 $0x14000;
	s15 =	simm.s32 $0x3;
	s21 =	simm.s32 $0x14880  }
0x10: {  	s22 =	simm.s32 $0x14C00;
	s23 =	simm.s32 $0x14900;
	[dreg:$0x13] =	wrdreg s21  }
0x11: {  	s24 =	simm.s32 $0x14C80;
	s25 =	simm.s32 $0x14980;
	[dreg:$0x14] =	wrdreg s22  }
0x12: {  	s7 =	sshrl.u32 s1, $0x3;
	s9 =	sor.u32 s12, s9;
	[dreg:$0x15] =	wrdreg s23  }
0x13: {  	s11 =	sshrl.u32 s10, $0x1;
	[dreg:$0x16] =	wrdreg s24;
	s21 =	simm.s32 $0x2  }
0x14: {  	[dreg:$0x17] =	wrdreg s25;
	s22 =	simm.s32 $0x4;
	s23 =	simm.s32 $0x14A00  }
0x15: {  	s24 =	simm.s32 $0x14D80;
	s25 =	simm.s32 $0x14A80;
	s7 =	sadd.s32 s7, s0  }
0x16: {  	s1 =	sadd.s32 s1, s8;
	s8 =	sshrl.u32 s16, $0x2;
	s9 =	smul.u32 $0xA000, s9  }
0x17: {  	s17 =	ssub.s32 s10, s11;
	s10 =	simm.s32 $0x14200;
	s12 =	sadd.s32 s26, s6  }
0x18: {  	s16 =	simm.s32 $0x14300;
	s26 =	simm.s32 $0x14D00;
	[dreg:$0xa] =	wrdreg s10  }
0x19: {  	s1 =	sshrl.u32 s1, $0x3;
	s18 =	sadd.s32 s8, s2;
	[dreg:$0xe] =	wrdreg s16  }
0x1a: {  	s7 =	sadd.s32 $0x55400, s7;
	s16 =	simm.s32 $0x14800;
	[dreg:$0x18] =	wrdreg s26  }
0x1b: {  	s26 =	simm.s32 $0x14E00;
	[dreg:$0x19] =	wrdreg s7;
	s20 =	sor.u32 $0x1000, s9  }
0x1c: {  	s0 =	sadd.s32 s1, s0;
	s1 =	smax.u32 s17, $0x1;
	[dreg:$0x3] =	wrdreg s20  }
0x1d: {  	s7 =	sor.u32 $0x1C05, s19;
	s17 =	simm.s32 $0x14680;
	[dreg:$0x1c] =	wrdreg s1  }
0x1e: {  	s9 =	sshrl.u32 s9, $0x3;
	s19 =	simm.s32 $0x14700;
	[dreg:$0xf] =	wrdreg s17  }
0x1f: {  	s9 =	sadd.s32 s5, s9;
	s0 =	sadd.s32 $0xCD400, s0;
	[dreg:$0x11] =	wrdreg s19  }
0x20: {  	s1 =	sor.u32 $0x800, s12;
	s12 =	sshrl.u32 s18, $0x3;
	[dreg:$0x1a] =	wrdreg s9  }
0x21: {  	s18 =	simm.s32 $0x14380;
	s20 =	simm.s32 $0x14780;
	[dreg:$0x1b] =	wrdreg s0  }
0x22: {  	s17 =	simm.s32 $0x40;
	s19 =	simm.s32 $0x17000;
	[dreg:$0x10] =	wrdreg s18  }
0x23: {  	s9 =	simm.s32 $0x14500;
	s1 =	sshrl.u32 s1, $0x3;
	[dreg:$0x12] =	wrdreg s20  }
0x24: {  	s18 =	simm.s32 $0x15000;
	s20 =	simm.s32 $0x1;
	s0 =	simm.s32 $0x14F80  }
0x25: {  	[dreg:$0x9] =	wrdreg s9;
	s8 =	sadd.s32 s1, s5;
	s1 =	simm.s32 $0x0  }
.LBB2_1:
0x26: {  	s6 =	rddreg [dreg:$0x19]  }
0x27: {  	[spmem:s12], [sflag:s7] =	dma.local [hbm:s6], $0x2800  }
0x28: {  	_ =	swait.ge [sflag:s13], $0x2800  }
0x29: {  	[sflag:s13] =	ssyncset.done $0x0  }
0x2a: {  	[sflag:s13] =	ssyncadd.s32 $0xFFFFD800  }
0x2b: {  	[bflag:$0x0] =	sbarrier.arrive $0xFFFF  }
0x2c: {  	s10 =	rddreg [dreg:$0x1a]  }
0x2d: {  	[tilespmem:s14], [sflag:$0x3] =	stream.linear.gather [hbm4b:s10+s3], $0x800, $0x38;
	[tilespmem:$0x19000] =	vst v63  }
0x2e: {  	_ =	swait.ge [sflag:s15], $0x800  }
0x2f: {  	[sflag:s15] =	ssyncset.done $0x0  }
0x30: {  	[sflag:s15] =	ssyncadd.s32 $0xFFFFF800  }
0x31: {  	[tilespmem:s16], [sflag:$0x4] =	stream.linear.gather [hbm4b:s8+s3], $0x800, $0x38;
	[tilespmem:$0x19000] =	vst v63  }
0x32: {  	_ = 	snop  }
0x33: {  	[tilespmem:s18], [sflag:$0x1] =	stream.indirect.gather [hbm4b:s4+s17], $0x80, s14, s17, $0xb8;
	[tilespmem:$0x19000] =	vst v63  }
0x34: {  	s11 =	rddreg [dreg:$0x4]  }
0x35: {  	[tilespmem:s19], [sflag:$0x2] =	stream.indirect.gather [hbm4b:s4+s17], $0x80, s11, s17, $0xb8;
	[tilespmem:$0x19000] =	vst v63  }
0x36: {  	_ =	swait.ge [sflag:s20], $0x2000  }
0x37: {  	[sflag:s20] =	ssyncset.done $0x0  }
0x38: {  	s9 =	rddreg [dreg:$0x5];
	[sflag:s20] =	ssyncadd.s32 $0xFFFFE000  }
0x39: {  	[spmem:s2] =	stream.indirect.scatter.add.f32 [tilespmem:s18], [sflag:$0x5], $0x80, s9, s17, $0xb8;
	[tilespmem:$0x19000] =	vst v63  }
0x3a: {  	_ =	swait.ge [sflag:s13], $0x2000  }
0x3b: {  	[sflag:s13] =	ssyncset.done $0x0  }
0x3c: {  	s10 =	rddreg [dreg:$0x6];
	[sflag:s13] =	ssyncadd.s32 $0xFFFFE000  }
0x3d: {  	[tilespmem:s18], [sflag:$0x1] =	stream.indirect.gather [hbm4b:s4+s17], $0x80, s10, s17, $0xb8;
	[tilespmem:$0x19000] =	vst v63  }
0x3e: {  	_ =	swait.ge [sflag:s21], $0x2000  }
0x3f: {  	[sflag:s21] =	ssyncset.done $0x0  }
0x40: {  	s11 =	rddreg [dreg:$0x7];
	[sflag:s21] =	ssyncadd.s32 $0xFFFFE000  }
0x41: {  	[spmem:s2] =	stream.indirect.scatter.add.f32 [tilespmem:s19], [sflag:$0x5], $0x80, s11, s17, $0xb8;
	[tilespmem:$0x19000] =	vst v63  }
0x42: {  	_ =	swait.ge [sflag:s13], $0x2000  }
0x43: {  	[sflag:s13] =	ssyncset.done $0x0  }
0x44: {  	s9 =	rddreg [dreg:$0x8];
	[sflag:s13] =	ssyncadd.s32 $0xFFFFE000  }
0x45: {  	[tilespmem:s19], [sflag:$0x2] =	stream.indirect.gather [hbm4b:s4+s17], $0x80, s9, s17, $0xb8;
	[tilespmem:$0x19000] =	vst v63  }
0x46: {  	_ =	swait.ge [sflag:s20], $0x2000  }
0x47: {  	[sflag:s20] =	ssyncset.done $0x0  }
0x48: {  	s10 =	rddreg [dreg:$0x9];
	[sflag:s20] =	ssyncadd.s32 $0xFFFFE000  }
0x49: {  	[spmem:s2] =	stream.indirect.scatter.add.f32 [tilespmem:s18], [sflag:$0x5], $0x80, s10, s17, $0xb8;
	[tilespmem:$0x19000] =	vst v63  }
0x4a: {  	_ =	swait.ge [sflag:s13], $0x2000  }
0x4b: {  	[sflag:s13] =	ssyncset.done $0x0  }
0x4c: {  	s11 =	rddreg [dreg:$0xa];
	[sflag:s13] =	ssyncadd.s32 $0xFFFFE000  }
0x4d: {  	[tilespmem:s18], [sflag:$0x1] =	stream.indirect.gather [hbm4b:s4+s17], $0x80, s11, s17, $0xb8;
	[tilespmem:$0x19000] =	vst v63  }
0x4e: {  	_ =	swait.ge [sflag:s21], $0x2000  }
0x4f: {  	[sflag:s21] =	ssyncset.done $0x0  }
0x50: {  	s9 =	rddreg [dreg:$0xb];
	[sflag:s21] =	ssyncadd.s32 $0xFFFFE000  }
0x51: {  	[spmem:s2] =	stream.indirect.scatter.add.f32 [tilespmem:s19], [sflag:$0x5], $0x80, s9, s17, $0xb8;
	[tilespmem:$0x19000] =	vst v63  }
0x52: {  	_ =	swait.ge [sflag:s13], $0x2000  }
0x53: {  	[sflag:s13] =	ssyncset.done $0x0  }
0x54: {  	s10 =	rddreg [dreg:$0xc];
	[sflag:s13] =	ssyncadd.s32 $0xFFFFE000  }
0x55: {  	[tilespmem:s19], [sflag:$0x2] =	stream.indirect.gather [hbm4b:s4+s17], $0x80, s10, s17, $0xb8;
	[tilespmem:$0x19000] =	vst v63  }
0x56: {  	_ =	swait.ge [sflag:s20], $0x2000  }
0x57: {  	[sflag:s20] =	ssyncset.done $0x0  }
0x58: {  	s11 =	rddreg [dreg:$0xd];
	[sflag:s20] =	ssyncadd.s32 $0xFFFFE000  }
0x59: {  	[spmem:s2] =	stream.indirect.scatter.add.f32 [tilespmem:s18], [sflag:$0x5], $0x80, s11, s17, $0xb8;
	[tilespmem:$0x19000] =	vst v63  }
0x5a: {  	_ =	swait.ge [sflag:s13], $0x2000  }
0x5b: {  	[sflag:s13] =	ssyncset.done $0x0  }
0x5c: {  	s9 =	rddreg [dreg:$0xe];
	[sflag:s13] =	ssyncadd.s32 $0xFFFFE000  }
0x5d: {  	[tilespmem:s18], [sflag:$0x1] =	stream.indirect.gather [hbm4b:s4+s17], $0x80, s9, s17, $0xb8;
	[tilespmem:$0x19000] =	vst v63  }
0x5e: {  	_ =	swait.ge [sflag:s21], $0x2000  }
0x5f: {  	[sflag:s21] =	ssyncset.done $0x0  }
0x60: {  	s10 =	rddreg [dreg:$0xf];
	[sflag:s21] =	ssyncadd.s32 $0xFFFFE000  }
0x61: {  	[spmem:s2] =	stream.indirect.scatter.add.f32 [tilespmem:s19], [sflag:$0x5], $0x80, s10, s17, $0xb8;
	[tilespmem:$0x19000] =	vst v63  }
0x62: {  	_ =	swait.ge [sflag:s13], $0x2000  }
0x63: {  	[sflag:s13] =	ssyncset.done $0x0  }
0x64: {  	s11 =	rddreg [dreg:$0x10];
	[sflag:s13] =	ssyncadd.s32 $0xFFFFE000  }
0x65: {  	[tilespmem:s19], [sflag:$0x2] =	stream.indirect.gather [hbm4b:s4+s17], $0x80, s11, s17, $0xb8;
	[tilespmem:$0x19000] =	vst v63  }
0x66: {  	_ =	swait.ge [sflag:s20], $0x2000  }
0x67: {  	[sflag:s20] =	ssyncset.done $0x0  }
0x68: {  	s9 =	rddreg [dreg:$0x11];
	[sflag:s20] =	ssyncadd.s32 $0xFFFFE000  }
0x69: {  	[spmem:s2] =	stream.indirect.scatter.add.f32 [tilespmem:s18], [sflag:$0x5], $0x80, s9, s17, $0xb8;
	[tilespmem:$0x19000] =	vst v63  }
0x6a: {  	_ =	swait.ge [sflag:s13], $0x2000  }
0x6b: {  	[sflag:s13] =	ssyncset.done $0x0  }
0x6c: {  	[sflag:s13] =	ssyncadd.s32 $0xFFFFE000  }
0x6d: {  	_ =	swait.ge [sflag:s21], $0x2000  }
0x6e: {  	[sflag:s21] =	ssyncset.done $0x0  }
0x6f: {  	s10 =	rddreg [dreg:$0x12];
	[sflag:s21] =	ssyncadd.s32 $0xFFFFE000  }
0x70: {  	[spmem:s2] =	stream.indirect.scatter.add.f32 [tilespmem:s19], [sflag:$0x5], $0x80, s10, s17, $0xb8;
	[tilespmem:$0x19000] =	vst v63  }
0x71: {  	_ =	swait.ge [sflag:s13], $0x2000  }
0x72: {  	[sflag:s13] =	ssyncset.done $0x0  }
0x73: {  	[sflag:s13] =	ssyncadd.s32 $0xFFFFE000  }
0x74: {  	s9 =	smin.u32 s3, $0x11;
	_ =	swait.ge [sflag:s22], $0x800  }
0x75: {  	s9 =	sshll.u32 s9, $0xB;
	s11 =	rddreg [dreg:$0x3]  }
0x76: {  	s6 =	sadd.s32 s9, s11  }
0x77: {  	[sflag:s22] =	ssyncset.done $0x0;
	s6 =	sshrl.u32 s6, $0x3  }
0x78: {  	[sflag:s22] =	ssyncadd.s32 $0xFFFFF800;
	s6 =	sadd.s32 s5, s6  }
0x79: {  	[tilespmem:s14], [sflag:$0x3] =	stream.linear.gather [hbm4b:s6+s3], $0x800, $0x38;
	[tilespmem:$0x19000] =	vst v63  }
0x7a: {  	_ = 	snop  }
0x7b: {  	[tilespmem:s18], [sflag:$0x1] =	stream.indirect.gather [hbm4b:s4+s17], $0x80, s16, s17, $0xb8;
	[tilespmem:$0x19000] =	vst v63  }
0x7c: {  	s9 =	rddreg [dreg:$0x13]  }
0x7d: {  	[tilespmem:s19], [sflag:$0x2] =	stream.indirect.gather [hbm4b:s4+s17], $0x80, s9, s17, $0xb8;
	[tilespmem:$0x19000] =	vst v63  }
0x7e: {  	_ =	swait.ge [sflag:s20], $0x2000  }
0x7f: {  	[sflag:s20] =	ssyncset.done $0x0  }
0x80: {  	s10 =	rddreg [dreg:$0x14];
	[sflag:s20] =	ssyncadd.s32 $0xFFFFE000  }
0x81: {  	[spmem:s2] =	stream.indirect.scatter.add.f32 [tilespmem:s18], [sflag:$0x5], $0x80, s10, s17, $0xb8;
	[tilespmem:$0x19000] =	vst v63  }
0x82: {  	_ =	swait.ge [sflag:s13], $0x2000  }
0x83: {  	[sflag:s13] =	ssyncset.done $0x0  }
0x84: {  	s11 =	rddreg [dreg:$0x15];
	[sflag:s13] =	ssyncadd.s32 $0xFFFFE000  }
0x85: {  	[tilespmem:s18], [sflag:$0x1] =	stream.indirect.gather [hbm4b:s4+s17], $0x80, s11, s17, $0xb8;
	[tilespmem:$0x19000] =	vst v63  }
0x86: {  	_ =	swait.ge [sflag:s21], $0x2000  }
0x87: {  	[sflag:s21] =	ssyncset.done $0x0  }
0x88: {  	s9 =	rddreg [dreg:$0x16];
	[sflag:s21] =	ssyncadd.s32 $0xFFFFE000  }
0x89: {  	[spmem:s2] =	stream.indirect.scatter.add.f32 [tilespmem:s19], [sflag:$0x5], $0x80, s9, s17, $0xb8;
	[tilespmem:$0x19000] =	vst v63  }
0x8a: {  	_ =	swait.ge [sflag:s13], $0x2000  }
0x8b: {  	[sflag:s13] =	ssyncset.done $0x0  }
0x8c: {  	s10 =	rddreg [dreg:$0x17];
	[sflag:s13] =	ssyncadd.s32 $0xFFFFE000  }
0x8d: {  	[tilespmem:s19], [sflag:$0x2] =	stream.indirect.gather [hbm4b:s4+s17], $0x80, s10, s17, $0xb8;
	[tilespmem:$0x19000] =	vst v63  }
0x8e: {  	_ =	swait.ge [sflag:s20], $0x2000  }
0x8f: {  	[sflag:s20] =	ssyncset.done $0x0  }
0x90: {  	s11 =	rddreg [dreg:$0x18];
	[sflag:s20] =	ssyncadd.s32 $0xFFFFE000  }
0x91: {  	[spmem:s2] =	stream.indirect.scatter.add.f32 [tilespmem:s18], [sflag:$0x5], $0x80, s11, s17, $0xb8;
	[tilespmem:$0x19000] =	vst v63  }
0x92: {  	_ =	swait.ge [sflag:s13], $0x2000  }
0x93: {  	[sflag:s13] =	ssyncset.done $0x0  }
0x94: {  	[sflag:s13] =	ssyncadd.s32 $0xFFFFE000  }
0x95: {  	[tilespmem:s18], [sflag:$0x1] =	stream.indirect.gather [hbm4b:s4+s17], $0x80, s23, s17, $0xb8;
	[tilespmem:$0x19000] =	vst v63  }
0x96: {  	_ =	swait.ge [sflag:s21], $0x2000  }
0x97: {  	[sflag:s21] =	ssyncset.done $0x0  }
0x98: {  	[sflag:s21] =	ssyncadd.s32 $0xFFFFE000  }
0x99: {  	[spmem:s2] =	stream.indirect.scatter.add.f32 [tilespmem:s19], [sflag:$0x5], $0x80, s24, s17, $0xb8;
	[tilespmem:$0x19000] =	vst v63  }
0x9a: {  	_ =	swait.ge [sflag:s13], $0x2000  }
0x9b: {  	[sflag:s13] =	ssyncset.done $0x0  }
0x9c: {  	[sflag:s13] =	ssyncadd.s32 $0xFFFFE000  }
0x9d: {  	[tilespmem:s19], [sflag:$0x2] =	stream.indirect.gather [hbm4b:s4+s17], $0x80, s25, s17, $0xb8;
	[tilespmem:$0x19000] =	vst v63  }
0x9e: {  	_ =	swait.ge [sflag:s20], $0x2000  }
0x9f: {  	[sflag:s20] =	ssyncset.done $0x0  }
0xa0: {  	[sflag:s20] =	ssyncadd.s32 $0xFFFFE000  }
0xa1: {  	[spmem:s2] =	stream.indirect.scatter.add.f32 [tilespmem:s18], [sflag:$0x5], $0x80, s26, s17, $0xb8;
	[tilespmem:$0x19000] =	vst v63  }
0xa2: {  	_ =	swait.ge [sflag:s13], $0x2000  }
0xa3: {  	[sflag:s13] =	ssyncset.done $0x0  }
0xa4: {  	[sflag:s13] =	ssyncadd.s32 $0xFFFFE000  }
0xa5: {  	[tilespmem:s18], [sflag:$0x1] =	stream.indirect.gather [hbm4b:s4+s17], $0x80, s28, s17, $0xb8;
	[tilespmem:$0x19000] =	vst v63  }
0xa6: {  	_ =	swait.ge [sflag:s21], $0x2000  }
0xa7: {  	[sflag:s21] =	ssyncset.done $0x0  }
0xa8: {  	[sflag:s21] =	ssyncadd.s32 $0xFFFFE000  }
0xa9: {  	[spmem:s2] =	stream.indirect.scatter.add.f32 [tilespmem:s19], [sflag:$0x5], $0x80, s29, s17, $0xb8;
	[tilespmem:$0x19000] =	vst v63  }
0xaa: {  	_ =	swait.ge [sflag:s13], $0x2000  }
0xab: {  	[sflag:s13] =	ssyncset.done $0x0  }
0xac: {  	[sflag:s13] =	ssyncadd.s32 $0xFFFFE000  }
0xad: {  	[tilespmem:s19], [sflag:$0x2] =	stream.indirect.gather [hbm4b:s4+s17], $0x80, s30, s17, $0xb8;
	[tilespmem:$0x19000] =	vst v63  }
0xae: {  	_ =	swait.ge [sflag:s20], $0x2000  }
0xaf: {  	[sflag:s20] =	ssyncset.done $0x0  }
0xb0: {  	[sflag:s20] =	ssyncadd.s32 $0xFFFFE000  }
0xb1: {  	[spmem:s2] =	stream.indirect.scatter.add.f32 [tilespmem:s18], [sflag:$0x5], $0x80, s31, s17, $0xb8;
	[tilespmem:$0x19000] =	vst v63  }
0xb2: {  	_ =	swait.ge [sflag:s13], $0x2000  }
0xb3: {  	[sflag:s13] =	ssyncset.done $0x0  }
0xb4: {  	[sflag:s13] =	ssyncadd.s32 $0xFFFFE000  }
0xb5: {  	_ =	swait.ge [sflag:s21], $0x2000  }
0xb6: {  	[sflag:s21] =	ssyncset.done $0x0  }
0xb7: {  	[sflag:s21] =	ssyncadd.s32 $0xFFFFE000  }
0xb8: {  	[spmem:s2] =	stream.indirect.scatter.add.f32 [tilespmem:s19], [sflag:$0x5], $0x80, s0, s17, $0xb8;
	[tilespmem:$0x19000] =	vst v63  }
0xb9: {  	_ =	swait.ge [sflag:s13], $0x2000  }
0xba: {  	s6 =	simm.s32 $0x2;
	s11 =	smov.u32 s8;
	[sflag:s13] =	ssyncset.done $0x0  }
.LBB2_2:
0xbb: {  	[sflag:s13] =	ssyncadd.s32 $0xFFFFE000  }
0xbc: {  	_ =	swait.ge [sflag:s15], $0x800  }
0xbd: {  	[sflag:s15] =	ssyncset.done $0x0  }
0xbe: {  	s11 =	sadd.s32 $0x200, s11;
	[sflag:s15] =	ssyncadd.s32 $0xFFFFF800  }
0xbf: {  	[tilespmem:s16], [sflag:$0x4] =	stream.linear.gather [hbm4b:s11+s3], $0x800, $0x38;
	[tilespmem:$0x19000] =	vst v63  }
0xc0: {  	_ = 	snop  }
0xc1: {  	[tilespmem:s18], [sflag:$0x1] =	stream.indirect.gather [hbm4b:s4+s17], $0x80, s14, s17, $0xb8;
	[tilespmem:$0x19000] =	vst v63  }
0xc2: {  	s10 =	rddreg [dreg:$0x4]  }
0xc3: {  	[tilespmem:s19], [sflag:$0x2] =	stream.indirect.gather [hbm4b:s4+s17], $0x80, s10, s17, $0xb8;
	[tilespmem:$0x19000] =	vst v63  }
0xc4: {  	_ =	swait.ge [sflag:s20], $0x2000  }
0xc5: {  	[sflag:s20] =	ssyncset.done $0x0  }
0xc6: {  	s10 =	rddreg [dreg:$0x5];
	[sflag:s20] =	ssyncadd.s32 $0xFFFFE000  }
0xc7: {  	[spmem:s2] =	stream.indirect.scatter.add.f32 [tilespmem:s18], [sflag:$0x5], $0x80, s10, s17, $0xb8;
	[tilespmem:$0x19000] =	vst v63  }
0xc8: {  	_ =	swait.ge [sflag:s13], $0x2000  }
0xc9: {  	[sflag:s13] =	ssyncset.done $0x0  }
0xca: {  	s10 =	rddreg [dreg:$0x6];
	[sflag:s13] =	ssyncadd.s32 $0xFFFFE000  }
0xcb: {  	[tilespmem:s18], [sflag:$0x1] =	stream.indirect.gather [hbm4b:s4+s17], $0x80, s10, s17, $0xb8;
	[tilespmem:$0x19000] =	vst v63  }
0xcc: {  	_ =	swait.ge [sflag:s21], $0x2000  }
0xcd: {  	[sflag:s21] =	ssyncset.done $0x0  }
0xce: {  	s10 =	rddreg [dreg:$0x7];
	[sflag:s21] =	ssyncadd.s32 $0xFFFFE000  }
0xcf: {  	[spmem:s2] =	stream.indirect.scatter.add.f32 [tilespmem:s19], [sflag:$0x5], $0x80, s10, s17, $0xb8;
	[tilespmem:$0x19000] =	vst v63  }
0xd0: {  	_ =	swait.ge [sflag:s13], $0x2000  }
0xd1: {  	[sflag:s13] =	ssyncset.done $0x0  }
0xd2: {  	s10 =	rddreg [dreg:$0x8];
	[sflag:s13] =	ssyncadd.s32 $0xFFFFE000  }
0xd3: {  	[tilespmem:s19], [sflag:$0x2] =	stream.indirect.gather [hbm4b:s4+s17], $0x80, s10, s17, $0xb8;
	[tilespmem:$0x19000] =	vst v63  }
0xd4: {  	_ =	swait.ge [sflag:s20], $0x2000  }
0xd5: {  	[sflag:s20] =	ssyncset.done $0x0  }
0xd6: {  	s10 =	rddreg [dreg:$0x9];
	[sflag:s20] =	ssyncadd.s32 $0xFFFFE000  }
0xd7: {  	[spmem:s2] =	stream.indirect.scatter.add.f32 [tilespmem:s18], [sflag:$0x5], $0x80, s10, s17, $0xb8;
	[tilespmem:$0x19000] =	vst v63  }
0xd8: {  	_ =	swait.ge [sflag:s13], $0x2000  }
0xd9: {  	[sflag:s13] =	ssyncset.done $0x0  }
0xda: {  	s10 =	rddreg [dreg:$0xa];
	[sflag:s13] =	ssyncadd.s32 $0xFFFFE000  }
0xdb: {  	[tilespmem:s18], [sflag:$0x1] =	stream.indirect.gather [hbm4b:s4+s17], $0x80, s10, s17, $0xb8;
	[tilespmem:$0x19000] =	vst v63  }
0xdc: {  	_ =	swait.ge [sflag:s21], $0x2000  }
0xdd: {  	[sflag:s21] =	ssyncset.done $0x0  }
0xde: {  	s10 =	rddreg [dreg:$0xb];
	[sflag:s21] =	ssyncadd.s32 $0xFFFFE000  }
0xdf: {  	[spmem:s2] =	stream.indirect.scatter.add.f32 [tilespmem:s19], [sflag:$0x5], $0x80, s10, s17, $0xb8;
	[tilespmem:$0x19000] =	vst v63  }
0xe0: {  	_ =	swait.ge [sflag:s13], $0x2000  }
0xe1: {  	[sflag:s13] =	ssyncset.done $0x0  }
0xe2: {  	s10 =	rddreg [dreg:$0xc];
	[sflag:s13] =	ssyncadd.s32 $0xFFFFE000  }
0xe3: {  	[tilespmem:s19], [sflag:$0x2] =	stream.indirect.gather [hbm4b:s4+s17], $0x80, s10, s17, $0xb8;
	[tilespmem:$0x19000] =	vst v63  }
0xe4: {  	_ =	swait.ge [sflag:s20], $0x2000  }
0xe5: {  	[sflag:s20] =	ssyncset.done $0x0  }
0xe6: {  	s10 =	rddreg [dreg:$0xd];
	[sflag:s20] =	ssyncadd.s32 $0xFFFFE000  }
0xe7: {  	[spmem:s2] =	stream.indirect.scatter.add.f32 [tilespmem:s18], [sflag:$0x5], $0x80, s10, s17, $0xb8;
	[tilespmem:$0x19000] =	vst v63  }
0xe8: {  	_ =	swait.ge [sflag:s13], $0x2000  }
0xe9: {  	[sflag:s13] =	ssyncset.done $0x0  }
0xea: {  	s10 =	rddreg [dreg:$0xe];
	[sflag:s13] =	ssyncadd.s32 $0xFFFFE000  }
0xeb: {  	[tilespmem:s18], [sflag:$0x1] =	stream.indirect.gather [hbm4b:s4+s17], $0x80, s10, s17, $0xb8;
	[tilespmem:$0x19000] =	vst v63  }
0xec: {  	_ =	swait.ge [sflag:s21], $0x2000  }
0xed: {  	[sflag:s21] =	ssyncset.done $0x0  }
0xee: {  	s10 =	rddreg [dreg:$0xf];
	[sflag:s21] =	ssyncadd.s32 $0xFFFFE000  }
0xef: {  	[spmem:s2] =	stream.indirect.scatter.add.f32 [tilespmem:s19], [sflag:$0x5], $0x80, s10, s17, $0xb8;
	[tilespmem:$0x19000] =	vst v63  }
0xf0: {  	_ =	swait.ge [sflag:s13], $0x2000  }
0xf1: {  	[sflag:s13] =	ssyncset.done $0x0  }
0xf2: {  	s10 =	rddreg [dreg:$0x10];
	[sflag:s13] =	ssyncadd.s32 $0xFFFFE000  }
0xf3: {  	[tilespmem:s19], [sflag:$0x2] =	stream.indirect.gather [hbm4b:s4+s17], $0x80, s10, s17, $0xb8;
	[tilespmem:$0x19000] =	vst v63  }
0xf4: {  	_ =	swait.ge [sflag:s20], $0x2000  }
0xf5: {  	[sflag:s20] =	ssyncset.done $0x0  }
0xf6: {  	s10 =	rddreg [dreg:$0x11];
	[sflag:s20] =	ssyncadd.s32 $0xFFFFE000  }
0xf7: {  	[spmem:s2] =	stream.indirect.scatter.add.f32 [tilespmem:s18], [sflag:$0x5], $0x80, s10, s17, $0xb8;
	[tilespmem:$0x19000] =	vst v63  }
0xf8: {  	_ =	swait.ge [sflag:s13], $0x2000  }
0xf9: {  	[sflag:s13] =	ssyncset.done $0x0  }
0xfa: {  	[sflag:s13] =	ssyncadd.s32 $0xFFFFE000  }
0xfb: {  	_ =	swait.ge [sflag:s21], $0x2000  }
0xfc: {  	[sflag:s21] =	ssyncset.done $0x0  }
0xfd: {  	s10 =	rddreg [dreg:$0x12];
	[sflag:s21] =	ssyncadd.s32 $0xFFFFE000  }
0xfe: {  	[spmem:s2] =	stream.indirect.scatter.add.f32 [tilespmem:s19], [sflag:$0x5], $0x80, s10, s17, $0xb8;
	[tilespmem:$0x19000] =	vst v63  }
0xff: {  	_ =	swait.ge [sflag:s13], $0x2000  }
0x100: {  	[sflag:s13] =	ssyncset.done $0x0  }
0x101: {  	s9 =	smov.u32 s6;
	[sflag:s13] =	ssyncadd.s32 $0xFFFFE000  }
0x102: {  	s9 =	smin.u32 s9, $0x11;
	_ =	swait.ge [sflag:s22], $0x800  }
0x103: {  	s9 =	sshll.u32 s9, $0xB;
	s10 =	rddreg [dreg:$0x3]  }
0x104: {  	s9 =	sadd.s32 s9, s10  }
0x105: {  	[sflag:s22] =	ssyncset.done $0x0;
	s9 =	sshrl.u32 s9, $0x3  }
0x106: {  	[sflag:s22] =	ssyncadd.s32 $0xFFFFF800;
	s9 =	sadd.s32 s5, s9  }
0x107: {  	[tilespmem:s14], [sflag:$0x3] =	stream.linear.gather [hbm4b:s9+s3], $0x800, $0x38;
	[tilespmem:$0x19000] =	vst v63  }
0x108: {  	_ = 	snop  }
0x109: {  	[tilespmem:s18], [sflag:$0x1] =	stream.indirect.gather [hbm4b:s4+s17], $0x80, s16, s17, $0xb8;
	[tilespmem:$0x19000] =	vst v63  }
0x10a: {  	s10 =	rddreg [dreg:$0x13]  }
0x10b: {  	[tilespmem:s19], [sflag:$0x2] =	stream.indirect.gather [hbm4b:s4+s17], $0x80, s10, s17, $0xb8;
	[tilespmem:$0x19000] =	vst v63  }
0x10c: {  	_ =	swait.ge [sflag:s20], $0x2000  }
0x10d: {  	[sflag:s20] =	ssyncset.done $0x0  }
0x10e: {  	s10 =	rddreg [dreg:$0x14];
	[sflag:s20] =	ssyncadd.s32 $0xFFFFE000  }
0x10f: {  	[spmem:s2] =	stream.indirect.scatter.add.f32 [tilespmem:s18], [sflag:$0x5], $0x80, s10, s17, $0xb8;
	[tilespmem:$0x19000] =	vst v63  }
0x110: {  	_ =	swait.ge [sflag:s13], $0x2000  }
0x111: {  	[sflag:s13] =	ssyncset.done $0x0  }
0x112: {  	s10 =	rddreg [dreg:$0x15];
	[sflag:s13] =	ssyncadd.s32 $0xFFFFE000  }
0x113: {  	[tilespmem:s18], [sflag:$0x1] =	stream.indirect.gather [hbm4b:s4+s17], $0x80, s10, s17, $0xb8;
	[tilespmem:$0x19000] =	vst v63  }
0x114: {  	_ =	swait.ge [sflag:s21], $0x2000  }
0x115: {  	[sflag:s21] =	ssyncset.done $0x0  }
0x116: {  	s10 =	rddreg [dreg:$0x16];
	[sflag:s21] =	ssyncadd.s32 $0xFFFFE000  }
0x117: {  	[spmem:s2] =	stream.indirect.scatter.add.f32 [tilespmem:s19], [sflag:$0x5], $0x80, s10, s17, $0xb8;
	[tilespmem:$0x19000] =	vst v63  }
0x118: {  	_ =	swait.ge [sflag:s13], $0x2000  }
0x119: {  	[sflag:s13] =	ssyncset.done $0x0  }
0x11a: {  	s10 =	rddreg [dreg:$0x17];
	[sflag:s13] =	ssyncadd.s32 $0xFFFFE000  }
0x11b: {  	[tilespmem:s19], [sflag:$0x2] =	stream.indirect.gather [hbm4b:s4+s17], $0x80, s10, s17, $0xb8;
	[tilespmem:$0x19000] =	vst v63  }
0x11c: {  	_ =	swait.ge [sflag:s20], $0x2000  }
0x11d: {  	[sflag:s20] =	ssyncset.done $0x0  }
0x11e: {  	s10 =	rddreg [dreg:$0x18];
	[sflag:s20] =	ssyncadd.s32 $0xFFFFE000  }
0x11f: {  	[spmem:s2] =	stream.indirect.scatter.add.f32 [tilespmem:s18], [sflag:$0x5], $0x80, s10, s17, $0xb8;
	[tilespmem:$0x19000] =	vst v63  }
0x120: {  	_ =	swait.ge [sflag:s13], $0x2000  }
0x121: {  	[sflag:s13] =	ssyncset.done $0x0  }
0x122: {  	[sflag:s13] =	ssyncadd.s32 $0xFFFFE000  }
0x123: {  	[tilespmem:s18], [sflag:$0x1] =	stream.indirect.gather [hbm4b:s4+s17], $0x80, s23, s17, $0xb8;
	[tilespmem:$0x19000] =	vst v63  }
0x124: {  	_ =	swait.ge [sflag:s21], $0x2000  }
0x125: {  	[sflag:s21] =	ssyncset.done $0x0  }
0x126: {  	[sflag:s21] =	ssyncadd.s32 $0xFFFFE000  }
0x127: {  	[spmem:s2] =	stream.indirect.scatter.add.f32 [tilespmem:s19], [sflag:$0x5], $0x80, s24, s17, $0xb8;
	[tilespmem:$0x19000] =	vst v63  }
0x128: {  	_ =	swait.ge [sflag:s13], $0x2000  }
0x129: {  	[sflag:s13] =	ssyncset.done $0x0  }
0x12a: {  	[sflag:s13] =	ssyncadd.s32 $0xFFFFE000  }
0x12b: {  	[tilespmem:s19], [sflag:$0x2] =	stream.indirect.gather [hbm4b:s4+s17], $0x80, s25, s17, $0xb8;
	[tilespmem:$0x19000] =	vst v63  }
0x12c: {  	_ =	swait.ge [sflag:s20], $0x2000  }
0x12d: {  	[sflag:s20] =	ssyncset.done $0x0  }
0x12e: {  	[sflag:s20] =	ssyncadd.s32 $0xFFFFE000  }
0x12f: {  	[spmem:s2] =	stream.indirect.scatter.add.f32 [tilespmem:s18], [sflag:$0x5], $0x80, s26, s17, $0xb8;
	[tilespmem:$0x19000] =	vst v63  }
0x130: {  	_ =	swait.ge [sflag:s13], $0x2000  }
0x131: {  	[sflag:s13] =	ssyncset.done $0x0  }
0x132: {  	[sflag:s13] =	ssyncadd.s32 $0xFFFFE000  }
0x133: {  	[tilespmem:s18], [sflag:$0x1] =	stream.indirect.gather [hbm4b:s4+s17], $0x80, s28, s17, $0xb8;
	[tilespmem:$0x19000] =	vst v63  }
0x134: {  	_ =	swait.ge [sflag:s21], $0x2000  }
0x135: {  	[sflag:s21] =	ssyncset.done $0x0  }
0x136: {  	[sflag:s21] =	ssyncadd.s32 $0xFFFFE000  }
0x137: {  	[spmem:s2] =	stream.indirect.scatter.add.f32 [tilespmem:s19], [sflag:$0x5], $0x80, s29, s17, $0xb8;
	[tilespmem:$0x19000] =	vst v63  }
0x138: {  	_ =	swait.ge [sflag:s13], $0x2000  }
0x139: {  	[sflag:s13] =	ssyncset.done $0x0  }
0x13a: {  	[sflag:s13] =	ssyncadd.s32 $0xFFFFE000  }
0x13b: {  	[tilespmem:s19], [sflag:$0x2] =	stream.indirect.gather [hbm4b:s4+s17], $0x80, s30, s17, $0xb8;
	[tilespmem:$0x19000] =	vst v63  }
0x13c: {  	_ =	swait.ge [sflag:s20], $0x2000  }
0x13d: {  	[sflag:s20] =	ssyncset.done $0x0  }
0x13e: {  	[sflag:s20] =	ssyncadd.s32 $0xFFFFE000  }
0x13f: {  	[spmem:s2] =	stream.indirect.scatter.add.f32 [tilespmem:s18], [sflag:$0x5], $0x80, s31, s17, $0xb8;
	[tilespmem:$0x19000] =	vst v63  }
0x140: {  	_ =	swait.ge [sflag:s13], $0x2000  }
0x141: {  	[sflag:s13] =	ssyncset.done $0x0  }
0x142: {  	[sflag:s13] =	ssyncadd.s32 $0xFFFFE000  }
0x143: {  	p0 =	sne.s32 s6, $0x12;
	_ =	swait.ge [sflag:s21], $0x2000  }
.Ltmp0:
0x144: {  	[sflag:s21] =	ssyncset.done $0x0;
	(pc) =	sbr.rel @p0 .LBB2_2-.Ltmp0, $4  }
0x145: {  	[sflag:s21] =	ssyncadd.s32 $0xFFFFE000  }
0x146: {  	[spmem:s2] =	stream.indirect.scatter.add.f32 [tilespmem:s19], [sflag:$0x5], $0x80, s0, s17, $0xb8;
	[tilespmem:$0x19000] =	vst v63  }
0x147: {  	_ =	swait.ge [sflag:s13], $0x2000  }
0x148: {  	s6 =	sadd.s32 $0x2, s6;
	[sflag:s13] =	ssyncset.done $0x0  }
0x149: {  	[sflag:s13] =	ssyncadd.s32 $0xFFFFE000  }
0x14a: {  	_ =	swait.ge [sflag:s15], $0x800  }
0x14b: {  	[sflag:s15] =	ssyncset.done $0x0  }
0x14c: {  	[sflag:s15] =	ssyncadd.s32 $0xFFFFF800  }
0x14d: {  	[bflag:$0x0] =	sbarrier.arrive $0xFFFF  }
0x14e: {  	s6 =	rddreg [dreg:$0x1b]  }
0x14f: {  	[hbm:s6], [sflag:s7] =	dma.local [spmem:s12], $0x2800  }
0x150: {  	_ =	swait.ge [sflag:s13], $0x2800  }
0x151: {  	s1 =	sadd.s32 $0x1, s1;
	s11 =	rddreg [dreg:$0x1c]  }
0x152: {  	p0 =	sne.s32 s1, s11  }
.Ltmp1:
0x153: {  	_ = 	snop;
	(pc) =	sbr.rel @p0 .LBB2_1-.Ltmp1, $3  }
0x154: {  	_ =	sdelay $0x1  }
0x155: {  	[sflag:s13] =	ssyncset.done $0x0  }
0x156: {  	[sflag:s13] =	ssyncadd.s32 $0xFFFFD800  }
0x157: {  	_ =	sfence.sel $0x180000  }
0x158: {  	[bflag:$0x0] =	sbarrier.arrive $0xFFFF  }
0x159: {  	_ =	strace $0x90000050  }
0x15a: {  	s0 =	stileid.u32;
	[bflag:$0x2] =	sbarrier.arrive $0xFFFF  }
0x15b: {  	p0 =	sne.s32 s0, $0x0;
	s0 =	rddreg [dreg:$0x2]  }
0x15c: {  	s0 =	sadd.s32 @!p0 $0x100000, s0  }
0x15d: {  	[sflag:s0] =	ssyncadd.tile.s32 @!p0 $0x1;
	_ =	shalt  }
.Lfunc_end2:
_tile_overlayer_lowered:
.L_overlay_start_2:
0x15e: {  	(tag) =	ssettag $0x2  }
0x15f: {  	s0 =	rddreg [dreg:$0x0];
	s2 =	stileid.u32  }
0x160: {  	s1 =	rddreg [dreg:$0x1];
	p0 =	sne.s32 s2, $0x0  }
0x161: {  	s3 =	rddreg [dreg:$0x2];
	[bflag:$0x3] =	sbarrier.arrive $0xFFFF;
	s2 =	simm.s32 @!p0 $0x1C05  }
0x162: {  	[timem:s3], [sflag:s2] =	dma.local @!p0 [hbm:s0], s1  }
0x163: {  	s0 =	simm.s32 @!p0 $0x5  }
0x164: {  	_ =	swait.ge @!p0 [sflag:s0], s1  }
0x165: {  	s1 =	ssub.s32 @!p0 $0x0, s1;
	[sflag:s0] =	ssyncset.done @!p0 $0x0  }
0x166: {  	[sflag:s0] =	ssyncadd.s32 @!p0 s1  }
0x167: {  	[bflag:$0x3] =	sbarrier.arrive $0xFFFF  }
0x168: {  	_ =	shalt  }

// kernel: kernel.9.cloned.1.call-start
scs
__scs_entry_jumppad:
0x0: {  	(pc) =	sbr.rel $0x88, $3  }
0x1: {  	(tag) =	ssettag $0x0;
	lr =	simm.s32 $0x1  }
0x2: {  	[smem:$0x3F95] =	sst lr;
	_ =	strace $0xD0000000  }
0x3: {  	_ = 	snop  }
0x4: {  	_ = 	snop  }
0x5: {  	_ = 	snop  }
0x6: {  	_ = 	snop  }
0x7: {  	_ = 	snop  }
__scs_overlays_trampoline_lowered:
0x8: {  	[smem:$0x3FA4] =	sst s0  }
0x9: {  	[smem:$0x3FA5] =	sst s1  }
0xa: {  	[smem:$0x3FA6] =	sst s2  }
0xb: {  	[smem:$0x3FA7] =	sst s3  }
0xc: {  	[smem:$0x3FA8] =	sst s4  }
0xd: {  	[smem:$0x3FA9] =	sst s5  }
0xe: {  	[smem:$0x3FAA] =	sst s6  }
0xf: {  	[smem:$0x3FAB] =	sst s7  }
0x10: {  	[smem:$0x3FAC] =	sst s8  }
0x11: {  	[smem:$0x3FAD] =	sst s9;
	s0 =	simm.s32 @!p0 $0x0  }
0x12: {  	s1 =	sld [smem:$0x3F93];
	s0 =	simm.s32 @p0 $0x1  }
0x13: {  	[smem:$0x3FAE] =	sst s0;
	s0 =	simm.s32 @!p1 $0x0  }
0x14: {  	s2 =	sld [smem:$0x3F92];
	s0 =	simm.s32 @p1 $0x1  }
0x15: {  	[smem:$0x3FAF] =	sst s0;
	s0 =	simm.s32 @!p2 $0x0  }
0x16: {  	s3 =	sld [smem:$0x3FDB];
	s0 =	simm.s32 @p2 $0x1  }
0x17: {  	s4 =	simm.s32 $0x1BF5;
	[smem:$0x3FB1] =	sst s0  }
0x18: {  	s0 =	sld [smem:$0x3F94];
	_ =	swait.ge [sflag:s4], $0x0  }
0x19: {  	s7 =	sld [smem:$0x3F95]  }
0x1a: {  	s8 =	sadd.s32 $0xFFFFE003, lr  }
0x1b: {  	s9 =	sadd.s32 $0xFFFFFEF7, lr;
	s5 =	simm.s32 $0xFFFFFFFF;
	p2 =	slt.u32 s8, $0xFFFFF086  }
0x1c: {  	p1 =	slt.u32 s9, $0xF7A;
	s5 =	simm.s32 @!p2 $0x0  }
0x1d: {  	s5 =	simm.s32 @p1 $0x1;
	p0 =	seq.s32 s7, s2  }
0x1e: {  	s7 =	smul.u32 @!p0 $0xF7A, s2;
	p2 =	seq.s32 @!p0 s5, $0x0  }
0x1f: {  	s9 =	smul.u32 $0xF7A, s1;
	s8 =	simm.s32 @!p0 $0x1BF5;
	p2 =	por !p2, p0  }
0x20: {  	[sflag:s8] =	ssyncset.s32 @!p0 $0xFFFFF086;
	s6 =	sadd.s32 @!p0 s3, s7;
	s7 =	simm.s32 @!p0 $0x108  }
0x21: {  	s3 =	sadd.s32 s3, s9;
	s6 =	sadd.s32 @!p0 $0x88, s6;
	s7 =	simm.s32 @p2 $0x1082  }
0x22: {  	[simem:s7], [sflag:s8] =	dma.local @!p0 [hbm:s6], $0xF7A  }
0x23: {  	s9 =	sor.u32 $0xD0000000, s2;
	s6 =	simm.s32 $0x108;
	_ =	swait.ge @!p0 [sflag:s8], $0x0  }
0x24: {  	s3 =	sadd.s32 $0x88, s3;
	s6 =	simm.s32 @!p1 $0x1082;
	[sflag:s4] =	ssyncset.s32 $0xFFFFF086  }
0x25: {  	[simem:s6], [sflag:s4] =	dma.local [hbm:s3], $0xF7A  }
0x26: {  	[smem:$0x3F95] =	sst s1;
	(tag) =	ssettag s2;
	_ =	strace s9  }
0x27: {  	s1 =	sld [smem:$0x3FA5]  }
0x28: {  	s2 =	sld [smem:$0x3FA6]  }
0x29: {  	s4 =	sld [smem:$0x3FA8]  }
0x2a: {  	p0 =	seq.s32 s5, $0x0;
	s5 =	sld [smem:$0x3FA9]  }
0x2b: {  	s6 =	sld [smem:$0x3FAA]  }
0x2c: {  	s7 =	sld [smem:$0x3FAB]  }
0x2d: {  	s3 =	simm.s32 $0x108;
	s8 =	sld [smem:$0x3FAC]  }
0x2e: {  	s3 =	simm.s32 @!p0 $0x1082;
	s9 =	sld [smem:$0x3FAD]  }
0x2f: {  	lr =	sadd.s32 s0, s3;
	s0 =	sld [smem:$0x3FA4]  }
0x30: {  	s3 =	sld [smem:$0x3FA7]  }
0x31: {  	[smem:$0x3FB0] =	sst s10  }
0x32: {  	s10 =	sld [smem:$0x3FAE];
	_ =	sdelay $0x3  }
0x33: {  	p0 =	seq.s32 s10, $0x1;
	s10 =	sld [smem:$0x3FB0];
	_ =	sdelay $0x3  }
0x34: {  	[smem:$0x3FB0] =	sst s10  }
0x35: {  	s10 =	sld [smem:$0x3FAF];
	_ =	sdelay $0x3  }
0x36: {  	p1 =	seq.s32 s10, $0x1;
	s10 =	sld [smem:$0x3FB0];
	_ =	sdelay $0x3  }
0x37: {  	[smem:$0x3FB0] =	sst s10  }
0x38: {  	s10 =	sld [smem:$0x3FB1]  }
0x39: {  	_ = 	snop;
	(pc) =	sbr.ind lr, $3  }
0x3a: {  	_ = 	snop  }
0x3b: {  	_ = 	snop  }
0x3c: {  	p2 =	seq.s32 s10, $0x1;
	s10 =	sld [smem:$0x3FB0]  }
0x3d: {  	_ =	shalt  }
0x3e: {  	_ =	shalt  }
0x3f: {  	_ =	shalt  }
0x40: {  	_ =	shalt  }
0x41: {  	_ =	shalt  }
0x42: {  	_ =	shalt  }
0x43: {  	_ =	shalt  }
0x44: {  	_ =	shalt  }
0x45: {  	_ =	shalt  }
0x46: {  	_ =	shalt  }
0x47: {  	_ =	shalt  }
0x48: {  	_ =	shalt  }
0x49: {  	_ =	shalt  }
0x4a: {  	_ =	shalt  }
0x4b: {  	_ =	shalt  }
0x4c: {  	_ =	shalt  }
0x4d: {  	_ =	shalt  }
0x4e: {  	_ =	shalt  }
0x4f: {  	_ =	shalt  }
0x50: {  	_ =	shalt  }
0x51: {  	_ =	shalt  }
0x52: {  	_ =	shalt  }
0x53: {  	_ =	shalt  }
0x54: {  	_ =	shalt  }
0x55: {  	_ =	shalt  }
0x56: {  	_ =	shalt  }
0x57: {  	_ =	shalt  }
0x58: {  	_ =	shalt  }
0x59: {  	_ =	shalt  }
0x5a: {  	_ =	shalt  }
0x5b: {  	_ =	shalt  }
0x5c: {  	_ =	shalt  }
0x5d: {  	_ =	shalt  }
0x5e: {  	_ =	shalt  }
0x5f: {  	_ =	shalt  }
0x60: {  	_ =	shalt  }
0x61: {  	_ =	shalt  }
0x62: {  	_ =	shalt  }
0x63: {  	_ =	shalt  }
0x64: {  	_ =	shalt  }
0x65: {  	_ =	shalt  }
0x66: {  	_ =	shalt  }
0x67: {  	_ =	shalt  }
0x68: {  	_ =	shalt  }
0x69: {  	_ =	shalt  }
0x6a: {  	_ =	shalt  }
0x6b: {  	_ =	shalt  }
0x6c: {  	_ =	shalt  }
0x6d: {  	_ =	shalt  }
0x6e: {  	_ =	shalt  }
0x6f: {  	_ =	shalt  }
0x70: {  	_ =	shalt  }
0x71: {  	_ =	shalt  }
0x72: {  	_ =	shalt  }
0x73: {  	_ =	shalt  }
0x74: {  	_ =	shalt  }
0x75: {  	_ =	shalt  }
0x76: {  	_ =	shalt  }
0x77: {  	_ =	shalt  }
0x78: {  	_ =	shalt  }
0x79: {  	_ =	shalt  }
0x7a: {  	_ =	shalt  }
0x7b: {  	_ =	shalt  }
0x7c: {  	_ =	shalt  }
0x7d: {  	_ =	shalt  }
0x7e: {  	_ =	shalt  }
0x7f: {  	_ =	shalt  }
0x80: {  	_ =	shalt  }
0x81: {  	_ =	shalt  }
0x82: {  	_ =	shalt  }
0x83: {  	_ =	shalt  }
0x84: {  	_ =	shalt  }
0x85: {  	_ =	shalt  }
0x86: {  	_ =	shalt  }
0x87: {  	_ =	shalt  }
.Lfunc_end0:
.L_simem_size_0:
called_computation_lowered:
.L_overlay_start_0:
0x88: {  	s2 =	sld [smem:$0x3FD9]  }
0x89: {  	s3 =	sld [smem:$0x3FFE];
	_ =	sdelay $0x1  }
0x8a: {  	s1 =	srdreg.scid  }
0x8b: {  	s0 =	sand.u32 $0x1, s1  }
0x8c: {  	s17 =	sshll.u32 s0, $0xA;
	s2 =	sadd.s32 s3, s2  }
0x8d: {  	s2 =	sadd.s32 s2, s17  }
0x8e: {  	[smem:$0x3FBC] =	sst s2  }
0x8f: {  	_ = 	snop  }
0x90: {  	(tm) =	ssettm $0x1  }
0x91: {  	s18 =	sld [smem:$0x3FFB];
	_ =	sdelay $0x3  }
0x92: {  	_ =	strace s18  }
0x93: {  	s2 =	sld [smem:$0x3FFC];
	_ =	sdelay $0x3  }
0x94: {  	_ =	strace s2  }
0x95: {  	s2 =	sld [smem:$0x3FFD];
	_ =	sdelay $0x3  }
0x96: {  	_ =	strace s2  }
0x97: {  	_ =	strace $0x8FFFFFFF  }
0x98: {  	s19 =	sld [smem:$0x3FDB];
	_ =	sdelay $0x1  }
0x99: {  	s20 =	simm.s32 $_scs_section_size  }
0x9a: {  	s4 =	simm.s32 $_size__tile_overlayer_lowered;
	s5 =	simm.s32 $_tile_overlayer_lowered  }
0x9b: {  	s6 =	simm.s32 $0x1BFF;
	s21 =	sshll.u32 s5, $0x1;
	s3 =	sadd.s32 s20, s19  }
0x9c: {  	s22 =	simm.s32 $0x0;
	s4 =	sshll.u32 s4, $0x1;
	s5 =	sadd.s32 s21, s3  }
0x9d: {  	[timem:s22], [sflag:s6] =	dma.local [hbm:s5], s4  }
0x9e: {  	_ =	swait.ge [sflag:s6], s4  }
0x9f: {  	s4 =	ssub.s32 $0x0, s4;
	[sflag:s6] =	ssyncset.done $0x0  }
0xa0: {  	[sflag:s6] =	ssyncadd.s32 s4;
	_ =	sdelay $0x1  }
0xa1: {  	s23 =	simm.s32 $0x1B8B  }
0xa2: {  	_ =	swait.ge [sflag:s23], $0x1  }
0xa3: {  	[sflag:s23] =	ssyncset.done $0x0  }
0xa4: {  	[sflag:s23] =	ssyncadd.s32 $0xFFFFFFFF  }
0xa5: {  	s4 =	sld [smem:$0x0]  }
0xa6: {  	s5 =	sand.u32 $0xFFFFFFFE, s1  }
0xa7: {  	p0 =	sne.s32 s1, s5  }
0xa8: {  	s5 =	sshll.u32 @p0 s5, $0xE  }
0xa9: {  	s5 =	sadd.s32 @p0 $0x11B8D, s5;
	s6 =	sshll.u32 @p0 s4, $0x11  }
0xaa: {  	s5 =	sor.u32 @p0 s6, s5  }
0xab: {  	[sflag:s5] =	ssyncadd.remote.s32 @p0 $0x1;
	_ =	sdelay $0x1  }
0xac: {  	s5 =	simm.s32 @p0 $0x1B8D  }
0xad: {  	_ =	swait.eq @p0 [sflag:s5], $0x1  }
0xae: {  	[sflag:s5] =	ssyncadd.s32 @p0 $0xFFFFFFFF  }
0xaf: {  	s6 =	sshll.u32 @!p0 s1, $0xE  }
0xb0: {  	s6 =	sor.u32 @!p0 $0x4000, s6;
	s5 =	simm.s32 @!p0 $0x1B8D  }
0xb1: {  	s4 =	sshll.u32 @!p0 s4, $0x11;
	s6 =	sadd.s32 @!p0 $0x11B8D, s6;
	_ =	swait.eq @!p0 [sflag:s5], $0x1  }
0xb2: {  	s4 =	sor.u32 @!p0 s4, s6;
	[sflag:s5] =	ssyncadd.s32 @!p0 $0xFFFFFFFF  }
0xb3: {  	s25 =	simm.s32 $0x1B8E;
	s24 =	sld [smem:$0x3FFE];
	[sflag:s4] =	ssyncadd.remote.s32 @!p0 $0x1  }
0xb4: {  	s26 =	simm.s32 $execute0_lowered;
	[smem:$0x3FD2] =	sst s25  }
0xb5: {  	s5 =	sshll.u32 s26, $0x1;
	_ =	strace $0x80000049;
	[dreg:$0x1] =	wrdreg $0xFFFFFFFF  }
0xb6: {  	s28 =	simm.s32 $_size_execute0_lowered;
	s3 =	sadd.s32 s3, s5;
	[dreg:$0x0] =	wrdreg $0x0  }
0xb7: {  	s5 =	sshll.u32 s28, $0x1;
	[dreg:$0x2] =	wrdreg s3  }
0xb8: {  	[dreg:$0x3] =	wrdreg s5  }
0xb9: {  	[dreg:$0x4] =	wrdreg $0xC0  }
0xba: {  	_ =	task [dreg:s22], $0x5FFFF  }
0xbb: {  	[dreg:$0x1] =	wrdreg $0xFFFFFFFF  }
0xbc: {  	[dreg:$0x0] =	wrdreg $0x60  }
0xbd: {  	[dreg:$0x2] =	wrdreg s24  }
0xbe: {  	[dreg:$0x3] =	wrdreg $0x0  }
0xbf: {  	[dreg:$0x4] =	wrdreg $0x9  }
0xc0: {  	_ =	task.clear_ibuf [dreg:s22], $0x5FFFF;
	_ =	strace $0x90000049  }
0xc1: {  	s29 =	simm.s32 $0x9;
	_ =	strace $0x8000004B  }
0xc2: {  	_ =	swait.ge [sflag:s29], $0x1  }
0xc3: {  	[sflag:s29] =	ssyncadd.s32 $0xFFFFFFFF  }
0xc4: {  	_ =	strace $0x9000004B  }
0xc5: {  	_ =	sfence  }
0xc6: {  	s30 =	sld [smem:$0x0];
	_ =	sdelay $0x2  }
0xc7: {  	s31 =	sshll.u32 s1, $0xD;
	s1 =	sshrl.u32 s1, $0x2  }
0xc8: {  	s4 =	sand.u32 $0x4000, s31;
	s1 =	sadd.s32 s1, s30  }
0xc9: {  	s0 =	sor.u32 s4, s0;
	s1 =	sshll.u32 s1, $0x11  }
0xca: {  	s0 =	sor.u32 s1, s0  }
0xcb: {  	s0 =	sadd.s32 $0x8F2B, s0  }
0xcc: {  	[sflag:s0] =	ssyncadd.remote.s32 $0x1  }
0xcd: {  	_ =	sfence.sel $0xFFFF  }
0xce: {  	[dreg:$0x0] =	wrdreg $0xFFFFFFFF;
	(pc) =	sbr.abs _section_cstart, $3  }
0xcf: {  	[dreg:$0x1] =	wrdreg $0xFFFFFFFF  }
0xd0: {  	_ =	task.clear_ibuf [dreg:s22], $0x2FFFF;
	_ =	strace $0x9FFFFFFF  }
0xd1: {  	(tm) =	ssettm $0x7FFFFFFF  }
tec
execute0_lowered:
.L_overlay_start_1:
0x0: {  	(tag) =	ssettag $0x1  }
0x1: {  	s5 =	rddreg [dreg:$0x0]  }
0x2: {  	s2 =	rddreg [dreg:$0x1]  }
0x3: {  	s0 =	srdreg.scid;
	s1 =	rddreg [dreg:$0x2];
	s3 =	simm.s32 $0x0  }
0x4: {  	s13 =	simm.s32 $0x14000;
	s14 =	simm.s32 $0x40;
	s15 =	simm.s32 $0x14080  }
0x5: {  	s16 =	simm.s32 $0x14100;
	s17 =	simm.s32 $0x14180;
	s6 =	sand.u32 $0x1, s0  }
0x6: {  	s18 =	simm.s32 $0x14200;
	s0 =	stileid.u32;
	s4 =	smul.u32 $0x50000, s6  }
0x7: {  	s19 =	simm.s32 $0x14280;
	s20 =	simm.s32 $0x14300;
	s7 =	smul.u32 $0x5000, s0  }
0x8: {  	s21 =	simm.s32 $0x14380;
	[smem:$0x7FF] =	sst s3;
	s26 =	smul.u32 $0x14000, s0  }
0x9: {  	s22 =	simm.s32 $0x0;
	s8 =	smul.u32 $0x140000, s6;
	_ =	strace $0x8000004A  }
0xa: {  	s29 =	smul.u32 $0x50000, s0;
	s6 =	ssub.s32 $0x2, s6;
	s31 =	sshll.u32 s0, $0x6  }
0xb: {  	s30 =	sshrl.u32 s6, $0x1;
	s4 =	sadd.s32 s7, s4;
	s28 =	sshrl.u32 s26, $0x3  }
0xc: {  	s7 =	sadd.s32 s26, s8;
	s8 =	sshrl.u32 s29, $0x2;
	s11 =	ssub.s32 s6, s30  }
0xd: {  	s6 =	sor.u32 $0x1C01, s31;
	s4 =	sshrl.u32 s4, $0x3;
	s10 =	sadd.s32 s28, s5  }
0xe: {  	s7 =	sshrl.u32 s7, $0x3;
	s12 =	sadd.s32 s8, s2;
	s8 =	smax.u32 s11, $0x1  }
0xf: {  	s11 =	simm.s32 $0x1;
	s9 =	sadd.s32 s4, s5;
	s4 =	sadd.s32 $0xE1400, s5  }
0x10: {  	s7 =	sadd.s32 s7, s5;
	s5 =	sadd.s32 $0x55400, s10;
	s10 =	sshrl.u32 s12, $0x3  }
0x11: {  	s12 =	simm.s32 $0x14400;
	s7 =	sadd.s32 $0xE1800, s7;
	s9 =	sadd.s32 $0xCD400, s9  }
.LBB2_1:
0x12: {  	[spmem:s10], [sflag:s6] =	dma.local [hbm:s5], $0x2800  }
0x13: {  	_ =	swait.ge [sflag:s11], $0x2800  }
0x14: {  	[sflag:s11] =	ssyncset.done $0x0  }
0x15: {  	[sflag:s11] =	ssyncadd.s32 $0xFFFFD800  }
0x16: {  	[tilespmem:s12], [sflag:$0x1] =	stream.linear.gather [hbm4b:s4+s3], $0x2000, $0x38;
	[tilespmem:$0x16400] =	vst v63  }
0x17: {  	_ =	swait.ge [sflag:s11], $0x2000  }
0x18: {  	[sflag:s11] =	ssyncset.done $0x0  }
0x19: {  	[sflag:s11] =	ssyncadd.s32 $0xFFFFE000  }
0x1a: {  	s23 =	sadd.s32 $0x0, s9;
	[bflag:$0x0] =	sbarrier.arrive $0xFFFF  }
0x1b: {  	[tilespmem:s13], [sflag:$0x1] =	stream.linear.gather [hbm4b:s23+s3], $0x400, $0x38;
	[tilespmem:$0x16400] =	vst v63  }
0x1c: {  	_ =	swait.ge [sflag:s11], $0x400  }
0x1d: {  	[sflag:s11] =	ssyncset.done $0x0  }
0x1e: {  	[sflag:s11] =	ssyncadd.s32 $0xFFFFFC00  }
0x1f: {  	[spmem:s2] =	stream.indirect.scatter.add.f32 [tilespmem:s12], [sflag:$0x1], $0x80, s13, s14, $0xb8;
	[tilespmem:$0x16400] =	vst v63  }
0x20: {  	_ =	swait.ge [sflag:s11], $0x2000  }
0x21: {  	[sflag:s11] =	ssyncset.done $0x0  }
0x22: {  	[sflag:s11] =	ssyncadd.s32 $0xFFFFE000  }
0x23: {  	[spmem:s2] =	stream.indirect.scatter.add.f32 [tilespmem:s12], [sflag:$0x1], $0x80, s15, s14, $0xb8;
	[tilespmem:$0x16400] =	vst v63  }
0x24: {  	_ =	swait.ge [sflag:s11], $0x2000  }
0x25: {  	[sflag:s11] =	ssyncset.done $0x0  }
0x26: {  	[sflag:s11] =	ssyncadd.s32 $0xFFFFE000  }
0x27: {  	[spmem:s2] =	stream.indirect.scatter.add.f32 [tilespmem:s12], [sflag:$0x1], $0x80, s16, s14, $0xb8;
	[tilespmem:$0x16400] =	vst v63  }
0x28: {  	_ =	swait.ge [sflag:s11], $0x2000  }
0x29: {  	[sflag:s11] =	ssyncset.done $0x0  }
0x2a: {  	[sflag:s11] =	ssyncadd.s32 $0xFFFFE000  }
0x2b: {  	[spmem:s2] =	stream.indirect.scatter.add.f32 [tilespmem:s12], [sflag:$0x1], $0x80, s17, s14, $0xb8;
	[tilespmem:$0x16400] =	vst v63  }
0x2c: {  	_ =	swait.ge [sflag:s11], $0x2000  }
0x2d: {  	[sflag:s11] =	ssyncset.done $0x0  }
0x2e: {  	[sflag:s11] =	ssyncadd.s32 $0xFFFFE000  }
0x2f: {  	[spmem:s2] =	stream.indirect.scatter.add.f32 [tilespmem:s12], [sflag:$0x1], $0x80, s18, s14, $0xb8;
	[tilespmem:$0x16400] =	vst v63  }
0x30: {  	_ =	swait.ge [sflag:s11], $0x2000  }
0x31: {  	[sflag:s11] =	ssyncset.done $0x0  }
0x32: {  	[sflag:s11] =	ssyncadd.s32 $0xFFFFE000  }
0x33: {  	[spmem:s2] =	stream.indirect.scatter.add.f32 [tilespmem:s12], [sflag:$0x1], $0x80, s19, s14, $0xb8;
	[tilespmem:$0x16400] =	vst v63  }
0x34: {  	_ =	swait.ge [sflag:s11], $0x2000  }
0x35: {  	[sflag:s11] =	ssyncset.done $0x0  }
0x36: {  	[sflag:s11] =	ssyncadd.s32 $0xFFFFE000  }
0x37: {  	[spmem:s2] =	stream.indirect.scatter.add.f32 [tilespmem:s12], [sflag:$0x1], $0x80, s20, s14, $0xb8;
	[tilespmem:$0x16400] =	vst v63  }
0x38: {  	_ =	swait.ge [sflag:s11], $0x2000  }
0x39: {  	[sflag:s11] =	ssyncset.done $0x0  }
0x3a: {  	[sflag:s11] =	ssyncadd.s32 $0xFFFFE000  }
0x3b: {  	[spmem:s2] =	stream.indirect.scatter.add.f32 [tilespmem:s12], [sflag:$0x1], $0x80, s21, s14, $0xb8;
	[tilespmem:$0x16400] =	vst v63  }
0x3c: {  	_ =	swait.ge [sflag:s11], $0x2000  }
0x3d: {  	s25 =	simm.s32 $0x100;
	s23 =	simm.s32 $0x80;
	[sflag:s11] =	ssyncset.done $0x0  }
.LBB2_2:
0x3e: {  	s26 =	sadd.s32 s23, s9  }
0x3f: {  	[sflag:s11] =	ssyncadd.s32 $0xFFFFE000;
	s23 =	smov.u32 s25;
	s24 =	sadd.s32 $0x80, s25  }
0x40: {  	[tilespmem:s13], [sflag:$0x1] =	stream.linear.gather [hbm4b:s26+s3], $0x400, $0x38;
	[tilespmem:$0x16400] =	vst v63  }
0x41: {  	p0 =	sne.s32 s25, $0x980;
	_ =	swait.ge [sflag:s11], $0x400  }
0x42: {  	[sflag:s11] =	ssyncset.done $0x0  }
0x43: {  	[sflag:s11] =	ssyncadd.s32 $0xFFFFFC00  }
0x44: {  	[spmem:s2] =	stream.indirect.scatter.add.f32 [tilespmem:s12], [sflag:$0x1], $0x80, s13, s14, $0xb8;
	[tilespmem:$0x16400] =	vst v63  }
0x45: {  	_ =	swait.ge [sflag:s11], $0x2000  }
0x46: {  	[sflag:s11] =	ssyncset.done $0x0  }
0x47: {  	[sflag:s11] =	ssyncadd.s32 $0xFFFFE000  }
0x48: {  	[spmem:s2] =	stream.indirect.scatter.add.f32 [tilespmem:s12], [sflag:$0x1], $0x80, s15, s14, $0xb8;
	[tilespmem:$0x16400] =	vst v63  }
0x49: {  	_ =	swait.ge [sflag:s11], $0x2000  }
0x4a: {  	[sflag:s11] =	ssyncset.done $0x0  }
0x4b: {  	[sflag:s11] =	ssyncadd.s32 $0xFFFFE000  }
0x4c: {  	[spmem:s2] =	stream.indirect.scatter.add.f32 [tilespmem:s12], [sflag:$0x1], $0x80, s16, s14, $0xb8;
	[tilespmem:$0x16400] =	vst v63  }
0x4d: {  	_ =	swait.ge [sflag:s11], $0x2000  }
0x4e: {  	[sflag:s11] =	ssyncset.done $0x0  }
0x4f: {  	[sflag:s11] =	ssyncadd.s32 $0xFFFFE000  }
0x50: {  	[spmem:s2] =	stream.indirect.scatter.add.f32 [tilespmem:s12], [sflag:$0x1], $0x80, s17, s14, $0xb8;
	[tilespmem:$0x16400] =	vst v63  }
0x51: {  	_ =	swait.ge [sflag:s11], $0x2000  }
0x52: {  	[sflag:s11] =	ssyncset.done $0x0  }
0x53: {  	[sflag:s11] =	ssyncadd.s32 $0xFFFFE000  }
0x54: {  	[spmem:s2] =	stream.indirect.scatter.add.f32 [tilespmem:s12], [sflag:$0x1], $0x80, s18, s14, $0xb8;
	[tilespmem:$0x16400] =	vst v63  }
0x55: {  	_ =	swait.ge [sflag:s11], $0x2000  }
0x56: {  	[sflag:s11] =	ssyncset.done $0x0  }
0x57: {  	[sflag:s11] =	ssyncadd.s32 $0xFFFFE000  }
0x58: {  	[spmem:s2] =	stream.indirect.scatter.add.f32 [tilespmem:s12], [sflag:$0x1], $0x80, s19, s14, $0xb8;
	[tilespmem:$0x16400] =	vst v63  }
0x59: {  	_ =	swait.ge [sflag:s11], $0x2000  }
0x5a: {  	[sflag:s11] =	ssyncset.done $0x0  }
0x5b: {  	[sflag:s11] =	ssyncadd.s32 $0xFFFFE000  }
0x5c: {  	[spmem:s2] =	stream.indirect.scatter.add.f32 [tilespmem:s12], [sflag:$0x1], $0x80, s20, s14, $0xb8;
	[tilespmem:$0x16400] =	vst v63  }
0x5d: {  	_ =	swait.ge [sflag:s11], $0x2000  }
.Ltmp0:
0x5e: {  	[sflag:s11] =	ssyncset.done $0x0;
	(pc) =	sbr.rel @p0 .LBB2_2-.Ltmp0, $4  }
0x5f: {  	[sflag:s11] =	ssyncadd.s32 $0xFFFFE000  }
0x60: {  	[spmem:s2] =	stream.indirect.scatter.add.f32 [tilespmem:s12], [sflag:$0x1], $0x80, s21, s14, $0xb8;
	[tilespmem:$0x16400] =	vst v63  }
0x61: {  	_ =	swait.ge [sflag:s11], $0x2000  }
0x62: {  	s25 =	smov.u32 s24;
	[sflag:s11] =	ssyncset.done $0x0  }
0x63: {  	s23 =	sadd.s32 s23, s9;
	[sflag:s11] =	ssyncadd.s32 $0xFFFFE000  }
0x64: {  	[tilespmem:s13], [sflag:$0x1] =	stream.linear.gather [hbm4b:s23+s3], $0x400, $0x38;
	[tilespmem:$0x16400] =	vst v63  }
0x65: {  	_ =	swait.ge [sflag:s11], $0x400  }
0x66: {  	[sflag:s11] =	ssyncset.done $0x0  }
0x67: {  	[sflag:s11] =	ssyncadd.s32 $0xFFFFFC00  }
0x68: {  	[spmem:s2] =	stream.indirect.scatter.add.f32 [tilespmem:s12], [sflag:$0x1], $0x80, s13, s14, $0xb8;
	[tilespmem:$0x16400] =	vst v63  }
0x69: {  	_ =	swait.ge [sflag:s11], $0x2000  }
0x6a: {  	[sflag:s11] =	ssyncset.done $0x0  }
0x6b: {  	[sflag:s11] =	ssyncadd.s32 $0xFFFFE000  }
0x6c: {  	[spmem:s2] =	stream.indirect.scatter.add.f32 [tilespmem:s12], [sflag:$0x1], $0x80, s15, s14, $0xb8;
	[tilespmem:$0x16400] =	vst v63  }
0x6d: {  	_ =	swait.ge [sflag:s11], $0x2000  }
0x6e: {  	[sflag:s11] =	ssyncset.done $0x0  }
0x6f: {  	[sflag:s11] =	ssyncadd.s32 $0xFFFFE000  }
0x70: {  	[spmem:s2] =	stream.indirect.scatter.add.f32 [tilespmem:s12], [sflag:$0x1], $0x80, s16, s14, $0xb8;
	[tilespmem:$0x16400] =	vst v63  }
0x71: {  	_ =	swait.ge [sflag:s11], $0x2000  }
0x72: {  	[sflag:s11] =	ssyncset.done $0x0  }
0x73: {  	[sflag:s11] =	ssyncadd.s32 $0xFFFFE000  }
0x74: {  	[spmem:s2] =	stream.indirect.scatter.add.f32 [tilespmem:s12], [sflag:$0x1], $0x80, s17, s14, $0xb8;
	[tilespmem:$0x16400] =	vst v63  }
0x75: {  	_ =	swait.ge [sflag:s11], $0x2000  }
0x76: {  	[sflag:s11] =	ssyncset.done $0x0  }
0x77: {  	[sflag:s11] =	ssyncadd.s32 $0xFFFFE000  }
0x78: {  	[spmem:s2] =	stream.indirect.scatter.add.f32 [tilespmem:s12], [sflag:$0x1], $0x80, s18, s14, $0xb8;
	[tilespmem:$0x16400] =	vst v63  }
0x79: {  	_ =	swait.ge [sflag:s11], $0x2000  }
0x7a: {  	[sflag:s11] =	ssyncset.done $0x0  }
0x7b: {  	[sflag:s11] =	ssyncadd.s32 $0xFFFFE000  }
0x7c: {  	[spmem:s2] =	stream.indirect.scatter.add.f32 [tilespmem:s12], [sflag:$0x1], $0x80, s19, s14, $0xb8;
	[tilespmem:$0x16400] =	vst v63  }
0x7d: {  	_ =	swait.ge [sflag:s11], $0x2000  }
0x7e: {  	[sflag:s11] =	ssyncset.done $0x0  }
0x7f: {  	[sflag:s11] =	ssyncadd.s32 $0xFFFFE000  }
0x80: {  	[spmem:s2] =	stream.indirect.scatter.add.f32 [tilespmem:s12], [sflag:$0x1], $0x80, s20, s14, $0xb8;
	[tilespmem:$0x16400] =	vst v63  }
0x81: {  	_ =	swait.ge [sflag:s11], $0x2000  }
0x82: {  	[sflag:s11] =	ssyncset.done $0x0  }
0x83: {  	[sflag:s11] =	ssyncadd.s32 $0xFFFFE000  }
0x84: {  	[spmem:s2] =	stream.indirect.scatter.add.f32 [tilespmem:s12], [sflag:$0x1], $0x80, s21, s14, $0xb8;
	[tilespmem:$0x16400] =	vst v63  }
0x85: {  	_ =	swait.ge [sflag:s11], $0x2000  }
0x86: {  	s22 =	sadd.s32 $0x1, s22;
	[sflag:s11] =	ssyncset.done $0x0  }
0x87: {  	p0 =	sne.s32 s22, s8;
	[sflag:s11] =	ssyncadd.s32 $0xFFFFE000  }
.Ltmp1:
0x88: {  	[bflag:$0x0] =	sbarrier.arrive $0xFFFF;
	(pc) =	sbr.rel @p0 .LBB2_1-.Ltmp1, $4  }
0x89: {  	[hbm:s7], [sflag:s6] =	dma.local [spmem:s10], $0x2800  }
0x8a: {  	_ =	swait.ge [sflag:s11], $0x2800  }
0x8b: {  	[sflag:s11] =	ssyncset.done $0x0  }
0x8c: {  	[sflag:s11] =	ssyncadd.s32 $0xFFFFD800  }
0x8d: {  	_ =	sfence.sel $0x180000  }
0x8e: {  	[bflag:$0x0] =	sbarrier.arrive $0xFFFF  }
0x8f: {  	p0 =	sne.s32 s0, $0x0;
	_ =	strace $0x9000004A  }
0x90: {  	s0 =	sadd.s32 @!p0 $0x100000, s1;
	[bflag:$0x2] =	sbarrier.arrive $0xFFFF  }
0x91: {  	[sflag:s0] =	ssyncadd.tile.s32 @!p0 $0x1;
	_ =	shalt  }
.Lfunc_end2:
_tile_overlayer_lowered:
.L_overlay_start_2:
0x92: {  	(tag) =	ssettag $0x2  }
0x93: {  	s0 =	rddreg [dreg:$0x0];
	s2 =	stileid.u32  }
0x94: {  	s1 =	rddreg [dreg:$0x1];
	p0 =	sne.s32 s2, $0x0  }
0x95: {  	s3 =	rddreg [dreg:$0x2];
	[bflag:$0x3] =	sbarrier.arrive $0xFFFF;
	s2 =	simm.s32 @!p0 $0x1C01  }
0x96: {  	[timem:s3], [sflag:s2] =	dma.local @!p0 [hbm:s0], s1  }
0x97: {  	s0 =	simm.s32 @!p0 $0x1  }
0x98: {  	_ =	swait.ge @!p0 [sflag:s0], s1  }
0x99: {  	s1 =	ssub.s32 @!p0 $0x0, s1;
	[sflag:s0] =	ssyncset.done @!p0 $0x0  }
0x9a: {  	[sflag:s0] =	ssyncadd.s32 @!p0 s1  }
0x9b: {  	[bflag:$0x3] =	sbarrier.arrive $0xFFFF  }
0x9c: {  	_ =	shalt  }

</sc_bundles>
